<compile_context>
chip_gen: v7x
topology: tpu7x:2x2x1
jax: 0.10.2.dev20260603
libtpu: 0.0.44.dev20260713+nightly
codegen_flags: <defaults>
</compile_context>

<pallas_src>
import functools

import jax
import jax.numpy as jnp
from jax import lax
from jax.experimental import pallas as pl
from jax.experimental.pallas import tpu as pltpu
from jax.experimental.pallas import tpu_sc as plsc

D = 128
L = 16
C = 80
NBUF = 4


def _make_sc_kernel(E, NC, NS):
    NW = NC * NS
    per_w = E // NW
    n_chunks = per_w // C
    n_outer = (n_chunks + NBUF - 1) // NBUF
    mesh = plsc.VectorSubcoreMesh(core_axis_name="c", subcore_axis_name="s")

    @functools.partial(
        pl.kernel,
        mesh=mesh,
        out_type=jax.ShapeDtypeStruct((E,), jnp.float32),
        scratch_types=(
            [pltpu.VMEM((per_w,), jnp.int32) for _ in range(2)]
            + [pltpu.VMEM((C, D), jnp.float32) for _ in range(2 * NBUF)]
            + [pltpu.VMEM((per_w,), jnp.float32)]
            + [pltpu.SemaphoreType.DMA for _ in range(NBUF)]
        ),
    )
    def k(xu_hbm, xr_hbm, i0_hbm, i1_hbm, out_hbm, *refs):
        i0_v, i1_v = refs[0], refs[1]
        u_bufs = refs[2:2 + NBUF]
        r_bufs = refs[2 + NBUF:2 + 2 * NBUF]
        o_v = refs[2 + 2 * NBUF]
        sems = refs[3 + 2 * NBUF:3 + 2 * NBUF + NBUF]

        wid = lax.axis_index("s") * NC + lax.axis_index("c")
        base = wid * per_w
        lane = lax.iota(jnp.int32, L)
        perms = [lane ^ (1 << t) for t in range(4)]

        pltpu.sync_copy(i0_hbm.at[pl.ds(base, per_w)], i0_v)
        pltpu.sync_copy(i1_hbm.at[pl.ds(base, per_w)], i1_v)

        def zero_body(g, c2):
            o_v[pl.ds(g * L, L)] = jnp.zeros((L,), jnp.float32)
            return c2

        lax.fori_loop(0, per_w // L, zero_body, 0)

        def start_gathers(j, b):
            pltpu.async_copy(xu_hbm.at[i0_v.at[pl.ds(j * C, C)]], u_bufs[b], sems[b])
            pltpu.async_copy(xr_hbm.at[i1_v.at[pl.ds(j * C, C)]], r_bufs[b], sems[b])

        def wait_gathers(j, b):
            pltpu.make_async_copy(xu_hbm.at[i0_v.at[pl.ds(j * C, C)]], u_bufs[b], sems[b]).wait()
            pltpu.make_async_copy(xr_hbm.at[i1_v.at[pl.ds(j * C, C)]], r_bufs[b], sems[b]).wait()

        def compute_chunk(j, b):
            u_v, r_v = u_bufs[b], r_bufs[b]
            out0 = j * C

            @plsc.parallel_loop(0, C // 4, unroll=2)
            def _(i):
                e4 = i * 4
                m = e4 % L
                contrib = jnp.zeros((L,), jnp.float32)
                for t in range(4):
                    e = e4 + t
                    p = [u_v[e, pl.ds(kk * L, L)] * r_v[e, pl.ds(kk * L, L)]
                         for kk in range(D // L)]
                    acc = ((p[0] + p[1]) + (p[2] + p[3])) + \
                          ((p[4] + p[5]) + (p[6] + p[7]))
                    for pm in perms:
                        acc = acc + acc.at[pm].get(mode="promise_in_bounds")
                    contrib = jnp.where(lane == m + t, acc, contrib)
                plsc.addupdate(o_v.at[pl.ds(out0 + e4 - m, L)], contrib)

        for b in range(NBUF - 1):
            if b < n_chunks:
                start_gathers(b, b)

        def outer_body(g, c2):
            for b in range(NBUF):
                j = g * NBUF + b
                jn = j + NBUF - 1
                sb = b
                nb = (b + NBUF - 1) % NBUF

                @pl.when(jn < n_chunks)
                def _():
                    start_gathers(jn, nb)

                @pl.when(j < n_chunks)
                def _():
                    wait_gathers(j, sb)
                    compute_chunk(j, sb)

            return c2

        lax.fori_loop(0, n_outer, outer_body, 0)

        pltpu.sync_copy(o_v, out_hbm.at[pl.ds(base, per_w)])

    return k


def kernel(x_user, x_restaurant, edge_label_index):
    E = edge_label_index.shape[1]
    info = plsc.get_sparse_core_info()
    NC, NS = info.num_cores, info.num_subcores
    idx0 = edge_label_index[0].astype(jnp.int32)
    idx1 = edge_label_index[1].astype(jnp.int32)
    sc = _make_sc_kernel(E, NC, NS)
    return sc(x_user, x_restaurant, idx0, idx1)

# --- scband reference (transcript-rebuilt; emitter-appended) ---
"""Pipeline reference for scband-classifier-13142599925844 (READ-ONLY COPY).

The authoritative reference and input builder live on the scoring server;
editing this copy changes nothing except your own understanding.
"""

import jax, jax.numpy as jnp
import numpy as np


def setup_inputs(seed: int = 0) -> dict:
    key = jax.random.key(seed)
    k1, k2, k3 = jax.random.split(key, 3)
    x_user = jax.random.normal(k1, (10000, 128), dtype=jnp.float32)
    x_restaurant = jax.random.normal(k2, (10000, 128), dtype=jnp.float32)
    edge_label_index = jax.random.randint(k3, (2, 320000), 0, 10000, dtype=jnp.int64 if jax.config.jax_enable_x64 else jnp.int32)
    return {"x_user": x_user, "x_restaurant": x_restaurant, "edge_label_index": edge_label_index}


def reference(x_user, x_restaurant, edge_label_index):
    # Gather source/destination node embeddings for supervision edges
    edge_feat_user = jnp.take(x_user, edge_label_index[0], axis=0)
    edge_feat_restaurant = jnp.take(x_restaurant, edge_label_index[1], axis=0)
    # Dot product along feature dim -> edge-level predictions
    embeds = (edge_feat_user * edge_feat_restaurant).sum(axis=-1)
    return embeds

if __name__ == "__main__":
    import jax
    _d = setup_inputs()
    print(jax.jit(kernel)(*tuple(_d.values())))

</pallas_src>

<mosaic_0001>
#map = affine_map<(d0, d1) -> (0, 0)>
#map1 = affine_map<(d0, d1) -> (0)>
module attributes {stable_mosaic.version = 14 : i64} {
  func.func @k(%arg0: i32, %arg1: i32, %arg2: memref<10000x128xf32, #tpu.memory_space<hbm>>, %arg3: memref<10000x128xf32, #tpu.memory_space<hbm>>, %arg4: memref<320000xi32, #tpu.memory_space<hbm>>, %arg5: memref<320000xi32, #tpu.memory_space<hbm>>, %arg6: memref<320000xf32, #tpu.memory_space<hbm>>, %arg7: memref<10000xi32, #tpu.memory_space<vmem>>, %arg8: memref<10000xi32, #tpu.memory_space<vmem>>, %arg9: memref<80x128xf32, #tpu.memory_space<vmem>>, %arg10: memref<80x128xf32, #tpu.memory_space<vmem>>, %arg11: memref<80x128xf32, #tpu.memory_space<vmem>>, %arg12: memref<80x128xf32, #tpu.memory_space<vmem>>, %arg13: memref<80x128xf32, #tpu.memory_space<vmem>>, %arg14: memref<80x128xf32, #tpu.memory_space<vmem>>, %arg15: memref<80x128xf32, #tpu.memory_space<vmem>>, %arg16: memref<80x128xf32, #tpu.memory_space<vmem>>, %arg17: memref<10000xf32, #tpu.memory_space<vmem>>, %arg18: memref<!tpu.dma_semaphore, #tpu.memory_space<semaphore_mem>>, %arg19: memref<!tpu.dma_semaphore, #tpu.memory_space<semaphore_mem>>, %arg20: memref<!tpu.dma_semaphore, #tpu.memory_space<semaphore_mem>>, %arg21: memref<!tpu.dma_semaphore, #tpu.memory_space<semaphore_mem>>) attributes {dimension_semantics = [#tpu.dimension_semantics<core_parallel>, #tpu.dimension_semantics<subcore_parallel>], iteration_bounds = array<i64: 2, 16>, scalar_prefetch = 0 : i64, scratch_operands = 15 : i64, tpu.core_type = #tpu.core_type<sc_vector_subcore>, window_params = [{transform_indices = #map}, {transform_indices = #map}, {transform_indices = #map1}, {transform_indices = #map1}, {transform_indices = #map1}]} {
    %mul3A = arith.constant 2 : i32
    %mul3A_0 = arith.muli %arg1, %mul3A : i32
    %add3A = arith.addi %mul3A_0, %arg0 : i32
    %mul3A_1 = arith.constant 10000 : i32
    %mul3A_2 = arith.muli %add3A, %mul3A_1 : i32
    %iota3A = tpu.iota {dimensions = array<i32: 0>} : vector<16xi32>
    %xor3A = arith.constant 1 : i32
    %xor3A_3 = vector.broadcast %xor3A : i32 to vector<16xi32>
    %xor3A_4 = arith.xori %iota3A, %xor3A_3 : vector<16xi32>
    %xor3A_5 = arith.constant 2 : i32
    %xor3A_6 = vector.broadcast %xor3A_5 : i32 to vector<16xi32>
    %xor3A_7 = arith.xori %iota3A, %xor3A_6 : vector<16xi32>
    %xor3A_8 = arith.constant 4 : i32
    %xor3A_9 = vector.broadcast %xor3A_8 : i32 to vector<16xi32>
    %xor3A_10 = arith.xori %iota3A, %xor3A_9 : vector<16xi32>
    %xor3A_11 = arith.constant 8 : i32
    %xor3A_12 = vector.broadcast %xor3A_11 : i32 to vector<16xi32>
    %xor3A_13 = arith.xori %iota3A, %xor3A_12 : vector<16xi32>
    "tpu.region"() ({
      %run_scoped3A = tpu.sem_alloc : memref<!tpu.dma_semaphore, #tpu.memory_space<semaphore_mem>>
      %dma_start3A_54 = tpu.memref_slice %arg4[%mul3A_2] : memref<320000xi32, #tpu.memory_space<hbm>> -> memref<10000xi32, #tpu.memory_space<hbm>>
      %dma_start3A_55 = tpu.memref_slice %arg4[%mul3A_2] : memref<320000xi32, #tpu.memory_space<hbm>> -> memref<10000xi32, #tpu.memory_space<hbm>>
      tpu.enqueue_dma source(%dma_start3A_55 : memref<10000xi32, #tpu.memory_space<hbm>>) target(%arg7 : memref<10000xi32, #tpu.memory_space<vmem>>) target_semaphore(%run_scoped3A : memref<!tpu.dma_semaphore, #tpu.memory_space<semaphore_mem>>)
      %dma_wait3A = tpu.memref_slice %arg4[%mul3A_2] : memref<320000xi32, #tpu.memory_space<hbm>> -> memref<10000xi32, #tpu.memory_space<hbm>>
      %dma_wait3A_56 = tpu.memref_slice %arg4[%mul3A_2] : memref<320000xi32, #tpu.memory_space<hbm>> -> memref<10000xi32, #tpu.memory_space<hbm>>
      tpu.wait_dma2 semaphore(%run_scoped3A : memref<!tpu.dma_semaphore, #tpu.memory_space<semaphore_mem>>) src(%dma_wait3A_56 : memref<10000xi32, #tpu.memory_space<hbm>>) dst(%arg7 : memref<10000xi32, #tpu.memory_space<vmem>>)
      tpu.yield
    }) : () -> ()
    "tpu.region"() ({
      %run_scoped3A = tpu.sem_alloc : memref<!tpu.dma_semaphore, #tpu.memory_space<semaphore_mem>>
      %dma_start3A_54 = tpu.memref_slice %arg5[%mul3A_2] : memref<320000xi32, #tpu.memory_space<hbm>> -> memref<10000xi32, #tpu.memory_space<hbm>>
      %dma_start3A_55 = tpu.memref_slice %arg5[%mul3A_2] : memref<320000xi32, #tpu.memory_space<hbm>> -> memref<10000xi32, #tpu.memory_space<hbm>>
      tpu.enqueue_dma source(%dma_start3A_55 : memref<10000xi32, #tpu.memory_space<hbm>>) target(%arg8 : memref<10000xi32, #tpu.memory_space<vmem>>) target_semaphore(%run_scoped3A : memref<!tpu.dma_semaphore, #tpu.memory_space<semaphore_mem>>)
      %dma_wait3A = tpu.memref_slice %arg5[%mul3A_2] : memref<320000xi32, #tpu.memory_space<hbm>> -> memref<10000xi32, #tpu.memory_space<hbm>>
      %dma_wait3A_56 = tpu.memref_slice %arg5[%mul3A_2] : memref<320000xi32, #tpu.memory_space<hbm>> -> memref<10000xi32, #tpu.memory_space<hbm>>
      tpu.wait_dma2 semaphore(%run_scoped3A : memref<!tpu.dma_semaphore, #tpu.memory_space<semaphore_mem>>) src(%dma_wait3A_56 : memref<10000xi32, #tpu.memory_space<hbm>>) dst(%arg8 : memref<10000xi32, #tpu.memory_space<vmem>>)
      tpu.yield
    }) : () -> ()
    %scan3A = arith.constant 0 : i32
    %scan3A_14 = arith.constant 0 : i32
    %scan3A_15 = arith.constant 625 : i32
    %scan3A_16 = arith.addi %scan3A_14, %scan3A_15 : i32
    %scan3A_17 = arith.constant 1 : i32
    scf.for %scan3A_54 = %scan3A_14 to %scan3A_16 step %scan3A_17  : i32 {
      %broadcast_in_dim3A = arith.constant 0.000000e+00 : f32
      %broadcast_in_dim3A_55 = vector.broadcast %broadcast_in_dim3A : f32 to vector<16xf32>
      %mul3A_56 = arith.constant 16 : i32
      %mul3A_57 = arith.muli %scan3A_54, %mul3A_56 : i32
      %swap3A = arith.index_cast %mul3A_57 : i32 to index
      %swap3A_58 = tpu.vector_load %arg17[%swap3A] {strides = array<i32>} : memref<10000xf32, #tpu.memory_space<vmem>>, vector<16xf32>,
      %swap3A_59 = vector.shape_cast %swap3A_58 : vector<16xf32> to vector<16xf32>
      %swap3A_60 = vector.shape_cast %broadcast_in_dim3A_55 : vector<16xf32> to vector<16xf32>
      tpu.vector_store %arg17[%swap3A], %swap3A_60 {strides = array<i32>} : memref<10000xf32, #tpu.memory_space<vmem>>, vector<16xf32>,
    }
    %scan3A_18 = arith.constant 625 : i32
    %dma_start3A = arith.constant 0 : i32
    %dma_start3A_19 = tpu.memref_slice %arg7[%dma_start3A] : memref<10000xi32, #tpu.memory_space<vmem>> -> memref<80xi32, #tpu.memory_space<vmem>>
    %dma_start3A_20 = arith.constant 0 : i32
    %dma_start3A_21 = arith.constant 0 : i32
    %dma_start3A_22 = tpu.memref_slice %arg2[%dma_start3A_20, %dma_start3A_21] : memref<10000x128xf32, #tpu.memory_space<hbm>> -> memref<10000x128xf32, #tpu.memory_space<hbm>>
    tpu.enqueue_indirect_dma source(%dma_start3A_22 : memref<10000x128xf32, #tpu.memory_space<hbm>>) target(%arg9 : memref<80x128xf32, #tpu.memory_space<vmem>>) offsets(%dma_start3A_19 : memref<80xi32, #tpu.memory_space<vmem>>) semaphore(%arg18 : memref<!tpu.dma_semaphore, #tpu.memory_space<semaphore_mem>>)
    %dma_start3A_23 = arith.constant 0 : i32
    %dma_start3A_24 = tpu.memref_slice %arg8[%dma_start3A_23] : memref<10000xi32, #tpu.memory_space<vmem>> -> memref<80xi32, #tpu.memory_space<vmem>>
    %dma_start3A_25 = arith.constant 0 : i32
    %dma_start3A_26 = arith.constant 0 : i32
    %dma_start3A_27 = tpu.memref_slice %arg3[%dma_start3A_25, %dma_start3A_26] : memref<10000x128xf32, #tpu.memory_space<hbm>> -> memref<10000x128xf32, #tpu.memory_space<hbm>>
    tpu.enqueue_indirect_dma source(%dma_start3A_27 : memref<10000x128xf32, #tpu.memory_space<hbm>>) target(%arg13 : memref<80x128xf32, #tpu.memory_space<vmem>>) offsets(%dma_start3A_24 : memref<80xi32, #tpu.memory_space<vmem>>) semaphore(%arg18 : memref<!tpu.dma_semaphore, #tpu.memory_space<semaphore_mem>>)
    %dma_start3A_28 = arith.constant 80 : i32
    %dma_start3A_29 = tpu.memref_slice %arg7[%dma_start3A_28] : memref<10000xi32, #tpu.memory_space<vmem>> -> memref<80xi32, #tpu.memory_space<vmem>>
    %dma_start3A_30 = arith.constant 0 : i32
    %dma_start3A_31 = arith.constant 0 : i32
    %dma_start3A_32 = tpu.memref_slice %arg2[%dma_start3A_30, %dma_start3A_31] : memref<10000x128xf32, #tpu.memory_space<hbm>> -> memref<10000x128xf32, #tpu.memory_space<hbm>>
    tpu.enqueue_indirect_dma source(%dma_start3A_32 : memref<10000x128xf32, #tpu.memory_space<hbm>>) target(%arg10 : memref<80x128xf32, #tpu.memory_space<vmem>>) offsets(%dma_start3A_29 : memref<80xi32, #tpu.memory_space<vmem>>) semaphore(%arg19 : memref<!tpu.dma_semaphore, #tpu.memory_space<semaphore_mem>>)
    %dma_start3A_33 = arith.constant 80 : i32
    %dma_start3A_34 = tpu.memref_slice %arg8[%dma_start3A_33] : memref<10000xi32, #tpu.memory_space<vmem>> -> memref<80xi32, #tpu.memory_space<vmem>>
    %dma_start3A_35 = arith.constant 0 : i32
    %dma_start3A_36 = arith.constant 0 : i32
    %dma_start3A_37 = tpu.memref_slice %arg3[%dma_start3A_35, %dma_start3A_36] : memref<10000x128xf32, #tpu.memory_space<hbm>> -> memref<10000x128xf32, #tpu.memory_space<hbm>>
    tpu.enqueue_indirect_dma source(%dma_start3A_37 : memref<10000x128xf32, #tpu.memory_space<hbm>>) target(%arg14 : memref<80x128xf32, #tpu.memory_space<vmem>>) offsets(%dma_start3A_34 : memref<80xi32, #tpu.memory_space<vmem>>) semaphore(%arg19 : memref<!tpu.dma_semaphore, #tpu.memory_space<semaphore_mem>>)
    %dma_start3A_38 = arith.constant 160 : i32
    %dma_start3A_39 = tpu.memref_slice %arg7[%dma_start3A_38] : memref<10000xi32, #tpu.memory_space<vmem>> -> memref<80xi32, #tpu.memory_space<vmem>>
    %dma_start3A_40 = arith.constant 0 : i32
    %dma_start3A_41 = arith.constant 0 : i32
    %dma_start3A_42 = tpu.memref_slice %arg2[%dma_start3A_40, %dma_start3A_41] : memref<10000x128xf32, #tpu.memory_space<hbm>> -> memref<10000x128xf32, #tpu.memory_space<hbm>>
    tpu.enqueue_indirect_dma source(%dma_start3A_42 : memref<10000x128xf32, #tpu.memory_space<hbm>>) target(%arg11 : memref<80x128xf32, #tpu.memory_space<vmem>>) offsets(%dma_start3A_39 : memref<80xi32, #tpu.memory_space<vmem>>) semaphore(%arg20 : memref<!tpu.dma_semaphore, #tpu.memory_space<semaphore_mem>>)
    %dma_start3A_43 = arith.constant 160 : i32
    %dma_start3A_44 = tpu.memref_slice %arg8[%dma_start3A_43] : memref<10000xi32, #tpu.memory_space<vmem>> -> memref<80xi32, #tpu.memory_space<vmem>>
    %dma_start3A_45 = arith.constant 0 : i32
    %dma_start3A_46 = arith.constant 0 : i32
    %dma_start3A_47 = tpu.memref_slice %arg3[%dma_start3A_45, %dma_start3A_46] : memref<10000x128xf32, #tpu.memory_space<hbm>> -> memref<10000x128xf32, #tpu.memory_space<hbm>>
    tpu.enqueue_indirect_dma source(%dma_start3A_47 : memref<10000x128xf32, #tpu.memory_space<hbm>>) target(%arg15 : memref<80x128xf32, #tpu.memory_space<vmem>>) offsets(%dma_start3A_44 : memref<80xi32, #tpu.memory_space<vmem>>) semaphore(%arg20 : memref<!tpu.dma_semaphore, #tpu.memory_space<semaphore_mem>>)
    %scan3A_48 = arith.constant 0 : i32
    %scan3A_49 = arith.constant 0 : i32
    %scan3A_50 = arith.constant 32 : i32
    %scan3A_51 = arith.addi %scan3A_49, %scan3A_50 : i32
    %scan3A_52 = arith.constant 1 : i32
    scf.for %scan3A_54 = %scan3A_49 to %scan3A_51 step %scan3A_52  : i32 {
      %mul3A_55 = arith.constant 4 : i32
      %mul3A_56 = arith.muli %scan3A_54, %mul3A_55 : i32
      %add3A_57 = arith.constant 0 : i32
      %add3A_58 = arith.addi %mul3A_56, %add3A_57 : i32
      %add3A_59 = arith.constant 4 : i32
      %add3A_60 = arith.addi %add3A_58, %add3A_59 : i32
      %sub3A = arith.constant 1 : i32
      %sub3A_61 = arith.subi %add3A_60, %sub3A : i32
      %lt3A = arith.constant 125 : i32
      %lt3A_62 = arith.cmpi slt, %sub3A_61, %lt3A : i32
      %convert_element_type3A = arith.extui %lt3A_62 : i1 to i32
      %cond3A = arith.constant 0 : i32
      %cond3A_63 = arith.cmpi ne, %convert_element_type3A, %cond3A : i32
      scf.if %cond3A_63 {
        %mul3A_123 = arith.constant 80 : i32
        %mul3A_124 = arith.muli %sub3A_61, %mul3A_123 : i32
        %dma_start3A_125 = tpu.memref_slice %arg7[%mul3A_124] : memref<10000xi32, #tpu.memory_space<vmem>> -> memref<80xi32, #tpu.memory_space<vmem>>
        %dma_start3A_126 = arith.constant 0 : i32
        %dma_start3A_127 = arith.constant 0 : i32
        %dma_start3A_128 = tpu.memref_slice %arg2[%dma_start3A_126, %dma_start3A_127] : memref<10000x128xf32, #tpu.memory_space<hbm>> -> memref<10000x128xf32, #tpu.memory_space<hbm>>
        tpu.enqueue_indirect_dma source(%dma_start3A_128 : memref<10000x128xf32, #tpu.memory_space<hbm>>) target(%arg12 : memref<80x128xf32, #tpu.memory_space<vmem>>) offsets(%dma_start3A_125 : memref<80xi32, #tpu.memory_space<vmem>>) semaphore(%arg21 : memref<!tpu.dma_semaphore, #tpu.memory_space<semaphore_mem>>)
        %mul3A_129 = arith.constant 80 : i32
        %mul3A_130 = arith.muli %sub3A_61, %mul3A_129 : i32
        %dma_start3A_131 = tpu.memref_slice %arg8[%mul3A_130] : memref<10000xi32, #tpu.memory_space<vmem>> -> memref<80xi32, #tpu.memory_space<vmem>>
        %dma_start3A_132 = arith.constant 0 : i32
        %dma_start3A_133 = arith.constant 0 : i32
        %dma_start3A_134 = tpu.memref_slice %arg3[%dma_start3A_132, %dma_start3A_133] : memref<10000x128xf32, #tpu.memory_space<hbm>> -> memref<10000x128xf32, #tpu.memory_space<hbm>>
        tpu.enqueue_indirect_dma source(%dma_start3A_134 : memref<10000x128xf32, #tpu.memory_space<hbm>>) target(%arg16 : memref<80x128xf32, #tpu.memory_space<vmem>>) offsets(%dma_start3A_131 : memref<80xi32, #tpu.memory_space<vmem>>) semaphore(%arg21 : memref<!tpu.dma_semaphore, #tpu.memory_space<semaphore_mem>>)
      } else {
      }
      %lt3A_64 = arith.constant 125 : i32
      %lt3A_65 = arith.cmpi slt, %add3A_58, %lt3A_64 : i32
      %convert_element_type3A_66 = arith.extui %lt3A_65 : i1 to i32
      %cond3A_67 = arith.constant 0 : i32
      %cond3A_68 = arith.cmpi ne, %convert_element_type3A_66, %cond3A_67 : i32
      scf.if %cond3A_68 {
        %mul3A_123 = arith.constant 80 : i32
        %mul3A_124 = arith.muli %add3A_58, %mul3A_123 : i32
        %dma_wait3A = tpu.memref_slice %arg7[%mul3A_124] : memref<10000xi32, #tpu.memory_space<vmem>> -> memref<80xi32, #tpu.memory_space<vmem>>
        %dma_wait3A_125 = arith.constant 0 : i32
        %dma_wait3A_126 = arith.constant 0 : i32
        %dma_wait3A_127 = tpu.memref_slice %arg2[%dma_wait3A_125, %dma_wait3A_126] : memref<10000x128xf32, #tpu.memory_space<hbm>> -> memref<10000x128xf32, #tpu.memory_space<hbm>>
        tpu.wait_indirect_dma semaphore(%arg18 : memref<!tpu.dma_semaphore, #tpu.memory_space<semaphore_mem>>) src(%dma_wait3A_127 : memref<10000x128xf32, #tpu.memory_space<hbm>>) dst(%arg9 : memref<80x128xf32, #tpu.memory_space<vmem>>)
        %mul3A_128 = arith.constant 80 : i32
        %mul3A_129 = arith.muli %add3A_58, %mul3A_128 : i32
        %dma_wait3A_130 = tpu.memref_slice %arg8[%mul3A_129] : memref<10000xi32, #tpu.memory_space<vmem>> -> memref<80xi32, #tpu.memory_space<vmem>>
        %dma_wait3A_131 = arith.constant 0 : i32
        %dma_wait3A_132 = arith.constant 0 : i32
        %dma_wait3A_133 = tpu.memref_slice %arg3[%dma_wait3A_131, %dma_wait3A_132] : memref<10000x128xf32, #tpu.memory_space<hbm>> -> memref<10000x128xf32, #tpu.memory_space<hbm>>
        tpu.wait_indirect_dma semaphore(%arg18 : memref<!tpu.dma_semaphore, #tpu.memory_space<semaphore_mem>>) src(%dma_wait3A_133 : memref<10000x128xf32, #tpu.memory_space<hbm>>) dst(%arg13 : memref<80x128xf32, #tpu.memory_space<vmem>>)
        %mul3A_134 = arith.constant 80 : i32
        %mul3A_135 = arith.muli %add3A_58, %mul3A_134 : i32
        %parallel_loop3A = arith.constant 0 : i32
        %parallel_loop3A_136 = arith.constant 20 : i32
        %parallel_loop3A_137 = arith.constant 1 : i32
        scf.for %parallel_loop3A_138 = %parallel_loop3A to %parallel_loop3A_136 step %parallel_loop3A_137  : i32 {
          %parallel_loop3A_139 = arith.constant 4 : i32
          %parallel_loop3A_140 = arith.muli %parallel_loop3A_138, %parallel_loop3A_139 : i32
          %parallel_loop3A_141 = arith.constant 16 : i32
          %parallel_loop3A_142 = arith.constant 0 : i32
          %parallel_loop3A_143 = arith.cmpi eq, %parallel_loop3A_141, %parallel_loop3A_142 : i32
          %parallel_loop3A_144 = arith.constant 1 : i32
          %parallel_loop3A_145 = arith.select %parallel_loop3A_143, %parallel_loop3A_144, %parallel_loop3A_141 : i32
          %parallel_loop3A_146 = arith.remsi %parallel_loop3A_140, %parallel_loop3A_145 : i32
          %parallel_loop3A_147 = arith.constant 0 : i32
          %parallel_loop3A_148 = arith.cmpi ne, %parallel_loop3A_146, %parallel_loop3A_147 : i32
          %parallel_loop3A_149 = arith.constant 0 : i32
          %parallel_loop3A_150 = arith.cmpi slt, %parallel_loop3A_146, %parallel_loop3A_149 : i32
          %parallel_loop3A_151 = arith.constant 0 : i32
          %parallel_loop3A_152 = arith.cmpi slt, %parallel_loop3A_145, %parallel_loop3A_151 : i32
          %parallel_loop3A_153 = arith.xori %parallel_loop3A_150, %parallel_loop3A_152 : i1
          %parallel_loop3A_154 = arith.andi %parallel_loop3A_153, %parallel_loop3A_148 : i1
          %parallel_loop3A_155 = arith.addi %parallel_loop3A_146, %parallel_loop3A_145 : i32
          %parallel_loop3A_156 = arith.select %parallel_loop3A_154, %parallel_loop3A_155, %parallel_loop3A_146 : i32
          %parallel_loop3A_157 = arith.constant 0.000000e+00 : f32
          %parallel_loop3A_158 = vector.broadcast %parallel_loop3A_157 : f32 to vector<16xf32>
          %parallel_loop3A_159 = arith.constant 0 : i32
          %parallel_loop3A_160 = arith.addi %parallel_loop3A_140, %parallel_loop3A_159 : i32
          %parallel_loop3A_161 = arith.index_cast %parallel_loop3A_160 : i32 to index
          %parallel_loop3A_162 = arith.constant 0 : index
          %parallel_loop3A_163 = tpu.vector_load %arg9[%parallel_loop3A_161, %parallel_loop3A_162] {strides = array<i32>} : memref<80x128xf32, #tpu.memory_space<vmem>>, vector<1x16xf32>,
          %parallel_loop3A_164 = vector.shape_cast %parallel_loop3A_163 : vector<1x16xf32> to vector<16xf32>
          %parallel_loop3A_165 = arith.index_cast %parallel_loop3A_160 : i32 to index
          %parallel_loop3A_166 = arith.constant 0 : index
          %parallel_loop3A_167 = tpu.vector_load %arg13[%parallel_loop3A_165, %parallel_loop3A_166] {strides = array<i32>} : memref<80x128xf32, #tpu.memory_space<vmem>>, vector<1x16xf32>,
          %parallel_loop3A_168 = vector.shape_cast %parallel_loop3A_167 : vector<1x16xf32> to vector<16xf32>
          %parallel_loop3A_169 = arith.mulf %parallel_loop3A_164, %parallel_loop3A_168 : vector<16xf32>
          %parallel_loop3A_170 = arith.index_cast %parallel_loop3A_160 : i32 to index
          %parallel_loop3A_171 = arith.constant 16 : index
          %parallel_loop3A_172 = tpu.vector_load %arg9[%parallel_loop3A_170, %parallel_loop3A_171] {strides = array<i32>} : memref<80x128xf32, #tpu.memory_space<vmem>>, vector<1x16xf32>,
          %parallel_loop3A_173 = vector.shape_cast %parallel_loop3A_172 : vector<1x16xf32> to vector<16xf32>
          %parallel_loop3A_174 = arith.index_cast %parallel_loop3A_160 : i32 to index
          %parallel_loop3A_175 = arith.constant 16 : index
          %parallel_loop3A_176 = tpu.vector_load %arg13[%parallel_loop3A_174, %parallel_loop3A_175] {strides = array<i32>} : memref<80x128xf32, #tpu.memory_space<vmem>>, vector<1x16xf32>,
          %parallel_loop3A_177 = vector.shape_cast %parallel_loop3A_176 : vector<1x16xf32> to vector<16xf32>
          %parallel_loop3A_178 = arith.mulf %parallel_loop3A_173, %parallel_loop3A_177 : vector<16xf32>
          %parallel_loop3A_179 = arith.index_cast %parallel_loop3A_160 : i32 to index
          %parallel_loop3A_180 = arith.constant 32 : index
          %parallel_loop3A_181 = tpu.vector_load %arg9[%parallel_loop3A_179, %parallel_loop3A_180] {strides = array<i32>} : memref<80x128xf32, #tpu.memory_space<vmem>>, vector<1x16xf32>,
          %parallel_loop3A_182 = vector.shape_cast %parallel_loop3A_181 : vector<1x16xf32> to vector<16xf32>
          %parallel_loop3A_183 = arith.index_cast %parallel_loop3A_160 : i32 to index
          %parallel_loop3A_184 = arith.constant 32 : index
          %parallel_loop3A_185 = tpu.vector_load %arg13[%parallel_loop3A_183, %parallel_loop3A_184] {strides = array<i32>} : memref<80x128xf32, #tpu.memory_space<vmem>>, vector<1x16xf32>,
          %parallel_loop3A_186 = vector.shape_cast %parallel_loop3A_185 : vector<1x16xf32> to vector<16xf32>
          %parallel_loop3A_187 = arith.mulf %parallel_loop3A_182, %parallel_loop3A_186 : vector<16xf32>
          %parallel_loop3A_188 = arith.index_cast %parallel_loop3A_160 : i32 to index
          %parallel_loop3A_189 = arith.constant 48 : index
          %parallel_loop3A_190 = tpu.vector_load %arg9[%parallel_loop3A_188, %parallel_loop3A_189] {strides = array<i32>} : memref<80x128xf32, #tpu.memory_space<vmem>>, vector<1x16xf32>,
          %parallel_loop3A_191 = vector.shape_cast %parallel_loop3A_190 : vector<1x16xf32> to vector<16xf32>
          %parallel_loop3A_192 = arith.index_cast %parallel_loop3A_160 : i32 to index
          %parallel_loop3A_193 = arith.constant 48 : index
          %parallel_loop3A_194 = tpu.vector_load %arg13[%parallel_loop3A_192, %parallel_loop3A_193] {strides = array<i32>} : memref<80x128xf32, #tpu.memory_space<vmem>>, vector<1x16xf32>,
          %parallel_loop3A_195 = vector.shape_cast %parallel_loop3A_194 : vector<1x16xf32> to vector<16xf32>
          %parallel_loop3A_196 = arith.mulf %parallel_loop3A_191, %parallel_loop3A_195 : vector<16xf32>
          %parallel_loop3A_197 = arith.index_cast %parallel_loop3A_160 : i32 to index
          %parallel_loop3A_198 = arith.constant 64 : index
          %parallel_loop3A_199 = tpu.vector_load %arg9[%parallel_loop3A_197, %parallel_loop3A_198] {strides = array<i32>} : memref<80x128xf32, #tpu.memory_space<vmem>>, vector<1x16xf32>,
          %parallel_loop3A_200 = vector.shape_cast %parallel_loop3A_199 : vector<1x16xf32> to vector<16xf32>
          %parallel_loop3A_201 = arith.index_cast %parallel_loop3A_160 : i32 to index
          %parallel_loop3A_202 = arith.constant 64 : index
          %parallel_loop3A_203 = tpu.vector_load %arg13[%parallel_loop3A_201, %parallel_loop3A_202] {strides = array<i32>} : memref<80x128xf32, #tpu.memory_space<vmem>>, vector<1x16xf32>,
          %parallel_loop3A_204 = vector.shape_cast %parallel_loop3A_203 : vector<1x16xf32> to vector<16xf32>
          %parallel_loop3A_205 = arith.mulf %parallel_loop3A_200, %parallel_loop3A_204 : vector<16xf32>
          %parallel_loop3A_206 = arith.index_cast %parallel_loop3A_160 : i32 to index
          %parallel_loop3A_207 = arith.constant 80 : index
          %parallel_loop3A_208 = tpu.vector_load %arg9[%parallel_loop3A_206, %parallel_loop3A_207] {strides = array<i32>} : memref<80x128xf32, #tpu.memory_space<vmem>>, vector<1x16xf32>,
          %parallel_loop3A_209 = vector.shape_cast %parallel_loop3A_208 : vector<1x16xf32> to vector<16xf32>
          %parallel_loop3A_210 = arith.index_cast %parallel_loop3A_160 : i32 to index
          %parallel_loop3A_211 = arith.constant 80 : index
          %parallel_loop3A_212 = tpu.vector_load %arg13[%parallel_loop3A_210, %parallel_loop3A_211] {strides = array<i32>} : memref<80x128xf32, #tpu.memory_space<vmem>>, vector<1x16xf32>,
          %parallel_loop3A_213 = vector.shape_cast %parallel_loop3A_212 : vector<1x16xf32> to vector<16xf32>
          %parallel_loop3A_214 = arith.mulf %parallel_loop3A_209, %parallel_loop3A_213 : vector<16xf32>
          %parallel_loop3A_215 = arith.index_cast %parallel_loop3A_160 : i32 to index
          %parallel_loop3A_216 = arith.constant 96 : index
          %parallel_loop3A_217 = tpu.vector_load %arg9[%parallel_loop3A_215, %parallel_loop3A_216] {strides = array<i32>} : memref<80x128xf32, #tpu.memory_space<vmem>>, vector<1x16xf32>,
          %parallel_loop3A_218 = vector.shape_cast %parallel_loop3A_217 : vector<1x16xf32> to vector<16xf32>
          %parallel_loop3A_219 = arith.index_cast %parallel_loop3A_160 : i32 to index
          %parallel_loop3A_220 = arith.constant 96 : index
          %parallel_loop3A_221 = tpu.vector_load %arg13[%parallel_loop3A_219, %parallel_loop3A_220] {strides = array<i32>} : memref<80x128xf32, #tpu.memory_space<vmem>>, vector<1x16xf32>,
          %parallel_loop3A_222 = vector.shape_cast %parallel_loop3A_221 : vector<1x16xf32> to vector<16xf32>
          %parallel_loop3A_223 = arith.mulf %parallel_loop3A_218, %parallel_loop3A_222 : vector<16xf32>
          %parallel_loop3A_224 = arith.index_cast %parallel_loop3A_160 : i32 to index
          %parallel_loop3A_225 = arith.constant 112 : index
          %parallel_loop3A_226 = tpu.vector_load %arg9[%parallel_loop3A_224, %parallel_loop3A_225] {strides = array<i32>} : memref<80x128xf32, #tpu.memory_space<vmem>>, vector<1x16xf32>,
          %parallel_loop3A_227 = vector.shape_cast %parallel_loop3A_226 : vector<1x16xf32> to vector<16xf32>
          %parallel_loop3A_228 = arith.index_cast %parallel_loop3A_160 : i32 to index
          %parallel_loop3A_229 = arith.constant 112 : index
          %parallel_loop3A_230 = tpu.vector_load %arg13[%parallel_loop3A_228, %parallel_loop3A_229] {strides = array<i32>} : memref<80x128xf32, #tpu.memory_space<vmem>>, vector<1x16xf32>,
          %parallel_loop3A_231 = vector.shape_cast %parallel_loop3A_230 : vector<1x16xf32> to vector<16xf32>
          %parallel_loop3A_232 = arith.mulf %parallel_loop3A_227, %parallel_loop3A_231 : vector<16xf32>
          %parallel_loop3A_233 = arith.addf %parallel_loop3A_169, %parallel_loop3A_178 : vector<16xf32>
          %parallel_loop3A_234 = arith.addf %parallel_loop3A_187, %parallel_loop3A_196 : vector<16xf32>
          %parallel_loop3A_235 = arith.addf %parallel_loop3A_233, %parallel_loop3A_234 : vector<16xf32>
          %parallel_loop3A_236 = arith.addf %parallel_loop3A_205, %parallel_loop3A_214 : vector<16xf32>
          %parallel_loop3A_237 = arith.addf %parallel_loop3A_223, %parallel_loop3A_232 : vector<16xf32>
          %parallel_loop3A_238 = arith.addf %parallel_loop3A_236, %parallel_loop3A_237 : vector<16xf32>
          %parallel_loop3A_239 = arith.addf %parallel_loop3A_235, %parallel_loop3A_238 : vector<16xf32>
          %parallel_loop3A_240 = arith.constant 0 : i32
          %parallel_loop3A_241 = vector.broadcast %parallel_loop3A_240 : i32 to vector<16xi32>
          %parallel_loop3A_242 = arith.cmpi slt, %xor3A_4, %parallel_loop3A_241 : vector<16xi32>
          %parallel_loop3A_243 = arith.constant 16 : i32
          %parallel_loop3A_244 = vector.broadcast %parallel_loop3A_243 : i32 to vector<16xi32>
          %parallel_loop3A_245 = arith.addi %xor3A_4, %parallel_loop3A_244 : vector<16xi32>
          %parallel_loop3A_246 = arith.select %parallel_loop3A_242, %parallel_loop3A_245, %xor3A_4 : vector<16xi1>, vector<16xi32>
          %parallel_loop3A_247 = vector.shape_cast %parallel_loop3A_246 : vector<16xi32> to vector<16x1xi32>
          %parallel_loop3A_248 = vector.shape_cast %parallel_loop3A_247 : vector<16x1xi32> to vector<16xi32>
          %parallel_loop3A_249 = tpu.dynamic_gather %parallel_loop3A_239[%parallel_loop3A_248] in [0] : vector<16xf32>, vector<16xi32> -> vector<16xf32>
          %parallel_loop3A_250 = arith.addf %parallel_loop3A_239, %parallel_loop3A_249 : vector<16xf32>
          %parallel_loop3A_251 = arith.constant 0 : i32
          %parallel_loop3A_252 = vector.broadcast %parallel_loop3A_251 : i32 to vector<16xi32>
          %parallel_loop3A_253 = arith.cmpi slt, %xor3A_7, %parallel_loop3A_252 : vector<16xi32>
          %parallel_loop3A_254 = arith.constant 16 : i32
          %parallel_loop3A_255 = vector.broadcast %parallel_loop3A_254 : i32 to vector<16xi32>
          %parallel_loop3A_256 = arith.addi %xor3A_7, %parallel_loop3A_255 : vector<16xi32>
          %parallel_loop3A_257 = arith.select %parallel_loop3A_253, %parallel_loop3A_256, %xor3A_7 : vector<16xi1>, vector<16xi32>
          %parallel_loop3A_258 = vector.shape_cast %parallel_loop3A_257 : vector<16xi32> to vector<16x1xi32>
          %parallel_loop3A_259 = vector.shape_cast %parallel_loop3A_258 : vector<16x1xi32> to vector<16xi32>
          %parallel_loop3A_260 = tpu.dynamic_gather %parallel_loop3A_250[%parallel_loop3A_259] in [0] : vector<16xf32>, vector<16xi32> -> vector<16xf32>
          %parallel_loop3A_261 = arith.addf %parallel_loop3A_250, %parallel_loop3A_260 : vector<16xf32>
          %parallel_loop3A_262 = arith.constant 0 : i32
          %parallel_loop3A_263 = vector.broadcast %parallel_loop3A_262 : i32 to vector<16xi32>
          %parallel_loop3A_264 = arith.cmpi slt, %xor3A_10, %parallel_loop3A_263 : vector<16xi32>
          %parallel_loop3A_265 = arith.constant 16 : i32
          %parallel_loop3A_266 = vector.broadcast %parallel_loop3A_265 : i32 to vector<16xi32>
          %parallel_loop3A_267 = arith.addi %xor3A_10, %parallel_loop3A_266 : vector<16xi32>
          %parallel_loop3A_268 = arith.select %parallel_loop3A_264, %parallel_loop3A_267, %xor3A_10 : vector<16xi1>, vector<16xi32>
          %parallel_loop3A_269 = vector.shape_cast %parallel_loop3A_268 : vector<16xi32> to vector<16x1xi32>
          %parallel_loop3A_270 = vector.shape_cast %parallel_loop3A_269 : vector<16x1xi32> to vector<16xi32>
          %parallel_loop3A_271 = tpu.dynamic_gather %parallel_loop3A_261[%parallel_loop3A_270] in [0] : vector<16xf32>, vector<16xi32> -> vector<16xf32>
          %parallel_loop3A_272 = arith.addf %parallel_loop3A_261, %parallel_loop3A_271 : vector<16xf32>
          %parallel_loop3A_273 = arith.constant 0 : i32
          %parallel_loop3A_274 = vector.broadcast %parallel_loop3A_273 : i32 to vector<16xi32>
          %parallel_loop3A_275 = arith.cmpi slt, %xor3A_13, %parallel_loop3A_274 : vector<16xi32>
          %parallel_loop3A_276 = arith.constant 16 : i32
          %parallel_loop3A_277 = vector.broadcast %parallel_loop3A_276 : i32 to vector<16xi32>
          %parallel_loop3A_278 = arith.addi %xor3A_13, %parallel_loop3A_277 : vector<16xi32>
          %parallel_loop3A_279 = arith.select %parallel_loop3A_275, %parallel_loop3A_278, %xor3A_13 : vector<16xi1>, vector<16xi32>
          %parallel_loop3A_280 = vector.shape_cast %parallel_loop3A_279 : vector<16xi32> to vector<16x1xi32>
          %parallel_loop3A_281 = vector.shape_cast %parallel_loop3A_280 : vector<16x1xi32> to vector<16xi32>
          %parallel_loop3A_282 = tpu.dynamic_gather %parallel_loop3A_272[%parallel_loop3A_281] in [0] : vector<16xf32>, vector<16xi32> -> vector<16xf32>
          %parallel_loop3A_283 = arith.addf %parallel_loop3A_272, %parallel_loop3A_282 : vector<16xf32>
          %parallel_loop3A_284 = arith.constant 0 : i32
          %parallel_loop3A_285 = arith.addi %parallel_loop3A_156, %parallel_loop3A_284 : i32
          %parallel_loop3A_286 = vector.broadcast %parallel_loop3A_285 : i32 to vector<16xi32>
          %parallel_loop3A_287 = arith.cmpi eq, %iota3A, %parallel_loop3A_286 : vector<16xi32>
          %parallel_loop3A_288 = arith.select %parallel_loop3A_287, %parallel_loop3A_283, %parallel_loop3A_158 : vector<16xi1>, vector<16xf32>
          %parallel_loop3A_289 = arith.constant 1 : i32
          %parallel_loop3A_290 = arith.addi %parallel_loop3A_140, %parallel_loop3A_289 : i32
          %parallel_loop3A_291 = arith.index_cast %parallel_loop3A_290 : i32 to index
          %parallel_loop3A_292 = arith.constant 0 : index
          %parallel_loop3A_293 = tpu.vector_load %arg9[%parallel_loop3A_291, %parallel_loop3A_292] {strides = array<i32>} : memref<80x128xf32, #tpu.memory_space<vmem>>, vector<1x16xf32>,
          %parallel_loop3A_294 = vector.shape_cast %parallel_loop3A_293 : vector<1x16xf32> to vector<16xf32>
          %parallel_loop3A_295 = arith.index_cast %parallel_loop3A_290 : i32 to index
          %parallel_loop3A_296 = arith.constant 0 : index
          %parallel_loop3A_297 = tpu.vector_load %arg13[%parallel_loop3A_295, %parallel_loop3A_296] {strides = array<i32>} : memref<80x128xf32, #tpu.memory_space<vmem>>, vector<1x16xf32>,
          %parallel_loop3A_298 = vector.shape_cast %parallel_loop3A_297 : vector<1x16xf32> to vector<16xf32>
          %parallel_loop3A_299 = arith.mulf %parallel_loop3A_294, %parallel_loop3A_298 : vector<16xf32>
          %parallel_loop3A_300 = arith.index_cast %parallel_loop3A_290 : i32 to index
          %parallel_loop3A_301 = arith.constant 16 : index
          %parallel_loop3A_302 = tpu.vector_load %arg9[%parallel_loop3A_300, %parallel_loop3A_301] {strides = array<i32>} : memref<80x128xf32, #tpu.memory_space<vmem>>, vector<1x16xf32>,
          %parallel_loop3A_303 = vector.shape_cast %parallel_loop3A_302 : vector<1x16xf32> to vector<16xf32>
          %parallel_loop3A_304 = arith.index_cast %parallel_loop3A_290 : i32 to index
          %parallel_loop3A_305 = arith.constant 16 : index
          %parallel_loop3A_306 = tpu.vector_load %arg13[%parallel_loop3A_304, %parallel_loop3A_305] {strides = array<i32>} : memref<80x128xf32, #tpu.memory_space<vmem>>, vector<1x16xf32>,
          %parallel_loop3A_307 = vector.shape_cast %parallel_loop3A_306 : vector<1x16xf32> to vector<16xf32>
          %parallel_loop3A_308 = arith.mulf %parallel_loop3A_303, %parallel_loop3A_307 : vector<16xf32>
          %parallel_loop3A_309 = arith.index_cast %parallel_loop3A_290 : i32 to index
          %parallel_loop3A_310 = arith.constant 32 : index
          %parallel_loop3A_311 = tpu.vector_load %arg9[%parallel_loop3A_309, %parallel_loop3A_310] {strides = array<i32>} : memref<80x128xf32, #tpu.memory_space<vmem>>, vector<1x16xf32>,
          %parallel_loop3A_312 = vector.shape_cast %parallel_loop3A_311 : vector<1x16xf32> to vector<16xf32>
          %parallel_loop3A_313 = arith.index_cast %parallel_loop3A_290 : i32 to index
          %parallel_loop3A_314 = arith.constant 32 : index
          %parallel_loop3A_315 = tpu.vector_load %arg13[%parallel_loop3A_313, %parallel_loop3A_314] {strides = array<i32>} : memref<80x128xf32, #tpu.memory_space<vmem>>, vector<1x16xf32>,
          %parallel_loop3A_316 = vector.shape_cast %parallel_loop3A_315 : vector<1x16xf32> to vector<16xf32>
          %parallel_loop3A_317 = arith.mulf %parallel_loop3A_312, %parallel_loop3A_316 : vector<16xf32>
          %parallel_loop3A_318 = arith.index_cast %parallel_loop3A_290 : i32 to index
          %parallel_loop3A_319 = arith.constant 48 : index
          %parallel_loop3A_320 = tpu.vector_load %arg9[%parallel_loop3A_318, %parallel_loop3A_319] {strides = array<i32>} : memref<80x128xf32, #tpu.memory_space<vmem>>, vector<1x16xf32>,
          %parallel_loop3A_321 = vector.shape_cast %parallel_loop3A_320 : vector<1x16xf32> to vector<16xf32>
          %parallel_loop3A_322 = arith.index_cast %parallel_loop3A_290 : i32 to index
          %parallel_loop3A_323 = arith.constant 48 : index
          %parallel_loop3A_324 = tpu.vector_load %arg13[%parallel_loop3A_322, %parallel_loop3A_323] {strides = array<i32>} : memref<80x128xf32, #tpu.memory_space<vmem>>, vector<1x16xf32>,
          %parallel_loop3A_325 = vector.shape_cast %parallel_loop3A_324 : vector<1x16xf32> to vector<16xf32>
          %parallel_loop3A_326 = arith.mulf %parallel_loop3A_321, %parallel_loop3A_325 : vector<16xf32>
          %parallel_loop3A_327 = arith.index_cast %parallel_loop3A_290 : i32 to index
          %parallel_loop3A_328 = arith.constant 64 : index
          %parallel_loop3A_329 = tpu.vector_load %arg9[%parallel_loop3A_327, %parallel_loop3A_328] {strides = array<i32>} : memref<80x128xf32, #tpu.memory_space<vmem>>, vector<1x16xf32>,
          %parallel_loop3A_330 = vector.shape_cast %parallel_loop3A_329 : vector<1x16xf32> to vector<16xf32>
          %parallel_loop3A_331 = arith.index_cast %parallel_loop3A_290 : i32 to index
          %parallel_loop3A_332 = arith.constant 64 : index
          %parallel_loop3A_333 = tpu.vector_load %arg13[%parallel_loop3A_331, %parallel_loop3A_332] {strides = array<i32>} : memref<80x128xf32, #tpu.memory_space<vmem>>, vector<1x16xf32>,
          %parallel_loop3A_334 = vector.shape_cast %parallel_loop3A_333 : vector<1x16xf32> to vector<16xf32>
          %parallel_loop3A_335 = arith.mulf %parallel_loop3A_330, %parallel_loop3A_334 : vector<16xf32>
          %parallel_loop3A_336 = arith.index_cast %parallel_loop3A_290 : i32 to index
          %parallel_loop3A_337 = arith.constant 80 : index
          %parallel_loop3A_338 = tpu.vector_load %arg9[%parallel_loop3A_336, %parallel_loop3A_337] {strides = array<i32>} : memref<80x128xf32, #tpu.memory_space<vmem>>, vector<1x16xf32>,
          %parallel_loop3A_339 = vector.shape_cast %parallel_loop3A_338 : vector<1x16xf32> to vector<16xf32>
          %parallel_loop3A_340 = arith.index_cast %parallel_loop3A_290 : i32 to index
          %parallel_loop3A_341 = arith.constant 80 : index
          %parallel_loop3A_342 = tpu.vector_load %arg13[%parallel_loop3A_340, %parallel_loop3A_341] {strides = array<i32>} : memref<80x128xf32, #tpu.memory_space<vmem>>, vector<1x16xf32>,
          %parallel_loop3A_343 = vector.shape_cast %parallel_loop3A_342 : vector<1x16xf32> to vector<16xf32>
          %parallel_loop3A_344 = arith.mulf %parallel_loop3A_339, %parallel_loop3A_343 : vector<16xf32>
          %parallel_loop3A_345 = arith.index_cast %parallel_loop3A_290 : i32 to index
          %parallel_loop3A_346 = arith.constant 96 : index
          %parallel_loop3A_347 = tpu.vector_load %arg9[%parallel_loop3A_345, %parallel_loop3A_346] {strides = array<i32>} : memref<80x128xf32, #tpu.memory_space<vmem>>, vector<1x16xf32>,
          %parallel_loop3A_348 = vector.shape_cast %parallel_loop3A_347 : vector<1x16xf32> to vector<16xf32>
          %parallel_loop3A_349 = arith.index_cast %parallel_loop3A_290 : i32 to index
          %parallel_loop3A_350 = arith.constant 96 : index
          %parallel_loop3A_351 = tpu.vector_load %arg13[%parallel_loop3A_349, %parallel_loop3A_350] {strides = array<i32>} : memref<80x128xf32, #tpu.memory_space<vmem>>, vector<1x16xf32>,
          %parallel_loop3A_352 = vector.shape_cast %parallel_loop3A_351 : vector<1x16xf32> to vector<16xf32>
          %parallel_loop3A_353 = arith.mulf %parallel_loop3A_348, %parallel_loop3A_352 : vector<16xf32>
          %parallel_loop3A_354 = arith.index_cast %parallel_loop3A_290 : i32 to index
          %parallel_loop3A_355 = arith.constant 112 : index
          %parallel_loop3A_356 = tpu.vector_load %arg9[%parallel_loop3A_354, %parallel_loop3A_355] {strides = array<i32>} : memref<80x128xf32, #tpu.memory_space<vmem>>, vector<1x16xf32>,
          %parallel_loop3A_357 = vector.shape_cast %parallel_loop3A_356 : vector<1x16xf32> to vector<16xf32>
          %parallel_loop3A_358 = arith.index_cast %parallel_loop3A_290 : i32 to index
          %parallel_loop3A_359 = arith.constant 112 : index
          %parallel_loop3A_360 = tpu.vector_load %arg13[%parallel_loop3A_358, %parallel_loop3A_359] {strides = array<i32>} : memref<80x128xf32, #tpu.memory_space<vmem>>, vector<1x16xf32>,
          %parallel_loop3A_361 = vector.shape_cast %parallel_loop3A_360 : vector<1x16xf32> to vector<16xf32>
          %parallel_loop3A_362 = arith.mulf %parallel_loop3A_357, %parallel_loop3A_361 : vector<16xf32>
          %parallel_loop3A_363 = arith.addf %parallel_loop3A_299, %parallel_loop3A_308 : vector<16xf32>
          %parallel_loop3A_364 = arith.addf %parallel_loop3A_317, %parallel_loop3A_326 : vector<16xf32>
          %parallel_loop3A_365 = arith.addf %parallel_loop3A_363, %parallel_loop3A_364 : vector<16xf32>
          %parallel_loop3A_366 = arith.addf %parallel_loop3A_335, %parallel_loop3A_344 : vector<16xf32>
          %parallel_loop3A_367 = arith.addf %parallel_loop3A_353, %parallel_loop3A_362 : vector<16xf32>
          %parallel_loop3A_368 = arith.addf %parallel_loop3A_366, %parallel_loop3A_367 : vector<16xf32>
          %parallel_loop3A_369 = arith.addf %parallel_loop3A_365, %parallel_loop3A_368 : vector<16xf32>
          %parallel_loop3A_370 = arith.constant 0 : i32
          %parallel_loop3A_371 = vector.broadcast %parallel_loop3A_370 : i32 to vector<16xi32>
          %parallel_loop3A_372 = arith.cmpi slt, %xor3A_4, %parallel_loop3A_371 : vector<16xi32>
          %parallel_loop3A_373 = arith.constant 16 : i32
          %parallel_loop3A_374 = vector.broadcast %parallel_loop3A_373 : i32 to vector<16xi32>
          %parallel_loop3A_375 = arith.addi %xor3A_4, %parallel_loop3A_374 : vector<16xi32>
          %parallel_loop3A_376 = arith.select %parallel_loop3A_372, %parallel_loop3A_375, %xor3A_4 : vector<16xi1>, vector<16xi32>
          %parallel_loop3A_377 = vector.shape_cast %parallel_loop3A_376 : vector<16xi32> to vector<16x1xi32>
          %parallel_loop3A_378 = vector.shape_cast %parallel_loop3A_377 : vector<16x1xi32> to vector<16xi32>
          %parallel_loop3A_379 = tpu.dynamic_gather %parallel_loop3A_369[%parallel_loop3A_378] in [0] : vector<16xf32>, vector<16xi32> -> vector<16xf32>
          %parallel_loop3A_380 = arith.addf %parallel_loop3A_369, %parallel_loop3A_379 : vector<16xf32>
          %parallel_loop3A_381 = arith.constant 0 : i32
          %parallel_loop3A_382 = vector.broadcast %parallel_loop3A_381 : i32 to vector<16xi32>
          %parallel_loop3A_383 = arith.cmpi slt, %xor3A_7, %parallel_loop3A_382 : vector<16xi32>
          %parallel_loop3A_384 = arith.constant 16 : i32
          %parallel_loop3A_385 = vector.broadcast %parallel_loop3A_384 : i32 to vector<16xi32>
          %parallel_loop3A_386 = arith.addi %xor3A_7, %parallel_loop3A_385 : vector<16xi32>
          %parallel_loop3A_387 = arith.select %parallel_loop3A_383, %parallel_loop3A_386, %xor3A_7 : vector<16xi1>, vector<16xi32>
          %parallel_loop3A_388 = vector.shape_cast %parallel_loop3A_387 : vector<16xi32> to vector<16x1xi32>
          %parallel_loop3A_389 = vector.shape_cast %parallel_loop3A_388 : vector<16x1xi32> to vector<16xi32>
          %parallel_loop3A_390 = tpu.dynamic_gather %parallel_loop3A_380[%parallel_loop3A_389] in [0] : vector<16xf32>, vector<16xi32> -> vector<16xf32>
          %parallel_loop3A_391 = arith.addf %parallel_loop3A_380, %parallel_loop3A_390 : vector<16xf32>
          %parallel_loop3A_392 = arith.constant 0 : i32
          %parallel_loop3A_393 = vector.broadcast %parallel_loop3A_392 : i32 to vector<16xi32>
          %parallel_loop3A_394 = arith.cmpi slt, %xor3A_10, %parallel_loop3A_393 : vector<16xi32>
          %parallel_loop3A_395 = arith.constant 16 : i32
          %parallel_loop3A_396 = vector.broadcast %parallel_loop3A_395 : i32 to vector<16xi32>
          %parallel_loop3A_397 = arith.addi %xor3A_10, %parallel_loop3A_396 : vector<16xi32>
          %parallel_loop3A_398 = arith.select %parallel_loop3A_394, %parallel_loop3A_397, %xor3A_10 : vector<16xi1>, vector<16xi32>
          %parallel_loop3A_399 = vector.shape_cast %parallel_loop3A_398 : vector<16xi32> to vector<16x1xi32>
          %parallel_loop3A_400 = vector.shape_cast %parallel_loop3A_399 : vector<16x1xi32> to vector<16xi32>
          %parallel_loop3A_401 = tpu.dynamic_gather %parallel_loop3A_391[%parallel_loop3A_400] in [0] : vector<16xf32>, vector<16xi32> -> vector<16xf32>
          %parallel_loop3A_402 = arith.addf %parallel_loop3A_391, %parallel_loop3A_401 : vector<16xf32>
          %parallel_loop3A_403 = arith.constant 0 : i32
          %parallel_loop3A_404 = vector.broadcast %parallel_loop3A_403 : i32 to vector<16xi32>
          %parallel_loop3A_405 = arith.cmpi slt, %xor3A_13, %parallel_loop3A_404 : vector<16xi32>
          %parallel_loop3A_406 = arith.constant 16 : i32
          %parallel_loop3A_407 = vector.broadcast %parallel_loop3A_406 : i32 to vector<16xi32>
          %parallel_loop3A_408 = arith.addi %xor3A_13, %parallel_loop3A_407 : vector<16xi32>
          %parallel_loop3A_409 = arith.select %parallel_loop3A_405, %parallel_loop3A_408, %xor3A_13 : vector<16xi1>, vector<16xi32>
          %parallel_loop3A_410 = vector.shape_cast %parallel_loop3A_409 : vector<16xi32> to vector<16x1xi32>
          %parallel_loop3A_411 = vector.shape_cast %parallel_loop3A_410 : vector<16x1xi32> to vector<16xi32>
          %parallel_loop3A_412 = tpu.dynamic_gather %parallel_loop3A_402[%parallel_loop3A_411] in [0] : vector<16xf32>, vector<16xi32> -> vector<16xf32>
          %parallel_loop3A_413 = arith.addf %parallel_loop3A_402, %parallel_loop3A_412 : vector<16xf32>
          %parallel_loop3A_414 = arith.constant 1 : i32
          %parallel_loop3A_415 = arith.addi %parallel_loop3A_156, %parallel_loop3A_414 : i32
          %parallel_loop3A_416 = vector.broadcast %parallel_loop3A_415 : i32 to vector<16xi32>
          %parallel_loop3A_417 = arith.cmpi eq, %iota3A, %parallel_loop3A_416 : vector<16xi32>
          %parallel_loop3A_418 = arith.select %parallel_loop3A_417, %parallel_loop3A_413, %parallel_loop3A_288 : vector<16xi1>, vector<16xf32>
          %parallel_loop3A_419 = arith.constant 2 : i32
          %parallel_loop3A_420 = arith.addi %parallel_loop3A_140, %parallel_loop3A_419 : i32
          %parallel_loop3A_421 = arith.index_cast %parallel_loop3A_420 : i32 to index
          %parallel_loop3A_422 = arith.constant 0 : index
          %parallel_loop3A_423 = tpu.vector_load %arg9[%parallel_loop3A_421, %parallel_loop3A_422] {strides = array<i32>} : memref<80x128xf32, #tpu.memory_space<vmem>>, vector<1x16xf32>,
          %parallel_loop3A_424 = vector.shape_cast %parallel_loop3A_423 : vector<1x16xf32> to vector<16xf32>
          %parallel_loop3A_425 = arith.index_cast %parallel_loop3A_420 : i32 to index
          %parallel_loop3A_426 = arith.constant 0 : index
          %parallel_loop3A_427 = tpu.vector_load %arg13[%parallel_loop3A_425, %parallel_loop3A_426] {strides = array<i32>} : memref<80x128xf32, #tpu.memory_space<vmem>>, vector<1x16xf32>,
          %parallel_loop3A_428 = vector.shape_cast %parallel_loop3A_427 : vector<1x16xf32> to vector<16xf32>
          %parallel_loop3A_429 = arith.mulf %parallel_loop3A_424, %parallel_loop3A_428 : vector<16xf32>
          %parallel_loop3A_430 = arith.index_cast %parallel_loop3A_420 : i32 to index
          %parallel_loop3A_431 = arith.constant 16 : index
          %parallel_loop3A_432 = tpu.vector_load %arg9[%parallel_loop3A_430, %parallel_loop3A_431] {strides = array<i32>} : memref<80x128xf32, #tpu.memory_space<vmem>>, vector<1x16xf32>,
          %parallel_loop3A_433 = vector.shape_cast %parallel_loop3A_432 : vector<1x16xf32> to vector<16xf32>
          %parallel_loop3A_434 = arith.index_cast %parallel_loop3A_420 : i32 to index
          %parallel_loop3A_435 = arith.constant 16 : index
          %parallel_loop3A_436 = tpu.vector_load %arg13[%parallel_loop3A_434, %parallel_loop3A_435] {strides = array<i32>} : memref<80x128xf32, #tpu.memory_space<vmem>>, vector<1x16xf32>,
          %parallel_loop3A_437 = vector.shape_cast %parallel_loop3A_436 : vector<1x16xf32> to vector<16xf32>
          %parallel_loop3A_438 = arith.mulf %parallel_loop3A_433, %parallel_loop3A_437 : vector<16xf32>
          %parallel_loop3A_439 = arith.index_cast %parallel_loop3A_420 : i32 to index
          %parallel_loop3A_440 = arith.constant 32 : index
          %parallel_loop3A_441 = tpu.vector_load %arg9[%parallel_loop3A_439, %parallel_loop3A_440] {strides = array<i32>} : memref<80x128xf32, #tpu.memory_space<vmem>>, vector<1x16xf32>,
          %parallel_loop3A_442 = vector.shape_cast %parallel_loop3A_441 : vector<1x16xf32> to vector<16xf32>
          %parallel_loop3A_443 = arith.index_cast %parallel_loop3A_420 : i32 to index
          %parallel_loop3A_444 = arith.constant 32 : index
          %parallel_loop3A_445 = tpu.vector_load %arg13[%parallel_loop3A_443, %parallel_loop3A_444] {strides = array<i32>} : memref<80x128xf32, #tpu.memory_space<vmem>>, vector<1x16xf32>,
          %parallel_loop3A_446 = vector.shape_cast %parallel_loop3A_445 : vector<1x16xf32> to vector<16xf32>
          %parallel_loop3A_447 = arith.mulf %parallel_loop3A_442, %parallel_loop3A_446 : vector<16xf32>
          %parallel_loop3A_448 = arith.index_cast %parallel_loop3A_420 : i32 to index
          %parallel_loop3A_449 = arith.constant 48 : index
          %parallel_loop3A_450 = tpu.vector_load %arg9[%parallel_loop3A_448, %parallel_loop3A_449] {strides = array<i32>} : memref<80x128xf32, #tpu.memory_space<vmem>>, vector<1x16xf32>,
          %parallel_loop3A_451 = vector.shape_cast %parallel_loop3A_450 : vector<1x16xf32> to vector<16xf32>
          %parallel_loop3A_452 = arith.index_cast %parallel_loop3A_420 : i32 to index
          %parallel_loop3A_453 = arith.constant 48 : index
          %parallel_loop3A_454 = tpu.vector_load %arg13[%parallel_loop3A_452, %parallel_loop3A_453] {strides = array<i32>} : memref<80x128xf32, #tpu.memory_space<vmem>>, vector<1x16xf32>,
          %parallel_loop3A_455 = vector.shape_cast %parallel_loop3A_454 : vector<1x16xf32> to vector<16xf32>
          %parallel_loop3A_456 = arith.mulf %parallel_loop3A_451, %parallel_loop3A_455 : vector<16xf32>
          %parallel_loop3A_457 = arith.index_cast %parallel_loop3A_420 : i32 to index
          %parallel_loop3A_458 = arith.constant 64 : index
          %parallel_loop3A_459 = tpu.vector_load %arg9[%parallel_loop3A_457, %parallel_loop3A_458] {strides = array<i32>} : memref<80x128xf32, #tpu.memory_space<vmem>>, vector<1x16xf32>,
          %parallel_loop3A_460 = vector.shape_cast %parallel_loop3A_459 : vector<1x16xf32> to vector<16xf32>
          %parallel_loop3A_461 = arith.index_cast %parallel_loop3A_420 : i32 to index
          %parallel_loop3A_462 = arith.constant 64 : index
          %parallel_loop3A_463 = tpu.vector_load %arg13[%parallel_loop3A_461, %parallel_loop3A_462] {strides = array<i32>} : memref<80x128xf32, #tpu.memory_space<vmem>>, vector<1x16xf32>,
          %parallel_loop3A_464 = vector.shape_cast %parallel_loop3A_463 : vector<1x16xf32> to vector<16xf32>
          %parallel_loop3A_465 = arith.mulf %parallel_loop3A_460, %parallel_loop3A_464 : vector<16xf32>
          %parallel_loop3A_466 = arith.index_cast %parallel_loop3A_420 : i32 to index
          %parallel_loop3A_467 = arith.constant 80 : index
          %parallel_loop3A_468 = tpu.vector_load %arg9[%parallel_loop3A_466, %parallel_loop3A_467] {strides = array<i32>} : memref<80x128xf32, #tpu.memory_space<vmem>>, vector<1x16xf32>,
          %parallel_loop3A_469 = vector.shape_cast %parallel_loop3A_468 : vector<1x16xf32> to vector<16xf32>
          %parallel_loop3A_470 = arith.index_cast %parallel_loop3A_420 : i32 to index
          %parallel_loop3A_471 = arith.constant 80 : index
          %parallel_loop3A_472 = tpu.vector_load %arg13[%parallel_loop3A_470, %parallel_loop3A_471] {strides = array<i32>} : memref<80x128xf32, #tpu.memory_space<vmem>>, vector<1x16xf32>,
          %parallel_loop3A_473 = vector.shape_cast %parallel_loop3A_472 : vector<1x16xf32> to vector<16xf32>
          %parallel_loop3A_474 = arith.mulf %parallel_loop3A_469, %parallel_loop3A_473 : vector<16xf32>
          %parallel_loop3A_475 = arith.index_cast %parallel_loop3A_420 : i32 to index
          %parallel_loop3A_476 = arith.constant 96 : index
          %parallel_loop3A_477 = tpu.vector_load %arg9[%parallel_loop3A_475, %parallel_loop3A_476] {strides = array<i32>} : memref<80x128xf32, #tpu.memory_space<vmem>>, vector<1x16xf32>,
          %parallel_loop3A_478 = vector.shape_cast %parallel_loop3A_477 : vector<1x16xf32> to vector<16xf32>
          %parallel_loop3A_479 = arith.index_cast %parallel_loop3A_420 : i32 to index
          %parallel_loop3A_480 = arith.constant 96 : index
          %parallel_loop3A_481 = tpu.vector_load %arg13[%parallel_loop3A_479, %parallel_loop3A_480] {strides = array<i32>} : memref<80x128xf32, #tpu.memory_space<vmem>>, vector<1x16xf32>,
          %parallel_loop3A_482 = vector.shape_cast %parallel_loop3A_481 : vector<1x16xf32> to vector<16xf32>
          %parallel_loop3A_483 = arith.mulf %parallel_loop3A_478, %parallel_loop3A_482 : vector<16xf32>
          %parallel_loop3A_484 = arith.index_cast %parallel_loop3A_420 : i32 to index
          %parallel_loop3A_485 = arith.constant 112 : index
          %parallel_loop3A_486 = tpu.vector_load %arg9[%parallel_loop3A_484, %parallel_loop3A_485] {strides = array<i32>} : memref<80x128xf32, #tpu.memory_space<vmem>>, vector<1x16xf32>,
          %parallel_loop3A_487 = vector.shape_cast %parallel_loop3A_486 : vector<1x16xf32> to vector<16xf32>
          %parallel_loop3A_488 = arith.index_cast %parallel_loop3A_420 : i32 to index
          %parallel_loop3A_489 = arith.constant 112 : index
          %parallel_loop3A_490 = tpu.vector_load %arg13[%parallel_loop3A_488, %parallel_loop3A_489] {strides = array<i32>} : memref<80x128xf32, #tpu.memory_space<vmem>>, vector<1x16xf32>,
          %parallel_loop3A_491 = vector.shape_cast %parallel_loop3A_490 : vector<1x16xf32> to vector<16xf32>
          %parallel_loop3A_492 = arith.mulf %parallel_loop3A_487, %parallel_loop3A_491 : vector<16xf32>
          %parallel_loop3A_493 = arith.addf %parallel_loop3A_429, %parallel_loop3A_438 : vector<16xf32>
          %parallel_loop3A_494 = arith.addf %parallel_loop3A_447, %parallel_loop3A_456 : vector<16xf32>
          %parallel_loop3A_495 = arith.addf %parallel_loop3A_493, %parallel_loop3A_494 : vector<16xf32>
          %parallel_loop3A_496 = arith.addf %parallel_loop3A_465, %parallel_loop3A_474 : vector<16xf32>
          %parallel_loop3A_497 = arith.addf %parallel_loop3A_483, %parallel_loop3A_492 : vector<16xf32>
          %parallel_loop3A_498 = arith.addf %parallel_loop3A_496, %parallel_loop3A_497 : vector<16xf32>
          %parallel_loop3A_499 = arith.addf %parallel_loop3A_495, %parallel_loop3A_498 : vector<16xf32>
          %parallel_loop3A_500 = arith.constant 0 : i32
          %parallel_loop3A_501 = vector.broadcast %parallel_loop3A_500 : i32 to vector<16xi32>
          %parallel_loop3A_502 = arith.cmpi slt, %xor3A_4, %parallel_loop3A_501 : vector<16xi32>
          %parallel_loop3A_503 = arith.constant 16 : i32
          %parallel_loop3A_504 = vector.broadcast %parallel_loop3A_503 : i32 to vector<16xi32>
          %parallel_loop3A_505 = arith.addi %xor3A_4, %parallel_loop3A_504 : vector<16xi32>
          %parallel_loop3A_506 = arith.select %parallel_loop3A_502, %parallel_loop3A_505, %xor3A_4 : vector<16xi1>, vector<16xi32>
          %parallel_loop3A_507 = vector.shape_cast %parallel_loop3A_506 : vector<16xi32> to vector<16x1xi32>
          %parallel_loop3A_508 = vector.shape_cast %parallel_loop3A_507 : vector<16x1xi32> to vector<16xi32>
          %parallel_loop3A_509 = tpu.dynamic_gather %parallel_loop3A_499[%parallel_loop3A_508] in [0] : vector<16xf32>, vector<16xi32> -> vector<16xf32>
          %parallel_loop3A_510 = arith.addf %parallel_loop3A_499, %parallel_loop3A_509 : vector<16xf32>
          %parallel_loop3A_511 = arith.constant 0 : i32
          %parallel_loop3A_512 = vector.broadcast %parallel_loop3A_511 : i32 to vector<16xi32>
          %parallel_loop3A_513 = arith.cmpi slt, %xor3A_7, %parallel_loop3A_512 : vector<16xi32>
          %parallel_loop3A_514 = arith.constant 16 : i32
          %parallel_loop3A_515 = vector.broadcast %parallel_loop3A_514 : i32 to vector<16xi32>
          %parallel_loop3A_516 = arith.addi %xor3A_7, %parallel_loop3A_515 : vector<16xi32>
          %parallel_loop3A_517 = arith.select %parallel_loop3A_513, %parallel_loop3A_516, %xor3A_7 : vector<16xi1>, vector<16xi32>
          %parallel_loop3A_518 = vector.shape_cast %parallel_loop3A_517 : vector<16xi32> to vector<16x1xi32>
          %parallel_loop3A_519 = vector.shape_cast %parallel_loop3A_518 : vector<16x1xi32> to vector<16xi32>
          %parallel_loop3A_520 = tpu.dynamic_gather %parallel_loop3A_510[%parallel_loop3A_519] in [0] : vector<16xf32>, vector<16xi32> -> vector<16xf32>
          %parallel_loop3A_521 = arith.addf %parallel_loop3A_510, %parallel_loop3A_520 : vector<16xf32>
          %parallel_loop3A_522 = arith.constant 0 : i32
          %parallel_loop3A_523 = vector.broadcast %parallel_loop3A_522 : i32 to vector<16xi32>
          %parallel_loop3A_524 = arith.cmpi slt, %xor3A_10, %parallel_loop3A_523 : vector<16xi32>
          %parallel_loop3A_525 = arith.constant 16 : i32
          %parallel_loop3A_526 = vector.broadcast %parallel_loop3A_525 : i32 to vector<16xi32>
          %parallel_loop3A_527 = arith.addi %xor3A_10, %parallel_loop3A_526 : vector<16xi32>
          %parallel_loop3A_528 = arith.select %parallel_loop3A_524, %parallel_loop3A_527, %xor3A_10 : vector<16xi1>, vector<16xi32>
          %parallel_loop3A_529 = vector.shape_cast %parallel_loop3A_528 : vector<16xi32> to vector<16x1xi32>
          %parallel_loop3A_530 = vector.shape_cast %parallel_loop3A_529 : vector<16x1xi32> to vector<16xi32>
          %parallel_loop3A_531 = tpu.dynamic_gather %parallel_loop3A_521[%parallel_loop3A_530] in [0] : vector<16xf32>, vector<16xi32> -> vector<16xf32>
          %parallel_loop3A_532 = arith.addf %parallel_loop3A_521, %parallel_loop3A_531 : vector<16xf32>
          %parallel_loop3A_533 = arith.constant 0 : i32
          %parallel_loop3A_534 = vector.broadcast %parallel_loop3A_533 : i32 to vector<16xi32>
          %parallel_loop3A_535 = arith.cmpi slt, %xor3A_13, %parallel_loop3A_534 : vector<16xi32>
          %parallel_loop3A_536 = arith.constant 16 : i32
          %parallel_loop3A_537 = vector.broadcast %parallel_loop3A_536 : i32 to vector<16xi32>
          %parallel_loop3A_538 = arith.addi %xor3A_13, %parallel_loop3A_537 : vector<16xi32>
          %parallel_loop3A_539 = arith.select %parallel_loop3A_535, %parallel_loop3A_538, %xor3A_13 : vector<16xi1>, vector<16xi32>
          %parallel_loop3A_540 = vector.shape_cast %parallel_loop3A_539 : vector<16xi32> to vector<16x1xi32>
          %parallel_loop3A_541 = vector.shape_cast %parallel_loop3A_540 : vector<16x1xi32> to vector<16xi32>
          %parallel_loop3A_542 = tpu.dynamic_gather %parallel_loop3A_532[%parallel_loop3A_541] in [0] : vector<16xf32>, vector<16xi32> -> vector<16xf32>
          %parallel_loop3A_543 = arith.addf %parallel_loop3A_532, %parallel_loop3A_542 : vector<16xf32>
          %parallel_loop3A_544 = arith.constant 2 : i32
          %parallel_loop3A_545 = arith.addi %parallel_loop3A_156, %parallel_loop3A_544 : i32
          %parallel_loop3A_546 = vector.broadcast %parallel_loop3A_545 : i32 to vector<16xi32>
          %parallel_loop3A_547 = arith.cmpi eq, %iota3A, %parallel_loop3A_546 : vector<16xi32>
          %parallel_loop3A_548 = arith.select %parallel_loop3A_547, %parallel_loop3A_543, %parallel_loop3A_418 : vector<16xi1>, vector<16xf32>
          %parallel_loop3A_549 = arith.constant 3 : i32
          %parallel_loop3A_550 = arith.addi %parallel_loop3A_140, %parallel_loop3A_549 : i32
          %parallel_loop3A_551 = arith.index_cast %parallel_loop3A_550 : i32 to index
          %parallel_loop3A_552 = arith.constant 0 : index
          %parallel_loop3A_553 = tpu.vector_load %arg9[%parallel_loop3A_551, %parallel_loop3A_552] {strides = array<i32>} : memref<80x128xf32, #tpu.memory_space<vmem>>, vector<1x16xf32>,
          %parallel_loop3A_554 = vector.shape_cast %parallel_loop3A_553 : vector<1x16xf32> to vector<16xf32>
          %parallel_loop3A_555 = arith.index_cast %parallel_loop3A_550 : i32 to index
          %parallel_loop3A_556 = arith.constant 0 : index
          %parallel_loop3A_557 = tpu.vector_load %arg13[%parallel_loop3A_555, %parallel_loop3A_556] {strides = array<i32>} : memref<80x128xf32, #tpu.memory_space<vmem>>, vector<1x16xf32>,
          %parallel_loop3A_558 = vector.shape_cast %parallel_loop3A_557 : vector<1x16xf32> to vector<16xf32>
          %parallel_loop3A_559 = arith.mulf %parallel_loop3A_554, %parallel_loop3A_558 : vector<16xf32>
          %parallel_loop3A_560 = arith.index_cast %parallel_loop3A_550 : i32 to index
          %parallel_loop3A_561 = arith.constant 16 : index
          %parallel_loop3A_562 = tpu.vector_load %arg9[%parallel_loop3A_560, %parallel_loop3A_561] {strides = array<i32>} : memref<80x128xf32, #tpu.memory_space<vmem>>, vector<1x16xf32>,
          %parallel_loop3A_563 = vector.shape_cast %parallel_loop3A_562 : vector<1x16xf32> to vector<16xf32>
          %parallel_loop3A_564 = arith.index_cast %parallel_loop3A_550 : i32 to index
          %parallel_loop3A_565 = arith.constant 16 : index
          %parallel_loop3A_566 = tpu.vector_load %arg13[%parallel_loop3A_564, %parallel_loop3A_565] {strides = array<i32>} : memref<80x128xf32, #tpu.memory_space<vmem>>, vector<1x16xf32>,
          %parallel_loop3A_567 = vector.shape_cast %parallel_loop3A_566 : vector<1x16xf32> to vector<16xf32>
          %parallel_loop3A_568 = arith.mulf %parallel_loop3A_563, %parallel_loop3A_567 : vector<16xf32>
          %parallel_loop3A_569 = arith.index_cast %parallel_loop3A_550 : i32 to index
          %parallel_loop3A_570 = arith.constant 32 : index
          %parallel_loop3A_571 = tpu.vector_load %arg9[%parallel_loop3A_569, %parallel_loop3A_570] {strides = array<i32>} : memref<80x128xf32, #tpu.memory_space<vmem>>, vector<1x16xf32>,
          %parallel_loop3A_572 = vector.shape_cast %parallel_loop3A_571 : vector<1x16xf32> to vector<16xf32>
          %parallel_loop3A_573 = arith.index_cast %parallel_loop3A_550 : i32 to index
          %parallel_loop3A_574 = arith.constant 32 : index
          %parallel_loop3A_575 = tpu.vector_load %arg13[%parallel_loop3A_573, %parallel_loop3A_574] {strides = array<i32>} : memref<80x128xf32, #tpu.memory_space<vmem>>, vector<1x16xf32>,
          %parallel_loop3A_576 = vector.shape_cast %parallel_loop3A_575 : vector<1x16xf32> to vector<16xf32>
          %parallel_loop3A_577 = arith.mulf %parallel_loop3A_572, %parallel_loop3A_576 : vector<16xf32>
          %parallel_loop3A_578 = arith.index_cast %parallel_loop3A_550 : i32 to index
          %parallel_loop3A_579 = arith.constant 48 : index
          %parallel_loop3A_580 = tpu.vector_load %arg9[%parallel_loop3A_578, %parallel_loop3A_579] {strides = array<i32>} : memref<80x128xf32, #tpu.memory_space<vmem>>, vector<1x16xf32>,
          %parallel_loop3A_581 = vector.shape_cast %parallel_loop3A_580 : vector<1x16xf32> to vector<16xf32>
          %parallel_loop3A_582 = arith.index_cast %parallel_loop3A_550 : i32 to index
          %parallel_loop3A_583 = arith.constant 48 : index
          %parallel_loop3A_584 = tpu.vector_load %arg13[%parallel_loop3A_582, %parallel_loop3A_583] {strides = array<i32>} : memref<80x128xf32, #tpu.memory_space<vmem>>, vector<1x16xf32>,
          %parallel_loop3A_585 = vector.shape_cast %parallel_loop3A_584 : vector<1x16xf32> to vector<16xf32>
          %parallel_loop3A_586 = arith.mulf %parallel_loop3A_581, %parallel_loop3A_585 : vector<16xf32>
          %parallel_loop3A_587 = arith.index_cast %parallel_loop3A_550 : i32 to index
          %parallel_loop3A_588 = arith.constant 64 : index
          %parallel_loop3A_589 = tpu.vector_load %arg9[%parallel_loop3A_587, %parallel_loop3A_588] {strides = array<i32>} : memref<80x128xf32, #tpu.memory_space<vmem>>, vector<1x16xf32>,
          %parallel_loop3A_590 = vector.shape_cast %parallel_loop3A_589 : vector<1x16xf32> to vector<16xf32>
          %parallel_loop3A_591 = arith.index_cast %parallel_loop3A_550 : i32 to index
          %parallel_loop3A_592 = arith.constant 64 : index
          %parallel_loop3A_593 = tpu.vector_load %arg13[%parallel_loop3A_591, %parallel_loop3A_592] {strides = array<i32>} : memref<80x128xf32, #tpu.memory_space<vmem>>, vector<1x16xf32>,
          %parallel_loop3A_594 = vector.shape_cast %parallel_loop3A_593 : vector<1x16xf32> to vector<16xf32>
          %parallel_loop3A_595 = arith.mulf %parallel_loop3A_590, %parallel_loop3A_594 : vector<16xf32>
          %parallel_loop3A_596 = arith.index_cast %parallel_loop3A_550 : i32 to index
          %parallel_loop3A_597 = arith.constant 80 : index
          %parallel_loop3A_598 = tpu.vector_load %arg9[%parallel_loop3A_596, %parallel_loop3A_597] {strides = array<i32>} : memref<80x128xf32, #tpu.memory_space<vmem>>, vector<1x16xf32>,
          %parallel_loop3A_599 = vector.shape_cast %parallel_loop3A_598 : vector<1x16xf32> to vector<16xf32>
          %parallel_loop3A_600 = arith.index_cast %parallel_loop3A_550 : i32 to index
          %parallel_loop3A_601 = arith.constant 80 : index
          %parallel_loop3A_602 = tpu.vector_load %arg13[%parallel_loop3A_600, %parallel_loop3A_601] {strides = array<i32>} : memref<80x128xf32, #tpu.memory_space<vmem>>, vector<1x16xf32>,
          %parallel_loop3A_603 = vector.shape_cast %parallel_loop3A_602 : vector<1x16xf32> to vector<16xf32>
          %parallel_loop3A_604 = arith.mulf %parallel_loop3A_599, %parallel_loop3A_603 : vector<16xf32>
          %parallel_loop3A_605 = arith.index_cast %parallel_loop3A_550 : i32 to index
          %parallel_loop3A_606 = arith.constant 96 : index
          %parallel_loop3A_607 = tpu.vector_load %arg9[%parallel_loop3A_605, %parallel_loop3A_606] {strides = array<i32>} : memref<80x128xf32, #tpu.memory_space<vmem>>, vector<1x16xf32>,
          %parallel_loop3A_608 = vector.shape_cast %parallel_loop3A_607 : vector<1x16xf32> to vector<16xf32>
          %parallel_loop3A_609 = arith.index_cast %parallel_loop3A_550 : i32 to index
          %parallel_loop3A_610 = arith.constant 96 : index
          %parallel_loop3A_611 = tpu.vector_load %arg13[%parallel_loop3A_609, %parallel_loop3A_610] {strides = array<i32>} : memref<80x128xf32, #tpu.memory_space<vmem>>, vector<1x16xf32>,
          %parallel_loop3A_612 = vector.shape_cast %parallel_loop3A_611 : vector<1x16xf32> to vector<16xf32>
          %parallel_loop3A_613 = arith.mulf %parallel_loop3A_608, %parallel_loop3A_612 : vector<16xf32>
          %parallel_loop3A_614 = arith.index_cast %parallel_loop3A_550 : i32 to index
          %parallel_loop3A_615 = arith.constant 112 : index
          %parallel_loop3A_616 = tpu.vector_load %arg9[%parallel_loop3A_614, %parallel_loop3A_615] {strides = array<i32>} : memref<80x128xf32, #tpu.memory_space<vmem>>, vector<1x16xf32>,
          %parallel_loop3A_617 = vector.shape_cast %parallel_loop3A_616 : vector<1x16xf32> to vector<16xf32>
          %parallel_loop3A_618 = arith.index_cast %parallel_loop3A_550 : i32 to index
          %parallel_loop3A_619 = arith.constant 112 : index
          %parallel_loop3A_620 = tpu.vector_load %arg13[%parallel_loop3A_618, %parallel_loop3A_619] {strides = array<i32>} : memref<80x128xf32, #tpu.memory_space<vmem>>, vector<1x16xf32>,
          %parallel_loop3A_621 = vector.shape_cast %parallel_loop3A_620 : vector<1x16xf32> to vector<16xf32>
          %parallel_loop3A_622 = arith.mulf %parallel_loop3A_617, %parallel_loop3A_621 : vector<16xf32>
          %parallel_loop3A_623 = arith.addf %parallel_loop3A_559, %parallel_loop3A_568 : vector<16xf32>
          %parallel_loop3A_624 = arith.addf %parallel_loop3A_577, %parallel_loop3A_586 : vector<16xf32>
          %parallel_loop3A_625 = arith.addf %parallel_loop3A_623, %parallel_loop3A_624 : vector<16xf32>
          %parallel_loop3A_626 = arith.addf %parallel_loop3A_595, %parallel_loop3A_604 : vector<16xf32>
          %parallel_loop3A_627 = arith.addf %parallel_loop3A_613, %parallel_loop3A_622 : vector<16xf32>
          %parallel_loop3A_628 = arith.addf %parallel_loop3A_626, %parallel_loop3A_627 : vector<16xf32>
          %parallel_loop3A_629 = arith.addf %parallel_loop3A_625, %parallel_loop3A_628 : vector<16xf32>
          %parallel_loop3A_630 = arith.constant 0 : i32
          %parallel_loop3A_631 = vector.broadcast %parallel_loop3A_630 : i32 to vector<16xi32>
          %parallel_loop3A_632 = arith.cmpi slt, %xor3A_4, %parallel_loop3A_631 : vector<16xi32>
          %parallel_loop3A_633 = arith.constant 16 : i32
          %parallel_loop3A_634 = vector.broadcast %parallel_loop3A_633 : i32 to vector<16xi32>
          %parallel_loop3A_635 = arith.addi %xor3A_4, %parallel_loop3A_634 : vector<16xi32>
          %parallel_loop3A_636 = arith.select %parallel_loop3A_632, %parallel_loop3A_635, %xor3A_4 : vector<16xi1>, vector<16xi32>
          %parallel_loop3A_637 = vector.shape_cast %parallel_loop3A_636 : vector<16xi32> to vector<16x1xi32>
          %parallel_loop3A_638 = vector.shape_cast %parallel_loop3A_637 : vector<16x1xi32> to vector<16xi32>
          %parallel_loop3A_639 = tpu.dynamic_gather %parallel_loop3A_629[%parallel_loop3A_638] in [0] : vector<16xf32>, vector<16xi32> -> vector<16xf32>
          %parallel_loop3A_640 = arith.addf %parallel_loop3A_629, %parallel_loop3A_639 : vector<16xf32>
          %parallel_loop3A_641 = arith.constant 0 : i32
          %parallel_loop3A_642 = vector.broadcast %parallel_loop3A_641 : i32 to vector<16xi32>
          %parallel_loop3A_643 = arith.cmpi slt, %xor3A_7, %parallel_loop3A_642 : vector<16xi32>
          %parallel_loop3A_644 = arith.constant 16 : i32
          %parallel_loop3A_645 = vector.broadcast %parallel_loop3A_644 : i32 to vector<16xi32>
          %parallel_loop3A_646 = arith.addi %xor3A_7, %parallel_loop3A_645 : vector<16xi32>
          %parallel_loop3A_647 = arith.select %parallel_loop3A_643, %parallel_loop3A_646, %xor3A_7 : vector<16xi1>, vector<16xi32>
          %parallel_loop3A_648 = vector.shape_cast %parallel_loop3A_647 : vector<16xi32> to vector<16x1xi32>
          %parallel_loop3A_649 = vector.shape_cast %parallel_loop3A_648 : vector<16x1xi32> to vector<16xi32>
          %parallel_loop3A_650 = tpu.dynamic_gather %parallel_loop3A_640[%parallel_loop3A_649] in [0] : vector<16xf32>, vector<16xi32> -> vector<16xf32>
          %parallel_loop3A_651 = arith.addf %parallel_loop3A_640, %parallel_loop3A_650 : vector<16xf32>
          %parallel_loop3A_652 = arith.constant 0 : i32
          %parallel_loop3A_653 = vector.broadcast %parallel_loop3A_652 : i32 to vector<16xi32>
          %parallel_loop3A_654 = arith.cmpi slt, %xor3A_10, %parallel_loop3A_653 : vector<16xi32>
          %parallel_loop3A_655 = arith.constant 16 : i32
          %parallel_loop3A_656 = vector.broadcast %parallel_loop3A_655 : i32 to vector<16xi32>
          %parallel_loop3A_657 = arith.addi %xor3A_10, %parallel_loop3A_656 : vector<16xi32>
          %parallel_loop3A_658 = arith.select %parallel_loop3A_654, %parallel_loop3A_657, %xor3A_10 : vector<16xi1>, vector<16xi32>
          %parallel_loop3A_659 = vector.shape_cast %parallel_loop3A_658 : vector<16xi32> to vector<16x1xi32>
          %parallel_loop3A_660 = vector.shape_cast %parallel_loop3A_659 : vector<16x1xi32> to vector<16xi32>
          %parallel_loop3A_661 = tpu.dynamic_gather %parallel_loop3A_651[%parallel_loop3A_660] in [0] : vector<16xf32>, vector<16xi32> -> vector<16xf32>
          %parallel_loop3A_662 = arith.addf %parallel_loop3A_651, %parallel_loop3A_661 : vector<16xf32>
          %parallel_loop3A_663 = arith.constant 0 : i32
          %parallel_loop3A_664 = vector.broadcast %parallel_loop3A_663 : i32 to vector<16xi32>
          %parallel_loop3A_665 = arith.cmpi slt, %xor3A_13, %parallel_loop3A_664 : vector<16xi32>
          %parallel_loop3A_666 = arith.constant 16 : i32
          %parallel_loop3A_667 = vector.broadcast %parallel_loop3A_666 : i32 to vector<16xi32>
          %parallel_loop3A_668 = arith.addi %xor3A_13, %parallel_loop3A_667 : vector<16xi32>
          %parallel_loop3A_669 = arith.select %parallel_loop3A_665, %parallel_loop3A_668, %xor3A_13 : vector<16xi1>, vector<16xi32>
          %parallel_loop3A_670 = vector.shape_cast %parallel_loop3A_669 : vector<16xi32> to vector<16x1xi32>
          %parallel_loop3A_671 = vector.shape_cast %parallel_loop3A_670 : vector<16x1xi32> to vector<16xi32>
          %parallel_loop3A_672 = tpu.dynamic_gather %parallel_loop3A_662[%parallel_loop3A_671] in [0] : vector<16xf32>, vector<16xi32> -> vector<16xf32>
          %parallel_loop3A_673 = arith.addf %parallel_loop3A_662, %parallel_loop3A_672 : vector<16xf32>
          %parallel_loop3A_674 = arith.constant 3 : i32
          %parallel_loop3A_675 = arith.addi %parallel_loop3A_156, %parallel_loop3A_674 : i32
          %parallel_loop3A_676 = vector.broadcast %parallel_loop3A_675 : i32 to vector<16xi32>
          %parallel_loop3A_677 = arith.cmpi eq, %iota3A, %parallel_loop3A_676 : vector<16xi32>
          %parallel_loop3A_678 = arith.select %parallel_loop3A_677, %parallel_loop3A_673, %parallel_loop3A_548 : vector<16xi1>, vector<16xf32>
          %parallel_loop3A_679 = arith.addi %mul3A_135, %parallel_loop3A_140 : i32
          %parallel_loop3A_680 = arith.subi %parallel_loop3A_679, %parallel_loop3A_156 : i32
          %parallel_loop3A_681 = arith.index_cast %parallel_loop3A_680 : i32 to index
          %parallel_loop3A_682 = tpu.vector_load %arg17[%parallel_loop3A_681] {strides = array<i32>} : memref<10000xf32, #tpu.memory_space<vmem>>, vector<16xf32>,
          %parallel_loop3A_683 = vector.shape_cast %parallel_loop3A_682 : vector<16xf32> to vector<16xf32>
          %parallel_loop3A_684 = vector.shape_cast %parallel_loop3A_678 : vector<16xf32> to vector<16xf32>
          tpu.vector_store %arg17[%parallel_loop3A_681], %parallel_loop3A_684 {add = true, strides = array<i32>} : memref<10000xf32, #tpu.memory_space<vmem>>, vector<16xf32>,
        } {sc.loop_unroll_factor = 2 : i64, sc.parallel_access}
      } else {
      }
      %mul3A_69 = arith.constant 4 : i32
      %mul3A_70 = arith.muli %scan3A_54, %mul3A_69 : i32
      %add3A_71 = arith.constant 1 : i32
      %add3A_72 = arith.addi %mul3A_70, %add3A_71 : i32
      %add3A_73 = arith.constant 4 : i32
      %add3A_74 = arith.addi %add3A_72, %add3A_73 : i32
      %sub3A_75 = arith.constant 1 : i32
      %sub3A_76 = arith.subi %add3A_74, %sub3A_75 : i32
      %lt3A_77 = arith.constant 125 : i32
      %lt3A_78 = arith.cmpi slt, %sub3A_76, %lt3A_77 : i32
      %convert_element_type3A_79 = arith.extui %lt3A_78 : i1 to i32
      %cond3A_80 = arith.constant 0 : i32
      %cond3A_81 = arith.cmpi ne, %convert_element_type3A_79, %cond3A_80 : i32
      scf.if %cond3A_81 {
        %mul3A_123 = arith.constant 80 : i32
        %mul3A_124 = arith.muli %sub3A_76, %mul3A_123 : i32
        %dma_start3A_125 = tpu.memref_slice %arg7[%mul3A_124] : memref<10000xi32, #tpu.memory_space<vmem>> -> memref<80xi32, #tpu.memory_space<vmem>>
        %dma_start3A_126 = arith.constant 0 : i32
        %dma_start3A_127 = arith.constant 0 : i32
        %dma_start3A_128 = tpu.memref_slice %arg2[%dma_start3A_126, %dma_start3A_127] : memref<10000x128xf32, #tpu.memory_space<hbm>> -> memref<10000x128xf32, #tpu.memory_space<hbm>>
        tpu.enqueue_indirect_dma source(%dma_start3A_128 : memref<10000x128xf32, #tpu.memory_space<hbm>>) target(%arg9 : memref<80x128xf32, #tpu.memory_space<vmem>>) offsets(%dma_start3A_125 : memref<80xi32, #tpu.memory_space<vmem>>) semaphore(%arg18 : memref<!tpu.dma_semaphore, #tpu.memory_space<semaphore_mem>>)
        %mul3A_129 = arith.constant 80 : i32
        %mul3A_130 = arith.muli %sub3A_76, %mul3A_129 : i32
        %dma_start3A_131 = tpu.memref_slice %arg8[%mul3A_130] : memref<10000xi32, #tpu.memory_space<vmem>> -> memref<80xi32, #tpu.memory_space<vmem>>
        %dma_start3A_132 = arith.constant 0 : i32
        %dma_start3A_133 = arith.constant 0 : i32
        %dma_start3A_134 = tpu.memref_slice %arg3[%dma_start3A_132, %dma_start3A_133] : memref<10000x128xf32, #tpu.memory_space<hbm>> -> memref<10000x128xf32, #tpu.memory_space<hbm>>
        tpu.enqueue_indirect_dma source(%dma_start3A_134 : memref<10000x128xf32, #tpu.memory_space<hbm>>) target(%arg13 : memref<80x128xf32, #tpu.memory_space<vmem>>) offsets(%dma_start3A_131 : memref<80xi32, #tpu.memory_space<vmem>>) semaphore(%arg18 : memref<!tpu.dma_semaphore, #tpu.memory_space<semaphore_mem>>)
      } else {
      }
      %lt3A_82 = arith.constant 125 : i32
      %lt3A_83 = arith.cmpi slt, %add3A_72, %lt3A_82 : i32
      %convert_element_type3A_84 = arith.extui %lt3A_83 : i1 to i32
      %cond3A_85 = arith.constant 0 : i32
      %cond3A_86 = arith.cmpi ne, %convert_element_type3A_84, %cond3A_85 : i32
      scf.if %cond3A_86 {
        %mul3A_123 = arith.constant 80 : i32
        %mul3A_124 = arith.muli %add3A_72, %mul3A_123 : i32
        %dma_wait3A = tpu.memref_slice %arg7[%mul3A_124] : memref<10000xi32, #tpu.memory_space<vmem>> -> memref<80xi32, #tpu.memory_space<vmem>>
        %dma_wait3A_125 = arith.constant 0 : i32
        %dma_wait3A_126 = arith.constant 0 : i32
        %dma_wait3A_127 = tpu.memref_slice %arg2[%dma_wait3A_125, %dma_wait3A_126] : memref<10000x128xf32, #tpu.memory_space<hbm>> -> memref<10000x128xf32, #tpu.memory_space<hbm>>
        tpu.wait_indirect_dma semaphore(%arg19 : memref<!tpu.dma_semaphore, #tpu.memory_space<semaphore_mem>>) src(%dma_wait3A_127 : memref<10000x128xf32, #tpu.memory_space<hbm>>) dst(%arg10 : memref<80x128xf32, #tpu.memory_space<vmem>>)
        %mul3A_128 = arith.constant 80 : i32
        %mul3A_129 = arith.muli %add3A_72, %mul3A_128 : i32
        %dma_wait3A_130 = tpu.memref_slice %arg8[%mul3A_129] : memref<10000xi32, #tpu.memory_space<vmem>> -> memref<80xi32, #tpu.memory_space<vmem>>
        %dma_wait3A_131 = arith.constant 0 : i32
        %dma_wait3A_132 = arith.constant 0 : i32
        %dma_wait3A_133 = tpu.memref_slice %arg3[%dma_wait3A_131, %dma_wait3A_132] : memref<10000x128xf32, #tpu.memory_space<hbm>> -> memref<10000x128xf32, #tpu.memory_space<hbm>>
        tpu.wait_indirect_dma semaphore(%arg19 : memref<!tpu.dma_semaphore, #tpu.memory_space<semaphore_mem>>) src(%dma_wait3A_133 : memref<10000x128xf32, #tpu.memory_space<hbm>>) dst(%arg14 : memref<80x128xf32, #tpu.memory_space<vmem>>)
        %mul3A_134 = arith.constant 80 : i32
        %mul3A_135 = arith.muli %add3A_72, %mul3A_134 : i32
        %parallel_loop3A = arith.constant 0 : i32
        %parallel_loop3A_136 = arith.constant 20 : i32
        %parallel_loop3A_137 = arith.constant 1 : i32
        scf.for %parallel_loop3A_138 = %parallel_loop3A to %parallel_loop3A_136 step %parallel_loop3A_137  : i32 {
          %parallel_loop3A_139 = arith.constant 4 : i32
          %parallel_loop3A_140 = arith.muli %parallel_loop3A_138, %parallel_loop3A_139 : i32
          %parallel_loop3A_141 = arith.constant 16 : i32
          %parallel_loop3A_142 = arith.constant 0 : i32
          %parallel_loop3A_143 = arith.cmpi eq, %parallel_loop3A_141, %parallel_loop3A_142 : i32
          %parallel_loop3A_144 = arith.constant 1 : i32
          %parallel_loop3A_145 = arith.select %parallel_loop3A_143, %parallel_loop3A_144, %parallel_loop3A_141 : i32
          %parallel_loop3A_146 = arith.remsi %parallel_loop3A_140, %parallel_loop3A_145 : i32
          %parallel_loop3A_147 = arith.constant 0 : i32
          %parallel_loop3A_148 = arith.cmpi ne, %parallel_loop3A_146, %parallel_loop3A_147 : i32
          %parallel_loop3A_149 = arith.constant 0 : i32
          %parallel_loop3A_150 = arith.cmpi slt, %parallel_loop3A_146, %parallel_loop3A_149 : i32
          %parallel_loop3A_151 = arith.constant 0 : i32
          %parallel_loop3A_152 = arith.cmpi slt, %parallel_loop3A_145, %parallel_loop3A_151 : i32
          %parallel_loop3A_153 = arith.xori %parallel_loop3A_150, %parallel_loop3A_152 : i1
          %parallel_loop3A_154 = arith.andi %parallel_loop3A_153, %parallel_loop3A_148 : i1
          %parallel_loop3A_155 = arith.addi %parallel_loop3A_146, %parallel_loop3A_145 : i32
          %parallel_loop3A_156 = arith.select %parallel_loop3A_154, %parallel_loop3A_155, %parallel_loop3A_146 : i32
          %parallel_loop3A_157 = arith.constant 0.000000e+00 : f32
          %parallel_loop3A_158 = vector.broadcast %parallel_loop3A_157 : f32 to vector<16xf32>
          %parallel_loop3A_159 = arith.constant 0 : i32
          %parallel_loop3A_160 = arith.addi %parallel_loop3A_140, %parallel_loop3A_159 : i32
          %parallel_loop3A_161 = arith.index_cast %parallel_loop3A_160 : i32 to index
          %parallel_loop3A_162 = arith.constant 0 : index
          %parallel_loop3A_163 = tpu.vector_load %arg10[%parallel_loop3A_161, %parallel_loop3A_162] {strides = array<i32>} : memref<80x128xf32, #tpu.memory_space<vmem>>, vector<1x16xf32>,
          %parallel_loop3A_164 = vector.shape_cast %parallel_loop3A_163 : vector<1x16xf32> to vector<16xf32>
          %parallel_loop3A_165 = arith.index_cast %parallel_loop3A_160 : i32 to index
          %parallel_loop3A_166 = arith.constant 0 : index
          %parallel_loop3A_167 = tpu.vector_load %arg14[%parallel_loop3A_165, %parallel_loop3A_166] {strides = array<i32>} : memref<80x128xf32, #tpu.memory_space<vmem>>, vector<1x16xf32>,
          %parallel_loop3A_168 = vector.shape_cast %parallel_loop3A_167 : vector<1x16xf32> to vector<16xf32>
          %parallel_loop3A_169 = arith.mulf %parallel_loop3A_164, %parallel_loop3A_168 : vector<16xf32>
          %parallel_loop3A_170 = arith.index_cast %parallel_loop3A_160 : i32 to index
          %parallel_loop3A_171 = arith.constant 16 : index
          %parallel_loop3A_172 = tpu.vector_load %arg10[%parallel_loop3A_170, %parallel_loop3A_171] {strides = array<i32>} : memref<80x128xf32, #tpu.memory_space<vmem>>, vector<1x16xf32>,
          %parallel_loop3A_173 = vector.shape_cast %parallel_loop3A_172 : vector<1x16xf32> to vector<16xf32>
          %parallel_loop3A_174 = arith.index_cast %parallel_loop3A_160 : i32 to index
          %parallel_loop3A_175 = arith.constant 16 : index
          %parallel_loop3A_176 = tpu.vector_load %arg14[%parallel_loop3A_174, %parallel_loop3A_175] {strides = array<i32>} : memref<80x128xf32, #tpu.memory_space<vmem>>, vector<1x16xf32>,
          %parallel_loop3A_177 = vector.shape_cast %parallel_loop3A_176 : vector<1x16xf32> to vector<16xf32>
          %parallel_loop3A_178 = arith.mulf %parallel_loop3A_173, %parallel_loop3A_177 : vector<16xf32>
          %parallel_loop3A_179 = arith.index_cast %parallel_loop3A_160 : i32 to index
          %parallel_loop3A_180 = arith.constant 32 : index
          %parallel_loop3A_181 = tpu.vector_load %arg10[%parallel_loop3A_179, %parallel_loop3A_180] {strides = array<i32>} : memref<80x128xf32, #tpu.memory_space<vmem>>, vector<1x16xf32>,
          %parallel_loop3A_182 = vector.shape_cast %parallel_loop3A_181 : vector<1x16xf32> to vector<16xf32>
          %parallel_loop3A_183 = arith.index_cast %parallel_loop3A_160 : i32 to index
          %parallel_loop3A_184 = arith.constant 32 : index
          %parallel_loop3A_185 = tpu.vector_load %arg14[%parallel_loop3A_183, %parallel_loop3A_184] {strides = array<i32>} : memref<80x128xf32, #tpu.memory_space<vmem>>, vector<1x16xf32>,
          %parallel_loop3A_186 = vector.shape_cast %parallel_loop3A_185 : vector<1x16xf32> to vector<16xf32>
          %parallel_loop3A_187 = arith.mulf %parallel_loop3A_182, %parallel_loop3A_186 : vector<16xf32>
          %parallel_loop3A_188 = arith.index_cast %parallel_loop3A_160 : i32 to index
          %parallel_loop3A_189 = arith.constant 48 : index
          %parallel_loop3A_190 = tpu.vector_load %arg10[%parallel_loop3A_188, %parallel_loop3A_189] {strides = array<i32>} : memref<80x128xf32, #tpu.memory_space<vmem>>, vector<1x16xf32>,
          %parallel_loop3A_191 = vector.shape_cast %parallel_loop3A_190 : vector<1x16xf32> to vector<16xf32>
          %parallel_loop3A_192 = arith.index_cast %parallel_loop3A_160 : i32 to index
          %parallel_loop3A_193 = arith.constant 48 : index
          %parallel_loop3A_194 = tpu.vector_load %arg14[%parallel_loop3A_192, %parallel_loop3A_193] {strides = array<i32>} : memref<80x128xf32, #tpu.memory_space<vmem>>, vector<1x16xf32>,
          %parallel_loop3A_195 = vector.shape_cast %parallel_loop3A_194 : vector<1x16xf32> to vector<16xf32>
          %parallel_loop3A_196 = arith.mulf %parallel_loop3A_191, %parallel_loop3A_195 : vector<16xf32>
          %parallel_loop3A_197 = arith.index_cast %parallel_loop3A_160 : i32 to index
          %parallel_loop3A_198 = arith.constant 64 : index
          %parallel_loop3A_199 = tpu.vector_load %arg10[%parallel_loop3A_197, %parallel_loop3A_198] {strides = array<i32>} : memref<80x128xf32, #tpu.memory_space<vmem>>, vector<1x16xf32>,
          %parallel_loop3A_200 = vector.shape_cast %parallel_loop3A_199 : vector<1x16xf32> to vector<16xf32>
          %parallel_loop3A_201 = arith.index_cast %parallel_loop3A_160 : i32 to index
          %parallel_loop3A_202 = arith.constant 64 : index
          %parallel_loop3A_203 = tpu.vector_load %arg14[%parallel_loop3A_201, %parallel_loop3A_202] {strides = array<i32>} : memref<80x128xf32, #tpu.memory_space<vmem>>, vector<1x16xf32>,
          %parallel_loop3A_204 = vector.shape_cast %parallel_loop3A_203 : vector<1x16xf32> to vector<16xf32>
          %parallel_loop3A_205 = arith.mulf %parallel_loop3A_200, %parallel_loop3A_204 : vector<16xf32>
          %parallel_loop3A_206 = arith.index_cast %parallel_loop3A_160 : i32 to index
          %parallel_loop3A_207 = arith.constant 80 : index
          %parallel_loop3A_208 = tpu.vector_load %arg10[%parallel_loop3A_206, %parallel_loop3A_207] {strides = array<i32>} : memref<80x128xf32, #tpu.memory_space<vmem>>, vector<1x16xf32>,
          %parallel_loop3A_209 = vector.shape_cast %parallel_loop3A_208 : vector<1x16xf32> to vector<16xf32>
          %parallel_loop3A_210 = arith.index_cast %parallel_loop3A_160 : i32 to index
          %parallel_loop3A_211 = arith.constant 80 : index
          %parallel_loop3A_212 = tpu.vector_load %arg14[%parallel_loop3A_210, %parallel_loop3A_211] {strides = array<i32>} : memref<80x128xf32, #tpu.memory_space<vmem>>, vector<1x16xf32>,
          %parallel_loop3A_213 = vector.shape_cast %parallel_loop3A_212 : vector<1x16xf32> to vector<16xf32>
          %parallel_loop3A_214 = arith.mulf %parallel_loop3A_209, %parallel_loop3A_213 : vector<16xf32>
          %parallel_loop3A_215 = arith.index_cast %parallel_loop3A_160 : i32 to index
          %parallel_loop3A_216 = arith.constant 96 : index
          %parallel_loop3A_217 = tpu.vector_load %arg10[%parallel_loop3A_215, %parallel_loop3A_216] {strides = array<i32>} : memref<80x128xf32, #tpu.memory_space<vmem>>, vector<1x16xf32>,
          %parallel_loop3A_218 = vector.shape_cast %parallel_loop3A_217 : vector<1x16xf32> to vector<16xf32>
          %parallel_loop3A_219 = arith.index_cast %parallel_loop3A_160 : i32 to index
          %parallel_loop3A_220 = arith.constant 96 : index
          %parallel_loop3A_221 = tpu.vector_load %arg14[%parallel_loop3A_219, %parallel_loop3A_220] {strides = array<i32>} : memref<80x128xf32, #tpu.memory_space<vmem>>, vector<1x16xf32>,
          %parallel_loop3A_222 = vector.shape_cast %parallel_loop3A_221 : vector<1x16xf32> to vector<16xf32>
          %parallel_loop3A_223 = arith.mulf %parallel_loop3A_218, %parallel_loop3A_222 : vector<16xf32>
          %parallel_loop3A_224 = arith.index_cast %parallel_loop3A_160 : i32 to index
          %parallel_loop3A_225 = arith.constant 112 : index
          %parallel_loop3A_226 = tpu.vector_load %arg10[%parallel_loop3A_224, %parallel_loop3A_225] {strides = array<i32>} : memref<80x128xf32, #tpu.memory_space<vmem>>, vector<1x16xf32>,
          %parallel_loop3A_227 = vector.shape_cast %parallel_loop3A_226 : vector<1x16xf32> to vector<16xf32>
          %parallel_loop3A_228 = arith.index_cast %parallel_loop3A_160 : i32 to index
          %parallel_loop3A_229 = arith.constant 112 : index
          %parallel_loop3A_230 = tpu.vector_load %arg14[%parallel_loop3A_228, %parallel_loop3A_229] {strides = array<i32>} : memref<80x128xf32, #tpu.memory_space<vmem>>, vector<1x16xf32>,
          %parallel_loop3A_231 = vector.shape_cast %parallel_loop3A_230 : vector<1x16xf32> to vector<16xf32>
          %parallel_loop3A_232 = arith.mulf %parallel_loop3A_227, %parallel_loop3A_231 : vector<16xf32>
          %parallel_loop3A_233 = arith.addf %parallel_loop3A_169, %parallel_loop3A_178 : vector<16xf32>
          %parallel_loop3A_234 = arith.addf %parallel_loop3A_187, %parallel_loop3A_196 : vector<16xf32>
          %parallel_loop3A_235 = arith.addf %parallel_loop3A_233, %parallel_loop3A_234 : vector<16xf32>
          %parallel_loop3A_236 = arith.addf %parallel_loop3A_205, %parallel_loop3A_214 : vector<16xf32>
          %parallel_loop3A_237 = arith.addf %parallel_loop3A_223, %parallel_loop3A_232 : vector<16xf32>
          %parallel_loop3A_238 = arith.addf %parallel_loop3A_236, %parallel_loop3A_237 : vector<16xf32>
          %parallel_loop3A_239 = arith.addf %parallel_loop3A_235, %parallel_loop3A_238 : vector<16xf32>
          %parallel_loop3A_240 = arith.constant 0 : i32
          %parallel_loop3A_241 = vector.broadcast %parallel_loop3A_240 : i32 to vector<16xi32>
          %parallel_loop3A_242 = arith.cmpi slt, %xor3A_4, %parallel_loop3A_241 : vector<16xi32>
          %parallel_loop3A_243 = arith.constant 16 : i32
          %parallel_loop3A_244 = vector.broadcast %parallel_loop3A_243 : i32 to vector<16xi32>
          %parallel_loop3A_245 = arith.addi %xor3A_4, %parallel_loop3A_244 : vector<16xi32>
          %parallel_loop3A_246 = arith.select %parallel_loop3A_242, %parallel_loop3A_245, %xor3A_4 : vector<16xi1>, vector<16xi32>
          %parallel_loop3A_247 = vector.shape_cast %parallel_loop3A_246 : vector<16xi32> to vector<16x1xi32>
          %parallel_loop3A_248 = vector.shape_cast %parallel_loop3A_247 : vector<16x1xi32> to vector<16xi32>
          %parallel_loop3A_249 = tpu.dynamic_gather %parallel_loop3A_239[%parallel_loop3A_248] in [0] : vector<16xf32>, vector<16xi32> -> vector<16xf32>
          %parallel_loop3A_250 = arith.addf %parallel_loop3A_239, %parallel_loop3A_249 : vector<16xf32>
          %parallel_loop3A_251 = arith.constant 0 : i32
          %parallel_loop3A_252 = vector.broadcast %parallel_loop3A_251 : i32 to vector<16xi32>
          %parallel_loop3A_253 = arith.cmpi slt, %xor3A_7, %parallel_loop3A_252 : vector<16xi32>
          %parallel_loop3A_254 = arith.constant 16 : i32
          %parallel_loop3A_255 = vector.broadcast %parallel_loop3A_254 : i32 to vector<16xi32>
          %parallel_loop3A_256 = arith.addi %xor3A_7, %parallel_loop3A_255 : vector<16xi32>
          %parallel_loop3A_257 = arith.select %parallel_loop3A_253, %parallel_loop3A_256, %xor3A_7 : vector<16xi1>, vector<16xi32>
          %parallel_loop3A_258 = vector.shape_cast %parallel_loop3A_257 : vector<16xi32> to vector<16x1xi32>
          %parallel_loop3A_259 = vector.shape_cast %parallel_loop3A_258 : vector<16x1xi32> to vector<16xi32>
          %parallel_loop3A_260 = tpu.dynamic_gather %parallel_loop3A_250[%parallel_loop3A_259] in [0] : vector<16xf32>, vector<16xi32> -> vector<16xf32>
          %parallel_loop3A_261 = arith.addf %parallel_loop3A_250, %parallel_loop3A_260 : vector<16xf32>
          %parallel_loop3A_262 = arith.constant 0 : i32
          %parallel_loop3A_263 = vector.broadcast %parallel_loop3A_262 : i32 to vector<16xi32>
          %parallel_loop3A_264 = arith.cmpi slt, %xor3A_10, %parallel_loop3A_263 : vector<16xi32>
          %parallel_loop3A_265 = arith.constant 16 : i32
          %parallel_loop3A_266 = vector.broadcast %parallel_loop3A_265 : i32 to vector<16xi32>
          %parallel_loop3A_267 = arith.addi %xor3A_10, %parallel_loop3A_266 : vector<16xi32>
          %parallel_loop3A_268 = arith.select %parallel_loop3A_264, %parallel_loop3A_267, %xor3A_10 : vector<16xi1>, vector<16xi32>
          %parallel_loop3A_269 = vector.shape_cast %parallel_loop3A_268 : vector<16xi32> to vector<16x1xi32>
          %parallel_loop3A_270 = vector.shape_cast %parallel_loop3A_269 : vector<16x1xi32> to vector<16xi32>
          %parallel_loop3A_271 = tpu.dynamic_gather %parallel_loop3A_261[%parallel_loop3A_270] in [0] : vector<16xf32>, vector<16xi32> -> vector<16xf32>
          %parallel_loop3A_272 = arith.addf %parallel_loop3A_261, %parallel_loop3A_271 : vector<16xf32>
          %parallel_loop3A_273 = arith.constant 0 : i32
          %parallel_loop3A_274 = vector.broadcast %parallel_loop3A_273 : i32 to vector<16xi32>
          %parallel_loop3A_275 = arith.cmpi slt, %xor3A_13, %parallel_loop3A_274 : vector<16xi32>
          %parallel_loop3A_276 = arith.constant 16 : i32
          %parallel_loop3A_277 = vector.broadcast %parallel_loop3A_276 : i32 to vector<16xi32>
          %parallel_loop3A_278 = arith.addi %xor3A_13, %parallel_loop3A_277 : vector<16xi32>
          %parallel_loop3A_279 = arith.select %parallel_loop3A_275, %parallel_loop3A_278, %xor3A_13 : vector<16xi1>, vector<16xi32>
          %parallel_loop3A_280 = vector.shape_cast %parallel_loop3A_279 : vector<16xi32> to vector<16x1xi32>
          %parallel_loop3A_281 = vector.shape_cast %parallel_loop3A_280 : vector<16x1xi32> to vector<16xi32>
          %parallel_loop3A_282 = tpu.dynamic_gather %parallel_loop3A_272[%parallel_loop3A_281] in [0] : vector<16xf32>, vector<16xi32> -> vector<16xf32>
          %parallel_loop3A_283 = arith.addf %parallel_loop3A_272, %parallel_loop3A_282 : vector<16xf32>
          %parallel_loop3A_284 = arith.constant 0 : i32
          %parallel_loop3A_285 = arith.addi %parallel_loop3A_156, %parallel_loop3A_284 : i32
          %parallel_loop3A_286 = vector.broadcast %parallel_loop3A_285 : i32 to vector<16xi32>
          %parallel_loop3A_287 = arith.cmpi eq, %iota3A, %parallel_loop3A_286 : vector<16xi32>
          %parallel_loop3A_288 = arith.select %parallel_loop3A_287, %parallel_loop3A_283, %parallel_loop3A_158 : vector<16xi1>, vector<16xf32>
          %parallel_loop3A_289 = arith.constant 1 : i32
          %parallel_loop3A_290 = arith.addi %parallel_loop3A_140, %parallel_loop3A_289 : i32
          %parallel_loop3A_291 = arith.index_cast %parallel_loop3A_290 : i32 to index
          %parallel_loop3A_292 = arith.constant 0 : index
          %parallel_loop3A_293 = tpu.vector_load %arg10[%parallel_loop3A_291, %parallel_loop3A_292] {strides = array<i32>} : memref<80x128xf32, #tpu.memory_space<vmem>>, vector<1x16xf32>,
          %parallel_loop3A_294 = vector.shape_cast %parallel_loop3A_293 : vector<1x16xf32> to vector<16xf32>
          %parallel_loop3A_295 = arith.index_cast %parallel_loop3A_290 : i32 to index
          %parallel_loop3A_296 = arith.constant 0 : index
          %parallel_loop3A_297 = tpu.vector_load %arg14[%parallel_loop3A_295, %parallel_loop3A_296] {strides = array<i32>} : memref<80x128xf32, #tpu.memory_space<vmem>>, vector<1x16xf32>,
          %parallel_loop3A_298 = vector.shape_cast %parallel_loop3A_297 : vector<1x16xf32> to vector<16xf32>
          %parallel_loop3A_299 = arith.mulf %parallel_loop3A_294, %parallel_loop3A_298 : vector<16xf32>
          %parallel_loop3A_300 = arith.index_cast %parallel_loop3A_290 : i32 to index
          %parallel_loop3A_301 = arith.constant 16 : index
          %parallel_loop3A_302 = tpu.vector_load %arg10[%parallel_loop3A_300, %parallel_loop3A_301] {strides = array<i32>} : memref<80x128xf32, #tpu.memory_space<vmem>>, vector<1x16xf32>,
          %parallel_loop3A_303 = vector.shape_cast %parallel_loop3A_302 : vector<1x16xf32> to vector<16xf32>
          %parallel_loop3A_304 = arith.index_cast %parallel_loop3A_290 : i32 to index
          %parallel_loop3A_305 = arith.constant 16 : index
          %parallel_loop3A_306 = tpu.vector_load %arg14[%parallel_loop3A_304, %parallel_loop3A_305] {strides = array<i32>} : memref<80x128xf32, #tpu.memory_space<vmem>>, vector<1x16xf32>,
          %parallel_loop3A_307 = vector.shape_cast %parallel_loop3A_306 : vector<1x16xf32> to vector<16xf32>
          %parallel_loop3A_308 = arith.mulf %parallel_loop3A_303, %parallel_loop3A_307 : vector<16xf32>
          %parallel_loop3A_309 = arith.index_cast %parallel_loop3A_290 : i32 to index
          %parallel_loop3A_310 = arith.constant 32 : index
          %parallel_loop3A_311 = tpu.vector_load %arg10[%parallel_loop3A_309, %parallel_loop3A_310] {strides = array<i32>} : memref<80x128xf32, #tpu.memory_space<vmem>>, vector<1x16xf32>,
          %parallel_loop3A_312 = vector.shape_cast %parallel_loop3A_311 : vector<1x16xf32> to vector<16xf32>
          %parallel_loop3A_313 = arith.index_cast %parallel_loop3A_290 : i32 to index
          %parallel_loop3A_314 = arith.constant 32 : index
          %parallel_loop3A_315 = tpu.vector_load %arg14[%parallel_loop3A_313, %parallel_loop3A_314] {strides = array<i32>} : memref<80x128xf32, #tpu.memory_space<vmem>>, vector<1x16xf32>,
          %parallel_loop3A_316 = vector.shape_cast %parallel_loop3A_315 : vector<1x16xf32> to vector<16xf32>
          %parallel_loop3A_317 = arith.mulf %parallel_loop3A_312, %parallel_loop3A_316 : vector<16xf32>
          %parallel_loop3A_318 = arith.index_cast %parallel_loop3A_290 : i32 to index
          %parallel_loop3A_319 = arith.constant 48 : index
          %parallel_loop3A_320 = tpu.vector_load %arg10[%parallel_loop3A_318, %parallel_loop3A_319] {strides = array<i32>} : memref<80x128xf32, #tpu.memory_space<vmem>>, vector<1x16xf32>,
          %parallel_loop3A_321 = vector.shape_cast %parallel_loop3A_320 : vector<1x16xf32> to vector<16xf32>
          %parallel_loop3A_322 = arith.index_cast %parallel_loop3A_290 : i32 to index
          %parallel_loop3A_323 = arith.constant 48 : index
          %parallel_loop3A_324 = tpu.vector_load %arg14[%parallel_loop3A_322, %parallel_loop3A_323] {strides = array<i32>} : memref<80x128xf32, #tpu.memory_space<vmem>>, vector<1x16xf32>,
          %parallel_loop3A_325 = vector.shape_cast %parallel_loop3A_324 : vector<1x16xf32> to vector<16xf32>
          %parallel_loop3A_326 = arith.mulf %parallel_loop3A_321, %parallel_loop3A_325 : vector<16xf32>
          %parallel_loop3A_327 = arith.index_cast %parallel_loop3A_290 : i32 to index
          %parallel_loop3A_328 = arith.constant 64 : index
          %parallel_loop3A_329 = tpu.vector_load %arg10[%parallel_loop3A_327, %parallel_loop3A_328] {strides = array<i32>} : memref<80x128xf32, #tpu.memory_space<vmem>>, vector<1x16xf32>,
          %parallel_loop3A_330 = vector.shape_cast %parallel_loop3A_329 : vector<1x16xf32> to vector<16xf32>
          %parallel_loop3A_331 = arith.index_cast %parallel_loop3A_290 : i32 to index
          %parallel_loop3A_332 = arith.constant 64 : index
          %parallel_loop3A_333 = tpu.vector_load %arg14[%parallel_loop3A_331, %parallel_loop3A_332] {strides = array<i32>} : memref<80x128xf32, #tpu.memory_space<vmem>>, vector<1x16xf32>,
          %parallel_loop3A_334 = vector.shape_cast %parallel_loop3A_333 : vector<1x16xf32> to vector<16xf32>
          %parallel_loop3A_335 = arith.mulf %parallel_loop3A_330, %parallel_loop3A_334 : vector<16xf32>
          %parallel_loop3A_336 = arith.index_cast %parallel_loop3A_290 : i32 to index
          %parallel_loop3A_337 = arith.constant 80 : index
          %parallel_loop3A_338 = tpu.vector_load %arg10[%parallel_loop3A_336, %parallel_loop3A_337] {strides = array<i32>} : memref<80x128xf32, #tpu.memory_space<vmem>>, vector<1x16xf32>,
          %parallel_loop3A_339 = vector.shape_cast %parallel_loop3A_338 : vector<1x16xf32> to vector<16xf32>
          %parallel_loop3A_340 = arith.index_cast %parallel_loop3A_290 : i32 to index
          %parallel_loop3A_341 = arith.constant 80 : index
          %parallel_loop3A_342 = tpu.vector_load %arg14[%parallel_loop3A_340, %parallel_loop3A_341] {strides = array<i32>} : memref<80x128xf32, #tpu.memory_space<vmem>>, vector<1x16xf32>,
          %parallel_loop3A_343 = vector.shape_cast %parallel_loop3A_342 : vector<1x16xf32> to vector<16xf32>
          %parallel_loop3A_344 = arith.mulf %parallel_loop3A_339, %parallel_loop3A_343 : vector<16xf32>
          %parallel_loop3A_345 = arith.index_cast %parallel_loop3A_290 : i32 to index
          %parallel_loop3A_346 = arith.constant 96 : index
          %parallel_loop3A_347 = tpu.vector_load %arg10[%parallel_loop3A_345, %parallel_loop3A_346] {strides = array<i32>} : memref<80x128xf32, #tpu.memory_space<vmem>>, vector<1x16xf32>,
          %parallel_loop3A_348 = vector.shape_cast %parallel_loop3A_347 : vector<1x16xf32> to vector<16xf32>
          %parallel_loop3A_349 = arith.index_cast %parallel_loop3A_290 : i32 to index
          %parallel_loop3A_350 = arith.constant 96 : index
          %parallel_loop3A_351 = tpu.vector_load %arg14[%parallel_loop3A_349, %parallel_loop3A_350] {strides = array<i32>} : memref<80x128xf32, #tpu.memory_space<vmem>>, vector<1x16xf32>,
          %parallel_loop3A_352 = vector.shape_cast %parallel_loop3A_351 : vector<1x16xf32> to vector<16xf32>
          %parallel_loop3A_353 = arith.mulf %parallel_loop3A_348, %parallel_loop3A_352 : vector<16xf32>
          %parallel_loop3A_354 = arith.index_cast %parallel_loop3A_290 : i32 to index
          %parallel_loop3A_355 = arith.constant 112 : index
          %parallel_loop3A_356 = tpu.vector_load %arg10[%parallel_loop3A_354, %parallel_loop3A_355] {strides = array<i32>} : memref<80x128xf32, #tpu.memory_space<vmem>>, vector<1x16xf32>,
          %parallel_loop3A_357 = vector.shape_cast %parallel_loop3A_356 : vector<1x16xf32> to vector<16xf32>
          %parallel_loop3A_358 = arith.index_cast %parallel_loop3A_290 : i32 to index
          %parallel_loop3A_359 = arith.constant 112 : index
          %parallel_loop3A_360 = tpu.vector_load %arg14[%parallel_loop3A_358, %parallel_loop3A_359] {strides = array<i32>} : memref<80x128xf32, #tpu.memory_space<vmem>>, vector<1x16xf32>,
          %parallel_loop3A_361 = vector.shape_cast %parallel_loop3A_360 : vector<1x16xf32> to vector<16xf32>
          %parallel_loop3A_362 = arith.mulf %parallel_loop3A_357, %parallel_loop3A_361 : vector<16xf32>
          %parallel_loop3A_363 = arith.addf %parallel_loop3A_299, %parallel_loop3A_308 : vector<16xf32>
          %parallel_loop3A_364 = arith.addf %parallel_loop3A_317, %parallel_loop3A_326 : vector<16xf32>
          %parallel_loop3A_365 = arith.addf %parallel_loop3A_363, %parallel_loop3A_364 : vector<16xf32>
          %parallel_loop3A_366 = arith.addf %parallel_loop3A_335, %parallel_loop3A_344 : vector<16xf32>
          %parallel_loop3A_367 = arith.addf %parallel_loop3A_353, %parallel_loop3A_362 : vector<16xf32>
          %parallel_loop3A_368 = arith.addf %parallel_loop3A_366, %parallel_loop3A_367 : vector<16xf32>
          %parallel_loop3A_369 = arith.addf %parallel_loop3A_365, %parallel_loop3A_368 : vector<16xf32>
          %parallel_loop3A_370 = arith.constant 0 : i32
          %parallel_loop3A_371 = vector.broadcast %parallel_loop3A_370 : i32 to vector<16xi32>
          %parallel_loop3A_372 = arith.cmpi slt, %xor3A_4, %parallel_loop3A_371 : vector<16xi32>
          %parallel_loop3A_373 = arith.constant 16 : i32
          %parallel_loop3A_374 = vector.broadcast %parallel_loop3A_373 : i32 to vector<16xi32>
          %parallel_loop3A_375 = arith.addi %xor3A_4, %parallel_loop3A_374 : vector<16xi32>
          %parallel_loop3A_376 = arith.select %parallel_loop3A_372, %parallel_loop3A_375, %xor3A_4 : vector<16xi1>, vector<16xi32>
          %parallel_loop3A_377 = vector.shape_cast %parallel_loop3A_376 : vector<16xi32> to vector<16x1xi32>
          %parallel_loop3A_378 = vector.shape_cast %parallel_loop3A_377 : vector<16x1xi32> to vector<16xi32>
          %parallel_loop3A_379 = tpu.dynamic_gather %parallel_loop3A_369[%parallel_loop3A_378] in [0] : vector<16xf32>, vector<16xi32> -> vector<16xf32>
          %parallel_loop3A_380 = arith.addf %parallel_loop3A_369, %parallel_loop3A_379 : vector<16xf32>
          %parallel_loop3A_381 = arith.constant 0 : i32
          %parallel_loop3A_382 = vector.broadcast %parallel_loop3A_381 : i32 to vector<16xi32>
          %parallel_loop3A_383 = arith.cmpi slt, %xor3A_7, %parallel_loop3A_382 : vector<16xi32>
          %parallel_loop3A_384 = arith.constant 16 : i32
          %parallel_loop3A_385 = vector.broadcast %parallel_loop3A_384 : i32 to vector<16xi32>
          %parallel_loop3A_386 = arith.addi %xor3A_7, %parallel_loop3A_385 : vector<16xi32>
          %parallel_loop3A_387 = arith.select %parallel_loop3A_383, %parallel_loop3A_386, %xor3A_7 : vector<16xi1>, vector<16xi32>
          %parallel_loop3A_388 = vector.shape_cast %parallel_loop3A_387 : vector<16xi32> to vector<16x1xi32>
          %parallel_loop3A_389 = vector.shape_cast %parallel_loop3A_388 : vector<16x1xi32> to vector<16xi32>
          %parallel_loop3A_390 = tpu.dynamic_gather %parallel_loop3A_380[%parallel_loop3A_389] in [0] : vector<16xf32>, vector<16xi32> -> vector<16xf32>
          %parallel_loop3A_391 = arith.addf %parallel_loop3A_380, %parallel_loop3A_390 : vector<16xf32>
          %parallel_loop3A_392 = arith.constant 0 : i32
          %parallel_loop3A_393 = vector.broadcast %parallel_loop3A_392 : i32 to vector<16xi32>
          %parallel_loop3A_394 = arith.cmpi slt, %xor3A_10, %parallel_loop3A_393 : vector<16xi32>
          %parallel_loop3A_395 = arith.constant 16 : i32
          %parallel_loop3A_396 = vector.broadcast %parallel_loop3A_395 : i32 to vector<16xi32>
          %parallel_loop3A_397 = arith.addi %xor3A_10, %parallel_loop3A_396 : vector<16xi32>
          %parallel_loop3A_398 = arith.select %parallel_loop3A_394, %parallel_loop3A_397, %xor3A_10 : vector<16xi1>, vector<16xi32>
          %parallel_loop3A_399 = vector.shape_cast %parallel_loop3A_398 : vector<16xi32> to vector<16x1xi32>
          %parallel_loop3A_400 = vector.shape_cast %parallel_loop3A_399 : vector<16x1xi32> to vector<16xi32>
          %parallel_loop3A_401 = tpu.dynamic_gather %parallel_loop3A_391[%parallel_loop3A_400] in [0] : vector<16xf32>, vector<16xi32> -> vector<16xf32>
          %parallel_loop3A_402 = arith.addf %parallel_loop3A_391, %parallel_loop3A_401 : vector<16xf32>
          %parallel_loop3A_403 = arith.constant 0 : i32
          %parallel_loop3A_404 = vector.broadcast %parallel_loop3A_403 : i32 to vector<16xi32>
          %parallel_loop3A_405 = arith.cmpi slt, %xor3A_13, %parallel_loop3A_404 : vector<16xi32>
          %parallel_loop3A_406 = arith.constant 16 : i32
          %parallel_loop3A_407 = vector.broadcast %parallel_loop3A_406 : i32 to vector<16xi32>
          %parallel_loop3A_408 = arith.addi %xor3A_13, %parallel_loop3A_407 : vector<16xi32>
          %parallel_loop3A_409 = arith.select %parallel_loop3A_405, %parallel_loop3A_408, %xor3A_13 : vector<16xi1>, vector<16xi32>
          %parallel_loop3A_410 = vector.shape_cast %parallel_loop3A_409 : vector<16xi32> to vector<16x1xi32>
          %parallel_loop3A_411 = vector.shape_cast %parallel_loop3A_410 : vector<16x1xi32> to vector<16xi32>
          %parallel_loop3A_412 = tpu.dynamic_gather %parallel_loop3A_402[%parallel_loop3A_411] in [0] : vector<16xf32>, vector<16xi32> -> vector<16xf32>
          %parallel_loop3A_413 = arith.addf %parallel_loop3A_402, %parallel_loop3A_412 : vector<16xf32>
          %parallel_loop3A_414 = arith.constant 1 : i32
          %parallel_loop3A_415 = arith.addi %parallel_loop3A_156, %parallel_loop3A_414 : i32
          %parallel_loop3A_416 = vector.broadcast %parallel_loop3A_415 : i32 to vector<16xi32>
          %parallel_loop3A_417 = arith.cmpi eq, %iota3A, %parallel_loop3A_416 : vector<16xi32>
          %parallel_loop3A_418 = arith.select %parallel_loop3A_417, %parallel_loop3A_413, %parallel_loop3A_288 : vector<16xi1>, vector<16xf32>
          %parallel_loop3A_419 = arith.constant 2 : i32
          %parallel_loop3A_420 = arith.addi %parallel_loop3A_140, %parallel_loop3A_419 : i32
          %parallel_loop3A_421 = arith.index_cast %parallel_loop3A_420 : i32 to index
          %parallel_loop3A_422 = arith.constant 0 : index
          %parallel_loop3A_423 = tpu.vector_load %arg10[%parallel_loop3A_421, %parallel_loop3A_422] {strides = array<i32>} : memref<80x128xf32, #tpu.memory_space<vmem>>, vector<1x16xf32>,
          %parallel_loop3A_424 = vector.shape_cast %parallel_loop3A_423 : vector<1x16xf32> to vector<16xf32>
          %parallel_loop3A_425 = arith.index_cast %parallel_loop3A_420 : i32 to index
          %parallel_loop3A_426 = arith.constant 0 : index
          %parallel_loop3A_427 = tpu.vector_load %arg14[%parallel_loop3A_425, %parallel_loop3A_426] {strides = array<i32>} : memref<80x128xf32, #tpu.memory_space<vmem>>, vector<1x16xf32>,
          %parallel_loop3A_428 = vector.shape_cast %parallel_loop3A_427 : vector<1x16xf32> to vector<16xf32>
          %parallel_loop3A_429 = arith.mulf %parallel_loop3A_424, %parallel_loop3A_428 : vector<16xf32>
          %parallel_loop3A_430 = arith.index_cast %parallel_loop3A_420 : i32 to index
          %parallel_loop3A_431 = arith.constant 16 : index
          %parallel_loop3A_432 = tpu.vector_load %arg10[%parallel_loop3A_430, %parallel_loop3A_431] {strides = array<i32>} : memref<80x128xf32, #tpu.memory_space<vmem>>, vector<1x16xf32>,
          %parallel_loop3A_433 = vector.shape_cast %parallel_loop3A_432 : vector<1x16xf32> to vector<16xf32>
          %parallel_loop3A_434 = arith.index_cast %parallel_loop3A_420 : i32 to index
          %parallel_loop3A_435 = arith.constant 16 : index
          %parallel_loop3A_436 = tpu.vector_load %arg14[%parallel_loop3A_434, %parallel_loop3A_435] {strides = array<i32>} : memref<80x128xf32, #tpu.memory_space<vmem>>, vector<1x16xf32>,
          %parallel_loop3A_437 = vector.shape_cast %parallel_loop3A_436 : vector<1x16xf32> to vector<16xf32>
          %parallel_loop3A_438 = arith.mulf %parallel_loop3A_433, %parallel_loop3A_437 : vector<16xf32>
          %parallel_loop3A_439 = arith.index_cast %parallel_loop3A_420 : i32 to index
          %parallel_loop3A_440 = arith.constant 32 : index
          %parallel_loop3A_441 = tpu.vector_load %arg10[%parallel_loop3A_439, %parallel_loop3A_440] {strides = array<i32>} : memref<80x128xf32, #tpu.memory_space<vmem>>, vector<1x16xf32>,
          %parallel_loop3A_442 = vector.shape_cast %parallel_loop3A_441 : vector<1x16xf32> to vector<16xf32>
          %parallel_loop3A_443 = arith.index_cast %parallel_loop3A_420 : i32 to index
          %parallel_loop3A_444 = arith.constant 32 : index
          %parallel_loop3A_445 = tpu.vector_load %arg14[%parallel_loop3A_443, %parallel_loop3A_444] {strides = array<i32>} : memref<80x128xf32, #tpu.memory_space<vmem>>, vector<1x16xf32>,
          %parallel_loop3A_446 = vector.shape_cast %parallel_loop3A_445 : vector<1x16xf32> to vector<16xf32>
          %parallel_loop3A_447 = arith.mulf %parallel_loop3A_442, %parallel_loop3A_446 : vector<16xf32>
          %parallel_loop3A_448 = arith.index_cast %parallel_loop3A_420 : i32 to index
          %parallel_loop3A_449 = arith.constant 48 : index
          %parallel_loop3A_450 = tpu.vector_load %arg10[%parallel_loop3A_448, %parallel_loop3A_449] {strides = array<i32>} : memref<80x128xf32, #tpu.memory_space<vmem>>, vector<1x16xf32>,
          %parallel_loop3A_451 = vector.shape_cast %parallel_loop3A_450 : vector<1x16xf32> to vector<16xf32>
          %parallel_loop3A_452 = arith.index_cast %parallel_loop3A_420 : i32 to index
          %parallel_loop3A_453 = arith.constant 48 : index
          %parallel_loop3A_454 = tpu.vector_load %arg14[%parallel_loop3A_452, %parallel_loop3A_453] {strides = array<i32>} : memref<80x128xf32, #tpu.memory_space<vmem>>, vector<1x16xf32>,
          %parallel_loop3A_455 = vector.shape_cast %parallel_loop3A_454 : vector<1x16xf32> to vector<16xf32>
          %parallel_loop3A_456 = arith.mulf %parallel_loop3A_451, %parallel_loop3A_455 : vector<16xf32>
          %parallel_loop3A_457 = arith.index_cast %parallel_loop3A_420 : i32 to index
          %parallel_loop3A_458 = arith.constant 64 : index
          %parallel_loop3A_459 = tpu.vector_load %arg10[%parallel_loop3A_457, %parallel_loop3A_458] {strides = array<i32>} : memref<80x128xf32, #tpu.memory_space<vmem>>, vector<1x16xf32>,
          %parallel_loop3A_460 = vector.shape_cast %parallel_loop3A_459 : vector<1x16xf32> to vector<16xf32>
          %parallel_loop3A_461 = arith.index_cast %parallel_loop3A_420 : i32 to index
          %parallel_loop3A_462 = arith.constant 64 : index
          %parallel_loop3A_463 = tpu.vector_load %arg14[%parallel_loop3A_461, %parallel_loop3A_462] {strides = array<i32>} : memref<80x128xf32, #tpu.memory_space<vmem>>, vector<1x16xf32>,
          %parallel_loop3A_464 = vector.shape_cast %parallel_loop3A_463 : vector<1x16xf32> to vector<16xf32>
          %parallel_loop3A_465 = arith.mulf %parallel_loop3A_460, %parallel_loop3A_464 : vector<16xf32>
          %parallel_loop3A_466 = arith.index_cast %parallel_loop3A_420 : i32 to index
          %parallel_loop3A_467 = arith.constant 80 : index
          %parallel_loop3A_468 = tpu.vector_load %arg10[%parallel_loop3A_466, %parallel_loop3A_467] {strides = array<i32>} : memref<80x128xf32, #tpu.memory_space<vmem>>, vector<1x16xf32>,
          %parallel_loop3A_469 = vector.shape_cast %parallel_loop3A_468 : vector<1x16xf32> to vector<16xf32>
          %parallel_loop3A_470 = arith.index_cast %parallel_loop3A_420 : i32 to index
          %parallel_loop3A_471 = arith.constant 80 : index
          %parallel_loop3A_472 = tpu.vector_load %arg14[%parallel_loop3A_470, %parallel_loop3A_471] {strides = array<i32>} : memref<80x128xf32, #tpu.memory_space<vmem>>, vector<1x16xf32>,
          %parallel_loop3A_473 = vector.shape_cast %parallel_loop3A_472 : vector<1x16xf32> to vector<16xf32>
          %parallel_loop3A_474 = arith.mulf %parallel_loop3A_469, %parallel_loop3A_473 : vector<16xf32>
          %parallel_loop3A_475 = arith.index_cast %parallel_loop3A_420 : i32 to index
          %parallel_loop3A_476 = arith.constant 96 : index
          %parallel_loop3A_477 = tpu.vector_load %arg10[%parallel_loop3A_475, %parallel_loop3A_476] {strides = array<i32>} : memref<80x128xf32, #tpu.memory_space<vmem>>, vector<1x16xf32>,
          %parallel_loop3A_478 = vector.shape_cast %parallel_loop3A_477 : vector<1x16xf32> to vector<16xf32>
          %parallel_loop3A_479 = arith.index_cast %parallel_loop3A_420 : i32 to index
          %parallel_loop3A_480 = arith.constant 96 : index
          %parallel_loop3A_481 = tpu.vector_load %arg14[%parallel_loop3A_479, %parallel_loop3A_480] {strides = array<i32>} : memref<80x128xf32, #tpu.memory_space<vmem>>, vector<1x16xf32>,
          %parallel_loop3A_482 = vector.shape_cast %parallel_loop3A_481 : vector<1x16xf32> to vector<16xf32>
          %parallel_loop3A_483 = arith.mulf %parallel_loop3A_478, %parallel_loop3A_482 : vector<16xf32>
          %parallel_loop3A_484 = arith.index_cast %parallel_loop3A_420 : i32 to index
          %parallel_loop3A_485 = arith.constant 112 : index
          %parallel_loop3A_486 = tpu.vector_load %arg10[%parallel_loop3A_484, %parallel_loop3A_485] {strides = array<i32>} : memref<80x128xf32, #tpu.memory_space<vmem>>, vector<1x16xf32>,
          %parallel_loop3A_487 = vector.shape_cast %parallel_loop3A_486 : vector<1x16xf32> to vector<16xf32>
          %parallel_loop3A_488 = arith.index_cast %parallel_loop3A_420 : i32 to index
          %parallel_loop3A_489 = arith.constant 112 : index
          %parallel_loop3A_490 = tpu.vector_load %arg14[%parallel_loop3A_488, %parallel_loop3A_489] {strides = array<i32>} : memref<80x128xf32, #tpu.memory_space<vmem>>, vector<1x16xf32>,
          %parallel_loop3A_491 = vector.shape_cast %parallel_loop3A_490 : vector<1x16xf32> to vector<16xf32>
          %parallel_loop3A_492 = arith.mulf %parallel_loop3A_487, %parallel_loop3A_491 : vector<16xf32>
          %parallel_loop3A_493 = arith.addf %parallel_loop3A_429, %parallel_loop3A_438 : vector<16xf32>
          %parallel_loop3A_494 = arith.addf %parallel_loop3A_447, %parallel_loop3A_456 : vector<16xf32>
          %parallel_loop3A_495 = arith.addf %parallel_loop3A_493, %parallel_loop3A_494 : vector<16xf32>
          %parallel_loop3A_496 = arith.addf %parallel_loop3A_465, %parallel_loop3A_474 : vector<16xf32>
          %parallel_loop3A_497 = arith.addf %parallel_loop3A_483, %parallel_loop3A_492 : vector<16xf32>
          %parallel_loop3A_498 = arith.addf %parallel_loop3A_496, %parallel_loop3A_497 : vector<16xf32>
          %parallel_loop3A_499 = arith.addf %parallel_loop3A_495, %parallel_loop3A_498 : vector<16xf32>
          %parallel_loop3A_500 = arith.constant 0 : i32
          %parallel_loop3A_501 = vector.broadcast %parallel_loop3A_500 : i32 to vector<16xi32>
          %parallel_loop3A_502 = arith.cmpi slt, %xor3A_4, %parallel_loop3A_501 : vector<16xi32>
          %parallel_loop3A_503 = arith.constant 16 : i32
          %parallel_loop3A_504 = vector.broadcast %parallel_loop3A_503 : i32 to vector<16xi32>
          %parallel_loop3A_505 = arith.addi %xor3A_4, %parallel_loop3A_504 : vector<16xi32>
          %parallel_loop3A_506 = arith.select %parallel_loop3A_502, %parallel_loop3A_505, %xor3A_4 : vector<16xi1>, vector<16xi32>
          %parallel_loop3A_507 = vector.shape_cast %parallel_loop3A_506 : vector<16xi32> to vector<16x1xi32>
          %parallel_loop3A_508 = vector.shape_cast %parallel_loop3A_507 : vector<16x1xi32> to vector<16xi32>
          %parallel_loop3A_509 = tpu.dynamic_gather %parallel_loop3A_499[%parallel_loop3A_508] in [0] : vector<16xf32>, vector<16xi32> -> vector<16xf32>
          %parallel_loop3A_510 = arith.addf %parallel_loop3A_499, %parallel_loop3A_509 : vector<16xf32>
          %parallel_loop3A_511 = arith.constant 0 : i32
          %parallel_loop3A_512 = vector.broadcast %parallel_loop3A_511 : i32 to vector<16xi32>
          %parallel_loop3A_513 = arith.cmpi slt, %xor3A_7, %parallel_loop3A_512 : vector<16xi32>
          %parallel_loop3A_514 = arith.constant 16 : i32
          %parallel_loop3A_515 = vector.broadcast %parallel_loop3A_514 : i32 to vector<16xi32>
          %parallel_loop3A_516 = arith.addi %xor3A_7, %parallel_loop3A_515 : vector<16xi32>
          %parallel_loop3A_517 = arith.select %parallel_loop3A_513, %parallel_loop3A_516, %xor3A_7 : vector<16xi1>, vector<16xi32>
          %parallel_loop3A_518 = vector.shape_cast %parallel_loop3A_517 : vector<16xi32> to vector<16x1xi32>
          %parallel_loop3A_519 = vector.shape_cast %parallel_loop3A_518 : vector<16x1xi32> to vector<16xi32>
          %parallel_loop3A_520 = tpu.dynamic_gather %parallel_loop3A_510[%parallel_loop3A_519] in [0] : vector<16xf32>, vector<16xi32> -> vector<16xf32>
          %parallel_loop3A_521 = arith.addf %parallel_loop3A_510, %parallel_loop3A_520 : vector<16xf32>
          %parallel_loop3A_522 = arith.constant 0 : i32
          %parallel_loop3A_523 = vector.broadcast %parallel_loop3A_522 : i32 to vector<16xi32>
          %parallel_loop3A_524 = arith.cmpi slt, %xor3A_10, %parallel_loop3A_523 : vector<16xi32>
          %parallel_loop3A_525 = arith.constant 16 : i32
          %parallel_loop3A_526 = vector.broadcast %parallel_loop3A_525 : i32 to vector<16xi32>
          %parallel_loop3A_527 = arith.addi %xor3A_10, %parallel_loop3A_526 : vector<16xi32>
          %parallel_loop3A_528 = arith.select %parallel_loop3A_524, %parallel_loop3A_527, %xor3A_10 : vector<16xi1>, vector<16xi32>
          %parallel_loop3A_529 = vector.shape_cast %parallel_loop3A_528 : vector<16xi32> to vector<16x1xi32>
          %parallel_loop3A_530 = vector.shape_cast %parallel_loop3A_529 : vector<16x1xi32> to vector<16xi32>
          %parallel_loop3A_531 = tpu.dynamic_gather %parallel_loop3A_521[%parallel_loop3A_530] in [0] : vector<16xf32>, vector<16xi32> -> vector<16xf32>
          %parallel_loop3A_532 = arith.addf %parallel_loop3A_521, %parallel_loop3A_531 : vector<16xf32>
          %parallel_loop3A_533 = arith.constant 0 : i32
          %parallel_loop3A_534 = vector.broadcast %parallel_loop3A_533 : i32 to vector<16xi32>
          %parallel_loop3A_535 = arith.cmpi slt, %xor3A_13, %parallel_loop3A_534 : vector<16xi32>
          %parallel_loop3A_536 = arith.constant 16 : i32
          %parallel_loop3A_537 = vector.broadcast %parallel_loop3A_536 : i32 to vector<16xi32>
          %parallel_loop3A_538 = arith.addi %xor3A_13, %parallel_loop3A_537 : vector<16xi32>
          %parallel_loop3A_539 = arith.select %parallel_loop3A_535, %parallel_loop3A_538, %xor3A_13 : vector<16xi1>, vector<16xi32>
          %parallel_loop3A_540 = vector.shape_cast %parallel_loop3A_539 : vector<16xi32> to vector<16x1xi32>
          %parallel_loop3A_541 = vector.shape_cast %parallel_loop3A_540 : vector<16x1xi32> to vector<16xi32>
          %parallel_loop3A_542 = tpu.dynamic_gather %parallel_loop3A_532[%parallel_loop3A_541] in [0] : vector<16xf32>, vector<16xi32> -> vector<16xf32>
          %parallel_loop3A_543 = arith.addf %parallel_loop3A_532, %parallel_loop3A_542 : vector<16xf32>
          %parallel_loop3A_544 = arith.constant 2 : i32
          %parallel_loop3A_545 = arith.addi %parallel_loop3A_156, %parallel_loop3A_544 : i32
          %parallel_loop3A_546 = vector.broadcast %parallel_loop3A_545 : i32 to vector<16xi32>
          %parallel_loop3A_547 = arith.cmpi eq, %iota3A, %parallel_loop3A_546 : vector<16xi32>
          %parallel_loop3A_548 = arith.select %parallel_loop3A_547, %parallel_loop3A_543, %parallel_loop3A_418 : vector<16xi1>, vector<16xf32>
          %parallel_loop3A_549 = arith.constant 3 : i32
          %parallel_loop3A_550 = arith.addi %parallel_loop3A_140, %parallel_loop3A_549 : i32
          %parallel_loop3A_551 = arith.index_cast %parallel_loop3A_550 : i32 to index
          %parallel_loop3A_552 = arith.constant 0 : index
          %parallel_loop3A_553 = tpu.vector_load %arg10[%parallel_loop3A_551, %parallel_loop3A_552] {strides = array<i32>} : memref<80x128xf32, #tpu.memory_space<vmem>>, vector<1x16xf32>,
          %parallel_loop3A_554 = vector.shape_cast %parallel_loop3A_553 : vector<1x16xf32> to vector<16xf32>
          %parallel_loop3A_555 = arith.index_cast %parallel_loop3A_550 : i32 to index
          %parallel_loop3A_556 = arith.constant 0 : index
          %parallel_loop3A_557 = tpu.vector_load %arg14[%parallel_loop3A_555, %parallel_loop3A_556] {strides = array<i32>} : memref<80x128xf32, #tpu.memory_space<vmem>>, vector<1x16xf32>,
          %parallel_loop3A_558 = vector.shape_cast %parallel_loop3A_557 : vector<1x16xf32> to vector<16xf32>
          %parallel_loop3A_559 = arith.mulf %parallel_loop3A_554, %parallel_loop3A_558 : vector<16xf32>
          %parallel_loop3A_560 = arith.index_cast %parallel_loop3A_550 : i32 to index
          %parallel_loop3A_561 = arith.constant 16 : index
          %parallel_loop3A_562 = tpu.vector_load %arg10[%parallel_loop3A_560, %parallel_loop3A_561] {strides = array<i32>} : memref<80x128xf32, #tpu.memory_space<vmem>>, vector<1x16xf32>,
          %parallel_loop3A_563 = vector.shape_cast %parallel_loop3A_562 : vector<1x16xf32> to vector<16xf32>
          %parallel_loop3A_564 = arith.index_cast %parallel_loop3A_550 : i32 to index
          %parallel_loop3A_565 = arith.constant 16 : index
          %parallel_loop3A_566 = tpu.vector_load %arg14[%parallel_loop3A_564, %parallel_loop3A_565] {strides = array<i32>} : memref<80x128xf32, #tpu.memory_space<vmem>>, vector<1x16xf32>,
          %parallel_loop3A_567 = vector.shape_cast %parallel_loop3A_566 : vector<1x16xf32> to vector<16xf32>
          %parallel_loop3A_568 = arith.mulf %parallel_loop3A_563, %parallel_loop3A_567 : vector<16xf32>
          %parallel_loop3A_569 = arith.index_cast %parallel_loop3A_550 : i32 to index
          %parallel_loop3A_570 = arith.constant 32 : index
          %parallel_loop3A_571 = tpu.vector_load %arg10[%parallel_loop3A_569, %parallel_loop3A_570] {strides = array<i32>} : memref<80x128xf32, #tpu.memory_space<vmem>>, vector<1x16xf32>,
          %parallel_loop3A_572 = vector.shape_cast %parallel_loop3A_571 : vector<1x16xf32> to vector<16xf32>
          %parallel_loop3A_573 = arith.index_cast %parallel_loop3A_550 : i32 to index
          %parallel_loop3A_574 = arith.constant 32 : index
          %parallel_loop3A_575 = tpu.vector_load %arg14[%parallel_loop3A_573, %parallel_loop3A_574] {strides = array<i32>} : memref<80x128xf32, #tpu.memory_space<vmem>>, vector<1x16xf32>,
          %parallel_loop3A_576 = vector.shape_cast %parallel_loop3A_575 : vector<1x16xf32> to vector<16xf32>
          %parallel_loop3A_577 = arith.mulf %parallel_loop3A_572, %parallel_loop3A_576 : vector<16xf32>
          %parallel_loop3A_578 = arith.index_cast %parallel_loop3A_550 : i32 to index
          %parallel_loop3A_579 = arith.constant 48 : index
          %parallel_loop3A_580 = tpu.vector_load %arg10[%parallel_loop3A_578, %parallel_loop3A_579] {strides = array<i32>} : memref<80x128xf32, #tpu.memory_space<vmem>>, vector<1x16xf32>,
          %parallel_loop3A_581 = vector.shape_cast %parallel_loop3A_580 : vector<1x16xf32> to vector<16xf32>
          %parallel_loop3A_582 = arith.index_cast %parallel_loop3A_550 : i32 to index
          %parallel_loop3A_583 = arith.constant 48 : index
          %parallel_loop3A_584 = tpu.vector_load %arg14[%parallel_loop3A_582, %parallel_loop3A_583] {strides = array<i32>} : memref<80x128xf32, #tpu.memory_space<vmem>>, vector<1x16xf32>,
          %parallel_loop3A_585 = vector.shape_cast %parallel_loop3A_584 : vector<1x16xf32> to vector<16xf32>
          %parallel_loop3A_586 = arith.mulf %parallel_loop3A_581, %parallel_loop3A_585 : vector<16xf32>
          %parallel_loop3A_587 = arith.index_cast %parallel_loop3A_550 : i32 to index
          %parallel_loop3A_588 = arith.constant 64 : index
          %parallel_loop3A_589 = tpu.vector_load %arg10[%parallel_loop3A_587, %parallel_loop3A_588] {strides = array<i32>} : memref<80x128xf32, #tpu.memory_space<vmem>>, vector<1x16xf32>,
          %parallel_loop3A_590 = vector.shape_cast %parallel_loop3A_589 : vector<1x16xf32> to vector<16xf32>
          %parallel_loop3A_591 = arith.index_cast %parallel_loop3A_550 : i32 to index
          %parallel_loop3A_592 = arith.constant 64 : index
          %parallel_loop3A_593 = tpu.vector_load %arg14[%parallel_loop3A_591, %parallel_loop3A_592] {strides = array<i32>} : memref<80x128xf32, #tpu.memory_space<vmem>>, vector<1x16xf32>,
          %parallel_loop3A_594 = vector.shape_cast %parallel_loop3A_593 : vector<1x16xf32> to vector<16xf32>
          %parallel_loop3A_595 = arith.mulf %parallel_loop3A_590, %parallel_loop3A_594 : vector<16xf32>
          %parallel_loop3A_596 = arith.index_cast %parallel_loop3A_550 : i32 to index
          %parallel_loop3A_597 = arith.constant 80 : index
          %parallel_loop3A_598 = tpu.vector_load %arg10[%parallel_loop3A_596, %parallel_loop3A_597] {strides = array<i32>} : memref<80x128xf32, #tpu.memory_space<vmem>>, vector<1x16xf32>,
          %parallel_loop3A_599 = vector.shape_cast %parallel_loop3A_598 : vector<1x16xf32> to vector<16xf32>
          %parallel_loop3A_600 = arith.index_cast %parallel_loop3A_550 : i32 to index
          %parallel_loop3A_601 = arith.constant 80 : index
          %parallel_loop3A_602 = tpu.vector_load %arg14[%parallel_loop3A_600, %parallel_loop3A_601] {strides = array<i32>} : memref<80x128xf32, #tpu.memory_space<vmem>>, vector<1x16xf32>,
          %parallel_loop3A_603 = vector.shape_cast %parallel_loop3A_602 : vector<1x16xf32> to vector<16xf32>
          %parallel_loop3A_604 = arith.mulf %parallel_loop3A_599, %parallel_loop3A_603 : vector<16xf32>
          %parallel_loop3A_605 = arith.index_cast %parallel_loop3A_550 : i32 to index
          %parallel_loop3A_606 = arith.constant 96 : index
          %parallel_loop3A_607 = tpu.vector_load %arg10[%parallel_loop3A_605, %parallel_loop3A_606] {strides = array<i32>} : memref<80x128xf32, #tpu.memory_space<vmem>>, vector<1x16xf32>,
          %parallel_loop3A_608 = vector.shape_cast %parallel_loop3A_607 : vector<1x16xf32> to vector<16xf32>
          %parallel_loop3A_609 = arith.index_cast %parallel_loop3A_550 : i32 to index
          %parallel_loop3A_610 = arith.constant 96 : index
          %parallel_loop3A_611 = tpu.vector_load %arg14[%parallel_loop3A_609, %parallel_loop3A_610] {strides = array<i32>} : memref<80x128xf32, #tpu.memory_space<vmem>>, vector<1x16xf32>,
          %parallel_loop3A_612 = vector.shape_cast %parallel_loop3A_611 : vector<1x16xf32> to vector<16xf32>
          %parallel_loop3A_613 = arith.mulf %parallel_loop3A_608, %parallel_loop3A_612 : vector<16xf32>
          %parallel_loop3A_614 = arith.index_cast %parallel_loop3A_550 : i32 to index
          %parallel_loop3A_615 = arith.constant 112 : index
          %parallel_loop3A_616 = tpu.vector_load %arg10[%parallel_loop3A_614, %parallel_loop3A_615] {strides = array<i32>} : memref<80x128xf32, #tpu.memory_space<vmem>>, vector<1x16xf32>,
          %parallel_loop3A_617 = vector.shape_cast %parallel_loop3A_616 : vector<1x16xf32> to vector<16xf32>
          %parallel_loop3A_618 = arith.index_cast %parallel_loop3A_550 : i32 to index
          %parallel_loop3A_619 = arith.constant 112 : index
          %parallel_loop3A_620 = tpu.vector_load %arg14[%parallel_loop3A_618, %parallel_loop3A_619] {strides = array<i32>} : memref<80x128xf32, #tpu.memory_space<vmem>>, vector<1x16xf32>,
          %parallel_loop3A_621 = vector.shape_cast %parallel_loop3A_620 : vector<1x16xf32> to vector<16xf32>
          %parallel_loop3A_622 = arith.mulf %parallel_loop3A_617, %parallel_loop3A_621 : vector<16xf32>
          %parallel_loop3A_623 = arith.addf %parallel_loop3A_559, %parallel_loop3A_568 : vector<16xf32>
          %parallel_loop3A_624 = arith.addf %parallel_loop3A_577, %parallel_loop3A_586 : vector<16xf32>
          %parallel_loop3A_625 = arith.addf %parallel_loop3A_623, %parallel_loop3A_624 : vector<16xf32>
          %parallel_loop3A_626 = arith.addf %parallel_loop3A_595, %parallel_loop3A_604 : vector<16xf32>
          %parallel_loop3A_627 = arith.addf %parallel_loop3A_613, %parallel_loop3A_622 : vector<16xf32>
          %parallel_loop3A_628 = arith.addf %parallel_loop3A_626, %parallel_loop3A_627 : vector<16xf32>
          %parallel_loop3A_629 = arith.addf %parallel_loop3A_625, %parallel_loop3A_628 : vector<16xf32>
          %parallel_loop3A_630 = arith.constant 0 : i32
          %parallel_loop3A_631 = vector.broadcast %parallel_loop3A_630 : i32 to vector<16xi32>
          %parallel_loop3A_632 = arith.cmpi slt, %xor3A_4, %parallel_loop3A_631 : vector<16xi32>
          %parallel_loop3A_633 = arith.constant 16 : i32
          %parallel_loop3A_634 = vector.broadcast %parallel_loop3A_633 : i32 to vector<16xi32>
          %parallel_loop3A_635 = arith.addi %xor3A_4, %parallel_loop3A_634 : vector<16xi32>
          %parallel_loop3A_636 = arith.select %parallel_loop3A_632, %parallel_loop3A_635, %xor3A_4 : vector<16xi1>, vector<16xi32>
          %parallel_loop3A_637 = vector.shape_cast %parallel_loop3A_636 : vector<16xi32> to vector<16x1xi32>
          %parallel_loop3A_638 = vector.shape_cast %parallel_loop3A_637 : vector<16x1xi32> to vector<16xi32>
          %parallel_loop3A_639 = tpu.dynamic_gather %parallel_loop3A_629[%parallel_loop3A_638] in [0] : vector<16xf32>, vector<16xi32> -> vector<16xf32>
          %parallel_loop3A_640 = arith.addf %parallel_loop3A_629, %parallel_loop3A_639 : vector<16xf32>
          %parallel_loop3A_641 = arith.constant 0 : i32
          %parallel_loop3A_642 = vector.broadcast %parallel_loop3A_641 : i32 to vector<16xi32>
          %parallel_loop3A_643 = arith.cmpi slt, %xor3A_7, %parallel_loop3A_642 : vector<16xi32>
          %parallel_loop3A_644 = arith.constant 16 : i32
          %parallel_loop3A_645 = vector.broadcast %parallel_loop3A_644 : i32 to vector<16xi32>
          %parallel_loop3A_646 = arith.addi %xor3A_7, %parallel_loop3A_645 : vector<16xi32>
          %parallel_loop3A_647 = arith.select %parallel_loop3A_643, %parallel_loop3A_646, %xor3A_7 : vector<16xi1>, vector<16xi32>
          %parallel_loop3A_648 = vector.shape_cast %parallel_loop3A_647 : vector<16xi32> to vector<16x1xi32>
          %parallel_loop3A_649 = vector.shape_cast %parallel_loop3A_648 : vector<16x1xi32> to vector<16xi32>
          %parallel_loop3A_650 = tpu.dynamic_gather %parallel_loop3A_640[%parallel_loop3A_649] in [0] : vector<16xf32>, vector<16xi32> -> vector<16xf32>
          %parallel_loop3A_651 = arith.addf %parallel_loop3A_640, %parallel_loop3A_650 : vector<16xf32>
          %parallel_loop3A_652 = arith.constant 0 : i32
          %parallel_loop3A_653 = vector.broadcast %parallel_loop3A_652 : i32 to vector<16xi32>
          %parallel_loop3A_654 = arith.cmpi slt, %xor3A_10, %parallel_loop3A_653 : vector<16xi32>
          %parallel_loop3A_655 = arith.constant 16 : i32
          %parallel_loop3A_656 = vector.broadcast %parallel_loop3A_655 : i32 to vector<16xi32>
          %parallel_loop3A_657 = arith.addi %xor3A_10, %parallel_loop3A_656 : vector<16xi32>
          %parallel_loop3A_658 = arith.select %parallel_loop3A_654, %parallel_loop3A_657, %xor3A_10 : vector<16xi1>, vector<16xi32>
          %parallel_loop3A_659 = vector.shape_cast %parallel_loop3A_658 : vector<16xi32> to vector<16x1xi32>
          %parallel_loop3A_660 = vector.shape_cast %parallel_loop3A_659 : vector<16x1xi32> to vector<16xi32>
          %parallel_loop3A_661 = tpu.dynamic_gather %parallel_loop3A_651[%parallel_loop3A_660] in [0] : vector<16xf32>, vector<16xi32> -> vector<16xf32>
          %parallel_loop3A_662 = arith.addf %parallel_loop3A_651, %parallel_loop3A_661 : vector<16xf32>
          %parallel_loop3A_663 = arith.constant 0 : i32
          %parallel_loop3A_664 = vector.broadcast %parallel_loop3A_663 : i32 to vector<16xi32>
          %parallel_loop3A_665 = arith.cmpi slt, %xor3A_13, %parallel_loop3A_664 : vector<16xi32>
          %parallel_loop3A_666 = arith.constant 16 : i32
          %parallel_loop3A_667 = vector.broadcast %parallel_loop3A_666 : i32 to vector<16xi32>
          %parallel_loop3A_668 = arith.addi %xor3A_13, %parallel_loop3A_667 : vector<16xi32>
          %parallel_loop3A_669 = arith.select %parallel_loop3A_665, %parallel_loop3A_668, %xor3A_13 : vector<16xi1>, vector<16xi32>
          %parallel_loop3A_670 = vector.shape_cast %parallel_loop3A_669 : vector<16xi32> to vector<16x1xi32>
          %parallel_loop3A_671 = vector.shape_cast %parallel_loop3A_670 : vector<16x1xi32> to vector<16xi32>
          %parallel_loop3A_672 = tpu.dynamic_gather %parallel_loop3A_662[%parallel_loop3A_671] in [0] : vector<16xf32>, vector<16xi32> -> vector<16xf32>
          %parallel_loop3A_673 = arith.addf %parallel_loop3A_662, %parallel_loop3A_672 : vector<16xf32>
          %parallel_loop3A_674 = arith.constant 3 : i32
          %parallel_loop3A_675 = arith.addi %parallel_loop3A_156, %parallel_loop3A_674 : i32
          %parallel_loop3A_676 = vector.broadcast %parallel_loop3A_675 : i32 to vector<16xi32>
          %parallel_loop3A_677 = arith.cmpi eq, %iota3A, %parallel_loop3A_676 : vector<16xi32>
          %parallel_loop3A_678 = arith.select %parallel_loop3A_677, %parallel_loop3A_673, %parallel_loop3A_548 : vector<16xi1>, vector<16xf32>
          %parallel_loop3A_679 = arith.addi %mul3A_135, %parallel_loop3A_140 : i32
          %parallel_loop3A_680 = arith.subi %parallel_loop3A_679, %parallel_loop3A_156 : i32
          %parallel_loop3A_681 = arith.index_cast %parallel_loop3A_680 : i32 to index
          %parallel_loop3A_682 = tpu.vector_load %arg17[%parallel_loop3A_681] {strides = array<i32>} : memref<10000xf32, #tpu.memory_space<vmem>>, vector<16xf32>,
          %parallel_loop3A_683 = vector.shape_cast %parallel_loop3A_682 : vector<16xf32> to vector<16xf32>
          %parallel_loop3A_684 = vector.shape_cast %parallel_loop3A_678 : vector<16xf32> to vector<16xf32>
          tpu.vector_store %arg17[%parallel_loop3A_681], %parallel_loop3A_684 {add = true, strides = array<i32>} : memref<10000xf32, #tpu.memory_space<vmem>>, vector<16xf32>,
        } {sc.loop_unroll_factor = 2 : i64, sc.parallel_access}
      } else {
      }
      %mul3A_87 = arith.constant 4 : i32
      %mul3A_88 = arith.muli %scan3A_54, %mul3A_87 : i32
      %add3A_89 = arith.constant 2 : i32
      %add3A_90 = arith.addi %mul3A_88, %add3A_89 : i32
      %add3A_91 = arith.constant 4 : i32
      %add3A_92 = arith.addi %add3A_90, %add3A_91 : i32
      %sub3A_93 = arith.constant 1 : i32
      %sub3A_94 = arith.subi %add3A_92, %sub3A_93 : i32
      %lt3A_95 = arith.constant 125 : i32
      %lt3A_96 = arith.cmpi slt, %sub3A_94, %lt3A_95 : i32
      %convert_element_type3A_97 = arith.extui %lt3A_96 : i1 to i32
      %cond3A_98 = arith.constant 0 : i32
      %cond3A_99 = arith.cmpi ne, %convert_element_type3A_97, %cond3A_98 : i32
      scf.if %cond3A_99 {
        %mul3A_123 = arith.constant 80 : i32
        %mul3A_124 = arith.muli %sub3A_94, %mul3A_123 : i32
        %dma_start3A_125 = tpu.memref_slice %arg7[%mul3A_124] : memref<10000xi32, #tpu.memory_space<vmem>> -> memref<80xi32, #tpu.memory_space<vmem>>
        %dma_start3A_126 = arith.constant 0 : i32
        %dma_start3A_127 = arith.constant 0 : i32
        %dma_start3A_128 = tpu.memref_slice %arg2[%dma_start3A_126, %dma_start3A_127] : memref<10000x128xf32, #tpu.memory_space<hbm>> -> memref<10000x128xf32, #tpu.memory_space<hbm>>
        tpu.enqueue_indirect_dma source(%dma_start3A_128 : memref<10000x128xf32, #tpu.memory_space<hbm>>) target(%arg10 : memref<80x128xf32, #tpu.memory_space<vmem>>) offsets(%dma_start3A_125 : memref<80xi32, #tpu.memory_space<vmem>>) semaphore(%arg19 : memref<!tpu.dma_semaphore, #tpu.memory_space<semaphore_mem>>)
        %mul3A_129 = arith.constant 80 : i32
        %mul3A_130 = arith.muli %sub3A_94, %mul3A_129 : i32
        %dma_start3A_131 = tpu.memref_slice %arg8[%mul3A_130] : memref<10000xi32, #tpu.memory_space<vmem>> -> memref<80xi32, #tpu.memory_space<vmem>>
        %dma_start3A_132 = arith.constant 0 : i32
        %dma_start3A_133 = arith.constant 0 : i32
        %dma_start3A_134 = tpu.memref_slice %arg3[%dma_start3A_132, %dma_start3A_133] : memref<10000x128xf32, #tpu.memory_space<hbm>> -> memref<10000x128xf32, #tpu.memory_space<hbm>>
        tpu.enqueue_indirect_dma source(%dma_start3A_134 : memref<10000x128xf32, #tpu.memory_space<hbm>>) target(%arg14 : memref<80x128xf32, #tpu.memory_space<vmem>>) offsets(%dma_start3A_131 : memref<80xi32, #tpu.memory_space<vmem>>) semaphore(%arg19 : memref<!tpu.dma_semaphore, #tpu.memory_space<semaphore_mem>>)
      } else {
      }
      %lt3A_100 = arith.constant 125 : i32
      %lt3A_101 = arith.cmpi slt, %add3A_90, %lt3A_100 : i32
      %convert_element_type3A_102 = arith.extui %lt3A_101 : i1 to i32
      %cond3A_103 = arith.constant 0 : i32
      %cond3A_104 = arith.cmpi ne, %convert_element_type3A_102, %cond3A_103 : i32
      scf.if %cond3A_104 {
        %mul3A_123 = arith.constant 80 : i32
        %mul3A_124 = arith.muli %add3A_90, %mul3A_123 : i32
        %dma_wait3A = tpu.memref_slice %arg7[%mul3A_124] : memref<10000xi32, #tpu.memory_space<vmem>> -> memref<80xi32, #tpu.memory_space<vmem>>
        %dma_wait3A_125 = arith.constant 0 : i32
        %dma_wait3A_126 = arith.constant 0 : i32
        %dma_wait3A_127 = tpu.memref_slice %arg2[%dma_wait3A_125, %dma_wait3A_126] : memref<10000x128xf32, #tpu.memory_space<hbm>> -> memref<10000x128xf32, #tpu.memory_space<hbm>>
        tpu.wait_indirect_dma semaphore(%arg20 : memref<!tpu.dma_semaphore, #tpu.memory_space<semaphore_mem>>) src(%dma_wait3A_127 : memref<10000x128xf32, #tpu.memory_space<hbm>>) dst(%arg11 : memref<80x128xf32, #tpu.memory_space<vmem>>)
        %mul3A_128 = arith.constant 80 : i32
        %mul3A_129 = arith.muli %add3A_90, %mul3A_128 : i32
        %dma_wait3A_130 = tpu.memref_slice %arg8[%mul3A_129] : memref<10000xi32, #tpu.memory_space<vmem>> -> memref<80xi32, #tpu.memory_space<vmem>>
        %dma_wait3A_131 = arith.constant 0 : i32
        %dma_wait3A_132 = arith.constant 0 : i32
        %dma_wait3A_133 = tpu.memref_slice %arg3[%dma_wait3A_131, %dma_wait3A_132] : memref<10000x128xf32, #tpu.memory_space<hbm>> -> memref<10000x128xf32, #tpu.memory_space<hbm>>
        tpu.wait_indirect_dma semaphore(%arg20 : memref<!tpu.dma_semaphore, #tpu.memory_space<semaphore_mem>>) src(%dma_wait3A_133 : memref<10000x128xf32, #tpu.memory_space<hbm>>) dst(%arg15 : memref<80x128xf32, #tpu.memory_space<vmem>>)
        %mul3A_134 = arith.constant 80 : i32
        %mul3A_135 = arith.muli %add3A_90, %mul3A_134 : i32
        %parallel_loop3A = arith.constant 0 : i32
        %parallel_loop3A_136 = arith.constant 20 : i32
        %parallel_loop3A_137 = arith.constant 1 : i32
        scf.for %parallel_loop3A_138 = %parallel_loop3A to %parallel_loop3A_136 step %parallel_loop3A_137  : i32 {
          %parallel_loop3A_139 = arith.constant 4 : i32
          %parallel_loop3A_140 = arith.muli %parallel_loop3A_138, %parallel_loop3A_139 : i32
          %parallel_loop3A_141 = arith.constant 16 : i32
          %parallel_loop3A_142 = arith.constant 0 : i32
          %parallel_loop3A_143 = arith.cmpi eq, %parallel_loop3A_141, %parallel_loop3A_142 : i32
          %parallel_loop3A_144 = arith.constant 1 : i32
          %parallel_loop3A_145 = arith.select %parallel_loop3A_143, %parallel_loop3A_144, %parallel_loop3A_141 : i32
          %parallel_loop3A_146 = arith.remsi %parallel_loop3A_140, %parallel_loop3A_145 : i32
          %parallel_loop3A_147 = arith.constant 0 : i32
          %parallel_loop3A_148 = arith.cmpi ne, %parallel_loop3A_146, %parallel_loop3A_147 : i32
          %parallel_loop3A_149 = arith.constant 0 : i32
          %parallel_loop3A_150 = arith.cmpi slt, %parallel_loop3A_146, %parallel_loop3A_149 : i32
          %parallel_loop3A_151 = arith.constant 0 : i32
          %parallel_loop3A_152 = arith.cmpi slt, %parallel_loop3A_145, %parallel_loop3A_151 : i32
          %parallel_loop3A_153 = arith.xori %parallel_loop3A_150, %parallel_loop3A_152 : i1
          %parallel_loop3A_154 = arith.andi %parallel_loop3A_153, %parallel_loop3A_148 : i1
          %parallel_loop3A_155 = arith.addi %parallel_loop3A_146, %parallel_loop3A_145 : i32
          %parallel_loop3A_156 = arith.select %parallel_loop3A_154, %parallel_loop3A_155, %parallel_loop3A_146 : i32
          %parallel_loop3A_157 = arith.constant 0.000000e+00 : f32
          %parallel_loop3A_158 = vector.broadcast %parallel_loop3A_157 : f32 to vector<16xf32>
          %parallel_loop3A_159 = arith.constant 0 : i32
          %parallel_loop3A_160 = arith.addi %parallel_loop3A_140, %parallel_loop3A_159 : i32
          %parallel_loop3A_161 = arith.index_cast %parallel_loop3A_160 : i32 to index
          %parallel_loop3A_162 = arith.constant 0 : index
          %parallel_loop3A_163 = tpu.vector_load %arg11[%parallel_loop3A_161, %parallel_loop3A_162] {strides = array<i32>} : memref<80x128xf32, #tpu.memory_space<vmem>>, vector<1x16xf32>,
          %parallel_loop3A_164 = vector.shape_cast %parallel_loop3A_163 : vector<1x16xf32> to vector<16xf32>
          %parallel_loop3A_165 = arith.index_cast %parallel_loop3A_160 : i32 to index
          %parallel_loop3A_166 = arith.constant 0 : index
          %parallel_loop3A_167 = tpu.vector_load %arg15[%parallel_loop3A_165, %parallel_loop3A_166] {strides = array<i32>} : memref<80x128xf32, #tpu.memory_space<vmem>>, vector<1x16xf32>,
          %parallel_loop3A_168 = vector.shape_cast %parallel_loop3A_167 : vector<1x16xf32> to vector<16xf32>
          %parallel_loop3A_169 = arith.mulf %parallel_loop3A_164, %parallel_loop3A_168 : vector<16xf32>
          %parallel_loop3A_170 = arith.index_cast %parallel_loop3A_160 : i32 to index
          %parallel_loop3A_171 = arith.constant 16 : index
          %parallel_loop3A_172 = tpu.vector_load %arg11[%parallel_loop3A_170, %parallel_loop3A_171] {strides = array<i32>} : memref<80x128xf32, #tpu.memory_space<vmem>>, vector<1x16xf32>,
          %parallel_loop3A_173 = vector.shape_cast %parallel_loop3A_172 : vector<1x16xf32> to vector<16xf32>
          %parallel_loop3A_174 = arith.index_cast %parallel_loop3A_160 : i32 to index
          %parallel_loop3A_175 = arith.constant 16 : index
          %parallel_loop3A_176 = tpu.vector_load %arg15[%parallel_loop3A_174, %parallel_loop3A_175] {strides = array<i32>} : memref<80x128xf32, #tpu.memory_space<vmem>>, vector<1x16xf32>,
          %parallel_loop3A_177 = vector.shape_cast %parallel_loop3A_176 : vector<1x16xf32> to vector<16xf32>
          %parallel_loop3A_178 = arith.mulf %parallel_loop3A_173, %parallel_loop3A_177 : vector<16xf32>
          %parallel_loop3A_179 = arith.index_cast %parallel_loop3A_160 : i32 to index
          %parallel_loop3A_180 = arith.constant 32 : index
          %parallel_loop3A_181 = tpu.vector_load %arg11[%parallel_loop3A_179, %parallel_loop3A_180] {strides = array<i32>} : memref<80x128xf32, #tpu.memory_space<vmem>>, vector<1x16xf32>,
          %parallel_loop3A_182 = vector.shape_cast %parallel_loop3A_181 : vector<1x16xf32> to vector<16xf32>
          %parallel_loop3A_183 = arith.index_cast %parallel_loop3A_160 : i32 to index
          %parallel_loop3A_184 = arith.constant 32 : index
          %parallel_loop3A_185 = tpu.vector_load %arg15[%parallel_loop3A_183, %parallel_loop3A_184] {strides = array<i32>} : memref<80x128xf32, #tpu.memory_space<vmem>>, vector<1x16xf32>,
          %parallel_loop3A_186 = vector.shape_cast %parallel_loop3A_185 : vector<1x16xf32> to vector<16xf32>
          %parallel_loop3A_187 = arith.mulf %parallel_loop3A_182, %parallel_loop3A_186 : vector<16xf32>
          %parallel_loop3A_188 = arith.index_cast %parallel_loop3A_160 : i32 to index
          %parallel_loop3A_189 = arith.constant 48 : index
          %parallel_loop3A_190 = tpu.vector_load %arg11[%parallel_loop3A_188, %parallel_loop3A_189] {strides = array<i32>} : memref<80x128xf32, #tpu.memory_space<vmem>>, vector<1x16xf32>,
          %parallel_loop3A_191 = vector.shape_cast %parallel_loop3A_190 : vector<1x16xf32> to vector<16xf32>
          %parallel_loop3A_192 = arith.index_cast %parallel_loop3A_160 : i32 to index
          %parallel_loop3A_193 = arith.constant 48 : index
          %parallel_loop3A_194 = tpu.vector_load %arg15[%parallel_loop3A_192, %parallel_loop3A_193] {strides = array<i32>} : memref<80x128xf32, #tpu.memory_space<vmem>>, vector<1x16xf32>,
          %parallel_loop3A_195 = vector.shape_cast %parallel_loop3A_194 : vector<1x16xf32> to vector<16xf32>
          %parallel_loop3A_196 = arith.mulf %parallel_loop3A_191, %parallel_loop3A_195 : vector<16xf32>
          %parallel_loop3A_197 = arith.index_cast %parallel_loop3A_160 : i32 to index
          %parallel_loop3A_198 = arith.constant 64 : index
          %parallel_loop3A_199 = tpu.vector_load %arg11[%parallel_loop3A_197, %parallel_loop3A_198] {strides = array<i32>} : memref<80x128xf32, #tpu.memory_space<vmem>>, vector<1x16xf32>,
          %parallel_loop3A_200 = vector.shape_cast %parallel_loop3A_199 : vector<1x16xf32> to vector<16xf32>
          %parallel_loop3A_201 = arith.index_cast %parallel_loop3A_160 : i32 to index
          %parallel_loop3A_202 = arith.constant 64 : index
          %parallel_loop3A_203 = tpu.vector_load %arg15[%parallel_loop3A_201, %parallel_loop3A_202] {strides = array<i32>} : memref<80x128xf32, #tpu.memory_space<vmem>>, vector<1x16xf32>,
          %parallel_loop3A_204 = vector.shape_cast %parallel_loop3A_203 : vector<1x16xf32> to vector<16xf32>
          %parallel_loop3A_205 = arith.mulf %parallel_loop3A_200, %parallel_loop3A_204 : vector<16xf32>
          %parallel_loop3A_206 = arith.index_cast %parallel_loop3A_160 : i32 to index
          %parallel_loop3A_207 = arith.constant 80 : index
          %parallel_loop3A_208 = tpu.vector_load %arg11[%parallel_loop3A_206, %parallel_loop3A_207] {strides = array<i32>} : memref<80x128xf32, #tpu.memory_space<vmem>>, vector<1x16xf32>,
          %parallel_loop3A_209 = vector.shape_cast %parallel_loop3A_208 : vector<1x16xf32> to vector<16xf32>
          %parallel_loop3A_210 = arith.index_cast %parallel_loop3A_160 : i32 to index
          %parallel_loop3A_211 = arith.constant 80 : index
          %parallel_loop3A_212 = tpu.vector_load %arg15[%parallel_loop3A_210, %parallel_loop3A_211] {strides = array<i32>} : memref<80x128xf32, #tpu.memory_space<vmem>>, vector<1x16xf32>,
          %parallel_loop3A_213 = vector.shape_cast %parallel_loop3A_212 : vector<1x16xf32> to vector<16xf32>
          %parallel_loop3A_214 = arith.mulf %parallel_loop3A_209, %parallel_loop3A_213 : vector<16xf32>
          %parallel_loop3A_215 = arith.index_cast %parallel_loop3A_160 : i32 to index
          %parallel_loop3A_216 = arith.constant 96 : index
          %parallel_loop3A_217 = tpu.vector_load %arg11[%parallel_loop3A_215, %parallel_loop3A_216] {strides = array<i32>} : memref<80x128xf32, #tpu.memory_space<vmem>>, vector<1x16xf32>,
          %parallel_loop3A_218 = vector.shape_cast %parallel_loop3A_217 : vector<1x16xf32> to vector<16xf32>
          %parallel_loop3A_219 = arith.index_cast %parallel_loop3A_160 : i32 to index
          %parallel_loop3A_220 = arith.constant 96 : index
          %parallel_loop3A_221 = tpu.vector_load %arg15[%parallel_loop3A_219, %parallel_loop3A_220] {strides = array<i32>} : memref<80x128xf32, #tpu.memory_space<vmem>>, vector<1x16xf32>,
          %parallel_loop3A_222 = vector.shape_cast %parallel_loop3A_221 : vector<1x16xf32> to vector<16xf32>
          %parallel_loop3A_223 = arith.mulf %parallel_loop3A_218, %parallel_loop3A_222 : vector<16xf32>
          %parallel_loop3A_224 = arith.index_cast %parallel_loop3A_160 : i32 to index
          %parallel_loop3A_225 = arith.constant 112 : index
          %parallel_loop3A_226 = tpu.vector_load %arg11[%parallel_loop3A_224, %parallel_loop3A_225] {strides = array<i32>} : memref<80x128xf32, #tpu.memory_space<vmem>>, vector<1x16xf32>,
          %parallel_loop3A_227 = vector.shape_cast %parallel_loop3A_226 : vector<1x16xf32> to vector<16xf32>
          %parallel_loop3A_228 = arith.index_cast %parallel_loop3A_160 : i32 to index
          %parallel_loop3A_229 = arith.constant 112 : index
          %parallel_loop3A_230 = tpu.vector_load %arg15[%parallel_loop3A_228, %parallel_loop3A_229] {strides = array<i32>} : memref<80x128xf32, #tpu.memory_space<vmem>>, vector<1x16xf32>,
          %parallel_loop3A_231 = vector.shape_cast %parallel_loop3A_230 : vector<1x16xf32> to vector<16xf32>
          %parallel_loop3A_232 = arith.mulf %parallel_loop3A_227, %parallel_loop3A_231 : vector<16xf32>
          %parallel_loop3A_233 = arith.addf %parallel_loop3A_169, %parallel_loop3A_178 : vector<16xf32>
          %parallel_loop3A_234 = arith.addf %parallel_loop3A_187, %parallel_loop3A_196 : vector<16xf32>
          %parallel_loop3A_235 = arith.addf %parallel_loop3A_233, %parallel_loop3A_234 : vector<16xf32>
          %parallel_loop3A_236 = arith.addf %parallel_loop3A_205, %parallel_loop3A_214 : vector<16xf32>
          %parallel_loop3A_237 = arith.addf %parallel_loop3A_223, %parallel_loop3A_232 : vector<16xf32>
          %parallel_loop3A_238 = arith.addf %parallel_loop3A_236, %parallel_loop3A_237 : vector<16xf32>
          %parallel_loop3A_239 = arith.addf %parallel_loop3A_235, %parallel_loop3A_238 : vector<16xf32>
          %parallel_loop3A_240 = arith.constant 0 : i32
          %parallel_loop3A_241 = vector.broadcast %parallel_loop3A_240 : i32 to vector<16xi32>
          %parallel_loop3A_242 = arith.cmpi slt, %xor3A_4, %parallel_loop3A_241 : vector<16xi32>
          %parallel_loop3A_243 = arith.constant 16 : i32
          %parallel_loop3A_244 = vector.broadcast %parallel_loop3A_243 : i32 to vector<16xi32>
          %parallel_loop3A_245 = arith.addi %xor3A_4, %parallel_loop3A_244 : vector<16xi32>
          %parallel_loop3A_246 = arith.select %parallel_loop3A_242, %parallel_loop3A_245, %xor3A_4 : vector<16xi1>, vector<16xi32>
          %parallel_loop3A_247 = vector.shape_cast %parallel_loop3A_246 : vector<16xi32> to vector<16x1xi32>
          %parallel_loop3A_248 = vector.shape_cast %parallel_loop3A_247 : vector<16x1xi32> to vector<16xi32>
          %parallel_loop3A_249 = tpu.dynamic_gather %parallel_loop3A_239[%parallel_loop3A_248] in [0] : vector<16xf32>, vector<16xi32> -> vector<16xf32>
          %parallel_loop3A_250 = arith.addf %parallel_loop3A_239, %parallel_loop3A_249 : vector<16xf32>
          %parallel_loop3A_251 = arith.constant 0 : i32
          %parallel_loop3A_252 = vector.broadcast %parallel_loop3A_251 : i32 to vector<16xi32>
          %parallel_loop3A_253 = arith.cmpi slt, %xor3A_7, %parallel_loop3A_252 : vector<16xi32>
          %parallel_loop3A_254 = arith.constant 16 : i32
          %parallel_loop3A_255 = vector.broadcast %parallel_loop3A_254 : i32 to vector<16xi32>
          %parallel_loop3A_256 = arith.addi %xor3A_7, %parallel_loop3A_255 : vector<16xi32>
          %parallel_loop3A_257 = arith.select %parallel_loop3A_253, %parallel_loop3A_256, %xor3A_7 : vector<16xi1>, vector<16xi32>
          %parallel_loop3A_258 = vector.shape_cast %parallel_loop3A_257 : vector<16xi32> to vector<16x1xi32>
          %parallel_loop3A_259 = vector.shape_cast %parallel_loop3A_258 : vector<16x1xi32> to vector<16xi32>
          %parallel_loop3A_260 = tpu.dynamic_gather %parallel_loop3A_250[%parallel_loop3A_259] in [0] : vector<16xf32>, vector<16xi32> -> vector<16xf32>
          %parallel_loop3A_261 = arith.addf %parallel_loop3A_250, %parallel_loop3A_260 : vector<16xf32>
          %parallel_loop3A_262 = arith.constant 0 : i32
          %parallel_loop3A_263 = vector.broadcast %parallel_loop3A_262 : i32 to vector<16xi32>
          %parallel_loop3A_264 = arith.cmpi slt, %xor3A_10, %parallel_loop3A_263 : vector<16xi32>
          %parallel_loop3A_265 = arith.constant 16 : i32
          %parallel_loop3A_266 = vector.broadcast %parallel_loop3A_265 : i32 to vector<16xi32>
          %parallel_loop3A_267 = arith.addi %xor3A_10, %parallel_loop3A_266 : vector<16xi32>
          %parallel_loop3A_268 = arith.select %parallel_loop3A_264, %parallel_loop3A_267, %xor3A_10 : vector<16xi1>, vector<16xi32>
          %parallel_loop3A_269 = vector.shape_cast %parallel_loop3A_268 : vector<16xi32> to vector<16x1xi32>
          %parallel_loop3A_270 = vector.shape_cast %parallel_loop3A_269 : vector<16x1xi32> to vector<16xi32>
          %parallel_loop3A_271 = tpu.dynamic_gather %parallel_loop3A_261[%parallel_loop3A_270] in [0] : vector<16xf32>, vector<16xi32> -> vector<16xf32>
          %parallel_loop3A_272 = arith.addf %parallel_loop3A_261, %parallel_loop3A_271 : vector<16xf32>
          %parallel_loop3A_273 = arith.constant 0 : i32
          %parallel_loop3A_274 = vector.broadcast %parallel_loop3A_273 : i32 to vector<16xi32>
          %parallel_loop3A_275 = arith.cmpi slt, %xor3A_13, %parallel_loop3A_274 : vector<16xi32>
          %parallel_loop3A_276 = arith.constant 16 : i32
          %parallel_loop3A_277 = vector.broadcast %parallel_loop3A_276 : i32 to vector<16xi32>
          %parallel_loop3A_278 = arith.addi %xor3A_13, %parallel_loop3A_277 : vector<16xi32>
          %parallel_loop3A_279 = arith.select %parallel_loop3A_275, %parallel_loop3A_278, %xor3A_13 : vector<16xi1>, vector<16xi32>
          %parallel_loop3A_280 = vector.shape_cast %parallel_loop3A_279 : vector<16xi32> to vector<16x1xi32>
          %parallel_loop3A_281 = vector.shape_cast %parallel_loop3A_280 : vector<16x1xi32> to vector<16xi32>
          %parallel_loop3A_282 = tpu.dynamic_gather %parallel_loop3A_272[%parallel_loop3A_281] in [0] : vector<16xf32>, vector<16xi32> -> vector<16xf32>
          %parallel_loop3A_283 = arith.addf %parallel_loop3A_272, %parallel_loop3A_282 : vector<16xf32>
          %parallel_loop3A_284 = arith.constant 0 : i32
          %parallel_loop3A_285 = arith.addi %parallel_loop3A_156, %parallel_loop3A_284 : i32
          %parallel_loop3A_286 = vector.broadcast %parallel_loop3A_285 : i32 to vector<16xi32>
          %parallel_loop3A_287 = arith.cmpi eq, %iota3A, %parallel_loop3A_286 : vector<16xi32>
          %parallel_loop3A_288 = arith.select %parallel_loop3A_287, %parallel_loop3A_283, %parallel_loop3A_158 : vector<16xi1>, vector<16xf32>
          %parallel_loop3A_289 = arith.constant 1 : i32
          %parallel_loop3A_290 = arith.addi %parallel_loop3A_140, %parallel_loop3A_289 : i32
          %parallel_loop3A_291 = arith.index_cast %parallel_loop3A_290 : i32 to index
          %parallel_loop3A_292 = arith.constant 0 : index
          %parallel_loop3A_293 = tpu.vector_load %arg11[%parallel_loop3A_291, %parallel_loop3A_292] {strides = array<i32>} : memref<80x128xf32, #tpu.memory_space<vmem>>, vector<1x16xf32>,
          %parallel_loop3A_294 = vector.shape_cast %parallel_loop3A_293 : vector<1x16xf32> to vector<16xf32>
          %parallel_loop3A_295 = arith.index_cast %parallel_loop3A_290 : i32 to index
          %parallel_loop3A_296 = arith.constant 0 : index
          %parallel_loop3A_297 = tpu.vector_load %arg15[%parallel_loop3A_295, %parallel_loop3A_296] {strides = array<i32>} : memref<80x128xf32, #tpu.memory_space<vmem>>, vector<1x16xf32>,
          %parallel_loop3A_298 = vector.shape_cast %parallel_loop3A_297 : vector<1x16xf32> to vector<16xf32>
          %parallel_loop3A_299 = arith.mulf %parallel_loop3A_294, %parallel_loop3A_298 : vector<16xf32>
          %parallel_loop3A_300 = arith.index_cast %parallel_loop3A_290 : i32 to index
          %parallel_loop3A_301 = arith.constant 16 : index
          %parallel_loop3A_302 = tpu.vector_load %arg11[%parallel_loop3A_300, %parallel_loop3A_301] {strides = array<i32>} : memref<80x128xf32, #tpu.memory_space<vmem>>, vector<1x16xf32>,
          %parallel_loop3A_303 = vector.shape_cast %parallel_loop3A_302 : vector<1x16xf32> to vector<16xf32>
          %parallel_loop3A_304 = arith.index_cast %parallel_loop3A_290 : i32 to index
          %parallel_loop3A_305 = arith.constant 16 : index
          %parallel_loop3A_306 = tpu.vector_load %arg15[%parallel_loop3A_304, %parallel_loop3A_305] {strides = array<i32>} : memref<80x128xf32, #tpu.memory_space<vmem>>, vector<1x16xf32>,
          %parallel_loop3A_307 = vector.shape_cast %parallel_loop3A_306 : vector<1x16xf32> to vector<16xf32>
          %parallel_loop3A_308 = arith.mulf %parallel_loop3A_303, %parallel_loop3A_307 : vector<16xf32>
          %parallel_loop3A_309 = arith.index_cast %parallel_loop3A_290 : i32 to index
          %parallel_loop3A_310 = arith.constant 32 : index
          %parallel_loop3A_311 = tpu.vector_load %arg11[%parallel_loop3A_309, %parallel_loop3A_310] {strides = array<i32>} : memref<80x128xf32, #tpu.memory_space<vmem>>, vector<1x16xf32>,
          %parallel_loop3A_312 = vector.shape_cast %parallel_loop3A_311 : vector<1x16xf32> to vector<16xf32>
          %parallel_loop3A_313 = arith.index_cast %parallel_loop3A_290 : i32 to index
          %parallel_loop3A_314 = arith.constant 32 : index
          %parallel_loop3A_315 = tpu.vector_load %arg15[%parallel_loop3A_313, %parallel_loop3A_314] {strides = array<i32>} : memref<80x128xf32, #tpu.memory_space<vmem>>, vector<1x16xf32>,
          %parallel_loop3A_316 = vector.shape_cast %parallel_loop3A_315 : vector<1x16xf32> to vector<16xf32>
          %parallel_loop3A_317 = arith.mulf %parallel_loop3A_312, %parallel_loop3A_316 : vector<16xf32>
          %parallel_loop3A_318 = arith.index_cast %parallel_loop3A_290 : i32 to index
          %parallel_loop3A_319 = arith.constant 48 : index
          %parallel_loop3A_320 = tpu.vector_load %arg11[%parallel_loop3A_318, %parallel_loop3A_319] {strides = array<i32>} : memref<80x128xf32, #tpu.memory_space<vmem>>, vector<1x16xf32>,
          %parallel_loop3A_321 = vector.shape_cast %parallel_loop3A_320 : vector<1x16xf32> to vector<16xf32>
          %parallel_loop3A_322 = arith.index_cast %parallel_loop3A_290 : i32 to index
          %parallel_loop3A_323 = arith.constant 48 : index
          %parallel_loop3A_324 = tpu.vector_load %arg15[%parallel_loop3A_322, %parallel_loop3A_323] {strides = array<i32>} : memref<80x128xf32, #tpu.memory_space<vmem>>, vector<1x16xf32>,
          %parallel_loop3A_325 = vector.shape_cast %parallel_loop3A_324 : vector<1x16xf32> to vector<16xf32>
          %parallel_loop3A_326 = arith.mulf %parallel_loop3A_321, %parallel_loop3A_325 : vector<16xf32>
          %parallel_loop3A_327 = arith.index_cast %parallel_loop3A_290 : i32 to index
          %parallel_loop3A_328 = arith.constant 64 : index
          %parallel_loop3A_329 = tpu.vector_load %arg11[%parallel_loop3A_327, %parallel_loop3A_328] {strides = array<i32>} : memref<80x128xf32, #tpu.memory_space<vmem>>, vector<1x16xf32>,
          %parallel_loop3A_330 = vector.shape_cast %parallel_loop3A_329 : vector<1x16xf32> to vector<16xf32>
          %parallel_loop3A_331 = arith.index_cast %parallel_loop3A_290 : i32 to index
          %parallel_loop3A_332 = arith.constant 64 : index
          %parallel_loop3A_333 = tpu.vector_load %arg15[%parallel_loop3A_331, %parallel_loop3A_332] {strides = array<i32>} : memref<80x128xf32, #tpu.memory_space<vmem>>, vector<1x16xf32>,
          %parallel_loop3A_334 = vector.shape_cast %parallel_loop3A_333 : vector<1x16xf32> to vector<16xf32>
          %parallel_loop3A_335 = arith.mulf %parallel_loop3A_330, %parallel_loop3A_334 : vector<16xf32>
          %parallel_loop3A_336 = arith.index_cast %parallel_loop3A_290 : i32 to index
          %parallel_loop3A_337 = arith.constant 80 : index
          %parallel_loop3A_338 = tpu.vector_load %arg11[%parallel_loop3A_336, %parallel_loop3A_337] {strides = array<i32>} : memref<80x128xf32, #tpu.memory_space<vmem>>, vector<1x16xf32>,
          %parallel_loop3A_339 = vector.shape_cast %parallel_loop3A_338 : vector<1x16xf32> to vector<16xf32>
          %parallel_loop3A_340 = arith.index_cast %parallel_loop3A_290 : i32 to index
          %parallel_loop3A_341 = arith.constant 80 : index
          %parallel_loop3A_342 = tpu.vector_load %arg15[%parallel_loop3A_340, %parallel_loop3A_341] {strides = array<i32>} : memref<80x128xf32, #tpu.memory_space<vmem>>, vector<1x16xf32>,
          %parallel_loop3A_343 = vector.shape_cast %parallel_loop3A_342 : vector<1x16xf32> to vector<16xf32>
          %parallel_loop3A_344 = arith.mulf %parallel_loop3A_339, %parallel_loop3A_343 : vector<16xf32>
          %parallel_loop3A_345 = arith.index_cast %parallel_loop3A_290 : i32 to index
          %parallel_loop3A_346 = arith.constant 96 : index
          %parallel_loop3A_347 = tpu.vector_load %arg11[%parallel_loop3A_345, %parallel_loop3A_346] {strides = array<i32>} : memref<80x128xf32, #tpu.memory_space<vmem>>, vector<1x16xf32>,
          %parallel_loop3A_348 = vector.shape_cast %parallel_loop3A_347 : vector<1x16xf32> to vector<16xf32>
          %parallel_loop3A_349 = arith.index_cast %parallel_loop3A_290 : i32 to index
          %parallel_loop3A_350 = arith.constant 96 : index
          %parallel_loop3A_351 = tpu.vector_load %arg15[%parallel_loop3A_349, %parallel_loop3A_350] {strides = array<i32>} : memref<80x128xf32, #tpu.memory_space<vmem>>, vector<1x16xf32>,
          %parallel_loop3A_352 = vector.shape_cast %parallel_loop3A_351 : vector<1x16xf32> to vector<16xf32>
          %parallel_loop3A_353 = arith.mulf %parallel_loop3A_348, %parallel_loop3A_352 : vector<16xf32>
          %parallel_loop3A_354 = arith.index_cast %parallel_loop3A_290 : i32 to index
          %parallel_loop3A_355 = arith.constant 112 : index
          %parallel_loop3A_356 = tpu.vector_load %arg11[%parallel_loop3A_354, %parallel_loop3A_355] {strides = array<i32>} : memref<80x128xf32, #tpu.memory_space<vmem>>, vector<1x16xf32>,
          %parallel_loop3A_357 = vector.shape_cast %parallel_loop3A_356 : vector<1x16xf32> to vector<16xf32>
          %parallel_loop3A_358 = arith.index_cast %parallel_loop3A_290 : i32 to index
          %parallel_loop3A_359 = arith.constant 112 : index
          %parallel_loop3A_360 = tpu.vector_load %arg15[%parallel_loop3A_358, %parallel_loop3A_359] {strides = array<i32>} : memref<80x128xf32, #tpu.memory_space<vmem>>, vector<1x16xf32>,
          %parallel_loop3A_361 = vector.shape_cast %parallel_loop3A_360 : vector<1x16xf32> to vector<16xf32>
          %parallel_loop3A_362 = arith.mulf %parallel_loop3A_357, %parallel_loop3A_361 : vector<16xf32>
          %parallel_loop3A_363 = arith.addf %parallel_loop3A_299, %parallel_loop3A_308 : vector<16xf32>
          %parallel_loop3A_364 = arith.addf %parallel_loop3A_317, %parallel_loop3A_326 : vector<16xf32>
          %parallel_loop3A_365 = arith.addf %parallel_loop3A_363, %parallel_loop3A_364 : vector<16xf32>
          %parallel_loop3A_366 = arith.addf %parallel_loop3A_335, %parallel_loop3A_344 : vector<16xf32>
          %parallel_loop3A_367 = arith.addf %parallel_loop3A_353, %parallel_loop3A_362 : vector<16xf32>
          %parallel_loop3A_368 = arith.addf %parallel_loop3A_366, %parallel_loop3A_367 : vector<16xf32>
          %parallel_loop3A_369 = arith.addf %parallel_loop3A_365, %parallel_loop3A_368 : vector<16xf32>
          %parallel_loop3A_370 = arith.constant 0 : i32
          %parallel_loop3A_371 = vector.broadcast %parallel_loop3A_370 : i32 to vector<16xi32>
          %parallel_loop3A_372 = arith.cmpi slt, %xor3A_4, %parallel_loop3A_371 : vector<16xi32>
          %parallel_loop3A_373 = arith.constant 16 : i32
          %parallel_loop3A_374 = vector.broadcast %parallel_loop3A_373 : i32 to vector<16xi32>
          %parallel_loop3A_375 = arith.addi %xor3A_4, %parallel_loop3A_374 : vector<16xi32>
          %parallel_loop3A_376 = arith.select %parallel_loop3A_372, %parallel_loop3A_375, %xor3A_4 : vector<16xi1>, vector<16xi32>
          %parallel_loop3A_377 = vector.shape_cast %parallel_loop3A_376 : vector<16xi32> to vector<16x1xi32>
          %parallel_loop3A_378 = vector.shape_cast %parallel_loop3A_377 : vector<16x1xi32> to vector<16xi32>
          %parallel_loop3A_379 = tpu.dynamic_gather %parallel_loop3A_369[%parallel_loop3A_378] in [0] : vector<16xf32>, vector<16xi32> -> vector<16xf32>
          %parallel_loop3A_380 = arith.addf %parallel_loop3A_369, %parallel_loop3A_379 : vector<16xf32>
          %parallel_loop3A_381 = arith.constant 0 : i32
          %parallel_loop3A_382 = vector.broadcast %parallel_loop3A_381 : i32 to vector<16xi32>
          %parallel_loop3A_383 = arith.cmpi slt, %xor3A_7, %parallel_loop3A_382 : vector<16xi32>
          %parallel_loop3A_384 = arith.constant 16 : i32
          %parallel_loop3A_385 = vector.broadcast %parallel_loop3A_384 : i32 to vector<16xi32>
          %parallel_loop3A_386 = arith.addi %xor3A_7, %parallel_loop3A_385 : vector<16xi32>
          %parallel_loop3A_387 = arith.select %parallel_loop3A_383, %parallel_loop3A_386, %xor3A_7 : vector<16xi1>, vector<16xi32>
          %parallel_loop3A_388 = vector.shape_cast %parallel_loop3A_387 : vector<16xi32> to vector<16x1xi32>
          %parallel_loop3A_389 = vector.shape_cast %parallel_loop3A_388 : vector<16x1xi32> to vector<16xi32>
          %parallel_loop3A_390 = tpu.dynamic_gather %parallel_loop3A_380[%parallel_loop3A_389] in [0] : vector<16xf32>, vector<16xi32> -> vector<16xf32>
          %parallel_loop3A_391 = arith.addf %parallel_loop3A_380, %parallel_loop3A_390 : vector<16xf32>
          %parallel_loop3A_392 = arith.constant 0 : i32
          %parallel_loop3A_393 = vector.broadcast %parallel_loop3A_392 : i32 to vector<16xi32>
          %parallel_loop3A_394 = arith.cmpi slt, %xor3A_10, %parallel_loop3A_393 : vector<16xi32>
          %parallel_loop3A_395 = arith.constant 16 : i32
          %parallel_loop3A_396 = vector.broadcast %parallel_loop3A_395 : i32 to vector<16xi32>
          %parallel_loop3A_397 = arith.addi %xor3A_10, %parallel_loop3A_396 : vector<16xi32>
          %parallel_loop3A_398 = arith.select %parallel_loop3A_394, %parallel_loop3A_397, %xor3A_10 : vector<16xi1>, vector<16xi32>
          %parallel_loop3A_399 = vector.shape_cast %parallel_loop3A_398 : vector<16xi32> to vector<16x1xi32>
          %parallel_loop3A_400 = vector.shape_cast %parallel_loop3A_399 : vector<16x1xi32> to vector<16xi32>
          %parallel_loop3A_401 = tpu.dynamic_gather %parallel_loop3A_391[%parallel_loop3A_400] in [0] : vector<16xf32>, vector<16xi32> -> vector<16xf32>
          %parallel_loop3A_402 = arith.addf %parallel_loop3A_391, %parallel_loop3A_401 : vector<16xf32>
          %parallel_loop3A_403 = arith.constant 0 : i32
          %parallel_loop3A_404 = vector.broadcast %parallel_loop3A_403 : i32 to vector<16xi32>
          %parallel_loop3A_405 = arith.cmpi slt, %xor3A_13, %parallel_loop3A_404 : vector<16xi32>
          %parallel_loop3A_406 = arith.constant 16 : i32
          %parallel_loop3A_407 = vector.broadcast %parallel_loop3A_406 : i32 to vector<16xi32>
          %parallel_loop3A_408 = arith.addi %xor3A_13, %parallel_loop3A_407 : vector<16xi32>
          %parallel_loop3A_409 = arith.select %parallel_loop3A_405, %parallel_loop3A_408, %xor3A_13 : vector<16xi1>, vector<16xi32>
          %parallel_loop3A_410 = vector.shape_cast %parallel_loop3A_409 : vector<16xi32> to vector<16x1xi32>
          %parallel_loop3A_411 = vector.shape_cast %parallel_loop3A_410 : vector<16x1xi32> to vector<16xi32>
          %parallel_loop3A_412 = tpu.dynamic_gather %parallel_loop3A_402[%parallel_loop3A_411] in [0] : vector<16xf32>, vector<16xi32> -> vector<16xf32>
          %parallel_loop3A_413 = arith.addf %parallel_loop3A_402, %parallel_loop3A_412 : vector<16xf32>
          %parallel_loop3A_414 = arith.constant 1 : i32
          %parallel_loop3A_415 = arith.addi %parallel_loop3A_156, %parallel_loop3A_414 : i32
          %parallel_loop3A_416 = vector.broadcast %parallel_loop3A_415 : i32 to vector<16xi32>
          %parallel_loop3A_417 = arith.cmpi eq, %iota3A, %parallel_loop3A_416 : vector<16xi32>
          %parallel_loop3A_418 = arith.select %parallel_loop3A_417, %parallel_loop3A_413, %parallel_loop3A_288 : vector<16xi1>, vector<16xf32>
          %parallel_loop3A_419 = arith.constant 2 : i32
          %parallel_loop3A_420 = arith.addi %parallel_loop3A_140, %parallel_loop3A_419 : i32
          %parallel_loop3A_421 = arith.index_cast %parallel_loop3A_420 : i32 to index
          %parallel_loop3A_422 = arith.constant 0 : index
          %parallel_loop3A_423 = tpu.vector_load %arg11[%parallel_loop3A_421, %parallel_loop3A_422] {strides = array<i32>} : memref<80x128xf32, #tpu.memory_space<vmem>>, vector<1x16xf32>,
          %parallel_loop3A_424 = vector.shape_cast %parallel_loop3A_423 : vector<1x16xf32> to vector<16xf32>
          %parallel_loop3A_425 = arith.index_cast %parallel_loop3A_420 : i32 to index
          %parallel_loop3A_426 = arith.constant 0 : index
          %parallel_loop3A_427 = tpu.vector_load %arg15[%parallel_loop3A_425, %parallel_loop3A_426] {strides = array<i32>} : memref<80x128xf32, #tpu.memory_space<vmem>>, vector<1x16xf32>,
          %parallel_loop3A_428 = vector.shape_cast %parallel_loop3A_427 : vector<1x16xf32> to vector<16xf32>
          %parallel_loop3A_429 = arith.mulf %parallel_loop3A_424, %parallel_loop3A_428 : vector<16xf32>
          %parallel_loop3A_430 = arith.index_cast %parallel_loop3A_420 : i32 to index
          %parallel_loop3A_431 = arith.constant 16 : index
          %parallel_loop3A_432 = tpu.vector_load %arg11[%parallel_loop3A_430, %parallel_loop3A_431] {strides = array<i32>} : memref<80x128xf32, #tpu.memory_space<vmem>>, vector<1x16xf32>,
          %parallel_loop3A_433 = vector.shape_cast %parallel_loop3A_432 : vector<1x16xf32> to vector<16xf32>
          %parallel_loop3A_434 = arith.index_cast %parallel_loop3A_420 : i32 to index
          %parallel_loop3A_435 = arith.constant 16 : index
          %parallel_loop3A_436 = tpu.vector_load %arg15[%parallel_loop3A_434, %parallel_loop3A_435] {strides = array<i32>} : memref<80x128xf32, #tpu.memory_space<vmem>>, vector<1x16xf32>,
          %parallel_loop3A_437 = vector.shape_cast %parallel_loop3A_436 : vector<1x16xf32> to vector<16xf32>
          %parallel_loop3A_438 = arith.mulf %parallel_loop3A_433, %parallel_loop3A_437 : vector<16xf32>
          %parallel_loop3A_439 = arith.index_cast %parallel_loop3A_420 : i32 to index
          %parallel_loop3A_440 = arith.constant 32 : index
          %parallel_loop3A_441 = tpu.vector_load %arg11[%parallel_loop3A_439, %parallel_loop3A_440] {strides = array<i32>} : memref<80x128xf32, #tpu.memory_space<vmem>>, vector<1x16xf32>,
          %parallel_loop3A_442 = vector.shape_cast %parallel_loop3A_441 : vector<1x16xf32> to vector<16xf32>
          %parallel_loop3A_443 = arith.index_cast %parallel_loop3A_420 : i32 to index
          %parallel_loop3A_444 = arith.constant 32 : index
          %parallel_loop3A_445 = tpu.vector_load %arg15[%parallel_loop3A_443, %parallel_loop3A_444] {strides = array<i32>} : memref<80x128xf32, #tpu.memory_space<vmem>>, vector<1x16xf32>,
          %parallel_loop3A_446 = vector.shape_cast %parallel_loop3A_445 : vector<1x16xf32> to vector<16xf32>
          %parallel_loop3A_447 = arith.mulf %parallel_loop3A_442, %parallel_loop3A_446 : vector<16xf32>
          %parallel_loop3A_448 = arith.index_cast %parallel_loop3A_420 : i32 to index
          %parallel_loop3A_449 = arith.constant 48 : index
          %parallel_loop3A_450 = tpu.vector_load %arg11[%parallel_loop3A_448, %parallel_loop3A_449] {strides = array<i32>} : memref<80x128xf32, #tpu.memory_space<vmem>>, vector<1x16xf32>,
          %parallel_loop3A_451 = vector.shape_cast %parallel_loop3A_450 : vector<1x16xf32> to vector<16xf32>
          %parallel_loop3A_452 = arith.index_cast %parallel_loop3A_420 : i32 to index
          %parallel_loop3A_453 = arith.constant 48 : index
          %parallel_loop3A_454 = tpu.vector_load %arg15[%parallel_loop3A_452, %parallel_loop3A_453] {strides = array<i32>} : memref<80x128xf32, #tpu.memory_space<vmem>>, vector<1x16xf32>,
          %parallel_loop3A_455 = vector.shape_cast %parallel_loop3A_454 : vector<1x16xf32> to vector<16xf32>
          %parallel_loop3A_456 = arith.mulf %parallel_loop3A_451, %parallel_loop3A_455 : vector<16xf32>
          %parallel_loop3A_457 = arith.index_cast %parallel_loop3A_420 : i32 to index
          %parallel_loop3A_458 = arith.constant 64 : index
          %parallel_loop3A_459 = tpu.vector_load %arg11[%parallel_loop3A_457, %parallel_loop3A_458] {strides = array<i32>} : memref<80x128xf32, #tpu.memory_space<vmem>>, vector<1x16xf32>,
          %parallel_loop3A_460 = vector.shape_cast %parallel_loop3A_459 : vector<1x16xf32> to vector<16xf32>
          %parallel_loop3A_461 = arith.index_cast %parallel_loop3A_420 : i32 to index
          %parallel_loop3A_462 = arith.constant 64 : index
          %parallel_loop3A_463 = tpu.vector_load %arg15[%parallel_loop3A_461, %parallel_loop3A_462] {strides = array<i32>} : memref<80x128xf32, #tpu.memory_space<vmem>>, vector<1x16xf32>,
          %parallel_loop3A_464 = vector.shape_cast %parallel_loop3A_463 : vector<1x16xf32> to vector<16xf32>
          %parallel_loop3A_465 = arith.mulf %parallel_loop3A_460, %parallel_loop3A_464 : vector<16xf32>
          %parallel_loop3A_466 = arith.index_cast %parallel_loop3A_420 : i32 to index
          %parallel_loop3A_467 = arith.constant 80 : index
          %parallel_loop3A_468 = tpu.vector_load %arg11[%parallel_loop3A_466, %parallel_loop3A_467] {strides = array<i32>} : memref<80x128xf32, #tpu.memory_space<vmem>>, vector<1x16xf32>,
          %parallel_loop3A_469 = vector.shape_cast %parallel_loop3A_468 : vector<1x16xf32> to vector<16xf32>
          %parallel_loop3A_470 = arith.index_cast %parallel_loop3A_420 : i32 to index
          %parallel_loop3A_471 = arith.constant 80 : index
          %parallel_loop3A_472 = tpu.vector_load %arg15[%parallel_loop3A_470, %parallel_loop3A_471] {strides = array<i32>} : memref<80x128xf32, #tpu.memory_space<vmem>>, vector<1x16xf32>,
          %parallel_loop3A_473 = vector.shape_cast %parallel_loop3A_472 : vector<1x16xf32> to vector<16xf32>
          %parallel_loop3A_474 = arith.mulf %parallel_loop3A_469, %parallel_loop3A_473 : vector<16xf32>
          %parallel_loop3A_475 = arith.index_cast %parallel_loop3A_420 : i32 to index
          %parallel_loop3A_476 = arith.constant 96 : index
          %parallel_loop3A_477 = tpu.vector_load %arg11[%parallel_loop3A_475, %parallel_loop3A_476] {strides = array<i32>} : memref<80x128xf32, #tpu.memory_space<vmem>>, vector<1x16xf32>,
          %parallel_loop3A_478 = vector.shape_cast %parallel_loop3A_477 : vector<1x16xf32> to vector<16xf32>
          %parallel_loop3A_479 = arith.index_cast %parallel_loop3A_420 : i32 to index
          %parallel_loop3A_480 = arith.constant 96 : index
          %parallel_loop3A_481 = tpu.vector_load %arg15[%parallel_loop3A_479, %parallel_loop3A_480] {strides = array<i32>} : memref<80x128xf32, #tpu.memory_space<vmem>>, vector<1x16xf32>,
          %parallel_loop3A_482 = vector.shape_cast %parallel_loop3A_481 : vector<1x16xf32> to vector<16xf32>
          %parallel_loop3A_483 = arith.mulf %parallel_loop3A_478, %parallel_loop3A_482 : vector<16xf32>
          %parallel_loop3A_484 = arith.index_cast %parallel_loop3A_420 : i32 to index
          %parallel_loop3A_485 = arith.constant 112 : index
          %parallel_loop3A_486 = tpu.vector_load %arg11[%parallel_loop3A_484, %parallel_loop3A_485] {strides = array<i32>} : memref<80x128xf32, #tpu.memory_space<vmem>>, vector<1x16xf32>,
          %parallel_loop3A_487 = vector.shape_cast %parallel_loop3A_486 : vector<1x16xf32> to vector<16xf32>
          %parallel_loop3A_488 = arith.index_cast %parallel_loop3A_420 : i32 to index
          %parallel_loop3A_489 = arith.constant 112 : index
          %parallel_loop3A_490 = tpu.vector_load %arg15[%parallel_loop3A_488, %parallel_loop3A_489] {strides = array<i32>} : memref<80x128xf32, #tpu.memory_space<vmem>>, vector<1x16xf32>,
          %parallel_loop3A_491 = vector.shape_cast %parallel_loop3A_490 : vector<1x16xf32> to vector<16xf32>
          %parallel_loop3A_492 = arith.mulf %parallel_loop3A_487, %parallel_loop3A_491 : vector<16xf32>
          %parallel_loop3A_493 = arith.addf %parallel_loop3A_429, %parallel_loop3A_438 : vector<16xf32>
          %parallel_loop3A_494 = arith.addf %parallel_loop3A_447, %parallel_loop3A_456 : vector<16xf32>
          %parallel_loop3A_495 = arith.addf %parallel_loop3A_493, %parallel_loop3A_494 : vector<16xf32>
          %parallel_loop3A_496 = arith.addf %parallel_loop3A_465, %parallel_loop3A_474 : vector<16xf32>
          %parallel_loop3A_497 = arith.addf %parallel_loop3A_483, %parallel_loop3A_492 : vector<16xf32>
          %parallel_loop3A_498 = arith.addf %parallel_loop3A_496, %parallel_loop3A_497 : vector<16xf32>
          %parallel_loop3A_499 = arith.addf %parallel_loop3A_495, %parallel_loop3A_498 : vector<16xf32>
          %parallel_loop3A_500 = arith.constant 0 : i32
          %parallel_loop3A_501 = vector.broadcast %parallel_loop3A_500 : i32 to vector<16xi32>
          %parallel_loop3A_502 = arith.cmpi slt, %xor3A_4, %parallel_loop3A_501 : vector<16xi32>
          %parallel_loop3A_503 = arith.constant 16 : i32
          %parallel_loop3A_504 = vector.broadcast %parallel_loop3A_503 : i32 to vector<16xi32>
          %parallel_loop3A_505 = arith.addi %xor3A_4, %parallel_loop3A_504 : vector<16xi32>
          %parallel_loop3A_506 = arith.select %parallel_loop3A_502, %parallel_loop3A_505, %xor3A_4 : vector<16xi1>, vector<16xi32>
          %parallel_loop3A_507 = vector.shape_cast %parallel_loop3A_506 : vector<16xi32> to vector<16x1xi32>
          %parallel_loop3A_508 = vector.shape_cast %parallel_loop3A_507 : vector<16x1xi32> to vector<16xi32>
          %parallel_loop3A_509 = tpu.dynamic_gather %parallel_loop3A_499[%parallel_loop3A_508] in [0] : vector<16xf32>, vector<16xi32> -> vector<16xf32>
          %parallel_loop3A_510 = arith.addf %parallel_loop3A_499, %parallel_loop3A_509 : vector<16xf32>
          %parallel_loop3A_511 = arith.constant 0 : i32
          %parallel_loop3A_512 = vector.broadcast %parallel_loop3A_511 : i32 to vector<16xi32>
          %parallel_loop3A_513 = arith.cmpi slt, %xor3A_7, %parallel_loop3A_512 : vector<16xi32>
          %parallel_loop3A_514 = arith.constant 16 : i32
          %parallel_loop3A_515 = vector.broadcast %parallel_loop3A_514 : i32 to vector<16xi32>
          %parallel_loop3A_516 = arith.addi %xor3A_7, %parallel_loop3A_515 : vector<16xi32>
          %parallel_loop3A_517 = arith.select %parallel_loop3A_513, %parallel_loop3A_516, %xor3A_7 : vector<16xi1>, vector<16xi32>
          %parallel_loop3A_518 = vector.shape_cast %parallel_loop3A_517 : vector<16xi32> to vector<16x1xi32>
          %parallel_loop3A_519 = vector.shape_cast %parallel_loop3A_518 : vector<16x1xi32> to vector<16xi32>
          %parallel_loop3A_520 = tpu.dynamic_gather %parallel_loop3A_510[%parallel_loop3A_519] in [0] : vector<16xf32>, vector<16xi32> -> vector<16xf32>
          %parallel_loop3A_521 = arith.addf %parallel_loop3A_510, %parallel_loop3A_520 : vector<16xf32>
          %parallel_loop3A_522 = arith.constant 0 : i32
          %parallel_loop3A_523 = vector.broadcast %parallel_loop3A_522 : i32 to vector<16xi32>
          %parallel_loop3A_524 = arith.cmpi slt, %xor3A_10, %parallel_loop3A_523 : vector<16xi32>
          %parallel_loop3A_525 = arith.constant 16 : i32
          %parallel_loop3A_526 = vector.broadcast %parallel_loop3A_525 : i32 to vector<16xi32>
          %parallel_loop3A_527 = arith.addi %xor3A_10, %parallel_loop3A_526 : vector<16xi32>
          %parallel_loop3A_528 = arith.select %parallel_loop3A_524, %parallel_loop3A_527, %xor3A_10 : vector<16xi1>, vector<16xi32>
          %parallel_loop3A_529 = vector.shape_cast %parallel_loop3A_528 : vector<16xi32> to vector<16x1xi32>
          %parallel_loop3A_530 = vector.shape_cast %parallel_loop3A_529 : vector<16x1xi32> to vector<16xi32>
          %parallel_loop3A_531 = tpu.dynamic_gather %parallel_loop3A_521[%parallel_loop3A_530] in [0] : vector<16xf32>, vector<16xi32> -> vector<16xf32>
          %parallel_loop3A_532 = arith.addf %parallel_loop3A_521, %parallel_loop3A_531 : vector<16xf32>
          %parallel_loop3A_533 = arith.constant 0 : i32
          %parallel_loop3A_534 = vector.broadcast %parallel_loop3A_533 : i32 to vector<16xi32>
          %parallel_loop3A_535 = arith.cmpi slt, %xor3A_13, %parallel_loop3A_534 : vector<16xi32>
          %parallel_loop3A_536 = arith.constant 16 : i32
          %parallel_loop3A_537 = vector.broadcast %parallel_loop3A_536 : i32 to vector<16xi32>
          %parallel_loop3A_538 = arith.addi %xor3A_13, %parallel_loop3A_537 : vector<16xi32>
          %parallel_loop3A_539 = arith.select %parallel_loop3A_535, %parallel_loop3A_538, %xor3A_13 : vector<16xi1>, vector<16xi32>
          %parallel_loop3A_540 = vector.shape_cast %parallel_loop3A_539 : vector<16xi32> to vector<16x1xi32>
          %parallel_loop3A_541 = vector.shape_cast %parallel_loop3A_540 : vector<16x1xi32> to vector<16xi32>
          %parallel_loop3A_542 = tpu.dynamic_gather %parallel_loop3A_532[%parallel_loop3A_541] in [0] : vector<16xf32>, vector<16xi32> -> vector<16xf32>
          %parallel_loop3A_543 = arith.addf %parallel_loop3A_532, %parallel_loop3A_542 : vector<16xf32>
          %parallel_loop3A_544 = arith.constant 2 : i32
          %parallel_loop3A_545 = arith.addi %parallel_loop3A_156, %parallel_loop3A_544 : i32
          %parallel_loop3A_546 = vector.broadcast %parallel_loop3A_545 : i32 to vector<16xi32>
          %parallel_loop3A_547 = arith.cmpi eq, %iota3A, %parallel_loop3A_546 : vector<16xi32>
          %parallel_loop3A_548 = arith.select %parallel_loop3A_547, %parallel_loop3A_543, %parallel_loop3A_418 : vector<16xi1>, vector<16xf32>
          %parallel_loop3A_549 = arith.constant 3 : i32
          %parallel_loop3A_550 = arith.addi %parallel_loop3A_140, %parallel_loop3A_549 : i32
          %parallel_loop3A_551 = arith.index_cast %parallel_loop3A_550 : i32 to index
          %parallel_loop3A_552 = arith.constant 0 : index
          %parallel_loop3A_553 = tpu.vector_load %arg11[%parallel_loop3A_551, %parallel_loop3A_552] {strides = array<i32>} : memref<80x128xf32, #tpu.memory_space<vmem>>, vector<1x16xf32>,
          %parallel_loop3A_554 = vector.shape_cast %parallel_loop3A_553 : vector<1x16xf32> to vector<16xf32>
          %parallel_loop3A_555 = arith.index_cast %parallel_loop3A_550 : i32 to index
          %parallel_loop3A_556 = arith.constant 0 : index
          %parallel_loop3A_557 = tpu.vector_load %arg15[%parallel_loop3A_555, %parallel_loop3A_556] {strides = array<i32>} : memref<80x128xf32, #tpu.memory_space<vmem>>, vector<1x16xf32>,
          %parallel_loop3A_558 = vector.shape_cast %parallel_loop3A_557 : vector<1x16xf32> to vector<16xf32>
          %parallel_loop3A_559 = arith.mulf %parallel_loop3A_554, %parallel_loop3A_558 : vector<16xf32>
          %parallel_loop3A_560 = arith.index_cast %parallel_loop3A_550 : i32 to index
          %parallel_loop3A_561 = arith.constant 16 : index
          %parallel_loop3A_562 = tpu.vector_load %arg11[%parallel_loop3A_560, %parallel_loop3A_561] {strides = array<i32>} : memref<80x128xf32, #tpu.memory_space<vmem>>, vector<1x16xf32>,
          %parallel_loop3A_563 = vector.shape_cast %parallel_loop3A_562 : vector<1x16xf32> to vector<16xf32>
          %parallel_loop3A_564 = arith.index_cast %parallel_loop3A_550 : i32 to index
          %parallel_loop3A_565 = arith.constant 16 : index
          %parallel_loop3A_566 = tpu.vector_load %arg15[%parallel_loop3A_564, %parallel_loop3A_565] {strides = array<i32>} : memref<80x128xf32, #tpu.memory_space<vmem>>, vector<1x16xf32>,
          %parallel_loop3A_567 = vector.shape_cast %parallel_loop3A_566 : vector<1x16xf32> to vector<16xf32>
          %parallel_loop3A_568 = arith.mulf %parallel_loop3A_563, %parallel_loop3A_567 : vector<16xf32>
          %parallel_loop3A_569 = arith.index_cast %parallel_loop3A_550 : i32 to index
          %parallel_loop3A_570 = arith.constant 32 : index
          %parallel_loop3A_571 = tpu.vector_load %arg11[%parallel_loop3A_569, %parallel_loop3A_570] {strides = array<i32>} : memref<80x128xf32, #tpu.memory_space<vmem>>, vector<1x16xf32>,
          %parallel_loop3A_572 = vector.shape_cast %parallel_loop3A_571 : vector<1x16xf32> to vector<16xf32>
          %parallel_loop3A_573 = arith.index_cast %parallel_loop3A_550 : i32 to index
          %parallel_loop3A_574 = arith.constant 32 : index
          %parallel_loop3A_575 = tpu.vector_load %arg15[%parallel_loop3A_573, %parallel_loop3A_574] {strides = array<i32>} : memref<80x128xf32, #tpu.memory_space<vmem>>, vector<1x16xf32>,
          %parallel_loop3A_576 = vector.shape_cast %parallel_loop3A_575 : vector<1x16xf32> to vector<16xf32>
          %parallel_loop3A_577 = arith.mulf %parallel_loop3A_572, %parallel_loop3A_576 : vector<16xf32>
          %parallel_loop3A_578 = arith.index_cast %parallel_loop3A_550 : i32 to index
          %parallel_loop3A_579 = arith.constant 48 : index
          %parallel_loop3A_580 = tpu.vector_load %arg11[%parallel_loop3A_578, %parallel_loop3A_579] {strides = array<i32>} : memref<80x128xf32, #tpu.memory_space<vmem>>, vector<1x16xf32>,
          %parallel_loop3A_581 = vector.shape_cast %parallel_loop3A_580 : vector<1x16xf32> to vector<16xf32>
          %parallel_loop3A_582 = arith.index_cast %parallel_loop3A_550 : i32 to index
          %parallel_loop3A_583 = arith.constant 48 : index
          %parallel_loop3A_584 = tpu.vector_load %arg15[%parallel_loop3A_582, %parallel_loop3A_583] {strides = array<i32>} : memref<80x128xf32, #tpu.memory_space<vmem>>, vector<1x16xf32>,
          %parallel_loop3A_585 = vector.shape_cast %parallel_loop3A_584 : vector<1x16xf32> to vector<16xf32>
          %parallel_loop3A_586 = arith.mulf %parallel_loop3A_581, %parallel_loop3A_585 : vector<16xf32>
          %parallel_loop3A_587 = arith.index_cast %parallel_loop3A_550 : i32 to index
          %parallel_loop3A_588 = arith.constant 64 : index
          %parallel_loop3A_589 = tpu.vector_load %arg11[%parallel_loop3A_587, %parallel_loop3A_588] {strides = array<i32>} : memref<80x128xf32, #tpu.memory_space<vmem>>, vector<1x16xf32>,
          %parallel_loop3A_590 = vector.shape_cast %parallel_loop3A_589 : vector<1x16xf32> to vector<16xf32>
          %parallel_loop3A_591 = arith.index_cast %parallel_loop3A_550 : i32 to index
          %parallel_loop3A_592 = arith.constant 64 : index
          %parallel_loop3A_593 = tpu.vector_load %arg15[%parallel_loop3A_591, %parallel_loop3A_592] {strides = array<i32>} : memref<80x128xf32, #tpu.memory_space<vmem>>, vector<1x16xf32>,
          %parallel_loop3A_594 = vector.shape_cast %parallel_loop3A_593 : vector<1x16xf32> to vector<16xf32>
          %parallel_loop3A_595 = arith.mulf %parallel_loop3A_590, %parallel_loop3A_594 : vector<16xf32>
          %parallel_loop3A_596 = arith.index_cast %parallel_loop3A_550 : i32 to index
          %parallel_loop3A_597 = arith.constant 80 : index
          %parallel_loop3A_598 = tpu.vector_load %arg11[%parallel_loop3A_596, %parallel_loop3A_597] {strides = array<i32>} : memref<80x128xf32, #tpu.memory_space<vmem>>, vector<1x16xf32>,
          %parallel_loop3A_599 = vector.shape_cast %parallel_loop3A_598 : vector<1x16xf32> to vector<16xf32>
          %parallel_loop3A_600 = arith.index_cast %parallel_loop3A_550 : i32 to index
          %parallel_loop3A_601 = arith.constant 80 : index
          %parallel_loop3A_602 = tpu.vector_load %arg15[%parallel_loop3A_600, %parallel_loop3A_601] {strides = array<i32>} : memref<80x128xf32, #tpu.memory_space<vmem>>, vector<1x16xf32>,
          %parallel_loop3A_603 = vector.shape_cast %parallel_loop3A_602 : vector<1x16xf32> to vector<16xf32>
          %parallel_loop3A_604 = arith.mulf %parallel_loop3A_599, %parallel_loop3A_603 : vector<16xf32>
          %parallel_loop3A_605 = arith.index_cast %parallel_loop3A_550 : i32 to index
          %parallel_loop3A_606 = arith.constant 96 : index
          %parallel_loop3A_607 = tpu.vector_load %arg11[%parallel_loop3A_605, %parallel_loop3A_606] {strides = array<i32>} : memref<80x128xf32, #tpu.memory_space<vmem>>, vector<1x16xf32>,
          %parallel_loop3A_608 = vector.shape_cast %parallel_loop3A_607 : vector<1x16xf32> to vector<16xf32>
          %parallel_loop3A_609 = arith.index_cast %parallel_loop3A_550 : i32 to index
          %parallel_loop3A_610 = arith.constant 96 : index
          %parallel_loop3A_611 = tpu.vector_load %arg15[%parallel_loop3A_609, %parallel_loop3A_610] {strides = array<i32>} : memref<80x128xf32, #tpu.memory_space<vmem>>, vector<1x16xf32>,
          %parallel_loop3A_612 = vector.shape_cast %parallel_loop3A_611 : vector<1x16xf32> to vector<16xf32>
          %parallel_loop3A_613 = arith.mulf %parallel_loop3A_608, %parallel_loop3A_612 : vector<16xf32>
          %parallel_loop3A_614 = arith.index_cast %parallel_loop3A_550 : i32 to index
          %parallel_loop3A_615 = arith.constant 112 : index
          %parallel_loop3A_616 = tpu.vector_load %arg11[%parallel_loop3A_614, %parallel_loop3A_615] {strides = array<i32>} : memref<80x128xf32, #tpu.memory_space<vmem>>, vector<1x16xf32>,
          %parallel_loop3A_617 = vector.shape_cast %parallel_loop3A_616 : vector<1x16xf32> to vector<16xf32>
          %parallel_loop3A_618 = arith.index_cast %parallel_loop3A_550 : i32 to index
          %parallel_loop3A_619 = arith.constant 112 : index
          %parallel_loop3A_620 = tpu.vector_load %arg15[%parallel_loop3A_618, %parallel_loop3A_619] {strides = array<i32>} : memref<80x128xf32, #tpu.memory_space<vmem>>, vector<1x16xf32>,
          %parallel_loop3A_621 = vector.shape_cast %parallel_loop3A_620 : vector<1x16xf32> to vector<16xf32>
          %parallel_loop3A_622 = arith.mulf %parallel_loop3A_617, %parallel_loop3A_621 : vector<16xf32>
          %parallel_loop3A_623 = arith.addf %parallel_loop3A_559, %parallel_loop3A_568 : vector<16xf32>
          %parallel_loop3A_624 = arith.addf %parallel_loop3A_577, %parallel_loop3A_586 : vector<16xf32>
          %parallel_loop3A_625 = arith.addf %parallel_loop3A_623, %parallel_loop3A_624 : vector<16xf32>
          %parallel_loop3A_626 = arith.addf %parallel_loop3A_595, %parallel_loop3A_604 : vector<16xf32>
          %parallel_loop3A_627 = arith.addf %parallel_loop3A_613, %parallel_loop3A_622 : vector<16xf32>
          %parallel_loop3A_628 = arith.addf %parallel_loop3A_626, %parallel_loop3A_627 : vector<16xf32>
          %parallel_loop3A_629 = arith.addf %parallel_loop3A_625, %parallel_loop3A_628 : vector<16xf32>
          %parallel_loop3A_630 = arith.constant 0 : i32
          %parallel_loop3A_631 = vector.broadcast %parallel_loop3A_630 : i32 to vector<16xi32>
          %parallel_loop3A_632 = arith.cmpi slt, %xor3A_4, %parallel_loop3A_631 : vector<16xi32>
          %parallel_loop3A_633 = arith.constant 16 : i32
          %parallel_loop3A_634 = vector.broadcast %parallel_loop3A_633 : i32 to vector<16xi32>
          %parallel_loop3A_635 = arith.addi %xor3A_4, %parallel_loop3A_634 : vector<16xi32>
          %parallel_loop3A_636 = arith.select %parallel_loop3A_632, %parallel_loop3A_635, %xor3A_4 : vector<16xi1>, vector<16xi32>
          %parallel_loop3A_637 = vector.shape_cast %parallel_loop3A_636 : vector<16xi32> to vector<16x1xi32>
          %parallel_loop3A_638 = vector.shape_cast %parallel_loop3A_637 : vector<16x1xi32> to vector<16xi32>
          %parallel_loop3A_639 = tpu.dynamic_gather %parallel_loop3A_629[%parallel_loop3A_638] in [0] : vector<16xf32>, vector<16xi32> -> vector<16xf32>
          %parallel_loop3A_640 = arith.addf %parallel_loop3A_629, %parallel_loop3A_639 : vector<16xf32>
          %parallel_loop3A_641 = arith.constant 0 : i32
          %parallel_loop3A_642 = vector.broadcast %parallel_loop3A_641 : i32 to vector<16xi32>
          %parallel_loop3A_643 = arith.cmpi slt, %xor3A_7, %parallel_loop3A_642 : vector<16xi32>
          %parallel_loop3A_644 = arith.constant 16 : i32
          %parallel_loop3A_645 = vector.broadcast %parallel_loop3A_644 : i32 to vector<16xi32>
          %parallel_loop3A_646 = arith.addi %xor3A_7, %parallel_loop3A_645 : vector<16xi32>
          %parallel_loop3A_647 = arith.select %parallel_loop3A_643, %parallel_loop3A_646, %xor3A_7 : vector<16xi1>, vector<16xi32>
          %parallel_loop3A_648 = vector.shape_cast %parallel_loop3A_647 : vector<16xi32> to vector<16x1xi32>
          %parallel_loop3A_649 = vector.shape_cast %parallel_loop3A_648 : vector<16x1xi32> to vector<16xi32>
          %parallel_loop3A_650 = tpu.dynamic_gather %parallel_loop3A_640[%parallel_loop3A_649] in [0] : vector<16xf32>, vector<16xi32> -> vector<16xf32>
          %parallel_loop3A_651 = arith.addf %parallel_loop3A_640, %parallel_loop3A_650 : vector<16xf32>
          %parallel_loop3A_652 = arith.constant 0 : i32
          %parallel_loop3A_653 = vector.broadcast %parallel_loop3A_652 : i32 to vector<16xi32>
          %parallel_loop3A_654 = arith.cmpi slt, %xor3A_10, %parallel_loop3A_653 : vector<16xi32>
          %parallel_loop3A_655 = arith.constant 16 : i32
          %parallel_loop3A_656 = vector.broadcast %parallel_loop3A_655 : i32 to vector<16xi32>
          %parallel_loop3A_657 = arith.addi %xor3A_10, %parallel_loop3A_656 : vector<16xi32>
          %parallel_loop3A_658 = arith.select %parallel_loop3A_654, %parallel_loop3A_657, %xor3A_10 : vector<16xi1>, vector<16xi32>
          %parallel_loop3A_659 = vector.shape_cast %parallel_loop3A_658 : vector<16xi32> to vector<16x1xi32>
          %parallel_loop3A_660 = vector.shape_cast %parallel_loop3A_659 : vector<16x1xi32> to vector<16xi32>
          %parallel_loop3A_661 = tpu.dynamic_gather %parallel_loop3A_651[%parallel_loop3A_660] in [0] : vector<16xf32>, vector<16xi32> -> vector<16xf32>
          %parallel_loop3A_662 = arith.addf %parallel_loop3A_651, %parallel_loop3A_661 : vector<16xf32>
          %parallel_loop3A_663 = arith.constant 0 : i32
          %parallel_loop3A_664 = vector.broadcast %parallel_loop3A_663 : i32 to vector<16xi32>
          %parallel_loop3A_665 = arith.cmpi slt, %xor3A_13, %parallel_loop3A_664 : vector<16xi32>
          %parallel_loop3A_666 = arith.constant 16 : i32
          %parallel_loop3A_667 = vector.broadcast %parallel_loop3A_666 : i32 to vector<16xi32>
          %parallel_loop3A_668 = arith.addi %xor3A_13, %parallel_loop3A_667 : vector<16xi32>
          %parallel_loop3A_669 = arith.select %parallel_loop3A_665, %parallel_loop3A_668, %xor3A_13 : vector<16xi1>, vector<16xi32>
          %parallel_loop3A_670 = vector.shape_cast %parallel_loop3A_669 : vector<16xi32> to vector<16x1xi32>
          %parallel_loop3A_671 = vector.shape_cast %parallel_loop3A_670 : vector<16x1xi32> to vector<16xi32>
          %parallel_loop3A_672 = tpu.dynamic_gather %parallel_loop3A_662[%parallel_loop3A_671] in [0] : vector<16xf32>, vector<16xi32> -> vector<16xf32>
          %parallel_loop3A_673 = arith.addf %parallel_loop3A_662, %parallel_loop3A_672 : vector<16xf32>
          %parallel_loop3A_674 = arith.constant 3 : i32
          %parallel_loop3A_675 = arith.addi %parallel_loop3A_156, %parallel_loop3A_674 : i32
          %parallel_loop3A_676 = vector.broadcast %parallel_loop3A_675 : i32 to vector<16xi32>
          %parallel_loop3A_677 = arith.cmpi eq, %iota3A, %parallel_loop3A_676 : vector<16xi32>
          %parallel_loop3A_678 = arith.select %parallel_loop3A_677, %parallel_loop3A_673, %parallel_loop3A_548 : vector<16xi1>, vector<16xf32>
          %parallel_loop3A_679 = arith.addi %mul3A_135, %parallel_loop3A_140 : i32
          %parallel_loop3A_680 = arith.subi %parallel_loop3A_679, %parallel_loop3A_156 : i32
          %parallel_loop3A_681 = arith.index_cast %parallel_loop3A_680 : i32 to index
          %parallel_loop3A_682 = tpu.vector_load %arg17[%parallel_loop3A_681] {strides = array<i32>} : memref<10000xf32, #tpu.memory_space<vmem>>, vector<16xf32>,
          %parallel_loop3A_683 = vector.shape_cast %parallel_loop3A_682 : vector<16xf32> to vector<16xf32>
          %parallel_loop3A_684 = vector.shape_cast %parallel_loop3A_678 : vector<16xf32> to vector<16xf32>
          tpu.vector_store %arg17[%parallel_loop3A_681], %parallel_loop3A_684 {add = true, strides = array<i32>} : memref<10000xf32, #tpu.memory_space<vmem>>, vector<16xf32>,
        } {sc.loop_unroll_factor = 2 : i64, sc.parallel_access}
      } else {
      }
      %mul3A_105 = arith.constant 4 : i32
      %mul3A_106 = arith.muli %scan3A_54, %mul3A_105 : i32
      %add3A_107 = arith.constant 3 : i32
      %add3A_108 = arith.addi %mul3A_106, %add3A_107 : i32
      %add3A_109 = arith.constant 4 : i32
      %add3A_110 = arith.addi %add3A_108, %add3A_109 : i32
      %sub3A_111 = arith.constant 1 : i32
      %sub3A_112 = arith.subi %add3A_110, %sub3A_111 : i32
      %lt3A_113 = arith.constant 125 : i32
      %lt3A_114 = arith.cmpi slt, %sub3A_112, %lt3A_113 : i32
      %convert_element_type3A_115 = arith.extui %lt3A_114 : i1 to i32
      %cond3A_116 = arith.constant 0 : i32
      %cond3A_117 = arith.cmpi ne, %convert_element_type3A_115, %cond3A_116 : i32
      scf.if %cond3A_117 {
        %mul3A_123 = arith.constant 80 : i32
        %mul3A_124 = arith.muli %sub3A_112, %mul3A_123 : i32
        %dma_start3A_125 = tpu.memref_slice %arg7[%mul3A_124] : memref<10000xi32, #tpu.memory_space<vmem>> -> memref<80xi32, #tpu.memory_space<vmem>>
        %dma_start3A_126 = arith.constant 0 : i32
        %dma_start3A_127 = arith.constant 0 : i32
        %dma_start3A_128 = tpu.memref_slice %arg2[%dma_start3A_126, %dma_start3A_127] : memref<10000x128xf32, #tpu.memory_space<hbm>> -> memref<10000x128xf32, #tpu.memory_space<hbm>>
        tpu.enqueue_indirect_dma source(%dma_start3A_128 : memref<10000x128xf32, #tpu.memory_space<hbm>>) target(%arg11 : memref<80x128xf32, #tpu.memory_space<vmem>>) offsets(%dma_start3A_125 : memref<80xi32, #tpu.memory_space<vmem>>) semaphore(%arg20 : memref<!tpu.dma_semaphore, #tpu.memory_space<semaphore_mem>>)
        %mul3A_129 = arith.constant 80 : i32
        %mul3A_130 = arith.muli %sub3A_112, %mul3A_129 : i32
        %dma_start3A_131 = tpu.memref_slice %arg8[%mul3A_130] : memref<10000xi32, #tpu.memory_space<vmem>> -> memref<80xi32, #tpu.memory_space<vmem>>
        %dma_start3A_132 = arith.constant 0 : i32
        %dma_start3A_133 = arith.constant 0 : i32
        %dma_start3A_134 = tpu.memref_slice %arg3[%dma_start3A_132, %dma_start3A_133] : memref<10000x128xf32, #tpu.memory_space<hbm>> -> memref<10000x128xf32, #tpu.memory_space<hbm>>
        tpu.enqueue_indirect_dma source(%dma_start3A_134 : memref<10000x128xf32, #tpu.memory_space<hbm>>) target(%arg15 : memref<80x128xf32, #tpu.memory_space<vmem>>) offsets(%dma_start3A_131 : memref<80xi32, #tpu.memory_space<vmem>>) semaphore(%arg20 : memref<!tpu.dma_semaphore, #tpu.memory_space<semaphore_mem>>)
      } else {
      }
      %lt3A_118 = arith.constant 125 : i32
      %lt3A_119 = arith.cmpi slt, %add3A_108, %lt3A_118 : i32
      %convert_element_type3A_120 = arith.extui %lt3A_119 : i1 to i32
      %cond3A_121 = arith.constant 0 : i32
      %cond3A_122 = arith.cmpi ne, %convert_element_type3A_120, %cond3A_121 : i32
      scf.if %cond3A_122 {
        %mul3A_123 = arith.constant 80 : i32
        %mul3A_124 = arith.muli %add3A_108, %mul3A_123 : i32
        %dma_wait3A = tpu.memref_slice %arg7[%mul3A_124] : memref<10000xi32, #tpu.memory_space<vmem>> -> memref<80xi32, #tpu.memory_space<vmem>>
        %dma_wait3A_125 = arith.constant 0 : i32
        %dma_wait3A_126 = arith.constant 0 : i32
        %dma_wait3A_127 = tpu.memref_slice %arg2[%dma_wait3A_125, %dma_wait3A_126] : memref<10000x128xf32, #tpu.memory_space<hbm>> -> memref<10000x128xf32, #tpu.memory_space<hbm>>
        tpu.wait_indirect_dma semaphore(%arg21 : memref<!tpu.dma_semaphore, #tpu.memory_space<semaphore_mem>>) src(%dma_wait3A_127 : memref<10000x128xf32, #tpu.memory_space<hbm>>) dst(%arg12 : memref<80x128xf32, #tpu.memory_space<vmem>>)
        %mul3A_128 = arith.constant 80 : i32
        %mul3A_129 = arith.muli %add3A_108, %mul3A_128 : i32
        %dma_wait3A_130 = tpu.memref_slice %arg8[%mul3A_129] : memref<10000xi32, #tpu.memory_space<vmem>> -> memref<80xi32, #tpu.memory_space<vmem>>
        %dma_wait3A_131 = arith.constant 0 : i32
        %dma_wait3A_132 = arith.constant 0 : i32
        %dma_wait3A_133 = tpu.memref_slice %arg3[%dma_wait3A_131, %dma_wait3A_132] : memref<10000x128xf32, #tpu.memory_space<hbm>> -> memref<10000x128xf32, #tpu.memory_space<hbm>>
        tpu.wait_indirect_dma semaphore(%arg21 : memref<!tpu.dma_semaphore, #tpu.memory_space<semaphore_mem>>) src(%dma_wait3A_133 : memref<10000x128xf32, #tpu.memory_space<hbm>>) dst(%arg16 : memref<80x128xf32, #tpu.memory_space<vmem>>)
        %mul3A_134 = arith.constant 80 : i32
        %mul3A_135 = arith.muli %add3A_108, %mul3A_134 : i32
        %parallel_loop3A = arith.constant 0 : i32
        %parallel_loop3A_136 = arith.constant 20 : i32
        %parallel_loop3A_137 = arith.constant 1 : i32
        scf.for %parallel_loop3A_138 = %parallel_loop3A to %parallel_loop3A_136 step %parallel_loop3A_137  : i32 {
          %parallel_loop3A_139 = arith.constant 4 : i32
          %parallel_loop3A_140 = arith.muli %parallel_loop3A_138, %parallel_loop3A_139 : i32
          %parallel_loop3A_141 = arith.constant 16 : i32
          %parallel_loop3A_142 = arith.constant 0 : i32
          %parallel_loop3A_143 = arith.cmpi eq, %parallel_loop3A_141, %parallel_loop3A_142 : i32
          %parallel_loop3A_144 = arith.constant 1 : i32
          %parallel_loop3A_145 = arith.select %parallel_loop3A_143, %parallel_loop3A_144, %parallel_loop3A_141 : i32
          %parallel_loop3A_146 = arith.remsi %parallel_loop3A_140, %parallel_loop3A_145 : i32
          %parallel_loop3A_147 = arith.constant 0 : i32
          %parallel_loop3A_148 = arith.cmpi ne, %parallel_loop3A_146, %parallel_loop3A_147 : i32
          %parallel_loop3A_149 = arith.constant 0 : i32
          %parallel_loop3A_150 = arith.cmpi slt, %parallel_loop3A_146, %parallel_loop3A_149 : i32
          %parallel_loop3A_151 = arith.constant 0 : i32
          %parallel_loop3A_152 = arith.cmpi slt, %parallel_loop3A_145, %parallel_loop3A_151 : i32
          %parallel_loop3A_153 = arith.xori %parallel_loop3A_150, %parallel_loop3A_152 : i1
          %parallel_loop3A_154 = arith.andi %parallel_loop3A_153, %parallel_loop3A_148 : i1
          %parallel_loop3A_155 = arith.addi %parallel_loop3A_146, %parallel_loop3A_145 : i32
          %parallel_loop3A_156 = arith.select %parallel_loop3A_154, %parallel_loop3A_155, %parallel_loop3A_146 : i32
          %parallel_loop3A_157 = arith.constant 0.000000e+00 : f32
          %parallel_loop3A_158 = vector.broadcast %parallel_loop3A_157 : f32 to vector<16xf32>
          %parallel_loop3A_159 = arith.constant 0 : i32
          %parallel_loop3A_160 = arith.addi %parallel_loop3A_140, %parallel_loop3A_159 : i32
          %parallel_loop3A_161 = arith.index_cast %parallel_loop3A_160 : i32 to index
          %parallel_loop3A_162 = arith.constant 0 : index
          %parallel_loop3A_163 = tpu.vector_load %arg12[%parallel_loop3A_161, %parallel_loop3A_162] {strides = array<i32>} : memref<80x128xf32, #tpu.memory_space<vmem>>, vector<1x16xf32>,
          %parallel_loop3A_164 = vector.shape_cast %parallel_loop3A_163 : vector<1x16xf32> to vector<16xf32>
          %parallel_loop3A_165 = arith.index_cast %parallel_loop3A_160 : i32 to index
          %parallel_loop3A_166 = arith.constant 0 : index
          %parallel_loop3A_167 = tpu.vector_load %arg16[%parallel_loop3A_165, %parallel_loop3A_166] {strides = array<i32>} : memref<80x128xf32, #tpu.memory_space<vmem>>, vector<1x16xf32>,
          %parallel_loop3A_168 = vector.shape_cast %parallel_loop3A_167 : vector<1x16xf32> to vector<16xf32>
          %parallel_loop3A_169 = arith.mulf %parallel_loop3A_164, %parallel_loop3A_168 : vector<16xf32>
          %parallel_loop3A_170 = arith.index_cast %parallel_loop3A_160 : i32 to index
          %parallel_loop3A_171 = arith.constant 16 : index
          %parallel_loop3A_172 = tpu.vector_load %arg12[%parallel_loop3A_170, %parallel_loop3A_171] {strides = array<i32>} : memref<80x128xf32, #tpu.memory_space<vmem>>, vector<1x16xf32>,
          %parallel_loop3A_173 = vector.shape_cast %parallel_loop3A_172 : vector<1x16xf32> to vector<16xf32>
          %parallel_loop3A_174 = arith.index_cast %parallel_loop3A_160 : i32 to index
          %parallel_loop3A_175 = arith.constant 16 : index
          %parallel_loop3A_176 = tpu.vector_load %arg16[%parallel_loop3A_174, %parallel_loop3A_175] {strides = array<i32>} : memref<80x128xf32, #tpu.memory_space<vmem>>, vector<1x16xf32>,
          %parallel_loop3A_177 = vector.shape_cast %parallel_loop3A_176 : vector<1x16xf32> to vector<16xf32>
          %parallel_loop3A_178 = arith.mulf %parallel_loop3A_173, %parallel_loop3A_177 : vector<16xf32>
          %parallel_loop3A_179 = arith.index_cast %parallel_loop3A_160 : i32 to index
          %parallel_loop3A_180 = arith.constant 32 : index
          %parallel_loop3A_181 = tpu.vector_load %arg12[%parallel_loop3A_179, %parallel_loop3A_180] {strides = array<i32>} : memref<80x128xf32, #tpu.memory_space<vmem>>, vector<1x16xf32>,
          %parallel_loop3A_182 = vector.shape_cast %parallel_loop3A_181 : vector<1x16xf32> to vector<16xf32>
          %parallel_loop3A_183 = arith.index_cast %parallel_loop3A_160 : i32 to index
          %parallel_loop3A_184 = arith.constant 32 : index
          %parallel_loop3A_185 = tpu.vector_load %arg16[%parallel_loop3A_183, %parallel_loop3A_184] {strides = array<i32>} : memref<80x128xf32, #tpu.memory_space<vmem>>, vector<1x16xf32>,
          %parallel_loop3A_186 = vector.shape_cast %parallel_loop3A_185 : vector<1x16xf32> to vector<16xf32>
          %parallel_loop3A_187 = arith.mulf %parallel_loop3A_182, %parallel_loop3A_186 : vector<16xf32>
          %parallel_loop3A_188 = arith.index_cast %parallel_loop3A_160 : i32 to index
          %parallel_loop3A_189 = arith.constant 48 : index
          %parallel_loop3A_190 = tpu.vector_load %arg12[%parallel_loop3A_188, %parallel_loop3A_189] {strides = array<i32>} : memref<80x128xf32, #tpu.memory_space<vmem>>, vector<1x16xf32>,
          %parallel_loop3A_191 = vector.shape_cast %parallel_loop3A_190 : vector<1x16xf32> to vector<16xf32>
          %parallel_loop3A_192 = arith.index_cast %parallel_loop3A_160 : i32 to index
          %parallel_loop3A_193 = arith.constant 48 : index
          %parallel_loop3A_194 = tpu.vector_load %arg16[%parallel_loop3A_192, %parallel_loop3A_193] {strides = array<i32>} : memref<80x128xf32, #tpu.memory_space<vmem>>, vector<1x16xf32>,
          %parallel_loop3A_195 = vector.shape_cast %parallel_loop3A_194 : vector<1x16xf32> to vector<16xf32>
          %parallel_loop3A_196 = arith.mulf %parallel_loop3A_191, %parallel_loop3A_195 : vector<16xf32>
          %parallel_loop3A_197 = arith.index_cast %parallel_loop3A_160 : i32 to index
          %parallel_loop3A_198 = arith.constant 64 : index
          %parallel_loop3A_199 = tpu.vector_load %arg12[%parallel_loop3A_197, %parallel_loop3A_198] {strides = array<i32>} : memref<80x128xf32, #tpu.memory_space<vmem>>, vector<1x16xf32>,
          %parallel_loop3A_200 = vector.shape_cast %parallel_loop3A_199 : vector<1x16xf32> to vector<16xf32>
          %parallel_loop3A_201 = arith.index_cast %parallel_loop3A_160 : i32 to index
          %parallel_loop3A_202 = arith.constant 64 : index
          %parallel_loop3A_203 = tpu.vector_load %arg16[%parallel_loop3A_201, %parallel_loop3A_202] {strides = array<i32>} : memref<80x128xf32, #tpu.memory_space<vmem>>, vector<1x16xf32>,
          %parallel_loop3A_204 = vector.shape_cast %parallel_loop3A_203 : vector<1x16xf32> to vector<16xf32>
          %parallel_loop3A_205 = arith.mulf %parallel_loop3A_200, %parallel_loop3A_204 : vector<16xf32>
          %parallel_loop3A_206 = arith.index_cast %parallel_loop3A_160 : i32 to index
          %parallel_loop3A_207 = arith.constant 80 : index
          %parallel_loop3A_208 = tpu.vector_load %arg12[%parallel_loop3A_206, %parallel_loop3A_207] {strides = array<i32>} : memref<80x128xf32, #tpu.memory_space<vmem>>, vector<1x16xf32>,
          %parallel_loop3A_209 = vector.shape_cast %parallel_loop3A_208 : vector<1x16xf32> to vector<16xf32>
          %parallel_loop3A_210 = arith.index_cast %parallel_loop3A_160 : i32 to index
          %parallel_loop3A_211 = arith.constant 80 : index
          %parallel_loop3A_212 = tpu.vector_load %arg16[%parallel_loop3A_210, %parallel_loop3A_211] {strides = array<i32>} : memref<80x128xf32, #tpu.memory_space<vmem>>, vector<1x16xf32>,
          %parallel_loop3A_213 = vector.shape_cast %parallel_loop3A_212 : vector<1x16xf32> to vector<16xf32>
          %parallel_loop3A_214 = arith.mulf %parallel_loop3A_209, %parallel_loop3A_213 : vector<16xf32>
          %parallel_loop3A_215 = arith.index_cast %parallel_loop3A_160 : i32 to index
          %parallel_loop3A_216 = arith.constant 96 : index
          %parallel_loop3A_217 = tpu.vector_load %arg12[%parallel_loop3A_215, %parallel_loop3A_216] {strides = array<i32>} : memref<80x128xf32, #tpu.memory_space<vmem>>, vector<1x16xf32>,
          %parallel_loop3A_218 = vector.shape_cast %parallel_loop3A_217 : vector<1x16xf32> to vector<16xf32>
          %parallel_loop3A_219 = arith.index_cast %parallel_loop3A_160 : i32 to index
          %parallel_loop3A_220 = arith.constant 96 : index
          %parallel_loop3A_221 = tpu.vector_load %arg16[%parallel_loop3A_219, %parallel_loop3A_220] {strides = array<i32>} : memref<80x128xf32, #tpu.memory_space<vmem>>, vector<1x16xf32>,
          %parallel_loop3A_222 = vector.shape_cast %parallel_loop3A_221 : vector<1x16xf32> to vector<16xf32>
          %parallel_loop3A_223 = arith.mulf %parallel_loop3A_218, %parallel_loop3A_222 : vector<16xf32>
          %parallel_loop3A_224 = arith.index_cast %parallel_loop3A_160 : i32 to index
          %parallel_loop3A_225 = arith.constant 112 : index
          %parallel_loop3A_226 = tpu.vector_load %arg12[%parallel_loop3A_224, %parallel_loop3A_225] {strides = array<i32>} : memref<80x128xf32, #tpu.memory_space<vmem>>, vector<1x16xf32>,
          %parallel_loop3A_227 = vector.shape_cast %parallel_loop3A_226 : vector<1x16xf32> to vector<16xf32>
          %parallel_loop3A_228 = arith.index_cast %parallel_loop3A_160 : i32 to index
          %parallel_loop3A_229 = arith.constant 112 : index
          %parallel_loop3A_230 = tpu.vector_load %arg16[%parallel_loop3A_228, %parallel_loop3A_229] {strides = array<i32>} : memref<80x128xf32, #tpu.memory_space<vmem>>, vector<1x16xf32>,
          %parallel_loop3A_231 = vector.shape_cast %parallel_loop3A_230 : vector<1x16xf32> to vector<16xf32>
          %parallel_loop3A_232 = arith.mulf %parallel_loop3A_227, %parallel_loop3A_231 : vector<16xf32>
          %parallel_loop3A_233 = arith.addf %parallel_loop3A_169, %parallel_loop3A_178 : vector<16xf32>
          %parallel_loop3A_234 = arith.addf %parallel_loop3A_187, %parallel_loop3A_196 : vector<16xf32>
          %parallel_loop3A_235 = arith.addf %parallel_loop3A_233, %parallel_loop3A_234 : vector<16xf32>
          %parallel_loop3A_236 = arith.addf %parallel_loop3A_205, %parallel_loop3A_214 : vector<16xf32>
          %parallel_loop3A_237 = arith.addf %parallel_loop3A_223, %parallel_loop3A_232 : vector<16xf32>
          %parallel_loop3A_238 = arith.addf %parallel_loop3A_236, %parallel_loop3A_237 : vector<16xf32>
          %parallel_loop3A_239 = arith.addf %parallel_loop3A_235, %parallel_loop3A_238 : vector<16xf32>
          %parallel_loop3A_240 = arith.constant 0 : i32
          %parallel_loop3A_241 = vector.broadcast %parallel_loop3A_240 : i32 to vector<16xi32>
          %parallel_loop3A_242 = arith.cmpi slt, %xor3A_4, %parallel_loop3A_241 : vector<16xi32>
          %parallel_loop3A_243 = arith.constant 16 : i32
          %parallel_loop3A_244 = vector.broadcast %parallel_loop3A_243 : i32 to vector<16xi32>
          %parallel_loop3A_245 = arith.addi %xor3A_4, %parallel_loop3A_244 : vector<16xi32>
          %parallel_loop3A_246 = arith.select %parallel_loop3A_242, %parallel_loop3A_245, %xor3A_4 : vector<16xi1>, vector<16xi32>
          %parallel_loop3A_247 = vector.shape_cast %parallel_loop3A_246 : vector<16xi32> to vector<16x1xi32>
          %parallel_loop3A_248 = vector.shape_cast %parallel_loop3A_247 : vector<16x1xi32> to vector<16xi32>
          %parallel_loop3A_249 = tpu.dynamic_gather %parallel_loop3A_239[%parallel_loop3A_248] in [0] : vector<16xf32>, vector<16xi32> -> vector<16xf32>
          %parallel_loop3A_250 = arith.addf %parallel_loop3A_239, %parallel_loop3A_249 : vector<16xf32>
          %parallel_loop3A_251 = arith.constant 0 : i32
          %parallel_loop3A_252 = vector.broadcast %parallel_loop3A_251 : i32 to vector<16xi32>
          %parallel_loop3A_253 = arith.cmpi slt, %xor3A_7, %parallel_loop3A_252 : vector<16xi32>
          %parallel_loop3A_254 = arith.constant 16 : i32
          %parallel_loop3A_255 = vector.broadcast %parallel_loop3A_254 : i32 to vector<16xi32>
          %parallel_loop3A_256 = arith.addi %xor3A_7, %parallel_loop3A_255 : vector<16xi32>
          %parallel_loop3A_257 = arith.select %parallel_loop3A_253, %parallel_loop3A_256, %xor3A_7 : vector<16xi1>, vector<16xi32>
          %parallel_loop3A_258 = vector.shape_cast %parallel_loop3A_257 : vector<16xi32> to vector<16x1xi32>
          %parallel_loop3A_259 = vector.shape_cast %parallel_loop3A_258 : vector<16x1xi32> to vector<16xi32>
          %parallel_loop3A_260 = tpu.dynamic_gather %parallel_loop3A_250[%parallel_loop3A_259] in [0] : vector<16xf32>, vector<16xi32> -> vector<16xf32>
          %parallel_loop3A_261 = arith.addf %parallel_loop3A_250, %parallel_loop3A_260 : vector<16xf32>
          %parallel_loop3A_262 = arith.constant 0 : i32
          %parallel_loop3A_263 = vector.broadcast %parallel_loop3A_262 : i32 to vector<16xi32>
          %parallel_loop3A_264 = arith.cmpi slt, %xor3A_10, %parallel_loop3A_263 : vector<16xi32>
          %parallel_loop3A_265 = arith.constant 16 : i32
          %parallel_loop3A_266 = vector.broadcast %parallel_loop3A_265 : i32 to vector<16xi32>
          %parallel_loop3A_267 = arith.addi %xor3A_10, %parallel_loop3A_266 : vector<16xi32>
          %parallel_loop3A_268 = arith.select %parallel_loop3A_264, %parallel_loop3A_267, %xor3A_10 : vector<16xi1>, vector<16xi32>
          %parallel_loop3A_269 = vector.shape_cast %parallel_loop3A_268 : vector<16xi32> to vector<16x1xi32>
          %parallel_loop3A_270 = vector.shape_cast %parallel_loop3A_269 : vector<16x1xi32> to vector<16xi32>
          %parallel_loop3A_271 = tpu.dynamic_gather %parallel_loop3A_261[%parallel_loop3A_270] in [0] : vector<16xf32>, vector<16xi32> -> vector<16xf32>
          %parallel_loop3A_272 = arith.addf %parallel_loop3A_261, %parallel_loop3A_271 : vector<16xf32>
          %parallel_loop3A_273 = arith.constant 0 : i32
          %parallel_loop3A_274 = vector.broadcast %parallel_loop3A_273 : i32 to vector<16xi32>
          %parallel_loop3A_275 = arith.cmpi slt, %xor3A_13, %parallel_loop3A_274 : vector<16xi32>
          %parallel_loop3A_276 = arith.constant 16 : i32
          %parallel_loop3A_277 = vector.broadcast %parallel_loop3A_276 : i32 to vector<16xi32>
          %parallel_loop3A_278 = arith.addi %xor3A_13, %parallel_loop3A_277 : vector<16xi32>
          %parallel_loop3A_279 = arith.select %parallel_loop3A_275, %parallel_loop3A_278, %xor3A_13 : vector<16xi1>, vector<16xi32>
          %parallel_loop3A_280 = vector.shape_cast %parallel_loop3A_279 : vector<16xi32> to vector<16x1xi32>
          %parallel_loop3A_281 = vector.shape_cast %parallel_loop3A_280 : vector<16x1xi32> to vector<16xi32>
          %parallel_loop3A_282 = tpu.dynamic_gather %parallel_loop3A_272[%parallel_loop3A_281] in [0] : vector<16xf32>, vector<16xi32> -> vector<16xf32>
          %parallel_loop3A_283 = arith.addf %parallel_loop3A_272, %parallel_loop3A_282 : vector<16xf32>
          %parallel_loop3A_284 = arith.constant 0 : i32
          %parallel_loop3A_285 = arith.addi %parallel_loop3A_156, %parallel_loop3A_284 : i32
          %parallel_loop3A_286 = vector.broadcast %parallel_loop3A_285 : i32 to vector<16xi32>
          %parallel_loop3A_287 = arith.cmpi eq, %iota3A, %parallel_loop3A_286 : vector<16xi32>
          %parallel_loop3A_288 = arith.select %parallel_loop3A_287, %parallel_loop3A_283, %parallel_loop3A_158 : vector<16xi1>, vector<16xf32>
          %parallel_loop3A_289 = arith.constant 1 : i32
          %parallel_loop3A_290 = arith.addi %parallel_loop3A_140, %parallel_loop3A_289 : i32
          %parallel_loop3A_291 = arith.index_cast %parallel_loop3A_290 : i32 to index
          %parallel_loop3A_292 = arith.constant 0 : index
          %parallel_loop3A_293 = tpu.vector_load %arg12[%parallel_loop3A_291, %parallel_loop3A_292] {strides = array<i32>} : memref<80x128xf32, #tpu.memory_space<vmem>>, vector<1x16xf32>,
          %parallel_loop3A_294 = vector.shape_cast %parallel_loop3A_293 : vector<1x16xf32> to vector<16xf32>
          %parallel_loop3A_295 = arith.index_cast %parallel_loop3A_290 : i32 to index
          %parallel_loop3A_296 = arith.constant 0 : index
          %parallel_loop3A_297 = tpu.vector_load %arg16[%parallel_loop3A_295, %parallel_loop3A_296] {strides = array<i32>} : memref<80x128xf32, #tpu.memory_space<vmem>>, vector<1x16xf32>,
          %parallel_loop3A_298 = vector.shape_cast %parallel_loop3A_297 : vector<1x16xf32> to vector<16xf32>
          %parallel_loop3A_299 = arith.mulf %parallel_loop3A_294, %parallel_loop3A_298 : vector<16xf32>
          %parallel_loop3A_300 = arith.index_cast %parallel_loop3A_290 : i32 to index
          %parallel_loop3A_301 = arith.constant 16 : index
          %parallel_loop3A_302 = tpu.vector_load %arg12[%parallel_loop3A_300, %parallel_loop3A_301] {strides = array<i32>} : memref<80x128xf32, #tpu.memory_space<vmem>>, vector<1x16xf32>,
          %parallel_loop3A_303 = vector.shape_cast %parallel_loop3A_302 : vector<1x16xf32> to vector<16xf32>
          %parallel_loop3A_304 = arith.index_cast %parallel_loop3A_290 : i32 to index
          %parallel_loop3A_305 = arith.constant 16 : index
          %parallel_loop3A_306 = tpu.vector_load %arg16[%parallel_loop3A_304, %parallel_loop3A_305] {strides = array<i32>} : memref<80x128xf32, #tpu.memory_space<vmem>>, vector<1x16xf32>,
          %parallel_loop3A_307 = vector.shape_cast %parallel_loop3A_306 : vector<1x16xf32> to vector<16xf32>
          %parallel_loop3A_308 = arith.mulf %parallel_loop3A_303, %parallel_loop3A_307 : vector<16xf32>
          %parallel_loop3A_309 = arith.index_cast %parallel_loop3A_290 : i32 to index
          %parallel_loop3A_310 = arith.constant 32 : index
          %parallel_loop3A_311 = tpu.vector_load %arg12[%parallel_loop3A_309, %parallel_loop3A_310] {strides = array<i32>} : memref<80x128xf32, #tpu.memory_space<vmem>>, vector<1x16xf32>,
          %parallel_loop3A_312 = vector.shape_cast %parallel_loop3A_311 : vector<1x16xf32> to vector<16xf32>
          %parallel_loop3A_313 = arith.index_cast %parallel_loop3A_290 : i32 to index
          %parallel_loop3A_314 = arith.constant 32 : index
          %parallel_loop3A_315 = tpu.vector_load %arg16[%parallel_loop3A_313, %parallel_loop3A_314] {strides = array<i32>} : memref<80x128xf32, #tpu.memory_space<vmem>>, vector<1x16xf32>,
          %parallel_loop3A_316 = vector.shape_cast %parallel_loop3A_315 : vector<1x16xf32> to vector<16xf32>
          %parallel_loop3A_317 = arith.mulf %parallel_loop3A_312, %parallel_loop3A_316 : vector<16xf32>
          %parallel_loop3A_318 = arith.index_cast %parallel_loop3A_290 : i32 to index
          %parallel_loop3A_319 = arith.constant 48 : index
          %parallel_loop3A_320 = tpu.vector_load %arg12[%parallel_loop3A_318, %parallel_loop3A_319] {strides = array<i32>} : memref<80x128xf32, #tpu.memory_space<vmem>>, vector<1x16xf32>,
          %parallel_loop3A_321 = vector.shape_cast %parallel_loop3A_320 : vector<1x16xf32> to vector<16xf32>
          %parallel_loop3A_322 = arith.index_cast %parallel_loop3A_290 : i32 to index
          %parallel_loop3A_323 = arith.constant 48 : index
          %parallel_loop3A_324 = tpu.vector_load %arg16[%parallel_loop3A_322, %parallel_loop3A_323] {strides = array<i32>} : memref<80x128xf32, #tpu.memory_space<vmem>>, vector<1x16xf32>,
          %parallel_loop3A_325 = vector.shape_cast %parallel_loop3A_324 : vector<1x16xf32> to vector<16xf32>
          %parallel_loop3A_326 = arith.mulf %parallel_loop3A_321, %parallel_loop3A_325 : vector<16xf32>
          %parallel_loop3A_327 = arith.index_cast %parallel_loop3A_290 : i32 to index
          %parallel_loop3A_328 = arith.constant 64 : index
          %parallel_loop3A_329 = tpu.vector_load %arg12[%parallel_loop3A_327, %parallel_loop3A_328] {strides = array<i32>} : memref<80x128xf32, #tpu.memory_space<vmem>>, vector<1x16xf32>,
          %parallel_loop3A_330 = vector.shape_cast %parallel_loop3A_329 : vector<1x16xf32> to vector<16xf32>
          %parallel_loop3A_331 = arith.index_cast %parallel_loop3A_290 : i32 to index
          %parallel_loop3A_332 = arith.constant 64 : index
          %parallel_loop3A_333 = tpu.vector_load %arg16[%parallel_loop3A_331, %parallel_loop3A_332] {strides = array<i32>} : memref<80x128xf32, #tpu.memory_space<vmem>>, vector<1x16xf32>,
          %parallel_loop3A_334 = vector.shape_cast %parallel_loop3A_333 : vector<1x16xf32> to vector<16xf32>
          %parallel_loop3A_335 = arith.mulf %parallel_loop3A_330, %parallel_loop3A_334 : vector<16xf32>
          %parallel_loop3A_336 = arith.index_cast %parallel_loop3A_290 : i32 to index
          %parallel_loop3A_337 = arith.constant 80 : index
          %parallel_loop3A_338 = tpu.vector_load %arg12[%parallel_loop3A_336, %parallel_loop3A_337] {strides = array<i32>} : memref<80x128xf32, #tpu.memory_space<vmem>>, vector<1x16xf32>,
          %parallel_loop3A_339 = vector.shape_cast %parallel_loop3A_338 : vector<1x16xf32> to vector<16xf32>
          %parallel_loop3A_340 = arith.index_cast %parallel_loop3A_290 : i32 to index
          %parallel_loop3A_341 = arith.constant 80 : index
          %parallel_loop3A_342 = tpu.vector_load %arg16[%parallel_loop3A_340, %parallel_loop3A_341] {strides = array<i32>} : memref<80x128xf32, #tpu.memory_space<vmem>>, vector<1x16xf32>,
          %parallel_loop3A_343 = vector.shape_cast %parallel_loop3A_342 : vector<1x16xf32> to vector<16xf32>
          %parallel_loop3A_344 = arith.mulf %parallel_loop3A_339, %parallel_loop3A_343 : vector<16xf32>
          %parallel_loop3A_345 = arith.index_cast %parallel_loop3A_290 : i32 to index
          %parallel_loop3A_346 = arith.constant 96 : index
          %parallel_loop3A_347 = tpu.vector_load %arg12[%parallel_loop3A_345, %parallel_loop3A_346] {strides = array<i32>} : memref<80x128xf32, #tpu.memory_space<vmem>>, vector<1x16xf32>,
          %parallel_loop3A_348 = vector.shape_cast %parallel_loop3A_347 : vector<1x16xf32> to vector<16xf32>
          %parallel_loop3A_349 = arith.index_cast %parallel_loop3A_290 : i32 to index
          %parallel_loop3A_350 = arith.constant 96 : index
          %parallel_loop3A_351 = tpu.vector_load %arg16[%parallel_loop3A_349, %parallel_loop3A_350] {strides = array<i32>} : memref<80x128xf32, #tpu.memory_space<vmem>>, vector<1x16xf32>,
          %parallel_loop3A_352 = vector.shape_cast %parallel_loop3A_351 : vector<1x16xf32> to vector<16xf32>
          %parallel_loop3A_353 = arith.mulf %parallel_loop3A_348, %parallel_loop3A_352 : vector<16xf32>
          %parallel_loop3A_354 = arith.index_cast %parallel_loop3A_290 : i32 to index
          %parallel_loop3A_355 = arith.constant 112 : index
          %parallel_loop3A_356 = tpu.vector_load %arg12[%parallel_loop3A_354, %parallel_loop3A_355] {strides = array<i32>} : memref<80x128xf32, #tpu.memory_space<vmem>>, vector<1x16xf32>,
          %parallel_loop3A_357 = vector.shape_cast %parallel_loop3A_356 : vector<1x16xf32> to vector<16xf32>
          %parallel_loop3A_358 = arith.index_cast %parallel_loop3A_290 : i32 to index
          %parallel_loop3A_359 = arith.constant 112 : index
          %parallel_loop3A_360 = tpu.vector_load %arg16[%parallel_loop3A_358, %parallel_loop3A_359] {strides = array<i32>} : memref<80x128xf32, #tpu.memory_space<vmem>>, vector<1x16xf32>,
          %parallel_loop3A_361 = vector.shape_cast %parallel_loop3A_360 : vector<1x16xf32> to vector<16xf32>
          %parallel_loop3A_362 = arith.mulf %parallel_loop3A_357, %parallel_loop3A_361 : vector<16xf32>
          %parallel_loop3A_363 = arith.addf %parallel_loop3A_299, %parallel_loop3A_308 : vector<16xf32>
          %parallel_loop3A_364 = arith.addf %parallel_loop3A_317, %parallel_loop3A_326 : vector<16xf32>
          %parallel_loop3A_365 = arith.addf %parallel_loop3A_363, %parallel_loop3A_364 : vector<16xf32>
          %parallel_loop3A_366 = arith.addf %parallel_loop3A_335, %parallel_loop3A_344 : vector<16xf32>
          %parallel_loop3A_367 = arith.addf %parallel_loop3A_353, %parallel_loop3A_362 : vector<16xf32>
          %parallel_loop3A_368 = arith.addf %parallel_loop3A_366, %parallel_loop3A_367 : vector<16xf32>
          %parallel_loop3A_369 = arith.addf %parallel_loop3A_365, %parallel_loop3A_368 : vector<16xf32>
          %parallel_loop3A_370 = arith.constant 0 : i32
          %parallel_loop3A_371 = vector.broadcast %parallel_loop3A_370 : i32 to vector<16xi32>
          %parallel_loop3A_372 = arith.cmpi slt, %xor3A_4, %parallel_loop3A_371 : vector<16xi32>
          %parallel_loop3A_373 = arith.constant 16 : i32
          %parallel_loop3A_374 = vector.broadcast %parallel_loop3A_373 : i32 to vector<16xi32>
          %parallel_loop3A_375 = arith.addi %xor3A_4, %parallel_loop3A_374 : vector<16xi32>
          %parallel_loop3A_376 = arith.select %parallel_loop3A_372, %parallel_loop3A_375, %xor3A_4 : vector<16xi1>, vector<16xi32>
          %parallel_loop3A_377 = vector.shape_cast %parallel_loop3A_376 : vector<16xi32> to vector<16x1xi32>
          %parallel_loop3A_378 = vector.shape_cast %parallel_loop3A_377 : vector<16x1xi32> to vector<16xi32>
          %parallel_loop3A_379 = tpu.dynamic_gather %parallel_loop3A_369[%parallel_loop3A_378] in [0] : vector<16xf32>, vector<16xi32> -> vector<16xf32>
          %parallel_loop3A_380 = arith.addf %parallel_loop3A_369, %parallel_loop3A_379 : vector<16xf32>
          %parallel_loop3A_381 = arith.constant 0 : i32
          %parallel_loop3A_382 = vector.broadcast %parallel_loop3A_381 : i32 to vector<16xi32>
          %parallel_loop3A_383 = arith.cmpi slt, %xor3A_7, %parallel_loop3A_382 : vector<16xi32>
          %parallel_loop3A_384 = arith.constant 16 : i32
          %parallel_loop3A_385 = vector.broadcast %parallel_loop3A_384 : i32 to vector<16xi32>
          %parallel_loop3A_386 = arith.addi %xor3A_7, %parallel_loop3A_385 : vector<16xi32>
          %parallel_loop3A_387 = arith.select %parallel_loop3A_383, %parallel_loop3A_386, %xor3A_7 : vector<16xi1>, vector<16xi32>
          %parallel_loop3A_388 = vector.shape_cast %parallel_loop3A_387 : vector<16xi32> to vector<16x1xi32>
          %parallel_loop3A_389 = vector.shape_cast %parallel_loop3A_388 : vector<16x1xi32> to vector<16xi32>
          %parallel_loop3A_390 = tpu.dynamic_gather %parallel_loop3A_380[%parallel_loop3A_389] in [0] : vector<16xf32>, vector<16xi32> -> vector<16xf32>
          %parallel_loop3A_391 = arith.addf %parallel_loop3A_380, %parallel_loop3A_390 : vector<16xf32>
          %parallel_loop3A_392 = arith.constant 0 : i32
          %parallel_loop3A_393 = vector.broadcast %parallel_loop3A_392 : i32 to vector<16xi32>
          %parallel_loop3A_394 = arith.cmpi slt, %xor3A_10, %parallel_loop3A_393 : vector<16xi32>
          %parallel_loop3A_395 = arith.constant 16 : i32
          %parallel_loop3A_396 = vector.broadcast %parallel_loop3A_395 : i32 to vector<16xi32>
          %parallel_loop3A_397 = arith.addi %xor3A_10, %parallel_loop3A_396 : vector<16xi32>
          %parallel_loop3A_398 = arith.select %parallel_loop3A_394, %parallel_loop3A_397, %xor3A_10 : vector<16xi1>, vector<16xi32>
          %parallel_loop3A_399 = vector.shape_cast %parallel_loop3A_398 : vector<16xi32> to vector<16x1xi32>
          %parallel_loop3A_400 = vector.shape_cast %parallel_loop3A_399 : vector<16x1xi32> to vector<16xi32>
          %parallel_loop3A_401 = tpu.dynamic_gather %parallel_loop3A_391[%parallel_loop3A_400] in [0] : vector<16xf32>, vector<16xi32> -> vector<16xf32>
          %parallel_loop3A_402 = arith.addf %parallel_loop3A_391, %parallel_loop3A_401 : vector<16xf32>
          %parallel_loop3A_403 = arith.constant 0 : i32
          %parallel_loop3A_404 = vector.broadcast %parallel_loop3A_403 : i32 to vector<16xi32>
          %parallel_loop3A_405 = arith.cmpi slt, %xor3A_13, %parallel_loop3A_404 : vector<16xi32>
          %parallel_loop3A_406 = arith.constant 16 : i32
          %parallel_loop3A_407 = vector.broadcast %parallel_loop3A_406 : i32 to vector<16xi32>
          %parallel_loop3A_408 = arith.addi %xor3A_13, %parallel_loop3A_407 : vector<16xi32>
          %parallel_loop3A_409 = arith.select %parallel_loop3A_405, %parallel_loop3A_408, %xor3A_13 : vector<16xi1>, vector<16xi32>
          %parallel_loop3A_410 = vector.shape_cast %parallel_loop3A_409 : vector<16xi32> to vector<16x1xi32>
          %parallel_loop3A_411 = vector.shape_cast %parallel_loop3A_410 : vector<16x1xi32> to vector<16xi32>
          %parallel_loop3A_412 = tpu.dynamic_gather %parallel_loop3A_402[%parallel_loop3A_411] in [0] : vector<16xf32>, vector<16xi32> -> vector<16xf32>
          %parallel_loop3A_413 = arith.addf %parallel_loop3A_402, %parallel_loop3A_412 : vector<16xf32>
          %parallel_loop3A_414 = arith.constant 1 : i32
          %parallel_loop3A_415 = arith.addi %parallel_loop3A_156, %parallel_loop3A_414 : i32
          %parallel_loop3A_416 = vector.broadcast %parallel_loop3A_415 : i32 to vector<16xi32>
          %parallel_loop3A_417 = arith.cmpi eq, %iota3A, %parallel_loop3A_416 : vector<16xi32>
          %parallel_loop3A_418 = arith.select %parallel_loop3A_417, %parallel_loop3A_413, %parallel_loop3A_288 : vector<16xi1>, vector<16xf32>
          %parallel_loop3A_419 = arith.constant 2 : i32
          %parallel_loop3A_420 = arith.addi %parallel_loop3A_140, %parallel_loop3A_419 : i32
          %parallel_loop3A_421 = arith.index_cast %parallel_loop3A_420 : i32 to index
          %parallel_loop3A_422 = arith.constant 0 : index
          %parallel_loop3A_423 = tpu.vector_load %arg12[%parallel_loop3A_421, %parallel_loop3A_422] {strides = array<i32>} : memref<80x128xf32, #tpu.memory_space<vmem>>, vector<1x16xf32>,
          %parallel_loop3A_424 = vector.shape_cast %parallel_loop3A_423 : vector<1x16xf32> to vector<16xf32>
          %parallel_loop3A_425 = arith.index_cast %parallel_loop3A_420 : i32 to index
          %parallel_loop3A_426 = arith.constant 0 : index
          %parallel_loop3A_427 = tpu.vector_load %arg16[%parallel_loop3A_425, %parallel_loop3A_426] {strides = array<i32>} : memref<80x128xf32, #tpu.memory_space<vmem>>, vector<1x16xf32>,
          %parallel_loop3A_428 = vector.shape_cast %parallel_loop3A_427 : vector<1x16xf32> to vector<16xf32>
          %parallel_loop3A_429 = arith.mulf %parallel_loop3A_424, %parallel_loop3A_428 : vector<16xf32>
          %parallel_loop3A_430 = arith.index_cast %parallel_loop3A_420 : i32 to index
          %parallel_loop3A_431 = arith.constant 16 : index
          %parallel_loop3A_432 = tpu.vector_load %arg12[%parallel_loop3A_430, %parallel_loop3A_431] {strides = array<i32>} : memref<80x128xf32, #tpu.memory_space<vmem>>, vector<1x16xf32>,
          %parallel_loop3A_433 = vector.shape_cast %parallel_loop3A_432 : vector<1x16xf32> to vector<16xf32>
          %parallel_loop3A_434 = arith.index_cast %parallel_loop3A_420 : i32 to index
          %parallel_loop3A_435 = arith.constant 16 : index
          %parallel_loop3A_436 = tpu.vector_load %arg16[%parallel_loop3A_434, %parallel_loop3A_435] {strides = array<i32>} : memref<80x128xf32, #tpu.memory_space<vmem>>, vector<1x16xf32>,
          %parallel_loop3A_437 = vector.shape_cast %parallel_loop3A_436 : vector<1x16xf32> to vector<16xf32>
          %parallel_loop3A_438 = arith.mulf %parallel_loop3A_433, %parallel_loop3A_437 : vector<16xf32>
          %parallel_loop3A_439 = arith.index_cast %parallel_loop3A_420 : i32 to index
          %parallel_loop3A_440 = arith.constant 32 : index
          %parallel_loop3A_441 = tpu.vector_load %arg12[%parallel_loop3A_439, %parallel_loop3A_440] {strides = array<i32>} : memref<80x128xf32, #tpu.memory_space<vmem>>, vector<1x16xf32>,
          %parallel_loop3A_442 = vector.shape_cast %parallel_loop3A_441 : vector<1x16xf32> to vector<16xf32>
          %parallel_loop3A_443 = arith.index_cast %parallel_loop3A_420 : i32 to index
          %parallel_loop3A_444 = arith.constant 32 : index
          %parallel_loop3A_445 = tpu.vector_load %arg16[%parallel_loop3A_443, %parallel_loop3A_444] {strides = array<i32>} : memref<80x128xf32, #tpu.memory_space<vmem>>, vector<1x16xf32>,
          %parallel_loop3A_446 = vector.shape_cast %parallel_loop3A_445 : vector<1x16xf32> to vector<16xf32>
          %parallel_loop3A_447 = arith.mulf %parallel_loop3A_442, %parallel_loop3A_446 : vector<16xf32>
          %parallel_loop3A_448 = arith.index_cast %parallel_loop3A_420 : i32 to index
          %parallel_loop3A_449 = arith.constant 48 : index
          %parallel_loop3A_450 = tpu.vector_load %arg12[%parallel_loop3A_448, %parallel_loop3A_449] {strides = array<i32>} : memref<80x128xf32, #tpu.memory_space<vmem>>, vector<1x16xf32>,
          %parallel_loop3A_451 = vector.shape_cast %parallel_loop3A_450 : vector<1x16xf32> to vector<16xf32>
          %parallel_loop3A_452 = arith.index_cast %parallel_loop3A_420 : i32 to index
          %parallel_loop3A_453 = arith.constant 48 : index
          %parallel_loop3A_454 = tpu.vector_load %arg16[%parallel_loop3A_452, %parallel_loop3A_453] {strides = array<i32>} : memref<80x128xf32, #tpu.memory_space<vmem>>, vector<1x16xf32>,
          %parallel_loop3A_455 = vector.shape_cast %parallel_loop3A_454 : vector<1x16xf32> to vector<16xf32>
          %parallel_loop3A_456 = arith.mulf %parallel_loop3A_451, %parallel_loop3A_455 : vector<16xf32>
          %parallel_loop3A_457 = arith.index_cast %parallel_loop3A_420 : i32 to index
          %parallel_loop3A_458 = arith.constant 64 : index
          %parallel_loop3A_459 = tpu.vector_load %arg12[%parallel_loop3A_457, %parallel_loop3A_458] {strides = array<i32>} : memref<80x128xf32, #tpu.memory_space<vmem>>, vector<1x16xf32>,
          %parallel_loop3A_460 = vector.shape_cast %parallel_loop3A_459 : vector<1x16xf32> to vector<16xf32>
          %parallel_loop3A_461 = arith.index_cast %parallel_loop3A_420 : i32 to index
          %parallel_loop3A_462 = arith.constant 64 : index
          %parallel_loop3A_463 = tpu.vector_load %arg16[%parallel_loop3A_461, %parallel_loop3A_462] {strides = array<i32>} : memref<80x128xf32, #tpu.memory_space<vmem>>, vector<1x16xf32>,
          %parallel_loop3A_464 = vector.shape_cast %parallel_loop3A_463 : vector<1x16xf32> to vector<16xf32>
          %parallel_loop3A_465 = arith.mulf %parallel_loop3A_460, %parallel_loop3A_464 : vector<16xf32>
          %parallel_loop3A_466 = arith.index_cast %parallel_loop3A_420 : i32 to index
          %parallel_loop3A_467 = arith.constant 80 : index
          %parallel_loop3A_468 = tpu.vector_load %arg12[%parallel_loop3A_466, %parallel_loop3A_467] {strides = array<i32>} : memref<80x128xf32, #tpu.memory_space<vmem>>, vector<1x16xf32>,
          %parallel_loop3A_469 = vector.shape_cast %parallel_loop3A_468 : vector<1x16xf32> to vector<16xf32>
          %parallel_loop3A_470 = arith.index_cast %parallel_loop3A_420 : i32 to index
          %parallel_loop3A_471 = arith.constant 80 : index
          %parallel_loop3A_472 = tpu.vector_load %arg16[%parallel_loop3A_470, %parallel_loop3A_471] {strides = array<i32>} : memref<80x128xf32, #tpu.memory_space<vmem>>, vector<1x16xf32>,
          %parallel_loop3A_473 = vector.shape_cast %parallel_loop3A_472 : vector<1x16xf32> to vector<16xf32>
          %parallel_loop3A_474 = arith.mulf %parallel_loop3A_469, %parallel_loop3A_473 : vector<16xf32>
          %parallel_loop3A_475 = arith.index_cast %parallel_loop3A_420 : i32 to index
          %parallel_loop3A_476 = arith.constant 96 : index
          %parallel_loop3A_477 = tpu.vector_load %arg12[%parallel_loop3A_475, %parallel_loop3A_476] {strides = array<i32>} : memref<80x128xf32, #tpu.memory_space<vmem>>, vector<1x16xf32>,
          %parallel_loop3A_478 = vector.shape_cast %parallel_loop3A_477 : vector<1x16xf32> to vector<16xf32>
          %parallel_loop3A_479 = arith.index_cast %parallel_loop3A_420 : i32 to index
          %parallel_loop3A_480 = arith.constant 96 : index
          %parallel_loop3A_481 = tpu.vector_load %arg16[%parallel_loop3A_479, %parallel_loop3A_480] {strides = array<i32>} : memref<80x128xf32, #tpu.memory_space<vmem>>, vector<1x16xf32>,
          %parallel_loop3A_482 = vector.shape_cast %parallel_loop3A_481 : vector<1x16xf32> to vector<16xf32>
          %parallel_loop3A_483 = arith.mulf %parallel_loop3A_478, %parallel_loop3A_482 : vector<16xf32>
          %parallel_loop3A_484 = arith.index_cast %parallel_loop3A_420 : i32 to index
          %parallel_loop3A_485 = arith.constant 112 : index
          %parallel_loop3A_486 = tpu.vector_load %arg12[%parallel_loop3A_484, %parallel_loop3A_485] {strides = array<i32>} : memref<80x128xf32, #tpu.memory_space<vmem>>, vector<1x16xf32>,
          %parallel_loop3A_487 = vector.shape_cast %parallel_loop3A_486 : vector<1x16xf32> to vector<16xf32>
          %parallel_loop3A_488 = arith.index_cast %parallel_loop3A_420 : i32 to index
          %parallel_loop3A_489 = arith.constant 112 : index
          %parallel_loop3A_490 = tpu.vector_load %arg16[%parallel_loop3A_488, %parallel_loop3A_489] {strides = array<i32>} : memref<80x128xf32, #tpu.memory_space<vmem>>, vector<1x16xf32>,
          %parallel_loop3A_491 = vector.shape_cast %parallel_loop3A_490 : vector<1x16xf32> to vector<16xf32>
          %parallel_loop3A_492 = arith.mulf %parallel_loop3A_487, %parallel_loop3A_491 : vector<16xf32>
          %parallel_loop3A_493 = arith.addf %parallel_loop3A_429, %parallel_loop3A_438 : vector<16xf32>
          %parallel_loop3A_494 = arith.addf %parallel_loop3A_447, %parallel_loop3A_456 : vector<16xf32>
          %parallel_loop3A_495 = arith.addf %parallel_loop3A_493, %parallel_loop3A_494 : vector<16xf32>
          %parallel_loop3A_496 = arith.addf %parallel_loop3A_465, %parallel_loop3A_474 : vector<16xf32>
          %parallel_loop3A_497 = arith.addf %parallel_loop3A_483, %parallel_loop3A_492 : vector<16xf32>
          %parallel_loop3A_498 = arith.addf %parallel_loop3A_496, %parallel_loop3A_497 : vector<16xf32>
          %parallel_loop3A_499 = arith.addf %parallel_loop3A_495, %parallel_loop3A_498 : vector<16xf32>
          %parallel_loop3A_500 = arith.constant 0 : i32
          %parallel_loop3A_501 = vector.broadcast %parallel_loop3A_500 : i32 to vector<16xi32>
          %parallel_loop3A_502 = arith.cmpi slt, %xor3A_4, %parallel_loop3A_501 : vector<16xi32>
          %parallel_loop3A_503 = arith.constant 16 : i32
          %parallel_loop3A_504 = vector.broadcast %parallel_loop3A_503 : i32 to vector<16xi32>
          %parallel_loop3A_505 = arith.addi %xor3A_4, %parallel_loop3A_504 : vector<16xi32>
          %parallel_loop3A_506 = arith.select %parallel_loop3A_502, %parallel_loop3A_505, %xor3A_4 : vector<16xi1>, vector<16xi32>
          %parallel_loop3A_507 = vector.shape_cast %parallel_loop3A_506 : vector<16xi32> to vector<16x1xi32>
          %parallel_loop3A_508 = vector.shape_cast %parallel_loop3A_507 : vector<16x1xi32> to vector<16xi32>
          %parallel_loop3A_509 = tpu.dynamic_gather %parallel_loop3A_499[%parallel_loop3A_508] in [0] : vector<16xf32>, vector<16xi32> -> vector<16xf32>
          %parallel_loop3A_510 = arith.addf %parallel_loop3A_499, %parallel_loop3A_509 : vector<16xf32>
          %parallel_loop3A_511 = arith.constant 0 : i32
          %parallel_loop3A_512 = vector.broadcast %parallel_loop3A_511 : i32 to vector<16xi32>
          %parallel_loop3A_513 = arith.cmpi slt, %xor3A_7, %parallel_loop3A_512 : vector<16xi32>
          %parallel_loop3A_514 = arith.constant 16 : i32
          %parallel_loop3A_515 = vector.broadcast %parallel_loop3A_514 : i32 to vector<16xi32>
          %parallel_loop3A_516 = arith.addi %xor3A_7, %parallel_loop3A_515 : vector<16xi32>
          %parallel_loop3A_517 = arith.select %parallel_loop3A_513, %parallel_loop3A_516, %xor3A_7 : vector<16xi1>, vector<16xi32>
          %parallel_loop3A_518 = vector.shape_cast %parallel_loop3A_517 : vector<16xi32> to vector<16x1xi32>
          %parallel_loop3A_519 = vector.shape_cast %parallel_loop3A_518 : vector<16x1xi32> to vector<16xi32>
          %parallel_loop3A_520 = tpu.dynamic_gather %parallel_loop3A_510[%parallel_loop3A_519] in [0] : vector<16xf32>, vector<16xi32> -> vector<16xf32>
          %parallel_loop3A_521 = arith.addf %parallel_loop3A_510, %parallel_loop3A_520 : vector<16xf32>
          %parallel_loop3A_522 = arith.constant 0 : i32
          %parallel_loop3A_523 = vector.broadcast %parallel_loop3A_522 : i32 to vector<16xi32>
          %parallel_loop3A_524 = arith.cmpi slt, %xor3A_10, %parallel_loop3A_523 : vector<16xi32>
          %parallel_loop3A_525 = arith.constant 16 : i32
          %parallel_loop3A_526 = vector.broadcast %parallel_loop3A_525 : i32 to vector<16xi32>
          %parallel_loop3A_527 = arith.addi %xor3A_10, %parallel_loop3A_526 : vector<16xi32>
          %parallel_loop3A_528 = arith.select %parallel_loop3A_524, %parallel_loop3A_527, %xor3A_10 : vector<16xi1>, vector<16xi32>
          %parallel_loop3A_529 = vector.shape_cast %parallel_loop3A_528 : vector<16xi32> to vector<16x1xi32>
          %parallel_loop3A_530 = vector.shape_cast %parallel_loop3A_529 : vector<16x1xi32> to vector<16xi32>
          %parallel_loop3A_531 = tpu.dynamic_gather %parallel_loop3A_521[%parallel_loop3A_530] in [0] : vector<16xf32>, vector<16xi32> -> vector<16xf32>
          %parallel_loop3A_532 = arith.addf %parallel_loop3A_521, %parallel_loop3A_531 : vector<16xf32>
          %parallel_loop3A_533 = arith.constant 0 : i32
          %parallel_loop3A_534 = vector.broadcast %parallel_loop3A_533 : i32 to vector<16xi32>
          %parallel_loop3A_535 = arith.cmpi slt, %xor3A_13, %parallel_loop3A_534 : vector<16xi32>
          %parallel_loop3A_536 = arith.constant 16 : i32
          %parallel_loop3A_537 = vector.broadcast %parallel_loop3A_536 : i32 to vector<16xi32>
          %parallel_loop3A_538 = arith.addi %xor3A_13, %parallel_loop3A_537 : vector<16xi32>
          %parallel_loop3A_539 = arith.select %parallel_loop3A_535, %parallel_loop3A_538, %xor3A_13 : vector<16xi1>, vector<16xi32>
          %parallel_loop3A_540 = vector.shape_cast %parallel_loop3A_539 : vector<16xi32> to vector<16x1xi32>
          %parallel_loop3A_541 = vector.shape_cast %parallel_loop3A_540 : vector<16x1xi32> to vector<16xi32>
          %parallel_loop3A_542 = tpu.dynamic_gather %parallel_loop3A_532[%parallel_loop3A_541] in [0] : vector<16xf32>, vector<16xi32> -> vector<16xf32>
          %parallel_loop3A_543 = arith.addf %parallel_loop3A_532, %parallel_loop3A_542 : vector<16xf32>
          %parallel_loop3A_544 = arith.constant 2 : i32
          %parallel_loop3A_545 = arith.addi %parallel_loop3A_156, %parallel_loop3A_544 : i32
          %parallel_loop3A_546 = vector.broadcast %parallel_loop3A_545 : i32 to vector<16xi32>
          %parallel_loop3A_547 = arith.cmpi eq, %iota3A, %parallel_loop3A_546 : vector<16xi32>
          %parallel_loop3A_548 = arith.select %parallel_loop3A_547, %parallel_loop3A_543, %parallel_loop3A_418 : vector<16xi1>, vector<16xf32>
          %parallel_loop3A_549 = arith.constant 3 : i32
          %parallel_loop3A_550 = arith.addi %parallel_loop3A_140, %parallel_loop3A_549 : i32
          %parallel_loop3A_551 = arith.index_cast %parallel_loop3A_550 : i32 to index
          %parallel_loop3A_552 = arith.constant 0 : index
          %parallel_loop3A_553 = tpu.vector_load %arg12[%parallel_loop3A_551, %parallel_loop3A_552] {strides = array<i32>} : memref<80x128xf32, #tpu.memory_space<vmem>>, vector<1x16xf32>,
          %parallel_loop3A_554 = vector.shape_cast %parallel_loop3A_553 : vector<1x16xf32> to vector<16xf32>
          %parallel_loop3A_555 = arith.index_cast %parallel_loop3A_550 : i32 to index
          %parallel_loop3A_556 = arith.constant 0 : index
          %parallel_loop3A_557 = tpu.vector_load %arg16[%parallel_loop3A_555, %parallel_loop3A_556] {strides = array<i32>} : memref<80x128xf32, #tpu.memory_space<vmem>>, vector<1x16xf32>,
          %parallel_loop3A_558 = vector.shape_cast %parallel_loop3A_557 : vector<1x16xf32> to vector<16xf32>
          %parallel_loop3A_559 = arith.mulf %parallel_loop3A_554, %parallel_loop3A_558 : vector<16xf32>
          %parallel_loop3A_560 = arith.index_cast %parallel_loop3A_550 : i32 to index
          %parallel_loop3A_561 = arith.constant 16 : index
          %parallel_loop3A_562 = tpu.vector_load %arg12[%parallel_loop3A_560, %parallel_loop3A_561] {strides = array<i32>} : memref<80x128xf32, #tpu.memory_space<vmem>>, vector<1x16xf32>,
          %parallel_loop3A_563 = vector.shape_cast %parallel_loop3A_562 : vector<1x16xf32> to vector<16xf32>
          %parallel_loop3A_564 = arith.index_cast %parallel_loop3A_550 : i32 to index
          %parallel_loop3A_565 = arith.constant 16 : index
          %parallel_loop3A_566 = tpu.vector_load %arg16[%parallel_loop3A_564, %parallel_loop3A_565] {strides = array<i32>} : memref<80x128xf32, #tpu.memory_space<vmem>>, vector<1x16xf32>,
          %parallel_loop3A_567 = vector.shape_cast %parallel_loop3A_566 : vector<1x16xf32> to vector<16xf32>
          %parallel_loop3A_568 = arith.mulf %parallel_loop3A_563, %parallel_loop3A_567 : vector<16xf32>
          %parallel_loop3A_569 = arith.index_cast %parallel_loop3A_550 : i32 to index
          %parallel_loop3A_570 = arith.constant 32 : index
          %parallel_loop3A_571 = tpu.vector_load %arg12[%parallel_loop3A_569, %parallel_loop3A_570] {strides = array<i32>} : memref<80x128xf32, #tpu.memory_space<vmem>>, vector<1x16xf32>,
          %parallel_loop3A_572 = vector.shape_cast %parallel_loop3A_571 : vector<1x16xf32> to vector<16xf32>
          %parallel_loop3A_573 = arith.index_cast %parallel_loop3A_550 : i32 to index
          %parallel_loop3A_574 = arith.constant 32 : index
          %parallel_loop3A_575 = tpu.vector_load %arg16[%parallel_loop3A_573, %parallel_loop3A_574] {strides = array<i32>} : memref<80x128xf32, #tpu.memory_space<vmem>>, vector<1x16xf32>,
          %parallel_loop3A_576 = vector.shape_cast %parallel_loop3A_575 : vector<1x16xf32> to vector<16xf32>
          %parallel_loop3A_577 = arith.mulf %parallel_loop3A_572, %parallel_loop3A_576 : vector<16xf32>
          %parallel_loop3A_578 = arith.index_cast %parallel_loop3A_550 : i32 to index
          %parallel_loop3A_579 = arith.constant 48 : index
          %parallel_loop3A_580 = tpu.vector_load %arg12[%parallel_loop3A_578, %parallel_loop3A_579] {strides = array<i32>} : memref<80x128xf32, #tpu.memory_space<vmem>>, vector<1x16xf32>,
          %parallel_loop3A_581 = vector.shape_cast %parallel_loop3A_580 : vector<1x16xf32> to vector<16xf32>
          %parallel_loop3A_582 = arith.index_cast %parallel_loop3A_550 : i32 to index
          %parallel_loop3A_583 = arith.constant 48 : index
          %parallel_loop3A_584 = tpu.vector_load %arg16[%parallel_loop3A_582, %parallel_loop3A_583] {strides = array<i32>} : memref<80x128xf32, #tpu.memory_space<vmem>>, vector<1x16xf32>,
          %parallel_loop3A_585 = vector.shape_cast %parallel_loop3A_584 : vector<1x16xf32> to vector<16xf32>
          %parallel_loop3A_586 = arith.mulf %parallel_loop3A_581, %parallel_loop3A_585 : vector<16xf32>
          %parallel_loop3A_587 = arith.index_cast %parallel_loop3A_550 : i32 to index
          %parallel_loop3A_588 = arith.constant 64 : index
          %parallel_loop3A_589 = tpu.vector_load %arg12[%parallel_loop3A_587, %parallel_loop3A_588] {strides = array<i32>} : memref<80x128xf32, #tpu.memory_space<vmem>>, vector<1x16xf32>,
          %parallel_loop3A_590 = vector.shape_cast %parallel_loop3A_589 : vector<1x16xf32> to vector<16xf32>
          %parallel_loop3A_591 = arith.index_cast %parallel_loop3A_550 : i32 to index
          %parallel_loop3A_592 = arith.constant 64 : index
          %parallel_loop3A_593 = tpu.vector_load %arg16[%parallel_loop3A_591, %parallel_loop3A_592] {strides = array<i32>} : memref<80x128xf32, #tpu.memory_space<vmem>>, vector<1x16xf32>,
          %parallel_loop3A_594 = vector.shape_cast %parallel_loop3A_593 : vector<1x16xf32> to vector<16xf32>
          %parallel_loop3A_595 = arith.mulf %parallel_loop3A_590, %parallel_loop3A_594 : vector<16xf32>
          %parallel_loop3A_596 = arith.index_cast %parallel_loop3A_550 : i32 to index
          %parallel_loop3A_597 = arith.constant 80 : index
          %parallel_loop3A_598 = tpu.vector_load %arg12[%parallel_loop3A_596, %parallel_loop3A_597] {strides = array<i32>} : memref<80x128xf32, #tpu.memory_space<vmem>>, vector<1x16xf32>,
          %parallel_loop3A_599 = vector.shape_cast %parallel_loop3A_598 : vector<1x16xf32> to vector<16xf32>
          %parallel_loop3A_600 = arith.index_cast %parallel_loop3A_550 : i32 to index
          %parallel_loop3A_601 = arith.constant 80 : index
          %parallel_loop3A_602 = tpu.vector_load %arg16[%parallel_loop3A_600, %parallel_loop3A_601] {strides = array<i32>} : memref<80x128xf32, #tpu.memory_space<vmem>>, vector<1x16xf32>,
          %parallel_loop3A_603 = vector.shape_cast %parallel_loop3A_602 : vector<1x16xf32> to vector<16xf32>
          %parallel_loop3A_604 = arith.mulf %parallel_loop3A_599, %parallel_loop3A_603 : vector<16xf32>
          %parallel_loop3A_605 = arith.index_cast %parallel_loop3A_550 : i32 to index
          %parallel_loop3A_606 = arith.constant 96 : index
          %parallel_loop3A_607 = tpu.vector_load %arg12[%parallel_loop3A_605, %parallel_loop3A_606] {strides = array<i32>} : memref<80x128xf32, #tpu.memory_space<vmem>>, vector<1x16xf32>,
          %parallel_loop3A_608 = vector.shape_cast %parallel_loop3A_607 : vector<1x16xf32> to vector<16xf32>
          %parallel_loop3A_609 = arith.index_cast %parallel_loop3A_550 : i32 to index
          %parallel_loop3A_610 = arith.constant 96 : index
          %parallel_loop3A_611 = tpu.vector_load %arg16[%parallel_loop3A_609, %parallel_loop3A_610] {strides = array<i32>} : memref<80x128xf32, #tpu.memory_space<vmem>>, vector<1x16xf32>,
          %parallel_loop3A_612 = vector.shape_cast %parallel_loop3A_611 : vector<1x16xf32> to vector<16xf32>
          %parallel_loop3A_613 = arith.mulf %parallel_loop3A_608, %parallel_loop3A_612 : vector<16xf32>
          %parallel_loop3A_614 = arith.index_cast %parallel_loop3A_550 : i32 to index
          %parallel_loop3A_615 = arith.constant 112 : index
          %parallel_loop3A_616 = tpu.vector_load %arg12[%parallel_loop3A_614, %parallel_loop3A_615] {strides = array<i32>} : memref<80x128xf32, #tpu.memory_space<vmem>>, vector<1x16xf32>,
          %parallel_loop3A_617 = vector.shape_cast %parallel_loop3A_616 : vector<1x16xf32> to vector<16xf32>
          %parallel_loop3A_618 = arith.index_cast %parallel_loop3A_550 : i32 to index
          %parallel_loop3A_619 = arith.constant 112 : index
          %parallel_loop3A_620 = tpu.vector_load %arg16[%parallel_loop3A_618, %parallel_loop3A_619] {strides = array<i32>} : memref<80x128xf32, #tpu.memory_space<vmem>>, vector<1x16xf32>,
          %parallel_loop3A_621 = vector.shape_cast %parallel_loop3A_620 : vector<1x16xf32> to vector<16xf32>
          %parallel_loop3A_622 = arith.mulf %parallel_loop3A_617, %parallel_loop3A_621 : vector<16xf32>
          %parallel_loop3A_623 = arith.addf %parallel_loop3A_559, %parallel_loop3A_568 : vector<16xf32>
          %parallel_loop3A_624 = arith.addf %parallel_loop3A_577, %parallel_loop3A_586 : vector<16xf32>
          %parallel_loop3A_625 = arith.addf %parallel_loop3A_623, %parallel_loop3A_624 : vector<16xf32>
          %parallel_loop3A_626 = arith.addf %parallel_loop3A_595, %parallel_loop3A_604 : vector<16xf32>
          %parallel_loop3A_627 = arith.addf %parallel_loop3A_613, %parallel_loop3A_622 : vector<16xf32>
          %parallel_loop3A_628 = arith.addf %parallel_loop3A_626, %parallel_loop3A_627 : vector<16xf32>
          %parallel_loop3A_629 = arith.addf %parallel_loop3A_625, %parallel_loop3A_628 : vector<16xf32>
          %parallel_loop3A_630 = arith.constant 0 : i32
          %parallel_loop3A_631 = vector.broadcast %parallel_loop3A_630 : i32 to vector<16xi32>
          %parallel_loop3A_632 = arith.cmpi slt, %xor3A_4, %parallel_loop3A_631 : vector<16xi32>
          %parallel_loop3A_633 = arith.constant 16 : i32
          %parallel_loop3A_634 = vector.broadcast %parallel_loop3A_633 : i32 to vector<16xi32>
          %parallel_loop3A_635 = arith.addi %xor3A_4, %parallel_loop3A_634 : vector<16xi32>
          %parallel_loop3A_636 = arith.select %parallel_loop3A_632, %parallel_loop3A_635, %xor3A_4 : vector<16xi1>, vector<16xi32>
          %parallel_loop3A_637 = vector.shape_cast %parallel_loop3A_636 : vector<16xi32> to vector<16x1xi32>
          %parallel_loop3A_638 = vector.shape_cast %parallel_loop3A_637 : vector<16x1xi32> to vector<16xi32>
          %parallel_loop3A_639 = tpu.dynamic_gather %parallel_loop3A_629[%parallel_loop3A_638] in [0] : vector<16xf32>, vector<16xi32> -> vector<16xf32>
          %parallel_loop3A_640 = arith.addf %parallel_loop3A_629, %parallel_loop3A_639 : vector<16xf32>
          %parallel_loop3A_641 = arith.constant 0 : i32
          %parallel_loop3A_642 = vector.broadcast %parallel_loop3A_641 : i32 to vector<16xi32>
          %parallel_loop3A_643 = arith.cmpi slt, %xor3A_7, %parallel_loop3A_642 : vector<16xi32>
          %parallel_loop3A_644 = arith.constant 16 : i32
          %parallel_loop3A_645 = vector.broadcast %parallel_loop3A_644 : i32 to vector<16xi32>
          %parallel_loop3A_646 = arith.addi %xor3A_7, %parallel_loop3A_645 : vector<16xi32>
          %parallel_loop3A_647 = arith.select %parallel_loop3A_643, %parallel_loop3A_646, %xor3A_7 : vector<16xi1>, vector<16xi32>
          %parallel_loop3A_648 = vector.shape_cast %parallel_loop3A_647 : vector<16xi32> to vector<16x1xi32>
          %parallel_loop3A_649 = vector.shape_cast %parallel_loop3A_648 : vector<16x1xi32> to vector<16xi32>
          %parallel_loop3A_650 = tpu.dynamic_gather %parallel_loop3A_640[%parallel_loop3A_649] in [0] : vector<16xf32>, vector<16xi32> -> vector<16xf32>
          %parallel_loop3A_651 = arith.addf %parallel_loop3A_640, %parallel_loop3A_650 : vector<16xf32>
          %parallel_loop3A_652 = arith.constant 0 : i32
          %parallel_loop3A_653 = vector.broadcast %parallel_loop3A_652 : i32 to vector<16xi32>
          %parallel_loop3A_654 = arith.cmpi slt, %xor3A_10, %parallel_loop3A_653 : vector<16xi32>
          %parallel_loop3A_655 = arith.constant 16 : i32
          %parallel_loop3A_656 = vector.broadcast %parallel_loop3A_655 : i32 to vector<16xi32>
          %parallel_loop3A_657 = arith.addi %xor3A_10, %parallel_loop3A_656 : vector<16xi32>
          %parallel_loop3A_658 = arith.select %parallel_loop3A_654, %parallel_loop3A_657, %xor3A_10 : vector<16xi1>, vector<16xi32>
          %parallel_loop3A_659 = vector.shape_cast %parallel_loop3A_658 : vector<16xi32> to vector<16x1xi32>
          %parallel_loop3A_660 = vector.shape_cast %parallel_loop3A_659 : vector<16x1xi32> to vector<16xi32>
          %parallel_loop3A_661 = tpu.dynamic_gather %parallel_loop3A_651[%parallel_loop3A_660] in [0] : vector<16xf32>, vector<16xi32> -> vector<16xf32>
          %parallel_loop3A_662 = arith.addf %parallel_loop3A_651, %parallel_loop3A_661 : vector<16xf32>
          %parallel_loop3A_663 = arith.constant 0 : i32
          %parallel_loop3A_664 = vector.broadcast %parallel_loop3A_663 : i32 to vector<16xi32>
          %parallel_loop3A_665 = arith.cmpi slt, %xor3A_13, %parallel_loop3A_664 : vector<16xi32>
          %parallel_loop3A_666 = arith.constant 16 : i32
          %parallel_loop3A_667 = vector.broadcast %parallel_loop3A_666 : i32 to vector<16xi32>
          %parallel_loop3A_668 = arith.addi %xor3A_13, %parallel_loop3A_667 : vector<16xi32>
          %parallel_loop3A_669 = arith.select %parallel_loop3A_665, %parallel_loop3A_668, %xor3A_13 : vector<16xi1>, vector<16xi32>
          %parallel_loop3A_670 = vector.shape_cast %parallel_loop3A_669 : vector<16xi32> to vector<16x1xi32>
          %parallel_loop3A_671 = vector.shape_cast %parallel_loop3A_670 : vector<16x1xi32> to vector<16xi32>
          %parallel_loop3A_672 = tpu.dynamic_gather %parallel_loop3A_662[%parallel_loop3A_671] in [0] : vector<16xf32>, vector<16xi32> -> vector<16xf32>
          %parallel_loop3A_673 = arith.addf %parallel_loop3A_662, %parallel_loop3A_672 : vector<16xf32>
          %parallel_loop3A_674 = arith.constant 3 : i32
          %parallel_loop3A_675 = arith.addi %parallel_loop3A_156, %parallel_loop3A_674 : i32
          %parallel_loop3A_676 = vector.broadcast %parallel_loop3A_675 : i32 to vector<16xi32>
          %parallel_loop3A_677 = arith.cmpi eq, %iota3A, %parallel_loop3A_676 : vector<16xi32>
          %parallel_loop3A_678 = arith.select %parallel_loop3A_677, %parallel_loop3A_673, %parallel_loop3A_548 : vector<16xi1>, vector<16xf32>
          %parallel_loop3A_679 = arith.addi %mul3A_135, %parallel_loop3A_140 : i32
          %parallel_loop3A_680 = arith.subi %parallel_loop3A_679, %parallel_loop3A_156 : i32
          %parallel_loop3A_681 = arith.index_cast %parallel_loop3A_680 : i32 to index
          %parallel_loop3A_682 = tpu.vector_load %arg17[%parallel_loop3A_681] {strides = array<i32>} : memref<10000xf32, #tpu.memory_space<vmem>>, vector<16xf32>,
          %parallel_loop3A_683 = vector.shape_cast %parallel_loop3A_682 : vector<16xf32> to vector<16xf32>
          %parallel_loop3A_684 = vector.shape_cast %parallel_loop3A_678 : vector<16xf32> to vector<16xf32>
          tpu.vector_store %arg17[%parallel_loop3A_681], %parallel_loop3A_684 {add = true, strides = array<i32>} : memref<10000xf32, #tpu.memory_space<vmem>>, vector<16xf32>,
        } {sc.loop_unroll_factor = 2 : i64, sc.parallel_access}
      } else {
      }
    }
    %scan3A_53 = arith.constant 32 : i32
    "tpu.region"() ({
      %run_scoped3A = tpu.sem_alloc : memref<!tpu.dma_semaphore, #tpu.memory_space<semaphore_mem>>
      %dma_start3A_54 = tpu.memref_slice %arg6[%mul3A_2] : memref<320000xf32, #tpu.memory_space<hbm>> -> memref<10000xf32, #tpu.memory_space<hbm>>
      %dma_start3A_55 = tpu.memref_slice %arg6[%mul3A_2] : memref<320000xf32, #tpu.memory_space<hbm>> -> memref<10000xf32, #tpu.memory_space<hbm>>
      tpu.enqueue_dma source(%arg17 : memref<10000xf32, #tpu.memory_space<vmem>>) target(%dma_start3A_55 : memref<10000xf32, #tpu.memory_space<hbm>>) target_semaphore(%run_scoped3A : memref<!tpu.dma_semaphore, #tpu.memory_space<semaphore_mem>>)
      %dma_wait3A = tpu.memref_slice %arg6[%mul3A_2] : memref<320000xf32, #tpu.memory_space<hbm>> -> memref<10000xf32, #tpu.memory_space<hbm>>
      %dma_wait3A_56 = tpu.memref_slice %arg6[%mul3A_2] : memref<320000xf32, #tpu.memory_space<hbm>> -> memref<10000xf32, #tpu.memory_space<hbm>>
      tpu.wait_dma2 semaphore(%run_scoped3A : memref<!tpu.dma_semaphore, #tpu.memory_space<semaphore_mem>>) src(%arg17 : memref<10000xf32, #tpu.memory_space<vmem>>) dst(%dma_wait3A_56 : memref<10000xf32, #tpu.memory_space<hbm>>)
      tpu.yield
    }) : () -> ()
    return
  }
}

</mosaic_0001>

<sc_bundles>
// kernel: kernel.3.cloned.1.call-start
scs
__scs_entry_jumppad:
0x0: {  	(pc) =	sbr.rel $0x88, $3  }
0x1: {  	(tag) =	ssettag $0x0;
	lr =	simm.s32 $0x1  }
0x2: {  	[smem:$0x3F9E] =	sst lr;
	_ =	strace $0xD0000000  }
0x3: {  	_ = 	snop  }
0x4: {  	_ = 	snop  }
0x5: {  	_ = 	snop  }
0x6: {  	_ = 	snop  }
0x7: {  	_ = 	snop  }
__scs_overlays_trampoline_lowered:
0x8: {  	[smem:$0x3FAD] =	sst s0  }
0x9: {  	[smem:$0x3FAE] =	sst s1  }
0xa: {  	[smem:$0x3FAF] =	sst s2  }
0xb: {  	[smem:$0x3FB0] =	sst s3  }
0xc: {  	[smem:$0x3FB1] =	sst s4  }
0xd: {  	[smem:$0x3FB2] =	sst s5  }
0xe: {  	[smem:$0x3FB3] =	sst s6  }
0xf: {  	[smem:$0x3FB4] =	sst s7  }
0x10: {  	[smem:$0x3FB5] =	sst s8  }
0x11: {  	[smem:$0x3FB6] =	sst s9;
	s0 =	simm.s32 @!p0 $0x0  }
0x12: {  	s1 =	sld [smem:$0x3F9C];
	s0 =	simm.s32 @p0 $0x1  }
0x13: {  	[smem:$0x3FB7] =	sst s0;
	s0 =	simm.s32 @!p1 $0x0  }
0x14: {  	s2 =	sld [smem:$0x3F9B];
	s0 =	simm.s32 @p1 $0x1  }
0x15: {  	[smem:$0x3FB8] =	sst s0;
	s0 =	simm.s32 @!p2 $0x0  }
0x16: {  	s3 =	sld [smem:$0x3FDB];
	s0 =	simm.s32 @p2 $0x1  }
0x17: {  	s4 =	simm.s32 $0x1BF5;
	[smem:$0x3FBA] =	sst s0  }
0x18: {  	s0 =	sld [smem:$0x3F9D];
	_ =	swait.ge [sflag:s4], $0x0  }
0x19: {  	s7 =	sld [smem:$0x3F9E]  }
0x1a: {  	s8 =	sadd.s32 $0xFFFFE003, lr  }
0x1b: {  	s9 =	sadd.s32 $0xFFFFFEF7, lr;
	s5 =	simm.s32 $0xFFFFFFFF;
	p2 =	slt.u32 s8, $0xFFFFF086  }
0x1c: {  	p1 =	slt.u32 s9, $0xF7A;
	s5 =	simm.s32 @!p2 $0x0  }
0x1d: {  	s5 =	simm.s32 @p1 $0x1;
	p0 =	seq.s32 s7, s2  }
0x1e: {  	s7 =	smul.u32 @!p0 $0xF7A, s2;
	p2 =	seq.s32 @!p0 s5, $0x0  }
0x1f: {  	s9 =	smul.u32 $0xF7A, s1;
	s8 =	simm.s32 @!p0 $0x1BF5;
	p2 =	por !p2, p0  }
0x20: {  	[sflag:s8] =	ssyncset.s32 @!p0 $0xFFFFF086;
	s6 =	sadd.s32 @!p0 s3, s7;
	s7 =	simm.s32 @!p0 $0x108  }
0x21: {  	s3 =	sadd.s32 s3, s9;
	s6 =	sadd.s32 @!p0 $0x88, s6;
	s7 =	simm.s32 @p2 $0x1082  }
0x22: {  	[simem:s7], [sflag:s8] =	dma.local @!p0 [hbm:s6], $0xF7A  }
0x23: {  	s9 =	sor.u32 $0xD0000000, s2;
	s6 =	simm.s32 $0x108;
	_ =	swait.ge @!p0 [sflag:s8], $0x0  }
0x24: {  	s3 =	sadd.s32 $0x88, s3;
	s6 =	simm.s32 @!p1 $0x1082;
	[sflag:s4] =	ssyncset.s32 $0xFFFFF086  }
0x25: {  	[simem:s6], [sflag:s4] =	dma.local [hbm:s3], $0xF7A  }
0x26: {  	[smem:$0x3F9E] =	sst s1;
	(tag) =	ssettag s2;
	_ =	strace s9  }
0x27: {  	s1 =	sld [smem:$0x3FAE]  }
0x28: {  	s2 =	sld [smem:$0x3FAF]  }
0x29: {  	s4 =	sld [smem:$0x3FB1]  }
0x2a: {  	p0 =	seq.s32 s5, $0x0;
	s5 =	sld [smem:$0x3FB2]  }
0x2b: {  	s6 =	sld [smem:$0x3FB3]  }
0x2c: {  	s7 =	sld [smem:$0x3FB4]  }
0x2d: {  	s3 =	simm.s32 $0x108;
	s8 =	sld [smem:$0x3FB5]  }
0x2e: {  	s3 =	simm.s32 @!p0 $0x1082;
	s9 =	sld [smem:$0x3FB6]  }
0x2f: {  	lr =	sadd.s32 s0, s3;
	s0 =	sld [smem:$0x3FAD]  }
0x30: {  	s3 =	sld [smem:$0x3FB0]  }
0x31: {  	[smem:$0x3FB9] =	sst s10  }
0x32: {  	s10 =	sld [smem:$0x3FB7];
	_ =	sdelay $0x3  }
0x33: {  	p0 =	seq.s32 s10, $0x1;
	s10 =	sld [smem:$0x3FB9];
	_ =	sdelay $0x3  }
0x34: {  	[smem:$0x3FB9] =	sst s10  }
0x35: {  	s10 =	sld [smem:$0x3FB8];
	_ =	sdelay $0x3  }
0x36: {  	p1 =	seq.s32 s10, $0x1;
	s10 =	sld [smem:$0x3FB9];
	_ =	sdelay $0x3  }
0x37: {  	[smem:$0x3FB9] =	sst s10  }
0x38: {  	s10 =	sld [smem:$0x3FBA]  }
0x39: {  	_ = 	snop;
	(pc) =	sbr.ind lr, $3  }
0x3a: {  	_ = 	snop  }
0x3b: {  	_ = 	snop  }
0x3c: {  	p2 =	seq.s32 s10, $0x1;
	s10 =	sld [smem:$0x3FB9]  }
0x3d: {  	_ =	shalt  }
0x3e: {  	_ =	shalt  }
0x3f: {  	_ =	shalt  }
0x40: {  	_ =	shalt  }
0x41: {  	_ =	shalt  }
0x42: {  	_ =	shalt  }
0x43: {  	_ =	shalt  }
0x44: {  	_ =	shalt  }
0x45: {  	_ =	shalt  }
0x46: {  	_ =	shalt  }
0x47: {  	_ =	shalt  }
0x48: {  	_ =	shalt  }
0x49: {  	_ =	shalt  }
0x4a: {  	_ =	shalt  }
0x4b: {  	_ =	shalt  }
0x4c: {  	_ =	shalt  }
0x4d: {  	_ =	shalt  }
0x4e: {  	_ =	shalt  }
0x4f: {  	_ =	shalt  }
0x50: {  	_ =	shalt  }
0x51: {  	_ =	shalt  }
0x52: {  	_ =	shalt  }
0x53: {  	_ =	shalt  }
0x54: {  	_ =	shalt  }
0x55: {  	_ =	shalt  }
0x56: {  	_ =	shalt  }
0x57: {  	_ =	shalt  }
0x58: {  	_ =	shalt  }
0x59: {  	_ =	shalt  }
0x5a: {  	_ =	shalt  }
0x5b: {  	_ =	shalt  }
0x5c: {  	_ =	shalt  }
0x5d: {  	_ =	shalt  }
0x5e: {  	_ =	shalt  }
0x5f: {  	_ =	shalt  }
0x60: {  	_ =	shalt  }
0x61: {  	_ =	shalt  }
0x62: {  	_ =	shalt  }
0x63: {  	_ =	shalt  }
0x64: {  	_ =	shalt  }
0x65: {  	_ =	shalt  }
0x66: {  	_ =	shalt  }
0x67: {  	_ =	shalt  }
0x68: {  	_ =	shalt  }
0x69: {  	_ =	shalt  }
0x6a: {  	_ =	shalt  }
0x6b: {  	_ =	shalt  }
0x6c: {  	_ =	shalt  }
0x6d: {  	_ =	shalt  }
0x6e: {  	_ =	shalt  }
0x6f: {  	_ =	shalt  }
0x70: {  	_ =	shalt  }
0x71: {  	_ =	shalt  }
0x72: {  	_ =	shalt  }
0x73: {  	_ =	shalt  }
0x74: {  	_ =	shalt  }
0x75: {  	_ =	shalt  }
0x76: {  	_ =	shalt  }
0x77: {  	_ =	shalt  }
0x78: {  	_ =	shalt  }
0x79: {  	_ =	shalt  }
0x7a: {  	_ =	shalt  }
0x7b: {  	_ =	shalt  }
0x7c: {  	_ =	shalt  }
0x7d: {  	_ =	shalt  }
0x7e: {  	_ =	shalt  }
0x7f: {  	_ =	shalt  }
0x80: {  	_ =	shalt  }
0x81: {  	_ =	shalt  }
0x82: {  	_ =	shalt  }
0x83: {  	_ =	shalt  }
0x84: {  	_ =	shalt  }
0x85: {  	_ =	shalt  }
0x86: {  	_ =	shalt  }
0x87: {  	_ =	shalt  }
.Lfunc_end0:
.L_simem_size_0:
called_computation_lowered:
.L_overlay_start_0:
0x88: {  	s2 =	sld [smem:$0x3FD9]  }
0x89: {  	s3 =	sld [smem:$0x3FFE];
	_ =	sdelay $0x1  }
0x8a: {  	s1 =	srdreg.scid  }
0x8b: {  	s0 =	sand.u32 $0x1, s1  }
0x8c: {  	s17 =	sshll.u32 s0, $0xA;
	s2 =	sadd.s32 s3, s2  }
0x8d: {  	s2 =	sadd.s32 s2, s17  }
0x8e: {  	[smem:$0x3FC5] =	sst s2  }
0x8f: {  	_ = 	snop  }
0x90: {  	s2 =	sld [smem:$0x3FC9]  }
0x91: {  	s18 =	sld [smem:$0x3FC8]  }
0x92: {  	s4 =	sld [smem:$0x3FD0];
	(tm) =	ssettm $0x1  }
0x93: {  	s5 =	sld [smem:$0x3FFB];
	_ =	sdelay $0x3  }
0x94: {  	_ =	strace s5  }
0x95: {  	s5 =	sld [smem:$0x3FFC];
	_ =	sdelay $0x3  }
0x96: {  	_ =	strace s5  }
0x97: {  	s5 =	sld [smem:$0x3FFD];
	_ =	sdelay $0x3  }
0x98: {  	_ =	strace s5  }
0x99: {  	_ =	strace $0x8FFFFFFF  }
0x9a: {  	s19 =	sld [smem:$0x3FDB];
	_ =	sdelay $0x1  }
0x9b: {  	s6 =	simm.s32 $_scs_section_size  }
0x9c: {  	s7 =	simm.s32 $_size__tile_overlayer_lowered;
	s8 =	simm.s32 $_tile_overlayer_lowered  }
0x9d: {  	s22 =	simm.s32 $0x1BFF;
	s21 =	sshll.u32 s8, $0x1;
	s5 =	sadd.s32 s6, s19  }
0x9e: {  	s9 =	simm.s32 $0x0;
	s20 =	sshll.u32 s7, $0x1;
	s7 =	sadd.s32 s21, s5  }
0x9f: {  	[timem:s9], [sflag:s22] =	dma.local [hbm:s7], s20  }
0xa0: {  	_ =	swait.ge [sflag:s22], s20  }
0xa1: {  	s6 =	ssub.s32 $0x0, s20;
	[sflag:s22] =	ssyncset.done $0x0  }
0xa2: {  	[sflag:s22] =	ssyncadd.s32 s6;
	_ =	sdelay $0x1  }
0xa3: {  	s23 =	simm.s32 $0x1B8B  }
0xa4: {  	_ =	swait.ge [sflag:s23], $0x1  }
0xa5: {  	[sflag:s23] =	ssyncset.done $0x0  }
0xa6: {  	s25 =	simm.s32 $0x1B8E;
	s24 =	sld [smem:$0x3FFE];
	[sflag:s23] =	ssyncadd.s32 $0xFFFFFFFF  }
0xa7: {  	s26 =	simm.s32 $execute0_lowered;
	[smem:$0x3FD2] =	sst s25  }
0xa8: {  	s7 =	sshll.u32 s26, $0x1;
	_ =	strace $0x80000046;
	[dreg:$0x1] =	wrdreg $0xFFFFFFFF  }
0xa9: {  	s28 =	simm.s32 $_size_execute0_lowered;
	s5 =	sadd.s32 s5, s7;
	[dreg:$0x0] =	wrdreg $0x0  }
0xaa: {  	s7 =	sshll.u32 s28, $0x1;
	[dreg:$0x2] =	wrdreg s5  }
0xab: {  	[dreg:$0x3] =	wrdreg s7  }
0xac: {  	[dreg:$0x4] =	wrdreg $0xC0  }
0xad: {  	_ =	task [dreg:s9], $0x5FFFF  }
0xae: {  	[dreg:$0x1] =	wrdreg $0xFFFFFFFF  }
0xaf: {  	[dreg:$0x0] =	wrdreg $0x60  }
0xb0: {  	[dreg:$0x2] =	wrdreg s2  }
0xb1: {  	[dreg:$0x3] =	wrdreg s18  }
0xb2: {  	[dreg:$0x4] =	wrdreg s24  }
0xb3: {  	[dreg:$0x5] =	wrdreg s4  }
0xb4: {  	[dreg:$0x6] =	wrdreg $0x9  }
0xb5: {  	_ =	task.clear_ibuf [dreg:s9], $0x7FFFF;
	_ =	strace $0x90000046  }
0xb6: {  	s29 =	simm.s32 $0x9;
	_ =	strace $0x80000048  }
0xb7: {  	_ =	swait.ge [sflag:s29], $0x1  }
0xb8: {  	[sflag:s29] =	ssyncadd.s32 $0xFFFFFFFF  }
0xb9: {  	_ =	strace $0x90000048  }
0xba: {  	_ =	sfence  }
0xbb: {  	s30 =	sld [smem:$0x0];
	_ =	sdelay $0x2  }
0xbc: {  	s31 =	sshll.u32 s1, $0xD;
	s1 =	sshrl.u32 s1, $0x2  }
0xbd: {  	s3 =	sand.u32 $0x4000, s31;
	s1 =	sadd.s32 s1, s30  }
0xbe: {  	s0 =	sor.u32 s3, s0;
	s1 =	sshll.u32 s1, $0x11  }
0xbf: {  	s0 =	sor.u32 s1, s0  }
0xc0: {  	s0 =	sadd.s32 $0x8F2B, s0  }
0xc1: {  	[sflag:s0] =	ssyncadd.remote.s32 $0x1  }
0xc2: {  	_ =	sfence.sel $0xFFFF  }
0xc3: {  	[dreg:$0x0] =	wrdreg $0xFFFFFFFF;
	(pc) =	sbr.abs _section_cstart, $3  }
0xc4: {  	[dreg:$0x1] =	wrdreg $0xFFFFFFFF  }
0xc5: {  	_ =	task.clear_ibuf [dreg:s9], $0x2FFFF;
	_ =	strace $0x9FFFFFFF  }
0xc6: {  	(tm) =	ssettm $0x7FFFFFFF  }
0xc7: {  	_ =	shalt  }
tec
execute0_lowered:
.L_overlay_start_1:
0x0: {  	(tag) =	ssettag $0x1  }
0x1: {  	s1 =	rddreg [dreg:$0x0]  }
0x2: {  	s2 =	rddreg [dreg:$0x1];
	v0 =	vimm.s32 $0xEFCDAB89  }
0x3: {  	s0 =	rddreg [dreg:$0x2];
	s3 =	srdreg.scid;
	v1 =	vimm.s32 $0x67452301;
	v2 =	vimm.s32 $0xDCFE98BA;
	v3 =	vimm.s32 $0x54761032  }
0x4: {  	s4 =	stileid.u32;
	s6 =	rddreg [dreg:$0x3];
	v4 =	vimm.s32 $0xBA98FEDC;
	v5 =	vimm.s32 $0x32107654;
	v6 =	vimm.s32 $0xFEDCBA98;
	s9 =	simm.s32 $0x5  }
0x5: {  	s11 =	simm.s32 $0x50;
	v7 =	vimm.s32 $0x76543210;
	s3 =	sand.u32 $0x1, s3;
	s4 =	sshll.u32 s4, $0x1;
	v0 =	vunpack.c.l.s4.s8 v0;
	v1 =	vunpack.c.l.s4.s8 v1  }
0x6: {  	s21 =	simm.s32 $0x1;
	s22 =	simm.s32 $0x2;
	v2 =	vunpack.c.l.s4.s8 v2;
	v3 =	vunpack.c.l.s4.s8 v3;
	v4 =	vunpack.c.l.s4.s8 v4;
	s5 =	sor.u32 s3, s4  }
0x7: {  	v5 =	vunpack.c.l.s4.s8 v5;
	v6 =	vunpack.c.l.s4.s8 v6;
	s4 =	simm.s32 $0x0;
	s3 =	ssub.s32 $0x2, s3;
	s7 =	smul.u32 $0x4E2, s5;
	v0 =	vunpack.c.0.s8.s32 v0  }
0x8: {  	s23 =	simm.s32 $0x3;
	[smem:$0x7FF] =	sst s4;
	s29 =	sshrl.u32 s3, $0x1;
	v1 =	vunpack.c.0.s8.s32 v1;
	v2 =	vunpack.c.0.s8.s32 v2;
	v3 =	vunpack.c.0.s8.s32 v3  }
.Ltmp0:
0x9: {  	v7 =	vunpack.c.l.s4.s8 v7;
	v4 =	vunpack.c.0.s8.s32 v4;
	v5 =	vunpack.c.0.s8.s32 v5;
	_ =	strace $0x80000047;
	s0 =	sadd.s32 s0, s7;
	(pc) =	sbr.rel .LBB2_1-.Ltmp0, $4  }
0xa: {  	s3 =	ssub.s32 s3, s29;
	s30 =	sadd.s32 s6, s7;
	v1 =	vcombine.low v1, v0;
	v2 =	vcombine.low v3, v2;
	v3 =	vunpack.c.0.s8.s32 v6;
	[dreg:$0x5] =	wrdreg s0  }
0xb: {  	s24 =	simm.s32 $0x4;
	s31 =	smax.u32 s3, $0x1;
	v4 =	vcombine.low v5, v4;
	v0 =	vimm.f32 $0.0e+00;
	v5 =	vunpack.c.0.s8.s32 v7;
	[dreg:$0x7] =	wrdreg s30  }
0xc: {  	s26 =	simm.s32 $0x0;
	s0 =	sadd.s32 $0x9E00, s0;
	[dreg:$0x8] =	wrdreg s31;
	v1 =	vand.u32 $0xF, v1;
	v2 =	vand.u32 $0xF, v2;
	v6 =	vand.u32 $0xF, v3  }
0xd: {  	s28 =	simm.s32 $0x0;
	s5 =	simm.s32 $0x2780;
	[dreg:$0x6] =	wrdreg s0;
	v3 =	vand.u32 $0xF, v4;
	v4 =	vcombine.low v6, v5;
	v5 =	vlaneseq.u32  }
.LBB2_19:
0xe: {  	s4 =	simm.s32 $0x0;
	s0 =	rddreg [dreg:$0x7];
	s3 =	simm.s32 $0x18F00  }
0xf: {  	[hbm4b:s0+s4] =	stream.linear.scatter [tilespmem:s3], [sflag:$0x5], $0x2710, $0x38;
	[tilespmem:$0x1B680] =	vst v63  }
0x10: {  	_ =	swait.ge [sflag:s9], $0x2710  }
0x11: {  	s26 =	sadd.s32 $0x1, s26;
	s31 =	rddreg [dreg:$0x8]  }
0x12: {  	p0 =	sne.s32 s26, s31  }
.Ltmp1:
0x13: {  	_ = 	snop;
	(pc) =	sbr.rel @!p0 .LBB2_20-.Ltmp1, $3  }
0x14: {  	_ =	sdelay $0x1  }
0x15: {  	[sflag:s9] =	ssyncset.done $0x0  }
0x16: {  	s5 =	simm.s32 $0x2780;
	v0 =	vimm.f32 $0.0e+00;
	[sflag:s9] =	ssyncadd.s32 $0xFFFFD8F0  }
.LBB2_1:
0x17: {  	s0 =	rddreg [dreg:$0x6]  }
0x18: {  	[tilespmem:s4], [sflag:$0x5] =	stream.linear.gather [hbm4b:s0+s4], $0x2710, $0x38;
	[tilespmem:$0x1B680] =	vst v63  }
0x19: {  	_ =	swait.ge [sflag:s9], $0x2710  }
0x1a: {  	[sflag:s9] =	ssyncset.done $0x0  }
0x1b: {  	s31 =	rddreg [dreg:$0x5];
	[sflag:s9] =	ssyncadd.s32 $0xFFFFD8F0  }
0x1c: {  	[tilespmem:s5], [sflag:$0x5] =	stream.linear.gather [hbm4b:s31+s4], $0x2710, $0x38;
	[tilespmem:$0x1B680] =	vst v63  }
0x1d: {  	_ =	swait.ge [sflag:s9], $0x2710  }
0x1e: {  	[sflag:s9] =	ssyncset.done $0x0  }
0x1f: {  	s3 =	simm.s32 $0x0;
	s0 =	simm.s32 $0x40;
	[sflag:s9] =	ssyncadd.s32 $0xFFFFD8F0  }
.LBB2_2:
0x20: {  	p0 =	sne.s32 s0, $0x9C00;
	[tilespmem:s3+$0x18F00] =	vst v0;
	s3 =	smov.u32 s0;
	s0 =	sadd.s32 $0x40, s0  }
.Ltmp2:
0x21: {  	(pc) =	sbr.rel @p0 .LBB2_2-.Ltmp2, $2  }
0x22: {  	_ =	sdelay $0x2  }
0x23: {  	s3 =	sshra.s32 s3, $0x2  }
0x24: {  	[tilespmem:s3+$0x18F00] =	vst v0;
	s0 =	simm.s32 $0x4F00  }
0x25: {  	[tilespmem:s0], [sflag:$0x1] =	stream.indirect.gather [hbm4b:s1+s11], $0x80, s28, s11, $0xb8;
	[tilespmem:$0x1B680] =	vst v63  }
0x26: {  	s15 =	simm.s32 $0xEF00  }
0x27: {  	[tilespmem:s15], [sflag:$0x1] =	stream.indirect.gather [hbm4b:s2+s11], $0x80, s5, s11, $0xb8;
	[tilespmem:$0x1B680] =	vst v63  }
0x28: {  	s16 =	simm.s32 $0x7700  }
0x29: {  	[tilespmem:s16], [sflag:$0x2] =	stream.indirect.gather [hbm4b:s1+s11], $0x80, s11, s11, $0xb8;
	[tilespmem:$0x1B680] =	vst v63  }
0x2a: {  	s17 =	simm.s32 $0x27D0;
	s18 =	simm.s32 $0x11700;
	s19 =	simm.s32 $0xA0  }
0x2b: {  	[tilespmem:s18], [sflag:$0x2] =	stream.indirect.gather [hbm4b:s2+s11], $0x80, s17, s11, $0xb8;
	[tilespmem:$0x1B680] =	vst v63  }
.Ltmp3:
0x2c: {  	s20 =	simm.s32 $0x9F00;
	s25 =	simm.s32 $0x2820;
	(pc) =	sbr.rel .LBB2_4-.Ltmp3, $4  }
0x2d: {  	s29 =	simm.s32 $0x13F00;
	s30 =	simm.s32 $0x18F50;
	s31 =	simm.s32 $0x18FA0  }
0x2e: {  	[tilespmem:s20], [sflag:$0x3] =	stream.indirect.gather [hbm4b:s1+s11], $0x80, s19, s11, $0xb8;
	[tilespmem:$0x1B680] =	vst v63  }
0x2f: {  	s3 =	simm.s32 $0x18FF0;
	s0 =	simm.s32 $0x0;
	s20 =	simm.s32 $0x18F00  }
0x30: {  	[tilespmem:s29], [sflag:$0x3] =	stream.indirect.gather [hbm4b:s2+s11], $0x80, s25, s11, $0xb8;
	[tilespmem:$0x1B680] =	vst v63  }
.LBB2_18:
0x31: {  	s0 =	sadd.s32 $0x1, s0  }
0x32: {  	p0 =	sne.s32 s0, $0x20  }
.Ltmp4:
0x33: {  	_ = 	snop;
	(pc) =	sbr.rel @!p0 .LBB2_19-.Ltmp4, $3  }
0x34: {  	_ =	sdelay $0x1  }
0x35: {  	s20 =	sadd.s32 $0x140, s20  }
0x36: {  	s30 =	sadd.s32 $0x140, s30;
	s31 =	sadd.s32 $0x140, s31;
	s3 =	sadd.s32 $0x140, s3  }
.LBB2_4:
0x37: {  	s6 =	sshllo.u32 s0, $0x2  }
0x38: {  	p0 =	sgt.u32 s6, $0x7C  }
0x39: {  	s6 =	smul.u32 @!p0 $0x50, s6  }
0x3a: {  	s7 =	simm.s32 @!p0 $0x50;
	s8 =	simm.s32 @!p0 $0xC700  }
0x3b: {  	[tilespmem:s8], [sflag:$0x4] =	stream.indirect.gather @!p0 [hbm4b:s1+s7], $0x80, s6, s7, $0xb8;
	[tilespmem:$0x1B680] =	vst v63  }
0x3c: {  	s6 =	sadd.s32 @!p0 $0x2780, s6;
	s8 =	simm.s32 @!p0 $0x16700  }
0x3d: {  	[tilespmem:s8], [sflag:$0x4] =	stream.indirect.gather @!p0 [hbm4b:s2+s7], $0x80, s6, s7, $0xb8;
	[tilespmem:$0x1B680] =	vst v63  }
0x3e: {  	_ =	swait.ge [sflag:s21], $0x2800  }
0x3f: {  	[sflag:s21] =	ssyncset.done $0x0  }
0x40: {  	[sflag:s21] =	ssyncadd.s32 $0xFFFFD800  }
0x41: {  	_ =	swait.ge [sflag:s21], $0x2800  }
0x42: {  	[sflag:s21] =	ssyncset.done $0x0  }
0x43: {  	s17 =	simm.s32 $0x5100;
	[sflag:s21] =	ssyncadd.s32 $0xFFFFD800  }
0x44: {  	s14 =	simm.s32 $0xF100;
	v53 =	vld [tilespmem:s17+$0x180]  }
0x45: {  	v52 =	vld [tilespmem:s14+$0x180]  }
0x46: {  	v8 =	vld [tilespmem:s17+$0x190]  }
0x47: {  	v9 =	vld [tilespmem:s14+$0x190]  }
0x48: {  	v10 =	vld [tilespmem:s17+$0x1A0]  }
0x49: {  	v11 =	vld [tilespmem:s14+$0x1A0]  }
0x4a: {  	v12 =	vld [tilespmem:s17+$0x1B0]  }
0x4b: {  	v13 =	vld [tilespmem:s14+$0x1B0]  }
0x4c: {  	v14 =	vld [tilespmem:s17+$0x1C0]  }
0x4d: {  	v15 =	vld [tilespmem:s14+$0x1C0]  }
0x4e: {  	v16 =	vld [tilespmem:s17+$0x1D0]  }
0x4f: {  	v17 =	vld [tilespmem:s14+$0x1D0]  }
0x50: {  	v18 =	vld [tilespmem:s17+$0x1E0]  }
0x51: {  	v19 =	vld [tilespmem:s14+$0x1E0]  }
0x52: {  	v20 =	vld [tilespmem:s17+$0x1F0]  }
0x53: {  	v21 =	vld [tilespmem:s14+$0x1F0]  }
0x54: {  	v22 =	vld [tilespmem:s17+$0x100]  }
0x55: {  	v23 =	vld [tilespmem:s14+$0x100]  }
0x56: {  	v24 =	vld [tilespmem:s17+$0x110]  }
0x57: {  	v25 =	vld [tilespmem:s14+$0x110]  }
0x58: {  	v26 =	vld [tilespmem:s17+$0x120]  }
0x59: {  	v27 =	vld [tilespmem:s14+$0x120]  }
0x5a: {  	v28 =	vld [tilespmem:s17+$0x130]  }
0x5b: {  	v29 =	vld [tilespmem:s14+$0x130]  }
0x5c: {  	v30 =	vld [tilespmem:s17+$0x140]  }
0x5d: {  	v31 =	vld [tilespmem:s14+$0x140]  }
0x5e: {  	v32 =	vld [tilespmem:s17+$0x150]  }
0x5f: {  	v33 =	vld [tilespmem:s14+$0x150]  }
0x60: {  	v34 =	vld [tilespmem:s17+$0x160]  }
0x61: {  	v35 =	vld [tilespmem:s14+$0x160]  }
0x62: {  	v36 =	vld [tilespmem:s17+$0x170]  }
0x63: {  	v37 =	vld [tilespmem:s14+$0x170]  }
0x64: {  	v38 =	vld [tilespmem:s17+$0x80]  }
0x65: {  	v39 =	vld [tilespmem:s14+$0x80]  }
0x66: {  	v40 =	vld [tilespmem:s17+$0x90]  }
0x67: {  	v41 =	vld [tilespmem:s14+$0x90]  }
0x68: {  	v42 =	vld [tilespmem:s17+$0xA0]  }
0x69: {  	v43 =	vld [tilespmem:s14+$0xA0]  }
0x6a: {  	v44 =	vld [tilespmem:s17+$0xB0]  }
0x6b: {  	v45 =	vld [tilespmem:s14+$0xB0]  }
0x6c: {  	v46 =	vld [tilespmem:s17+$0xC0]  }
0x6d: {  	v0 =	vld [tilespmem:s17+$0xF0]  }
0x6e: {  	v47 =	vld [tilespmem:s14+$0xC0]  }
0x6f: {  	v48 =	vld [tilespmem:s17+$0xD0]  }
0x70: {  	v49 =	vld [tilespmem:s14+$0xD0]  }
0x71: {  	v50 =	vld [tilespmem:s17+$0xE0]  }
0x72: {  	v51 =	vld [tilespmem:s14+$0xE0];
	[tilespmem:$0x1FFE0] =	vst v0  }
0x73: {  	v0 =	vld [tilespmem:s14+$0xF0]  }
0x74: {  	v10 =	vmul.f32 v11, v10  }
0x75: {  	v11 =	vmul.f32 v13, v12;
	v13 =	vmul.f32 v15, v14  }
0x76: {  	v14 =	vmul.f32 v17, v16;
	v17 =	vmul.f32 v21, v20  }
0x77: {  	v20 =	vmul.f32 v25, v24;
	v25 =	vmul.f32 v31, v30  }
0x78: {  	v31 =	vmul.f32 v39, v38;
	v38 =	vmul.f32 v49, v48;
	v49 =	vld [tilespmem:$0x1FFE0];
	[tilespmem:$0x1FFF0] =	vst v0  }
0x79: {  	v54 =	vld [tilespmem:s17+$0x0]  }
0x7a: {  	v55 =	vld [tilespmem:s14+$0x0]  }
0x7b: {  	v56 =	vld [tilespmem:s17+$0x10]  }
0x7c: {  	v57 =	vld [tilespmem:s14+$0x10]  }
0x7d: {  	v58 =	vld [tilespmem:s17+$0x20]  }
0x7e: {  	v59 =	vld [tilespmem:s14+$0x20]  }
0x7f: {  	v60 =	vld [tilespmem:s17+$0x30]  }
0x80: {  	v61 =	vld [tilespmem:s14+$0x30]  }
0x81: {  	v62 =	vld [tilespmem:s17+$0x40]  }
0x82: {  	v63 =	vld [tilespmem:s14+$0x40]  }
0x83: {  	v6 =	vld [tilespmem:s17+$0x50]  }
0x84: {  	v0 =	vld [tilespmem:s14+$0x50]  }
0x85: {  	v7 =	vld [tilespmem:s17+$0x60]  }
0x86: {  	v8 =	vmul.f32 v9, v8;
	v9 =	vld [tilespmem:s14+$0x60]  }
0x87: {  	v12 =	vld [tilespmem:s17+$0x70]  }
0x88: {  	v15 =	vld [tilespmem:s14+$0x70]  }
0x89: {  	v16 =	vmul.f32 v19, v18;
	v18 =	vld [tilespmem:s17+$0xFFFFFE00]  }
0x8a: {  	v21 =	vld [tilespmem:s14+$0xFFFFFE00]  }
0x8b: {  	v24 =	vld [tilespmem:s17+$0xFFFFFE10]  }
0x8c: {  	v19 =	vmul.f32 v23, v22;
	v22 =	vmul.f32 v27, v26;
	v27 =	vld [tilespmem:s14+$0xFFFFFE10]  }
0x8d: {  	v30 =	vld [tilespmem:s17+$0xFFFFFE20]  }
0x8e: {  	v52 =	vmul.f32 v52, v53;
	v26 =	vmul.f32 v33, v32;
	v33 =	vld [tilespmem:s14+$0xFFFFFE20]  }
0x8f: {  	v23 =	vmul.f32 v29, v28;
	v29 =	vmul.f32 v37, v36;
	v36 =	vld [tilespmem:s17+$0xFFFFFE30]  }
0x90: {  	v28 =	vmul.f32 v35, v34;
	v8 =	vadd.f32 v8, v52;
	v10 =	vadd.f32 v11, v10;
	v39 =	vld [tilespmem:s14+$0xFFFFFE30]  }
0x91: {  	v34 =	vmul.f32 v43, v42;
	v13 =	vadd.f32 v14, v13;
	v14 =	vadd.f32 v17, v16;
	v42 =	vld [tilespmem:s17+$0xFFFFFE40]  }
0x92: {  	v35 =	vmul.f32 v45, v44;
	v45 =	vld [tilespmem:s14+$0xFFFFFE40]  }
0x93: {  	v37 =	vmul.f32 v47, v46;
	v8 =	vadd.f32 v10, v8;
	v13 =	vadd.f32 v14, v13;
	v46 =	vld [tilespmem:s17+$0xFFFFFE50]  }
0x94: {  	v17 =	vld [tilespmem:s14+$0xFFFFFE50]  }
0x95: {  	v53 =	vmul.f32 v51, v50;
	v8 =	vadd.f32 v13, v8;
	v50 =	vld [tilespmem:$0x1FFF0]  }
0x96: {  	v52 =	vld [tilespmem:s14+$0xFFFFFE70]  }
0x97: {  	v32 =	vmul.f32 v41, v40;
	v48 =	vadd.f32 v35, v34;
	v13 =	vld [tilespmem:s17+$0xFFFFFEC0];
	v35 =	vperm.xlane v8, v1  }
0x98: {  	v19 =	vadd.f32 v20, v19;
	v40 =	vld [tilespmem:s14+$0xFFFFFEE0];
	v55 =	vmul.f32 v55, v54;
	v57 =	vmul.f32 v57, v56  }
0x99: {  	v47 =	vadd.f32 v32, v31;
	v43 =	vld [tilespmem:s17+$0xFFFFFF00];
	v59 =	vmul.f32 v59, v58;
	v11 =	vmul.f32 v61, v60  }
0x9a: {  	v8 =	vadd.f32 v8, v35;
	v16 =	vmul.f32 v63, v62;
	v0 =	vmul.f32 v0, v6;
	v6 =	vld [tilespmem:s17+$0xFFFFFE60]  }
0x9b: {  	v61 =	vadd.f32 v23, v22;
	v62 =	vadd.f32 v26, v25;
	v7 =	vmul.f32 v9, v7;
	v9 =	vld [tilespmem:s14+$0xFFFFFE60]  }
0x9c: {  	v63 =	vadd.f32 v29, v28;
	v12 =	vmul.f32 v15, v12;
	v15 =	vld [tilespmem:s17+$0xFFFFFE70];
	v28 =	vmul.f32 v50, v49  }
0x9d: {  	v54 =	vadd.f32 v48, v47;
	v60 =	vmul.f32 v39, v36;
	v39 =	vld [tilespmem:s17+$0xFFFFFEE0];
	v51 =	vadd.f32 v57, v55  }
0x9e: {  	v18 =	vmul.f32 v21, v18;
	v48 =	vld [tilespmem:s17+$0xFFFFFF10];
	v11 =	vadd.f32 v11, v59;
	v0 =	vadd.f32 v0, v16  }
0x9f: {  	s10 =	simm.s32 $0x4;
	v10 =	vmul.f32 v27, v24;
	v50 =	vld [tilespmem:s14+$0xFFFFFF10];
	v7 =	vadd.f32 v12, v7;
	v16 =	vadd.f32 v38, v37  }
0xa0: {  	s6 =	sand.u32 $0xC, s10;
	v41 =	vperm.xlane v8, v2;
	v12 =	vld [tilespmem:s17+$0xFFFFFE80];
	v28 =	vadd.f32 v28, v53;
	v19 =	vadd.f32 v61, v19  }
0xa1: {  	s12 =	sor.u32 $0x3, s6;
	v17 =	vmul.f32 v17, v46;
	v53 =	vld [tilespmem:s14+$0xFFFFFE80];
	v56 =	vadd.f32 v63, v62;
	v10 =	vadd.f32 v10, v18  }
0xa2: {  	v49 =	vmov s12;
	v55 =	vld [tilespmem:s14+$0xFFFFFE90];
	v8 =	vadd.f32 v8, v41;
	v16 =	vadd.f32 v28, v16  }
0xa3: {  	v59 =	vmul.f32 v33, v30;
	v63 =	vld [tilespmem:s14+$0xFFFFFEC0];
	v11 =	vadd.f32 v11, v51;
	v0 =	vadd.f32 v7, v0  }
0xa4: {  	v57 =	vld [tilespmem:s14+$0xFFFFFEA0];
	v19 =	vadd.f32 v56, v19;
	v6 =	vmul.f32 v9, v6;
	v16 =	vadd.f32 v16, v54  }
0xa5: {  	v37 =	vld [tilespmem:s17+$0xFFFFFED0];
	v15 =	vmul.f32 v52, v15;
	v56 =	vmul.f32 v50, v48;
	v0 =	vadd.f32 v0, v11  }
0xa6: {  	v7 =	vld [tilespmem:s17+$0xFFFFFE90];
	v23 =	vadd.f32 v60, v59;
	v18 =	vperm.xlane v19, v1;
	v62 =	vperm.xlane v16, v1  }
0xa7: {  	v11 =	vld [tilespmem:s17+$0xFFFFFEA0];
	v12 =	vmul.f32 v53, v12;
	v6 =	vadd.f32 v15, v6;
	v14 =	vperm.xlane v0, v1  }
0xa8: {  	v13 =	vmul.f32 v63, v13;
	v18 =	vadd.f32 v19, v18;
	v19 =	vld [tilespmem:s14+$0xFFFFFED0];
	v16 =	vadd.f32 v16, v62  }
0xa9: {  	v58 =	vld [tilespmem:s17+$0xFFFFFEB0];
	v15 =	vmul.f32 v40, v39;
	v0 =	vadd.f32 v0, v14;
	v14 =	vmul.f32 v45, v42  }
0xaa: {  	v46 =	vld [tilespmem:s14+$0xFFFFFF00];
	v10 =	vadd.f32 v23, v10;
	v9 =	vperm.xlane v18, v2;
	v38 =	vperm.xlane v16, v2  }
0xab: {  	v7 =	vmul.f32 v55, v7;
	v42 =	vld [tilespmem:s17+$0xFFFFFEF0];
	v36 =	vperm.xlane v0, v2;
	v14 =	vadd.f32 v17, v14  }
0xac: {  	v45 =	vmov s6;
	v9 =	vadd.f32 v18, v9;
	v17 =	vld [tilespmem:s14+$0xFFFFFEF0];
	v16 =	vadd.f32 v16, v38  }
0xad: {  	v61 =	vld [tilespmem:s14+$0xFFFFFEB0];
	v11 =	vmul.f32 v57, v11;
	v19 =	vmul.f32 v19, v37;
	v0 =	vadd.f32 v0, v36  }
0xae: {  	v51 =	vld [tilespmem:s17+$0xFFFFFF20];
	v7 =	vadd.f32 v7, v12;
	v44 =	vperm.xlane v9, v3;
	v18 =	vperm.xlane v16, v3  }
0xaf: {  	v52 =	vld [tilespmem:s14+$0xFFFFFF20];
	v6 =	vadd.f32 v6, v14;
	v13 =	vadd.f32 v19, v13;
	v28 =	vperm.xlane v0, v3  }
0xb0: {  	v60 =	vld [tilespmem:s17+$0xFFFFFF90];
	v9 =	vadd.f32 v9, v44;
	v16 =	vadd.f32 v16, v18;
	v18 =	vperm.xlane v8, v3  }
0xb1: {  	v53 =	vld [tilespmem:s17+$0xFFFFFF30];
	v6 =	vadd.f32 v6, v10;
	v17 =	vmul.f32 v17, v42;
	v0 =	vadd.f32 v0, v28  }
0xb2: {  	v12 =	vld [tilespmem:s14+$0xFFFFFF30];
	v19 =	vperm.xlane v9, v4;
	v8 =	vadd.f32 v8, v18;
	v18 =	vmul.f32 v61, v58  }
0xb3: {  	v14 =	vld [tilespmem:s14+$0xFFFFFF40];
	v15 =	vadd.f32 v17, v15;
	v47 =	vperm.xlane v0, v4;
	v54 =	vperm.xlane v16, v4  }
0xb4: {  	v20 =	vmul.f32 v52, v51;
	v10 =	vld [tilespmem:s14+$0xFFFFFF50];
	v9 =	vadd.f32 v9, v19;
	v11 =	vadd.f32 v18, v11  }
0xb5: {  	s13 =	sor.u32 $0x2, s6;
	vm0 =	veq.s32 v45, v5;
	v17 =	vld [tilespmem:s17+$0xFFFFFF40];
	v0 =	vadd.f32 v0, v47;
	v16 =	vadd.f32 v16, v54  }
0xb6: {  	s6 =	sor.u32 $0x1, s6;
	v19 =	vld [tilespmem:s17+$0xFFFFFF70];
	v18 =	vmov s13;
	v7 =	vadd.f32 v11, v7;
	v11 =	vadd.f32 v15, v13  }
0xb7: {  	v55 =	vperm.xlane v8, v4;
	v13 =	vld [tilespmem:s17+$0xFFFFFF50];
	v15 =	vmov s6;
	v0 =	vnsel vm0, $0x0, v0  }
0xb8: {  	vm0 =	veq.s32 v15, v5;
	v15 =	vperm.xlane v6, v1;
	v7 =	vadd.f32 v11, v7;
	v11 =	vld [tilespmem:s17+$0xFFFFFF60]  }
0xb9: {  	v8 =	vadd.f32 v8, v55;
	v0 =	vsel vm0, v16, v0;
	v16 =	vld [tilespmem:s14+$0xFFFFFF60];
	vm0 =	veq.s32 v18, v5  }
0xba: {  	v0 =	vsel vm0, v9, v0;
	v6 =	vadd.f32 v6, v15;
	v9 =	vld [tilespmem:s14+$0xFFFFFF70];
	v18 =	vperm.xlane v7, v1  }
0xbb: {  	v62 =	vld [tilespmem:s17+$0xFFFFFFD0];
	v12 =	vmul.f32 v12, v53;
	vm0 =	veq.s32 v49, v5;
	v15 =	vmul.f32 v46, v43  }
0xbc: {  	v57 =	vld [tilespmem:s14+$0xFFFFFF80];
	v0 =	vsel vm0, v8, v0;
	v8 =	vperm.xlane v6, v2;
	v7 =	vadd.f32 v7, v18  }
0xbd: {  	v12 =	vadd.f32 v12, v20;
	v10 =	vmul.f32 v10, v13;
	v13 =	vld [tilespmem:s14+$0xFFFFFF90];
	v15 =	vadd.f32 v56, v15  }
0xbe: {  	v18 =	vld [tilespmem:s17+$0xFFFFFF80];
	v6 =	vadd.f32 v6, v8;
	v8 =	vmul.f32 v14, v17;
	v59 =	vperm.xlane v7, v2  }
0xbf: {  	v11 =	vmul.f32 v16, v11;
	v14 =	vld [tilespmem:s17+$0xFFFFFFA0];
	v9 =	vmul.f32 v9, v19  }
0xc0: {  	s15 =	sand.u32 $0x8, s28;
	v17 =	vld [tilespmem:s14+$0xFFFFFFA0];
	v12 =	vadd.f32 v12, v15;
	v16 =	vperm.xlane v6, v3;
	v7 =	vadd.f32 v7, v59  }
0xc1: {  	s18 =	sand.u32 $0x3, s28;
	v58 =	vmov s15;
	s6 =	sor.u32 $0x3, s15;
	v15 =	vld [tilespmem:s14+$0xFFFFFFB0];
	v8 =	vadd.f32 v10, v8;
	v9 =	vadd.f32 v9, v11  }
0xc2: {  	s16 =	sor.u32 $0x1, s15;
	s8 =	sshll.u32 s18, $0x4;
	v63 =	vmov s6;
	v11 =	vld [tilespmem:s17+$0xFFFFFFB0];
	v6 =	vadd.f32 v6, v16;
	v10 =	vperm.xlane v7, v3  }
0xc3: {  	s19 =	ssub.s32 $0x0, s8;
	vm0 =	veq.s32 v58, v5;
	v19 =	vld [tilespmem:s14+$0xFFFFFFC0];
	v16 =	vmov s16;
	v8 =	vadd.f32 v9, v8  }
0xc4: {  	s7 =	sshra.s32 s19, $0x2;
	v9 =	vld [tilespmem:s17+$0xFFFFFFC0];
	vm2 =	veq.s32 v16, v5;
	v16 =	vperm.xlane v6, v4;
	v7 =	vadd.f32 v7, v10  }
0xc5: {  	s10 =	sor.u32 $0x2, s15;
	s7 =	sadd.s32 s7, s20;
	v12 =	vadd.f32 v8, v12;
	v8 =	vmul.f32 v13, v60;
	v13 =	vmul.f32 v17, v14;
	v17 =	vld [tilespmem:s14+$0xFFFFFFD0]  }
0xc6: {  	p1 =	por $0x0, $0x0;
	s8 =	simm.s32 $0x1;
	[tilespmem:s7+$0x0] =	vst.add.f32.msk $0xffff, v0;
	v18 =	vmul.f32 v57, v18;
	v10 =	vmov s10;
	v61 =	vperm.xlane v7, v4  }
0xc7: {  	s8 =	simm.s32 @!p1 $0x0;
	v0 =	vadd.f32 v6, v16;
	v14 =	vmul.f32 v15, v11;
	v11 =	vld [tilespmem:s14+$0xFFFFFFE0];
	v6 =	vperm.xlane v12, v1  }
0xc8: {  	s29 =	smov.u32 s20;
	s25 =	sshll.u32 s8, $0x5;
	vm1 =	veq.s32 v10, v5;
	v18 =	vadd.f32 v8, v18;
	v8 =	vld [tilespmem:s17+$0xFFFFFFE0];
	v7 =	vadd.f32 v7, v61  }
0xc9: {  	s18 =	simm.s32 $0x0;
	s19 =	simm.s32 $0x0;
	s6 =	ssub.s32 $0x0, s25;
	v0 =	vnsel vm0, $0x0, v0;
	v10 =	vadd.f32 v12, v6;
	v6 =	vadd.f32 v14, v13;
	v12 =	vld [tilespmem:s17+$0xFFFFFFF0]  }
0xca: {  	s12 =	smul.u32 $0x140, s0;
	s13 =	sshll.u32 s0, $0x2;
	s6 =	sshra.s32 s6, $0x2;
	vm0 =	veq.s32 v63, v5;
	v13 =	vmul.f32 v19, v9;
	v14 =	vld [tilespmem:s14+$0xFFFFFFF0];
	v16 =	vmul.f32 v17, v62  }
0xcb: {  	s15 =	sadd.s32 s6, s20;
	s16 =	simm.s32 $0x0;
	s17 =	simm.s32 $0x5500;
	v7 =	vsel vm2, v7, v0;
	v15 =	vperm.xlane v10, v2;
	v9 =	vadd.f32 v6, v18  }
.LBB2_5:
0xcc: {  	v0 =	vld [tilespmem:s17+$0x180];
	s14 =	sadd.s32 $0x400, s14  }
0xcd: {  	v17 =	vld [tilespmem:s14+$0x180];
	v6 =	vadd.f32 v10, v15;
	v8 =	vmul.f32 v11, v8;
	v10 =	vadd.f32 v16, v13  }
0xce: {  	v11 =	vld [tilespmem:s17+$0x190]  }
0xcf: {  	v13 =	vld [tilespmem:s14+$0x190];
	v15 =	vperm.xlane v6, v3;
	v12 =	vmul.f32 v14, v12  }
0xd0: {  	v14 =	vld [tilespmem:s17+$0x1A0]  }
0xd1: {  	v16 =	vld [tilespmem:s14+$0x1A0];
	v6 =	vadd.f32 v6, v15;
	v8 =	vadd.f32 v12, v8  }
0xd2: {  	v12 =	vld [tilespmem:s17+$0x1B0]  }
0xd3: {  	v15 =	vld [tilespmem:s14+$0x1B0];
	v18 =	vperm.xlane v6, v4;
	v8 =	vadd.f32 v8, v10  }
0xd4: {  	v10 =	vld [tilespmem:s17+$0x1C0]  }
0xd5: {  	v19 =	vld [tilespmem:s14+$0x1C0];
	v6 =	vadd.f32 v6, v18;
	v8 =	vadd.f32 v8, v9  }
0xd6: {  	v9 =	vld [tilespmem:s17+$0x1D0]  }
0xd7: {  	v18 =	vld [tilespmem:s14+$0x1D0];
	v6 =	vsel vm1, v6, v7;
	v7 =	vperm.xlane v8, v1  }
0xd8: {  	v20 =	vld [tilespmem:s17+$0x1E0]  }
0xd9: {  	v21 =	vld [tilespmem:s14+$0x1E0];
	v7 =	vadd.f32 v8, v7  }
0xda: {  	v8 =	vld [tilespmem:s17+$0x1F0]  }
0xdb: {  	v22 =	vld [tilespmem:s14+$0x1F0];
	v23 =	vperm.xlane v7, v2  }
0xdc: {  	v24 =	vld [tilespmem:s17+$0x100]  }
0xdd: {  	v25 =	vld [tilespmem:s14+$0x100];
	v7 =	vadd.f32 v7, v23  }
0xde: {  	v23 =	vld [tilespmem:s17+$0x110]  }
0xdf: {  	v26 =	vld [tilespmem:s14+$0x110];
	v27 =	vperm.xlane v7, v3  }
0xe0: {  	v28 =	vld [tilespmem:s17+$0x120]  }
0xe1: {  	v29 =	vld [tilespmem:s14+$0x120];
	v7 =	vadd.f32 v7, v27  }
0xe2: {  	v27 =	vld [tilespmem:s17+$0x130]  }
0xe3: {  	v30 =	vld [tilespmem:s14+$0x130];
	v31 =	vperm.xlane v7, v4  }
0xe4: {  	v32 =	vld [tilespmem:s17+$0x140]  }
0xe5: {  	v33 =	vld [tilespmem:s14+$0x140];
	v7 =	vadd.f32 v7, v31  }
0xe6: {  	v31 =	vld [tilespmem:s17+$0x150]  }
0xe7: {  	v34 =	vld [tilespmem:s14+$0x150];
	v6 =	vsel vm0, v7, v6  }
0xe8: {  	v7 =	vld [tilespmem:s17+$0x160]  }
0xe9: {  	v35 =	vld [tilespmem:s14+$0x160]  }
0xea: {  	v36 =	vld [tilespmem:s17+$0x170]  }
0xeb: {  	v37 =	vld [tilespmem:s14+$0x170]  }
0xec: {  	v38 =	vld [tilespmem:s17+$0x80]  }
0xed: {  	v39 =	vld [tilespmem:s14+$0x80]  }
0xee: {  	v40 =	vld [tilespmem:s17+$0x90]  }
0xef: {  	v41 =	vld [tilespmem:s14+$0x90]  }
0xf0: {  	v42 =	vld [tilespmem:s17+$0xA0]  }
0xf1: {  	v43 =	vld [tilespmem:s14+$0xA0]  }
0xf2: {  	v44 =	vld [tilespmem:s17+$0xB0]  }
0xf3: {  	v45 =	vld [tilespmem:s14+$0xB0]  }
0xf4: {  	v46 =	vld [tilespmem:s17+$0xC0]  }
0xf5: {  	v47 =	vld [tilespmem:s14+$0xC0]  }
0xf6: {  	v48 =	vld [tilespmem:s17+$0xD0]  }
0xf7: {  	v49 =	vld [tilespmem:s14+$0xD0]  }
0xf8: {  	v50 =	vld [tilespmem:s17+$0xE0]  }
0xf9: {  	v51 =	vld [tilespmem:s14+$0xE0]  }
0xfa: {  	v52 =	vld [tilespmem:s17+$0xF0]  }
0xfb: {  	v53 =	vld [tilespmem:s14+$0xF0]  }
0xfc: {  	v54 =	vld [tilespmem:s17+$0x0]  }
0xfd: {  	v55 =	vld [tilespmem:s14+$0x0]  }
0xfe: {  	v0 =	vmul.f32 v17, v0;
	v11 =	vmul.f32 v13, v11;
	v56 =	vld [tilespmem:s17+$0x10]  }
0xff: {  	v14 =	vmul.f32 v16, v14;
	v12 =	vmul.f32 v15, v12;
	v13 =	vld [tilespmem:s14+$0x10]  }
0x100: {  	v10 =	vmul.f32 v19, v10;
	v9 =	vmul.f32 v18, v9;
	v15 =	vld [tilespmem:s17+$0x20]  }
0x101: {  	v17 =	vmul.f32 v21, v20;
	v8 =	vmul.f32 v22, v8;
	v16 =	vld [tilespmem:s14+$0x20]  }
0x102: {  	v19 =	vmul.f32 v25, v24;
	v20 =	vmul.f32 v26, v23;
	v18 =	vld [tilespmem:s17+$0x30]  }
0x103: {  	v22 =	vmul.f32 v29, v28;
	v23 =	vmul.f32 v30, v27;
	v21 =	vld [tilespmem:s14+$0x30]  }
0x104: {  	v25 =	vmul.f32 v33, v32;
	v26 =	vmul.f32 v34, v31;
	v24 =	vld [tilespmem:s17+$0x40]  }
0x105: {  	v7 =	vmul.f32 v35, v7;
	v28 =	vmul.f32 v37, v36;
	v27 =	vld [tilespmem:s14+$0x40]  }
0x106: {  	v30 =	vmul.f32 v39, v38;
	v31 =	vmul.f32 v41, v40;
	v29 =	vld [tilespmem:s17+$0x50]  }
0x107: {  	v33 =	vmul.f32 v43, v42;
	v34 =	vmul.f32 v45, v44;
	v32 =	vld [tilespmem:s14+$0x50]  }
0x108: {  	v36 =	vmul.f32 v47, v46;
	v37 =	vmul.f32 v49, v48;
	v35 =	vld [tilespmem:s17+$0x60]  }
0x109: {  	v39 =	vmul.f32 v51, v50;
	v40 =	vmul.f32 v53, v52;
	v38 =	vld [tilespmem:s14+$0x60]  }
0x10a: {  	v41 =	vmul.f32 v55, v54;
	v13 =	vmul.f32 v13, v56;
	v42 =	vld [tilespmem:s17+$0x70]  }
0x10b: {  	s16 =	sadd.s32 $0x2, s16;
	v0 =	vadd.f32 v11, v0;
	v11 =	vadd.f32 v12, v14;
	v15 =	vmul.f32 v16, v15;
	v16 =	vld [tilespmem:s14+$0x70]  }
0x10c: {  	p2 =	slt.u32 s16, $0x12;
	v9 =	vadd.f32 v9, v10;
	v8 =	vadd.f32 v8, v17;
	v14 =	vmul.f32 v21, v18;
	v12 =	vld [tilespmem:s17+$0xFFFFFE00]  }
0x10d: {  	v18 =	vadd.f32 v20, v19;
	v19 =	vadd.f32 v23, v22;
	v17 =	vmul.f32 v27, v24;
	v10 =	vld [tilespmem:s14+$0xFFFFFE00]  }
0x10e: {  	v7 =	vadd.f32 v28, v7;
	v22 =	vadd.f32 v26, v25;
	v21 =	vmul.f32 v32, v29;
	v20 =	vld [tilespmem:s17+$0xFFFFFE10]  }
0x10f: {  	v25 =	vadd.f32 v31, v30;
	v26 =	vadd.f32 v34, v33;
	v24 =	vmul.f32 v38, v35;
	v23 =	vld [tilespmem:s14+$0xFFFFFE10]  }
0x110: {  	v28 =	vadd.f32 v37, v36;
	v29 =	vadd.f32 v40, v39;
	v27 =	vld [tilespmem:s17+$0xFFFFFE20];
	v16 =	vmul.f32 v16, v42  }
0x111: {  	v13 =	vadd.f32 v13, v41;
	v14 =	vadd.f32 v14, v15;
	v30 =	vld [tilespmem:s14+$0xFFFFFE20]  }
0x112: {  	v15 =	vadd.f32 v21, v17;
	v10 =	vmul.f32 v10, v12;
	v12 =	vld [tilespmem:s17+$0xFFFFFE30];
	v16 =	vadd.f32 v16, v24  }
0x113: {  	v0 =	vadd.f32 v11, v0;
	v18 =	vadd.f32 v19, v18;
	v17 =	vld [tilespmem:s14+$0xFFFFFE30]  }
0x114: {  	v13 =	vadd.f32 v14, v13;
	v11 =	vmul.f32 v23, v20;
	v19 =	vld [tilespmem:s17+$0xFFFFFE40];
	v14 =	vadd.f32 v16, v15  }
0x115: {  	v16 =	vadd.f32 v26, v25;
	v20 =	vadd.f32 v29, v28;
	v15 =	vld [tilespmem:s14+$0xFFFFFE40]  }
0x116: {  	v7 =	vadd.f32 v7, v22;
	v21 =	vmul.f32 v30, v27;
	v23 =	vld [tilespmem:s17+$0xFFFFFE50];
	v13 =	vadd.f32 v14, v13  }
0x117: {  	v8 =	vadd.f32 v8, v9;
	v16 =	vadd.f32 v20, v16;
	v14 =	vld [tilespmem:s14+$0xFFFFFE50]  }
0x118: {  	v7 =	vadd.f32 v7, v18;
	v9 =	vmul.f32 v17, v12;
	v12 =	vld [tilespmem:s17+$0xFFFFFE60];
	v17 =	vperm.xlane v13, v1  }
0x119: {  	v0 =	vadd.f32 v8, v0;
	v10 =	vadd.f32 v11, v10;
	v11 =	vperm.xlane v16, v1;
	v18 =	vld [tilespmem:s14+$0xFFFFFE60]  }
0x11a: {  	v8 =	vmul.f32 v15, v19;
	v15 =	vld [tilespmem:s17+$0xFFFFFE70];
	v13 =	vadd.f32 v13, v17;
	v17 =	vperm.xlane v7, v1  }
0x11b: {  	v9 =	vadd.f32 v9, v21;
	v11 =	vadd.f32 v16, v11;
	v16 =	vperm.xlane v0, v1;
	v19 =	vld [tilespmem:s14+$0xFFFFFE70]  }
0x11c: {  	v14 =	vmul.f32 v14, v23;
	v20 =	vld [tilespmem:s17+$0xFFFFFE80];
	v21 =	vperm.xlane v13, v2;
	v7 =	vadd.f32 v7, v17  }
0x11d: {  	v9 =	vadd.f32 v9, v10;
	v17 =	vperm.xlane v11, v2;
	v0 =	vadd.f32 v0, v16;
	v10 =	vld [tilespmem:s14+$0xFFFFFE80]  }
0x11e: {  	v12 =	vmul.f32 v18, v12;
	v16 =	vld [tilespmem:s17+$0xFFFFFE90];
	v13 =	vadd.f32 v13, v21;
	v18 =	vperm.xlane v7, v2  }
0x11f: {  	v8 =	vadd.f32 v14, v8;
	v11 =	vadd.f32 v11, v17;
	v17 =	vperm.xlane v0, v2;
	v14 =	vld [tilespmem:s14+$0xFFFFFE90]  }
0x120: {  	s18 =	sadd.s32 $0x8, s18;
	v15 =	vmul.f32 v19, v15;
	v19 =	vld [tilespmem:s17+$0xFFFFFEA0];
	v21 =	vperm.xlane v13, v3;
	v7 =	vadd.f32 v7, v18  }
0x121: {  	s8 =	sand.u32 $0x8, s18;
	s6 =	sadd.s32 $0x4, s18;
	v22 =	vperm.xlane v11, v3;
	v0 =	vadd.f32 v0, v17;
	v18 =	vld [tilespmem:s14+$0xFFFFFEA0]  }
0x122: {  	s7 =	sor.u32 $0x1, s8;
	s10 =	sor.u32 $0x2, s8;
	s25 =	sand.u32 $0xC, s6;
	v10 =	vmul.f32 v10, v20;
	v17 =	vld [tilespmem:s17+$0xFFFFFEB0];
	v13 =	vadd.f32 v13, v21;
	v20 =	vperm.xlane v7, v3  }
0x123: {  	s6 =	sor.u32 $0x3, s8;
	s5 =	sor.u32 $0x3, s25;
	v23 =	vmov s25;
	v11 =	vadd.f32 v11, v22;
	v22 =	vperm.xlane v0, v3;
	v21 =	vld [tilespmem:s14+$0xFFFFFEB0]  }
0x124: {  	s4 =	sor.u32 $0x2, s25;
	v24 =	vld [tilespmem:s17+$0xFFFFFEC0];
	v25 =	vperm.xlane v13, v4;
	v7 =	vadd.f32 v7, v20;
	v20 =	vmov s5  }
0x125: {  	p1 =	por !p1, !p1;
	v28 =	vmov s4;
	v27 =	vperm.xlane v11, v4;
	v0 =	vadd.f32 v0, v22;
	v26 =	vld [tilespmem:s14+$0xFFFFFEC0]  }
0x126: {  	s19 =	sadd.s32 $0x2, s19;
	s4 =	sor.u32 $0x1, s25;
	vm0 =	veq.s32 v23, v5;
	s5 =	simm.s32 $0x1;
	v22 =	vld [tilespmem:s17+$0xFFFFFED0];
	v13 =	vadd.f32 v13, v25;
	v23 =	vperm.xlane v7, v4  }
0x127: {  	s25 =	sand.u32 $0x3, s19;
	s5 =	simm.s32 @!p1 $0x0;
	v11 =	vadd.f32 v11, v27;
	v27 =	vmov s4;
	v29 =	vperm.xlane v0, v4;
	v25 =	vld [tilespmem:s14+$0xFFFFFED0]  }
0x128: {  	s4 =	sshll.u32 s5, $0x5;
	s5 =	sshll.u32 s25, $0x4;
	v30 =	vld [tilespmem:s17+$0xFFFFFEE0];
	v13 =	vnsel vm0, $0x0, v13;
	vm0 =	veq.s32 v27, v5;
	v7 =	vadd.f32 v7, v23  }
0x129: {  	s4 =	ssub.s32 $0x0, s4;
	s5 =	ssub.s32 $0x0, s5;
	v0 =	vadd.f32 v0, v29;
	v23 =	vld [tilespmem:s14+$0xFFFFFEE0];
	v11 =	vsel vm0, v11, v13;
	vm0 =	veq.s32 v28, v5  }
0x12a: {  	s29 =	sadd.s32 $0x8, s29;
	s4 =	sshra.s32 s4, $0x2;
	s5 =	sshra.s32 s5, $0x2;
	v13 =	vmul.f32 v14, v16;
	v14 =	vld [tilespmem:s17+$0xFFFFFEF0];
	v7 =	vsel vm0, v7, v11;
	vm0 =	veq.s32 v20, v5  }
0x12b: {  	s25 =	sadd.s32 s4, s29;
	s4 =	sadd.s32 s5, s29;
	v16 =	vmul.f32 v21, v17;
	v11 =	vmul.f32 v18, v19;
	v17 =	vld [tilespmem:s14+$0xFFFFFEF0];
	v0 =	vsel vm0, v0, v7  }
0x12c: {  	v7 =	vadd.f32 v15, v12;
	v12 =	vmul.f32 v26, v24;
	v15 =	vmul.f32 v25, v22;
	[tilespmem:s4+$0x0] =	vst.add.f32.msk $0xffff, v0  }
0x12d: {  	v10 =	vadd.f32 v13, v10;
	v0 =	vmov s8;
	v11 =	vadd.f32 v16, v11;
	v13 =	vld [tilespmem:s17+$0xFFFFFF00]  }
0x12e: {  	v7 =	vadd.f32 v7, v8;
	v8 =	vmul.f32 v23, v30;
	v12 =	vadd.f32 v15, v12;
	v15 =	vld [tilespmem:s14+$0xFFFFFF00]  }
0x12f: {  	vm3 =	veq.s32 v0, v5;
	v0 =	vadd.f32 v11, v10;
	v10 =	vmov s7;
	v11 =	vld [tilespmem:s17+$0xFFFFFF10]  }
0x130: {  	v7 =	vadd.f32 v7, v9;
	vm2 =	veq.s32 v10, v5;
	v9 =	vmul.f32 v17, v14;
	v10 =	vld [tilespmem:s14+$0xFFFFFF10]  }
0x131: {  	v16 =	vmov s10;
	v17 =	vmov s6;
	v14 =	vld [tilespmem:s17+$0xFFFFFF20]  }
0x132: {  	vm1 =	veq.s32 v16, v5;
	v18 =	vperm.xlane v7, v1;
	v8 =	vadd.f32 v9, v8;
	v9 =	vld [tilespmem:s14+$0xFFFFFF20]  }
0x133: {  	vm0 =	veq.s32 v17, v5;
	v13 =	vmul.f32 v15, v13;
	v15 =	vld [tilespmem:s17+$0xFFFFFF30]  }
0x134: {  	v7 =	vadd.f32 v7, v18;
	v8 =	vadd.f32 v8, v12;
	v12 =	vld [tilespmem:s14+$0xFFFFFF30]  }
0x135: {  	v10 =	vmul.f32 v10, v11;
	v11 =	vld [tilespmem:s17+$0xFFFFFF40]  }
0x136: {  	v16 =	vperm.xlane v7, v2;
	v0 =	vadd.f32 v8, v0;
	v8 =	vld [tilespmem:s14+$0xFFFFFF40]  }
0x137: {  	v9 =	vmul.f32 v9, v14;
	v14 =	vld [tilespmem:s17+$0xFFFFFF50];
	v10 =	vadd.f32 v10, v13  }
0x138: {  	v7 =	vadd.f32 v7, v16;
	v13 =	vperm.xlane v0, v1;
	v16 =	vld [tilespmem:s14+$0xFFFFFF50]  }
0x139: {  	v12 =	vmul.f32 v12, v15;
	v15 =	vld [tilespmem:s17+$0xFFFFFF60]  }
0x13a: {  	v17 =	vperm.xlane v7, v3;
	v0 =	vadd.f32 v0, v13;
	v13 =	vld [tilespmem:s14+$0xFFFFFF60]  }
0x13b: {  	v8 =	vmul.f32 v8, v11;
	v11 =	vld [tilespmem:s17+$0xFFFFFF70];
	v9 =	vadd.f32 v12, v9  }
0x13c: {  	v7 =	vadd.f32 v7, v17;
	v12 =	vperm.xlane v0, v2;
	v17 =	vld [tilespmem:s14+$0xFFFFFF70]  }
0x13d: {  	v14 =	vmul.f32 v16, v14;
	v9 =	vadd.f32 v9, v10;
	v10 =	vld [tilespmem:s17+$0xFFFFFF80]  }
0x13e: {  	v16 =	vperm.xlane v7, v4;
	v0 =	vadd.f32 v0, v12;
	v12 =	vld [tilespmem:s14+$0xFFFFFF80]  }
0x13f: {  	v13 =	vmul.f32 v13, v15;
	v8 =	vadd.f32 v14, v8;
	v14 =	vld [tilespmem:s17+$0xFFFFFF90]  }
0x140: {  	v7 =	vadd.f32 v7, v16;
	v15 =	vperm.xlane v0, v3;
	v16 =	vld [tilespmem:s14+$0xFFFFFF90]  }
0x141: {  	v11 =	vmul.f32 v17, v11;
	v17 =	vld [tilespmem:s17+$0xFFFFFFA0]  }
0x142: {  	v7 =	vnsel vm3, $0x0, v7;
	v0 =	vadd.f32 v0, v15;
	v15 =	vld [tilespmem:s14+$0xFFFFFFA0]  }
0x143: {  	v11 =	vadd.f32 v11, v13;
	v10 =	vmul.f32 v12, v10;
	v12 =	vld [tilespmem:s17+$0xFFFFFFB0]  }
0x144: {  	v13 =	vperm.xlane v0, v4;
	v18 =	vld [tilespmem:s14+$0xFFFFFFB0]  }
0x145: {  	v8 =	vadd.f32 v11, v8;
	v11 =	vmul.f32 v16, v14;
	v14 =	vld [tilespmem:s17+$0xFFFFFFC0]  }
0x146: {  	v0 =	vadd.f32 v0, v13;
	v13 =	vld [tilespmem:s14+$0xFFFFFFC0]  }
0x147: {  	v9 =	vadd.f32 v8, v9;
	v15 =	vmul.f32 v15, v17;
	v16 =	vld [tilespmem:s17+$0xFFFFFFD0];
	v17 =	vadd.f32 v11, v10  }
0x148: {  	v7 =	vsel vm2, v0, v7;
	v0 =	vld [tilespmem:s14+$0xFFFFFFD0]  }
.Ltmp5:
0x149: {  	v10 =	vperm.xlane v9, v1;
	v18 =	vmul.f32 v18, v12;
	v8 =	vld [tilespmem:s17+$0xFFFFFFE0];
	(pc) =	sbr.rel @p2 .LBB2_5-.Ltmp5, $4  }
0x14a: {  	v11 =	vld [tilespmem:s14+$0xFFFFFFE0]  }
0x14b: {  	v10 =	vadd.f32 v9, v10;
	v13 =	vmul.f32 v13, v14;
	v12 =	vld [tilespmem:s17+$0xFFFFFFF0];
	v9 =	vadd.f32 v18, v15  }
0x14c: {  	v14 =	vld [tilespmem:s14+$0xFFFFFFF0]  }
0x14d: {  	s17 =	sadd.s32 $0x400, s17;
	v15 =	vperm.xlane v10, v2;
	v16 =	vmul.f32 v0, v16;
	v9 =	vadd.f32 v9, v17;
	[tilespmem:s15+$0x0] =	vst.add.f32.msk $0xffff, v6;
	s15 =	smov.u32 s25  }
0x14e: {  	_ =	sdelay $0x2  }
0x14f: {  	v0 =	vmul.f32 v11, v8;
	v6 =	vmul.f32 v14, v12;
	_ =	sdelay $0x1  }
0x150: {  	v61 =	vadd.f32 v16, v13;
	v0 =	vadd.f32 v6, v0;
	_ =	sdelay $0x1  }
0x151: {  	v0 =	vadd.f32 v0, v61;
	_ =	sdelay $0x1  }
0x152: {  	v0 =	vadd.f32 v0, v9;
	_ =	sdelay $0x1  }
0x153: {  	v6 =	vperm.xlane v0, v1;
	_ =	sdelay $0x1  }
0x154: {  	v0 =	vadd.f32 v0, v6;
	_ =	sdelay $0x1  }
0x155: {  	v6 =	vperm.xlane v0, v2  }
0x156: {  	v62 =	vadd.f32 v10, v15  }
0x157: {  	v0 =	vadd.f32 v0, v6  }
0x158: {  	v6 =	vperm.xlane v62, v3  }
0x159: {  	v63 =	vperm.xlane v0, v3  }
0x15a: {  	v6 =	vadd.f32 v62, v6  }
0x15b: {  	v0 =	vadd.f32 v0, v63  }
0x15c: {  	v8 =	vperm.xlane v6, v4  }
0x15d: {  	v9 =	vperm.xlane v0, v4  }
0x15e: {  	v6 =	vadd.f32 v6, v8  }
0x15f: {  	v0 =	vadd.f32 v0, v9  }
0x160: {  	v6 =	vsel vm1, v6, v7  }
0x161: {  	p1 =	seq.s32 s0, $0x1F;
	v0 =	vsel vm0, v0, v6  }
0x162: {  	s4 =	sadd.s32 @!p1 $0x140, s12;
	s5 =	simm.s32 @!p1 $0x50;
	s6 =	simm.s32 @!p1 $0x4F00;
	[tilespmem:s15+$0x0] =	vst.add.f32.msk $0xffff, v0  }
0x163: {  	[tilespmem:s6], [sflag:$0x1] =	stream.indirect.gather @!p1 [hbm4b:s1+s5], $0x80, s4, s5, $0xb8;
	[tilespmem:$0x1B680] =	vst v63  }
0x164: {  	s29 =	sor.u32 $0x1, s13;
	s7 =	simm.s32 @!p1 $0xEF00;
	s6 =	sadd.s32 @!p1 $0x28C0, s12  }
0x165: {  	[tilespmem:s7], [sflag:$0x1] =	stream.indirect.gather @!p1 [hbm4b:s2+s5], $0x80, s6, s5, $0xb8;
	[tilespmem:$0x1B680] =	vst v63  }
0x166: {  	p1 =	sgt.u32 s29, $0x7C  }
.Ltmp6:
0x167: {  	_ = 	snop;
	(pc) =	sbr.rel @p1 .LBB2_10-.Ltmp6, $1  }
0x168: {  	_ =	sdelay $0x3  }
0x169: {  	_ =	swait.ge [sflag:s22], $0x2800  }
0x16a: {  	[sflag:s22] =	ssyncset.done $0x0  }
0x16b: {  	[sflag:s22] =	ssyncadd.s32 $0xFFFFD800  }
0x16c: {  	_ =	swait.ge [sflag:s22], $0x2800  }
0x16d: {  	[sflag:s22] =	ssyncset.done $0x0  }
0x16e: {  	s16 =	simm.s32 $0x7900;
	[sflag:s22] =	ssyncadd.s32 $0xFFFFD800  }
0x16f: {  	s14 =	simm.s32 $0x11900;
	v52 =	vld [tilespmem:s16+$0x180]  }
0x170: {  	v51 =	vld [tilespmem:s14+$0x180]  }
0x171: {  	v7 =	vld [tilespmem:s16+$0x190]  }
0x172: {  	v8 =	vld [tilespmem:s14+$0x190]  }
0x173: {  	v9 =	vld [tilespmem:s16+$0x1A0]  }
0x174: {  	v10 =	vld [tilespmem:s14+$0x1A0]  }
0x175: {  	v11 =	vld [tilespmem:s16+$0x1B0]  }
0x176: {  	v12 =	vld [tilespmem:s14+$0x1B0]  }
0x177: {  	v13 =	vld [tilespmem:s16+$0x1C0]  }
0x178: {  	v14 =	vld [tilespmem:s14+$0x1C0]  }
0x179: {  	v15 =	vld [tilespmem:s16+$0x1D0]  }
0x17a: {  	v16 =	vld [tilespmem:s14+$0x1D0]  }
0x17b: {  	v17 =	vld [tilespmem:s16+$0x1E0]  }
0x17c: {  	v18 =	vld [tilespmem:s14+$0x1E0]  }
0x17d: {  	v19 =	vld [tilespmem:s16+$0x1F0]  }
0x17e: {  	v20 =	vld [tilespmem:s14+$0x1F0]  }
0x17f: {  	v21 =	vld [tilespmem:s16+$0x100]  }
0x180: {  	v22 =	vld [tilespmem:s14+$0x100]  }
0x181: {  	v23 =	vld [tilespmem:s16+$0x110]  }
0x182: {  	v24 =	vld [tilespmem:s14+$0x110]  }
0x183: {  	v25 =	vld [tilespmem:s16+$0x120]  }
0x184: {  	v26 =	vld [tilespmem:s14+$0x120]  }
0x185: {  	v27 =	vld [tilespmem:s16+$0x130]  }
0x186: {  	v28 =	vld [tilespmem:s14+$0x130]  }
0x187: {  	v29 =	vld [tilespmem:s16+$0x140]  }
0x188: {  	v30 =	vld [tilespmem:s14+$0x140]  }
0x189: {  	v31 =	vld [tilespmem:s16+$0x150]  }
0x18a: {  	v32 =	vld [tilespmem:s14+$0x150]  }
0x18b: {  	v33 =	vld [tilespmem:s16+$0x160]  }
0x18c: {  	v34 =	vld [tilespmem:s14+$0x160]  }
0x18d: {  	v35 =	vld [tilespmem:s16+$0x170]  }
0x18e: {  	v36 =	vld [tilespmem:s14+$0x170]  }
0x18f: {  	v37 =	vld [tilespmem:s16+$0x80]  }
0x190: {  	v38 =	vld [tilespmem:s14+$0x80]  }
0x191: {  	v39 =	vld [tilespmem:s16+$0x90]  }
0x192: {  	v40 =	vld [tilespmem:s14+$0x90]  }
0x193: {  	v41 =	vld [tilespmem:s16+$0xA0]  }
0x194: {  	v42 =	vld [tilespmem:s14+$0xA0]  }
0x195: {  	v43 =	vld [tilespmem:s16+$0xB0]  }
0x196: {  	v44 =	vld [tilespmem:s14+$0xB0]  }
0x197: {  	v45 =	vld [tilespmem:s16+$0xC0]  }
0x198: {  	v0 =	vld [tilespmem:s16+$0xF0]  }
0x199: {  	v46 =	vld [tilespmem:s14+$0xC0]  }
0x19a: {  	v47 =	vld [tilespmem:s16+$0xD0]  }
0x19b: {  	v48 =	vld [tilespmem:s14+$0xD0]  }
0x19c: {  	v49 =	vld [tilespmem:s16+$0xE0]  }
0x19d: {  	v50 =	vld [tilespmem:s14+$0xE0];
	[tilespmem:$0x1FFC0] =	vst v0  }
0x19e: {  	v0 =	vld [tilespmem:s14+$0xF0]  }
0x19f: {  	v9 =	vmul.f32 v10, v9  }
0x1a0: {  	v10 =	vmul.f32 v12, v11;
	v12 =	vmul.f32 v14, v13  }
0x1a1: {  	v13 =	vmul.f32 v16, v15;
	v16 =	vmul.f32 v20, v19  }
0x1a2: {  	v19 =	vmul.f32 v24, v23;
	v24 =	vmul.f32 v30, v29  }
0x1a3: {  	v30 =	vmul.f32 v38, v37;
	v37 =	vmul.f32 v48, v47;
	v48 =	vld [tilespmem:$0x1FFC0];
	[tilespmem:$0x1FFD0] =	vst v0  }
0x1a4: {  	v53 =	vld [tilespmem:s16+$0x0]  }
0x1a5: {  	v54 =	vld [tilespmem:s14+$0x0]  }
0x1a6: {  	v55 =	vld [tilespmem:s16+$0x10]  }
0x1a7: {  	v56 =	vld [tilespmem:s14+$0x10]  }
0x1a8: {  	v57 =	vld [tilespmem:s16+$0x20]  }
0x1a9: {  	v58 =	vld [tilespmem:s14+$0x20]  }
0x1aa: {  	v59 =	vld [tilespmem:s16+$0x30]  }
0x1ab: {  	v60 =	vld [tilespmem:s14+$0x30]  }
0x1ac: {  	v61 =	vld [tilespmem:s16+$0x40]  }
0x1ad: {  	v62 =	vld [tilespmem:s14+$0x40]  }
0x1ae: {  	v63 =	vld [tilespmem:s16+$0x50]  }
0x1af: {  	v0 =	vld [tilespmem:s14+$0x50]  }
0x1b0: {  	v6 =	vld [tilespmem:s16+$0x60]  }
0x1b1: {  	v7 =	vmul.f32 v8, v7;
	v8 =	vld [tilespmem:s14+$0x60]  }
0x1b2: {  	v11 =	vld [tilespmem:s16+$0x70]  }
0x1b3: {  	v14 =	vld [tilespmem:s14+$0x70]  }
0x1b4: {  	v15 =	vmul.f32 v18, v17;
	v17 =	vld [tilespmem:s16+$0xFFFFFE00]  }
0x1b5: {  	v20 =	vld [tilespmem:s14+$0xFFFFFE00]  }
0x1b6: {  	v23 =	vld [tilespmem:s16+$0xFFFFFE10]  }
0x1b7: {  	v18 =	vmul.f32 v22, v21;
	v21 =	vmul.f32 v26, v25;
	v26 =	vld [tilespmem:s14+$0xFFFFFE10]  }
0x1b8: {  	v29 =	vld [tilespmem:s16+$0xFFFFFE20]  }
0x1b9: {  	v25 =	vmul.f32 v32, v31;
	v32 =	vld [tilespmem:s14+$0xFFFFFE20]  }
0x1ba: {  	v22 =	vmul.f32 v28, v27;
	v28 =	vmul.f32 v36, v35;
	v35 =	vld [tilespmem:s16+$0xFFFFFE30]  }
0x1bb: {  	v51 =	vmul.f32 v51, v52;
	v38 =	vld [tilespmem:s14+$0xFFFFFE30]  }
0x1bc: {  	v27 =	vmul.f32 v34, v33;
	v33 =	vmul.f32 v42, v41;
	v41 =	vld [tilespmem:s16+$0xFFFFFE40]  }
0x1bd: {  	v34 =	vmul.f32 v44, v43;
	v44 =	vld [tilespmem:s14+$0xFFFFFE40]  }
0x1be: {  	v36 =	vmul.f32 v46, v45;
	v7 =	vadd.f32 v7, v51;
	v9 =	vadd.f32 v10, v9;
	v45 =	vld [tilespmem:s16+$0xFFFFFE50]  }
0x1bf: {  	v12 =	vadd.f32 v13, v12;
	v13 =	vadd.f32 v16, v15;
	v16 =	vld [tilespmem:s14+$0xFFFFFE50]  }
0x1c0: {  	v31 =	vmul.f32 v40, v39;
	v18 =	vadd.f32 v19, v18;
	v19 =	vadd.f32 v22, v21;
	v21 =	vld [tilespmem:s16+$0xFFFFFE60]  }
0x1c1: {  	v52 =	vmul.f32 v50, v49;
	v7 =	vadd.f32 v9, v7;
	v12 =	vadd.f32 v13, v12;
	v49 =	vld [tilespmem:$0x1FFD0]  }
0x1c2: {  	v46 =	vadd.f32 v31, v30;
	v51 =	vld [tilespmem:s14+$0xFFFFFE70]  }
0x1c3: {  	v47 =	vadd.f32 v34, v33;
	v7 =	vadd.f32 v12, v7;
	v12 =	vld [tilespmem:s16+$0xFFFFFEC0];
	v54 =	vmul.f32 v54, v53  }
0x1c4: {  	v18 =	vadd.f32 v19, v18;
	v40 =	vld [tilespmem:s16+$0xFFFFFEF0];
	v56 =	vmul.f32 v56, v55;
	v58 =	vmul.f32 v58, v57  }
0x1c5: {  	v19 =	vadd.f32 v47, v46;
	v42 =	vld [tilespmem:s16+$0xFFFFFF00];
	v10 =	vmul.f32 v60, v59;
	v15 =	vmul.f32 v62, v61  }
0x1c6: {  	v0 =	vmul.f32 v0, v63;
	v62 =	vadd.f32 v25, v24;
	v6 =	vmul.f32 v8, v6;
	v8 =	vld [tilespmem:s14+$0xFFFFFE60]  }
0x1c7: {  	v63 =	vadd.f32 v28, v27;
	v11 =	vmul.f32 v14, v11;
	v14 =	vld [tilespmem:s16+$0xFFFFFE70];
	v28 =	vmul.f32 v49, v48  }
0x1c8: {  	v53 =	vld [tilespmem:s14+$0xFFFFFE90];
	v17 =	vmul.f32 v20, v17;
	v9 =	vmul.f32 v26, v23;
	v50 =	vadd.f32 v56, v54  }
0x1c9: {  	s4 =	simm.s32 $0x4;
	v55 =	vld [tilespmem:s14+$0xFFFFFEA0];
	v57 =	vmul.f32 v38, v35;
	v10 =	vadd.f32 v10, v58;
	v0 =	vadd.f32 v0, v15  }
0x1ca: {  	s4 =	sand.u32 $0xC, s4;
	v60 =	vld [tilespmem:s14+$0xFFFFFEC0];
	v61 =	vperm.xlane v7, v1;
	v6 =	vadd.f32 v11, v6;
	v15 =	vadd.f32 v37, v36  }
0x1cb: {  	s5 =	sor.u32 $0x3, s4;
	v16 =	vmul.f32 v16, v45;
	v38 =	vld [tilespmem:s14+$0xFFFFFEE0];
	v28 =	vadd.f32 v28, v52;
	v54 =	vadd.f32 v63, v62  }
0x1cc: {  	v49 =	vmov s5;
	v11 =	vld [tilespmem:s16+$0xFFFFFE80];
	v9 =	vadd.f32 v9, v17;
	v7 =	vadd.f32 v7, v61  }
0x1cd: {  	v52 =	vld [tilespmem:s14+$0xFFFFFE80];
	v56 =	vmul.f32 v32, v29;
	v10 =	vadd.f32 v10, v50;
	v0 =	vadd.f32 v6, v0  }
0x1ce: {  	v36 =	vld [tilespmem:s16+$0xFFFFFEE0];
	v15 =	vadd.f32 v28, v15;
	v18 =	vadd.f32 v54, v18;
	v39 =	vperm.xlane v7, v2  }
0x1cf: {  	v6 =	vld [tilespmem:s16+$0xFFFFFE90];
	v23 =	vadd.f32 v57, v56;
	v8 =	vmul.f32 v8, v21;
	v14 =	vmul.f32 v51, v14  }
0x1d0: {  	v48 =	vld [tilespmem:s16+$0xFFFFFF10];
	v12 =	vmul.f32 v60, v12;
	v0 =	vadd.f32 v0, v10;
	v15 =	vadd.f32 v15, v19  }
0x1d1: {  	v50 =	vld [tilespmem:s14+$0xFFFFFF10];
	v17 =	vperm.xlane v18, v1;
	v9 =	vadd.f32 v23, v9;
	v7 =	vadd.f32 v7, v39  }
0x1d2: {  	v58 =	vld [tilespmem:s14+$0xFFFFFEB0];
	v11 =	vmul.f32 v52, v11;
	v8 =	vadd.f32 v14, v8;
	v13 =	vperm.xlane v0, v1  }
0x1d3: {  	v10 =	vld [tilespmem:s16+$0xFFFFFEA0];
	v14 =	vmul.f32 v38, v36;
	v59 =	vperm.xlane v15, v1;
	v17 =	vadd.f32 v18, v17  }
0x1d4: {  	v19 =	vld [tilespmem:s16+$0xFFFFFEB0];
	v46 =	vperm.xlane v7, v3;
	v6 =	vmul.f32 v53, v6;
	v0 =	vadd.f32 v0, v13  }
0x1d5: {  	v63 =	vld [tilespmem:s16+$0xFFFFFED0];
	v13 =	vmul.f32 v44, v41;
	v15 =	vadd.f32 v15, v59;
	v37 =	vperm.xlane v17, v2  }
0x1d6: {  	v18 =	vld [tilespmem:s14+$0xFFFFFED0];
	v56 =	vmul.f32 v50, v48;
	v44 =	vmov s4;
	v62 =	vperm.xlane v0, v2  }
0x1d7: {  	v35 =	vperm.xlane v15, v2;
	v13 =	vadd.f32 v16, v13;
	v16 =	vadd.f32 v17, v37;
	v17 =	vld [tilespmem:s14+$0xFFFFFEF0]  }
0x1d8: {  	v45 =	vld [tilespmem:s14+$0xFFFFFF00];
	v7 =	vadd.f32 v7, v46;
	v10 =	vmul.f32 v55, v10;
	v0 =	vadd.f32 v0, v62  }
0x1d9: {  	v57 =	vld [tilespmem:s14+$0xFFFFFF80];
	v19 =	vmul.f32 v58, v19;
	v6 =	vadd.f32 v6, v11;
	v15 =	vadd.f32 v15, v35  }
0x1da: {  	v51 =	vld [tilespmem:s16+$0xFFFFFF20];
	vm0 =	veq.s32 v44, v5;
	v55 =	vperm.xlane v7, v4;
	v28 =	vperm.xlane v0, v3  }
0x1db: {  	v52 =	vld [tilespmem:s14+$0xFFFFFF20];
	v18 =	vmul.f32 v18, v63;
	v10 =	vadd.f32 v19, v10;
	v41 =	vperm.xlane v15, v3  }
0x1dc: {  	v53 =	vld [tilespmem:s16+$0xFFFFFF30];
	v8 =	vadd.f32 v8, v13;
	v17 =	vmul.f32 v17, v40;
	v0 =	vadd.f32 v0, v28  }
0x1dd: {  	v11 =	vld [tilespmem:s14+$0xFFFFFF30];
	v43 =	vperm.xlane v16, v3;
	v12 =	vadd.f32 v18, v12;
	v15 =	vadd.f32 v15, v41  }
0x1de: {  	v13 =	vld [tilespmem:s14+$0xFFFFFF40];
	v6 =	vadd.f32 v10, v6;
	v14 =	vadd.f32 v17, v14;
	v47 =	vperm.xlane v0, v4  }
0x1df: {  	s15 =	sor.u32 $0x2, s4;
	v16 =	vadd.f32 v16, v43;
	v8 =	vadd.f32 v8, v9;
	v9 =	vld [tilespmem:s14+$0xFFFFFF50];
	v54 =	vperm.xlane v15, v4  }
0x1e0: {  	s4 =	sor.u32 $0x1, s4;
	v19 =	vmov s15;
	v17 =	vld [tilespmem:s16+$0xFFFFFF40];
	v10 =	vadd.f32 v14, v12;
	v0 =	vadd.f32 v0, v47  }
0x1e1: {  	v18 =	vperm.xlane v16, v4;
	v12 =	vld [tilespmem:s16+$0xFFFFFF50];
	v14 =	vmov s4;
	v15 =	vadd.f32 v15, v54  }
0x1e2: {  	v6 =	vadd.f32 v10, v6;
	v10 =	vld [tilespmem:s16+$0xFFFFFF60];
	v0 =	vnsel vm0, $0x0, v0;
	vm0 =	veq.s32 v14, v5  }
0x1e3: {  	v14 =	vadd.f32 v16, v18;
	v16 =	vld [tilespmem:s14+$0xFFFFFF60];
	v0 =	vsel vm0, v15, v0;
	v15 =	vperm.xlane v8, v1  }
0x1e4: {  	v20 =	vmul.f32 v52, v51;
	vm0 =	veq.s32 v19, v5;
	v18 =	vperm.xlane v6, v1;
	v19 =	vld [tilespmem:s16+$0xFFFFFF70]  }
0x1e5: {  	v7 =	vadd.f32 v7, v55;
	v0 =	vsel vm0, v14, v0;
	v14 =	vld [tilespmem:s14+$0xFFFFFF70];
	v8 =	vadd.f32 v8, v15  }
0x1e6: {  	v60 =	vld [tilespmem:s16+$0xFFFFFF90];
	v11 =	vmul.f32 v11, v53;
	vm0 =	veq.s32 v49, v5;
	v6 =	vadd.f32 v6, v18  }
0x1e7: {  	v62 =	vld [tilespmem:s16+$0xFFFFFFD0];
	v15 =	vmul.f32 v45, v42;
	v0 =	vsel vm0, v7, v0;
	v7 =	vperm.xlane v8, v2  }
0x1e8: {  	s15 =	simm.s32 $0x0;
	v11 =	vadd.f32 v11, v20;
	v9 =	vmul.f32 v9, v12;
	v12 =	vld [tilespmem:s14+$0xFFFFFF90];
	v59 =	vperm.xlane v6, v2  }
0x1e9: {  	s6 =	sand.u32 $0x3, s15;
	v18 =	vld [tilespmem:s16+$0xFFFFFF80];
	v10 =	vmul.f32 v16, v10;
	v15 =	vadd.f32 v56, v15;
	v7 =	vadd.f32 v8, v7  }
0x1ea: {  	s6 =	sshll.u32 s6, $0x4;
	v8 =	vmul.f32 v13, v17;
	v6 =	vadd.f32 v6, v59;
	v13 =	vmul.f32 v14, v19;
	v14 =	vld [tilespmem:s16+$0xFFFFFFA0]  }
0x1eb: {  	s17 =	sand.u32 $0x8, s15;
	s19 =	ssub.s32 $0x0, s6;
	v17 =	vld [tilespmem:s14+$0xFFFFFFA0];
	v11 =	vadd.f32 v11, v15;
	v16 =	vperm.xlane v7, v3  }
0x1ec: {  	s5 =	sshra.s32 s19, $0x2;
	s4 =	sor.u32 $0x3, s17;
	v15 =	vld [tilespmem:s14+$0xFFFFFFB0];
	v8 =	vadd.f32 v9, v8;
	v9 =	vperm.xlane v6, v3;
	v10 =	vadd.f32 v13, v10  }
0x1ed: {  	v58 =	vmov s17;
	s18 =	sor.u32 $0x1, s17;
	s5 =	sadd.s32 s5, s30;
	v63 =	vmov s4;
	v13 =	vld [tilespmem:s16+$0xFFFFFFB0];
	v7 =	vadd.f32 v7, v16  }
0x1ee: {  	[tilespmem:s5+$0x0] =	vst.add.f32.msk $0xffff, v0;
	v16 =	vmov s18;
	v6 =	vadd.f32 v6, v9;
	v8 =	vadd.f32 v10, v8  }
0x1ef: {  	vm0 =	veq.s32 v58, v5;
	v19 =	vld [tilespmem:s16+$0xFFFFFFC0];
	v18 =	vmul.f32 v57, v18;
	vm2 =	veq.s32 v16, v5  }
0x1f0: {  	s7 =	sor.u32 $0x2, s17;
	v16 =	vld [tilespmem:s14+$0xFFFFFFC0];
	v10 =	vperm.xlane v7, v4;
	v61 =	vperm.xlane v6, v4;
	v8 =	vadd.f32 v8, v11  }
0x1f1: {  	p1 =	por $0x0, $0x0;
	s6 =	simm.s32 $0x1;
	v9 =	vmov s7;
	v11 =	vmul.f32 v12, v60;
	v12 =	vmul.f32 v17, v14;
	v17 =	vld [tilespmem:s14+$0xFFFFFFD0]  }
0x1f2: {  	s6 =	simm.s32 @!p1 $0x0;
	v13 =	vmul.f32 v15, v13;
	v0 =	vadd.f32 v7, v10;
	v7 =	vperm.xlane v8, v1;
	v10 =	vld [tilespmem:s16+$0xFFFFFFE0]  }
0x1f3: {  	s25 =	sshll.u32 s6, $0x5;
	vm1 =	veq.s32 v9, v5;
	v6 =	vadd.f32 v6, v61;
	v18 =	vadd.f32 v11, v18;
	v11 =	vld [tilespmem:s14+$0xFFFFFFE0]  }
0x1f4: {  	s4 =	ssub.s32 $0x0, s25;
	v14 =	vld [tilespmem:s14+$0xFFFFFFF0];
	v0 =	vnsel vm0, $0x0, v0;
	v9 =	vadd.f32 v8, v7;
	v8 =	vadd.f32 v13, v12  }
0x1f5: {  	s29 =	smov.u32 s30;
	s19 =	simm.s32 $0x0;
	s4 =	sshra.s32 s4, $0x2;
	vm0 =	veq.s32 v63, v5;
	v13 =	vmul.f32 v16, v19;
	v12 =	vld [tilespmem:s16+$0xFFFFFFF0];
	v7 =	vsel vm2, v6, v0  }
0x1f6: {  	s17 =	simm.s32 $0x0;
	s18 =	simm.s32 $0x7D00;
	s16 =	sadd.s32 s4, s30;
	v16 =	vmul.f32 v17, v62;
	v15 =	vperm.xlane v9, v2;
	v8 =	vadd.f32 v8, v18  }
.LBB2_8:
0x1f7: {  	v0 =	vld [tilespmem:s18+$0x180];
	s14 =	sadd.s32 $0x400, s14  }
0x1f8: {  	v17 =	vld [tilespmem:s14+$0x180];
	v6 =	vadd.f32 v9, v15;
	v9 =	vmul.f32 v11, v10;
	v10 =	vadd.f32 v16, v13  }
0x1f9: {  	v11 =	vld [tilespmem:s18+$0x190]  }
0x1fa: {  	v13 =	vld [tilespmem:s14+$0x190];
	v15 =	vperm.xlane v6, v3;
	v12 =	vmul.f32 v14, v12  }
0x1fb: {  	v14 =	vld [tilespmem:s18+$0x1A0]  }
0x1fc: {  	v16 =	vld [tilespmem:s14+$0x1A0];
	v6 =	vadd.f32 v6, v15;
	v9 =	vadd.f32 v12, v9  }
0x1fd: {  	v12 =	vld [tilespmem:s18+$0x1B0]  }
0x1fe: {  	v15 =	vld [tilespmem:s14+$0x1B0];
	v18 =	vperm.xlane v6, v4;
	v9 =	vadd.f32 v9, v10  }
0x1ff: {  	v10 =	vld [tilespmem:s18+$0x1C0]  }
0x200: {  	v19 =	vld [tilespmem:s14+$0x1C0];
	v6 =	vadd.f32 v6, v18;
	v8 =	vadd.f32 v9, v8  }
0x201: {  	v9 =	vld [tilespmem:s18+$0x1D0]  }
0x202: {  	v18 =	vld [tilespmem:s14+$0x1D0];
	v6 =	vsel vm1, v6, v7;
	v7 =	vperm.xlane v8, v1  }
0x203: {  	v20 =	vld [tilespmem:s18+$0x1E0]  }
0x204: {  	v21 =	vld [tilespmem:s14+$0x1E0];
	v7 =	vadd.f32 v8, v7  }
0x205: {  	v8 =	vld [tilespmem:s18+$0x1F0]  }
0x206: {  	v22 =	vld [tilespmem:s14+$0x1F0];
	v23 =	vperm.xlane v7, v2  }
0x207: {  	v24 =	vld [tilespmem:s18+$0x100]  }
0x208: {  	v25 =	vld [tilespmem:s14+$0x100];
	v7 =	vadd.f32 v7, v23  }
0x209: {  	v23 =	vld [tilespmem:s18+$0x110]  }
0x20a: {  	v26 =	vld [tilespmem:s14+$0x110];
	v27 =	vperm.xlane v7, v3  }
0x20b: {  	v28 =	vld [tilespmem:s18+$0x120]  }
0x20c: {  	v29 =	vld [tilespmem:s14+$0x120];
	v7 =	vadd.f32 v7, v27  }
0x20d: {  	v27 =	vld [tilespmem:s18+$0x130]  }
0x20e: {  	v30 =	vld [tilespmem:s14+$0x130];
	v31 =	vperm.xlane v7, v4  }
0x20f: {  	v32 =	vld [tilespmem:s18+$0x140]  }
0x210: {  	v33 =	vld [tilespmem:s14+$0x140];
	v7 =	vadd.f32 v7, v31  }
0x211: {  	v31 =	vld [tilespmem:s18+$0x150]  }
0x212: {  	v34 =	vld [tilespmem:s14+$0x150];
	v6 =	vsel vm0, v7, v6  }
0x213: {  	v7 =	vld [tilespmem:s18+$0x160]  }
0x214: {  	v35 =	vld [tilespmem:s14+$0x160]  }
0x215: {  	v36 =	vld [tilespmem:s18+$0x170]  }
0x216: {  	v37 =	vld [tilespmem:s14+$0x170]  }
0x217: {  	v38 =	vld [tilespmem:s18+$0x80]  }
0x218: {  	v39 =	vld [tilespmem:s14+$0x80]  }
0x219: {  	v40 =	vld [tilespmem:s18+$0x90]  }
0x21a: {  	v41 =	vld [tilespmem:s14+$0x90]  }
0x21b: {  	v42 =	vld [tilespmem:s18+$0xA0]  }
0x21c: {  	v43 =	vld [tilespmem:s14+$0xA0]  }
0x21d: {  	v44 =	vld [tilespmem:s18+$0xB0]  }
0x21e: {  	v45 =	vld [tilespmem:s14+$0xB0]  }
0x21f: {  	v46 =	vld [tilespmem:s18+$0xC0]  }
0x220: {  	v47 =	vld [tilespmem:s14+$0xC0]  }
0x221: {  	v48 =	vld [tilespmem:s18+$0xD0]  }
0x222: {  	v49 =	vld [tilespmem:s14+$0xD0]  }
0x223: {  	v50 =	vld [tilespmem:s18+$0xE0]  }
0x224: {  	v51 =	vld [tilespmem:s14+$0xE0]  }
0x225: {  	v52 =	vld [tilespmem:s18+$0xF0]  }
0x226: {  	v53 =	vld [tilespmem:s14+$0xF0]  }
0x227: {  	v54 =	vld [tilespmem:s18+$0x0]  }
0x228: {  	v55 =	vld [tilespmem:s14+$0x0]  }
0x229: {  	v0 =	vmul.f32 v17, v0;
	v11 =	vmul.f32 v13, v11;
	v56 =	vld [tilespmem:s18+$0x10]  }
0x22a: {  	v14 =	vmul.f32 v16, v14;
	v12 =	vmul.f32 v15, v12;
	v13 =	vld [tilespmem:s14+$0x10]  }
0x22b: {  	v10 =	vmul.f32 v19, v10;
	v9 =	vmul.f32 v18, v9;
	v15 =	vld [tilespmem:s18+$0x20]  }
0x22c: {  	v17 =	vmul.f32 v21, v20;
	v8 =	vmul.f32 v22, v8;
	v16 =	vld [tilespmem:s14+$0x20]  }
0x22d: {  	v19 =	vmul.f32 v25, v24;
	v20 =	vmul.f32 v26, v23;
	v18 =	vld [tilespmem:s18+$0x30]  }
0x22e: {  	v22 =	vmul.f32 v29, v28;
	v23 =	vmul.f32 v30, v27;
	v21 =	vld [tilespmem:s14+$0x30]  }
0x22f: {  	v25 =	vmul.f32 v33, v32;
	v26 =	vmul.f32 v34, v31;
	v24 =	vld [tilespmem:s18+$0x40]  }
0x230: {  	v7 =	vmul.f32 v35, v7;
	v28 =	vmul.f32 v37, v36;
	v27 =	vld [tilespmem:s14+$0x40]  }
0x231: {  	v30 =	vmul.f32 v39, v38;
	v31 =	vmul.f32 v41, v40;
	v29 =	vld [tilespmem:s18+$0x50]  }
0x232: {  	v33 =	vmul.f32 v43, v42;
	v34 =	vmul.f32 v45, v44;
	v32 =	vld [tilespmem:s14+$0x50]  }
0x233: {  	v36 =	vmul.f32 v47, v46;
	v37 =	vmul.f32 v49, v48;
	v35 =	vld [tilespmem:s18+$0x60]  }
0x234: {  	v39 =	vmul.f32 v51, v50;
	v40 =	vmul.f32 v53, v52;
	v38 =	vld [tilespmem:s14+$0x60]  }
0x235: {  	v41 =	vmul.f32 v55, v54;
	v13 =	vmul.f32 v13, v56;
	v42 =	vld [tilespmem:s18+$0x70]  }
0x236: {  	s17 =	sadd.s32 $0x2, s17;
	v0 =	vadd.f32 v11, v0;
	v11 =	vadd.f32 v12, v14;
	v15 =	vmul.f32 v16, v15;
	v16 =	vld [tilespmem:s14+$0x70]  }
0x237: {  	p2 =	slt.u32 s17, $0x12;
	v9 =	vadd.f32 v9, v10;
	v8 =	vadd.f32 v8, v17;
	v14 =	vmul.f32 v21, v18;
	v12 =	vld [tilespmem:s18+$0xFFFFFE00]  }
0x238: {  	v18 =	vadd.f32 v20, v19;
	v19 =	vadd.f32 v23, v22;
	v17 =	vmul.f32 v27, v24;
	v10 =	vld [tilespmem:s14+$0xFFFFFE00]  }
0x239: {  	v7 =	vadd.f32 v28, v7;
	v22 =	vadd.f32 v26, v25;
	v21 =	vmul.f32 v32, v29;
	v20 =	vld [tilespmem:s18+$0xFFFFFE10]  }
0x23a: {  	v25 =	vadd.f32 v31, v30;
	v26 =	vadd.f32 v34, v33;
	v24 =	vmul.f32 v38, v35;
	v23 =	vld [tilespmem:s14+$0xFFFFFE10]  }
0x23b: {  	v28 =	vadd.f32 v37, v36;
	v29 =	vadd.f32 v40, v39;
	v27 =	vld [tilespmem:s18+$0xFFFFFE20];
	v16 =	vmul.f32 v16, v42  }
0x23c: {  	v13 =	vadd.f32 v13, v41;
	v14 =	vadd.f32 v14, v15;
	v30 =	vld [tilespmem:s14+$0xFFFFFE20]  }
0x23d: {  	v15 =	vadd.f32 v21, v17;
	v10 =	vmul.f32 v10, v12;
	v12 =	vld [tilespmem:s18+$0xFFFFFE30];
	v16 =	vadd.f32 v16, v24  }
0x23e: {  	v0 =	vadd.f32 v11, v0;
	v18 =	vadd.f32 v19, v18;
	v17 =	vld [tilespmem:s14+$0xFFFFFE30]  }
0x23f: {  	v13 =	vadd.f32 v14, v13;
	v11 =	vmul.f32 v23, v20;
	v19 =	vld [tilespmem:s18+$0xFFFFFE40];
	v14 =	vadd.f32 v16, v15  }
0x240: {  	v16 =	vadd.f32 v26, v25;
	v20 =	vadd.f32 v29, v28;
	v15 =	vld [tilespmem:s14+$0xFFFFFE40]  }
0x241: {  	v7 =	vadd.f32 v7, v22;
	v21 =	vmul.f32 v30, v27;
	v23 =	vld [tilespmem:s18+$0xFFFFFE50];
	v13 =	vadd.f32 v14, v13  }
0x242: {  	v8 =	vadd.f32 v8, v9;
	v16 =	vadd.f32 v20, v16;
	v14 =	vld [tilespmem:s14+$0xFFFFFE50]  }
0x243: {  	v7 =	vadd.f32 v7, v18;
	v9 =	vmul.f32 v17, v12;
	v12 =	vld [tilespmem:s18+$0xFFFFFE60];
	v17 =	vperm.xlane v13, v1  }
0x244: {  	v0 =	vadd.f32 v8, v0;
	v10 =	vadd.f32 v11, v10;
	v11 =	vperm.xlane v16, v1;
	v18 =	vld [tilespmem:s14+$0xFFFFFE60]  }
0x245: {  	v8 =	vmul.f32 v15, v19;
	v15 =	vld [tilespmem:s18+$0xFFFFFE70];
	v13 =	vadd.f32 v13, v17;
	v17 =	vperm.xlane v7, v1  }
0x246: {  	v9 =	vadd.f32 v9, v21;
	v11 =	vadd.f32 v16, v11;
	v16 =	vperm.xlane v0, v1;
	v19 =	vld [tilespmem:s14+$0xFFFFFE70]  }
0x247: {  	v14 =	vmul.f32 v14, v23;
	v20 =	vld [tilespmem:s18+$0xFFFFFE80];
	v21 =	vperm.xlane v13, v2;
	v7 =	vadd.f32 v7, v17  }
0x248: {  	v9 =	vadd.f32 v9, v10;
	v17 =	vperm.xlane v11, v2;
	v0 =	vadd.f32 v0, v16;
	v10 =	vld [tilespmem:s14+$0xFFFFFE80]  }
0x249: {  	v12 =	vmul.f32 v18, v12;
	v16 =	vld [tilespmem:s18+$0xFFFFFE90];
	v13 =	vadd.f32 v13, v21;
	v18 =	vperm.xlane v7, v2  }
0x24a: {  	v8 =	vadd.f32 v14, v8;
	v11 =	vadd.f32 v11, v17;
	v17 =	vperm.xlane v0, v2;
	v14 =	vld [tilespmem:s14+$0xFFFFFE90]  }
0x24b: {  	s15 =	sadd.s32 $0x8, s15;
	v15 =	vmul.f32 v19, v15;
	v19 =	vld [tilespmem:s18+$0xFFFFFEA0];
	v21 =	vperm.xlane v13, v3;
	v7 =	vadd.f32 v7, v18  }
0x24c: {  	s8 =	sand.u32 $0x8, s15;
	s4 =	sadd.s32 $0x4, s15;
	v22 =	vperm.xlane v11, v3;
	v0 =	vadd.f32 v0, v17;
	v18 =	vld [tilespmem:s14+$0xFFFFFEA0]  }
0x24d: {  	s7 =	sor.u32 $0x1, s8;
	s10 =	sor.u32 $0x2, s8;
	s4 =	sand.u32 $0xC, s4;
	v10 =	vmul.f32 v10, v20;
	v17 =	vld [tilespmem:s18+$0xFFFFFEB0];
	v13 =	vadd.f32 v13, v21;
	v20 =	vperm.xlane v7, v3  }
0x24e: {  	s6 =	sor.u32 $0x3, s8;
	s5 =	sor.u32 $0x3, s4;
	v23 =	vmov s4;
	v11 =	vadd.f32 v11, v22;
	v22 =	vperm.xlane v0, v3;
	v21 =	vld [tilespmem:s14+$0xFFFFFEB0]  }
0x24f: {  	s25 =	sor.u32 $0x2, s4;
	v24 =	vld [tilespmem:s18+$0xFFFFFEC0];
	v25 =	vperm.xlane v13, v4;
	v7 =	vadd.f32 v7, v20;
	v20 =	vmov s5  }
0x250: {  	p1 =	por !p1, !p1;
	v28 =	vmov s25;
	v27 =	vperm.xlane v11, v4;
	v0 =	vadd.f32 v0, v22;
	v26 =	vld [tilespmem:s14+$0xFFFFFEC0]  }
0x251: {  	s19 =	sadd.s32 $0x2, s19;
	s4 =	sor.u32 $0x1, s4;
	vm0 =	veq.s32 v23, v5;
	s5 =	simm.s32 $0x1;
	v22 =	vld [tilespmem:s18+$0xFFFFFED0];
	v13 =	vadd.f32 v13, v25;
	v23 =	vperm.xlane v7, v4  }
0x252: {  	s25 =	sand.u32 $0x3, s19;
	s5 =	simm.s32 @!p1 $0x0;
	v11 =	vadd.f32 v11, v27;
	v27 =	vmov s4;
	v29 =	vperm.xlane v0, v4;
	v25 =	vld [tilespmem:s14+$0xFFFFFED0]  }
0x253: {  	s4 =	sshll.u32 s5, $0x5;
	s5 =	sshll.u32 s25, $0x4;
	v30 =	vld [tilespmem:s18+$0xFFFFFEE0];
	v13 =	vnsel vm0, $0x0, v13;
	vm0 =	veq.s32 v27, v5;
	v7 =	vadd.f32 v7, v23  }
0x254: {  	s4 =	ssub.s32 $0x0, s4;
	s5 =	ssub.s32 $0x0, s5;
	v0 =	vadd.f32 v0, v29;
	v23 =	vld [tilespmem:s14+$0xFFFFFEE0];
	v11 =	vsel vm0, v11, v13;
	vm0 =	veq.s32 v28, v5  }
0x255: {  	s29 =	sadd.s32 $0x8, s29;
	s4 =	sshra.s32 s4, $0x2;
	s5 =	sshra.s32 s5, $0x2;
	v13 =	vmul.f32 v14, v16;
	v14 =	vld [tilespmem:s18+$0xFFFFFEF0];
	v7 =	vsel vm0, v7, v11;
	vm0 =	veq.s32 v20, v5  }
0x256: {  	s25 =	sadd.s32 s4, s29;
	s4 =	sadd.s32 s5, s29;
	v16 =	vmul.f32 v21, v17;
	v11 =	vmul.f32 v18, v19;
	v17 =	vld [tilespmem:s14+$0xFFFFFEF0];
	v0 =	vsel vm0, v0, v7  }
0x257: {  	v7 =	vadd.f32 v15, v12;
	v12 =	vmul.f32 v26, v24;
	v15 =	vmul.f32 v25, v22;
	[tilespmem:s4+$0x0] =	vst.add.f32.msk $0xffff, v0  }
0x258: {  	v10 =	vadd.f32 v13, v10;
	v0 =	vmov s8;
	v11 =	vadd.f32 v16, v11;
	v13 =	vld [tilespmem:s18+$0xFFFFFF00]  }
0x259: {  	v7 =	vadd.f32 v7, v8;
	v8 =	vmul.f32 v23, v30;
	v12 =	vadd.f32 v15, v12;
	v15 =	vld [tilespmem:s14+$0xFFFFFF00]  }
0x25a: {  	vm3 =	veq.s32 v0, v5;
	v0 =	vadd.f32 v11, v10;
	v10 =	vmov s7;
	v11 =	vld [tilespmem:s18+$0xFFFFFF10]  }
0x25b: {  	v7 =	vadd.f32 v7, v9;
	vm2 =	veq.s32 v10, v5;
	v9 =	vmul.f32 v17, v14;
	v10 =	vld [tilespmem:s14+$0xFFFFFF10]  }
0x25c: {  	v16 =	vmov s10;
	v17 =	vmov s6;
	v14 =	vld [tilespmem:s18+$0xFFFFFF20]  }
0x25d: {  	vm1 =	veq.s32 v16, v5;
	v18 =	vperm.xlane v7, v1;
	v8 =	vadd.f32 v9, v8;
	v9 =	vld [tilespmem:s14+$0xFFFFFF20]  }
0x25e: {  	vm0 =	veq.s32 v17, v5;
	v13 =	vmul.f32 v15, v13;
	v15 =	vld [tilespmem:s18+$0xFFFFFF30]  }
0x25f: {  	v7 =	vadd.f32 v7, v18;
	v8 =	vadd.f32 v8, v12;
	v12 =	vld [tilespmem:s14+$0xFFFFFF30]  }
0x260: {  	v10 =	vmul.f32 v10, v11;
	v11 =	vld [tilespmem:s18+$0xFFFFFF40]  }
0x261: {  	v16 =	vperm.xlane v7, v2;
	v0 =	vadd.f32 v8, v0;
	v8 =	vld [tilespmem:s14+$0xFFFFFF40]  }
0x262: {  	v9 =	vmul.f32 v9, v14;
	v14 =	vld [tilespmem:s18+$0xFFFFFF50];
	v10 =	vadd.f32 v10, v13  }
0x263: {  	v7 =	vadd.f32 v7, v16;
	v13 =	vperm.xlane v0, v1;
	v16 =	vld [tilespmem:s14+$0xFFFFFF50]  }
0x264: {  	v12 =	vmul.f32 v12, v15;
	v15 =	vld [tilespmem:s18+$0xFFFFFF60]  }
0x265: {  	v17 =	vperm.xlane v7, v3;
	v0 =	vadd.f32 v0, v13;
	v13 =	vld [tilespmem:s14+$0xFFFFFF60]  }
0x266: {  	v8 =	vmul.f32 v8, v11;
	v11 =	vld [tilespmem:s18+$0xFFFFFF70];
	v9 =	vadd.f32 v12, v9  }
0x267: {  	v7 =	vadd.f32 v7, v17;
	v12 =	vperm.xlane v0, v2;
	v17 =	vld [tilespmem:s14+$0xFFFFFF70]  }
0x268: {  	v14 =	vmul.f32 v16, v14;
	v9 =	vadd.f32 v9, v10;
	v10 =	vld [tilespmem:s18+$0xFFFFFF80]  }
0x269: {  	v16 =	vperm.xlane v7, v4;
	v0 =	vadd.f32 v0, v12;
	v12 =	vld [tilespmem:s14+$0xFFFFFF80]  }
0x26a: {  	v13 =	vmul.f32 v13, v15;
	v8 =	vadd.f32 v14, v8;
	v14 =	vld [tilespmem:s18+$0xFFFFFF90]  }
0x26b: {  	v7 =	vadd.f32 v7, v16;
	v15 =	vperm.xlane v0, v3;
	v16 =	vld [tilespmem:s14+$0xFFFFFF90]  }
0x26c: {  	v11 =	vmul.f32 v17, v11;
	v17 =	vld [tilespmem:s18+$0xFFFFFFA0]  }
0x26d: {  	v7 =	vnsel vm3, $0x0, v7;
	v0 =	vadd.f32 v0, v15;
	v15 =	vld [tilespmem:s14+$0xFFFFFFA0]  }
0x26e: {  	v11 =	vadd.f32 v11, v13;
	v10 =	vmul.f32 v12, v10;
	v12 =	vld [tilespmem:s18+$0xFFFFFFB0]  }
0x26f: {  	v13 =	vperm.xlane v0, v4;
	v18 =	vld [tilespmem:s14+$0xFFFFFFB0]  }
0x270: {  	v8 =	vadd.f32 v11, v8;
	v11 =	vmul.f32 v16, v14;
	v14 =	vld [tilespmem:s18+$0xFFFFFFC0]  }
0x271: {  	v0 =	vadd.f32 v0, v13;
	v13 =	vld [tilespmem:s14+$0xFFFFFFC0]  }
0x272: {  	v8 =	vadd.f32 v8, v9;
	v15 =	vmul.f32 v15, v17;
	v16 =	vld [tilespmem:s18+$0xFFFFFFD0];
	v17 =	vadd.f32 v11, v10  }
0x273: {  	v7 =	vsel vm2, v0, v7;
	v0 =	vld [tilespmem:s14+$0xFFFFFFD0]  }
.Ltmp7:
0x274: {  	v9 =	vperm.xlane v8, v1;
	v18 =	vmul.f32 v18, v12;
	v10 =	vld [tilespmem:s18+$0xFFFFFFE0];
	(pc) =	sbr.rel @p2 .LBB2_8-.Ltmp7, $4  }
0x275: {  	v11 =	vld [tilespmem:s14+$0xFFFFFFE0]  }
0x276: {  	v9 =	vadd.f32 v8, v9;
	v13 =	vmul.f32 v13, v14;
	v12 =	vld [tilespmem:s18+$0xFFFFFFF0];
	v8 =	vadd.f32 v18, v15  }
0x277: {  	v14 =	vld [tilespmem:s14+$0xFFFFFFF0]  }
0x278: {  	s18 =	sadd.s32 $0x400, s18;
	v15 =	vperm.xlane v9, v2;
	v16 =	vmul.f32 v0, v16;
	v8 =	vadd.f32 v8, v17;
	[tilespmem:s16+$0x0] =	vst.add.f32.msk $0xffff, v6;
	s16 =	smov.u32 s25  }
0x279: {  	_ =	sdelay $0x2  }
0x27a: {  	v0 =	vmul.f32 v11, v10;
	v6 =	vmul.f32 v14, v12;
	_ =	sdelay $0x1  }
0x27b: {  	v61 =	vadd.f32 v16, v13;
	v0 =	vadd.f32 v6, v0;
	_ =	sdelay $0x1  }
0x27c: {  	v0 =	vadd.f32 v0, v61;
	_ =	sdelay $0x1  }
0x27d: {  	v0 =	vadd.f32 v0, v8;
	_ =	sdelay $0x1  }
0x27e: {  	v6 =	vperm.xlane v0, v1;
	_ =	sdelay $0x1  }
0x27f: {  	v0 =	vadd.f32 v0, v6;
	_ =	sdelay $0x1  }
0x280: {  	v6 =	vperm.xlane v0, v2  }
0x281: {  	v62 =	vadd.f32 v9, v15  }
0x282: {  	v0 =	vadd.f32 v0, v6  }
0x283: {  	v6 =	vperm.xlane v62, v3  }
0x284: {  	v63 =	vperm.xlane v0, v3  }
0x285: {  	v6 =	vadd.f32 v62, v6  }
0x286: {  	v0 =	vadd.f32 v0, v63  }
0x287: {  	v8 =	vperm.xlane v6, v4  }
0x288: {  	v9 =	vperm.xlane v0, v4  }
0x289: {  	v6 =	vadd.f32 v6, v8  }
0x28a: {  	v0 =	vadd.f32 v0, v9  }
0x28b: {  	v6 =	vsel vm1, v6, v7  }
0x28c: {  	v0 =	vsel vm0, v0, v6  }
0x28d: {  	[tilespmem:s16+$0x0] =	vst.add.f32.msk $0xffff, v0  }
.LBB2_10:
0x28e: {  	s29 =	sor.u32 $0x2, s13  }
0x28f: {  	p2 =	sgt.u32 s29, $0x7C  }
.Ltmp8:
0x290: {  	p1 =	sgt.u32 s0, $0x1D;
	(pc) =	sbr.rel @p2 .LBB2_14-.Ltmp8, $4  }
0x291: {  	s4 =	sadd.s32 @!p1 $0x190, s12;
	s14 =	simm.s32 @!p1 $0x50;
	s5 =	simm.s32 @!p1 $0x7700  }
0x292: {  	[tilespmem:s5], [sflag:$0x2] =	stream.indirect.gather @!p1 [hbm4b:s1+s14], $0x80, s4, s14, $0xb8;
	[tilespmem:$0x1B680] =	vst v63  }
0x293: {  	s6 =	simm.s32 @!p1 $0x11700;
	s5 =	sadd.s32 @!p1 $0x2910, s12  }
0x294: {  	[tilespmem:s6], [sflag:$0x2] =	stream.indirect.gather @!p1 [hbm4b:s2+s14], $0x80, s5, s14, $0xb8;
	[tilespmem:$0x1B680] =	vst v63  }
0x295: {  	_ =	swait.ge [sflag:s23], $0x2800  }
0x296: {  	[sflag:s23] =	ssyncset.done $0x0  }
0x297: {  	[sflag:s23] =	ssyncadd.s32 $0xFFFFD800  }
0x298: {  	_ =	swait.ge [sflag:s23], $0x2800  }
0x299: {  	[sflag:s23] =	ssyncset.done $0x0  }
0x29a: {  	s16 =	simm.s32 $0xA100;
	[sflag:s23] =	ssyncadd.s32 $0xFFFFD800  }
0x29b: {  	s13 =	simm.s32 $0x14100;
	v52 =	vld [tilespmem:s16+$0x180]  }
0x29c: {  	v51 =	vld [tilespmem:s13+$0x180]  }
0x29d: {  	v7 =	vld [tilespmem:s16+$0x190]  }
0x29e: {  	v8 =	vld [tilespmem:s13+$0x190]  }
0x29f: {  	v9 =	vld [tilespmem:s16+$0x1A0]  }
0x2a0: {  	v10 =	vld [tilespmem:s13+$0x1A0]  }
0x2a1: {  	v11 =	vld [tilespmem:s16+$0x1B0]  }
0x2a2: {  	v12 =	vld [tilespmem:s13+$0x1B0]  }
0x2a3: {  	v13 =	vld [tilespmem:s16+$0x1C0]  }
0x2a4: {  	v14 =	vld [tilespmem:s13+$0x1C0]  }
0x2a5: {  	v15 =	vld [tilespmem:s16+$0x1D0]  }
0x2a6: {  	v16 =	vld [tilespmem:s13+$0x1D0]  }
0x2a7: {  	v17 =	vld [tilespmem:s16+$0x1E0]  }
0x2a8: {  	v18 =	vld [tilespmem:s13+$0x1E0]  }
0x2a9: {  	v19 =	vld [tilespmem:s16+$0x1F0]  }
0x2aa: {  	v20 =	vld [tilespmem:s13+$0x1F0]  }
0x2ab: {  	v21 =	vld [tilespmem:s16+$0x100]  }
0x2ac: {  	v22 =	vld [tilespmem:s13+$0x100]  }
0x2ad: {  	v23 =	vld [tilespmem:s16+$0x110]  }
0x2ae: {  	v24 =	vld [tilespmem:s13+$0x110]  }
0x2af: {  	v25 =	vld [tilespmem:s16+$0x120]  }
0x2b0: {  	v26 =	vld [tilespmem:s13+$0x120]  }
0x2b1: {  	v27 =	vld [tilespmem:s16+$0x130]  }
0x2b2: {  	v28 =	vld [tilespmem:s13+$0x130]  }
0x2b3: {  	v29 =	vld [tilespmem:s16+$0x140]  }
0x2b4: {  	v30 =	vld [tilespmem:s13+$0x140]  }
0x2b5: {  	v31 =	vld [tilespmem:s16+$0x150]  }
0x2b6: {  	v32 =	vld [tilespmem:s13+$0x150]  }
0x2b7: {  	v33 =	vld [tilespmem:s16+$0x160]  }
0x2b8: {  	v34 =	vld [tilespmem:s13+$0x160]  }
0x2b9: {  	v35 =	vld [tilespmem:s16+$0x170]  }
0x2ba: {  	v36 =	vld [tilespmem:s13+$0x170]  }
0x2bb: {  	v37 =	vld [tilespmem:s16+$0x80]  }
0x2bc: {  	v38 =	vld [tilespmem:s13+$0x80]  }
0x2bd: {  	v39 =	vld [tilespmem:s16+$0x90]  }
0x2be: {  	v40 =	vld [tilespmem:s13+$0x90]  }
0x2bf: {  	v41 =	vld [tilespmem:s16+$0xA0]  }
0x2c0: {  	v42 =	vld [tilespmem:s13+$0xA0]  }
0x2c1: {  	v43 =	vld [tilespmem:s16+$0xB0]  }
0x2c2: {  	v44 =	vld [tilespmem:s13+$0xB0]  }
0x2c3: {  	v45 =	vld [tilespmem:s16+$0xC0]  }
0x2c4: {  	v0 =	vld [tilespmem:s16+$0xF0]  }
0x2c5: {  	v46 =	vld [tilespmem:s13+$0xC0]  }
0x2c6: {  	v47 =	vld [tilespmem:s16+$0xD0]  }
0x2c7: {  	v48 =	vld [tilespmem:s13+$0xD0]  }
0x2c8: {  	v49 =	vld [tilespmem:s16+$0xE0]  }
0x2c9: {  	v50 =	vld [tilespmem:s13+$0xE0];
	[tilespmem:$0x1FFA0] =	vst v0  }
0x2ca: {  	v0 =	vld [tilespmem:s13+$0xF0]  }
0x2cb: {  	v9 =	vmul.f32 v10, v9  }
0x2cc: {  	v10 =	vmul.f32 v12, v11;
	v12 =	vmul.f32 v14, v13  }
0x2cd: {  	v13 =	vmul.f32 v16, v15;
	v16 =	vmul.f32 v20, v19  }
0x2ce: {  	v19 =	vmul.f32 v24, v23;
	v24 =	vmul.f32 v30, v29  }
0x2cf: {  	v30 =	vmul.f32 v38, v37;
	v37 =	vmul.f32 v48, v47;
	v48 =	vld [tilespmem:$0x1FFA0];
	[tilespmem:$0x1FFB0] =	vst v0  }
0x2d0: {  	v53 =	vld [tilespmem:s16+$0x0]  }
0x2d1: {  	v54 =	vld [tilespmem:s13+$0x0]  }
0x2d2: {  	v55 =	vld [tilespmem:s16+$0x10]  }
0x2d3: {  	v56 =	vld [tilespmem:s13+$0x10]  }
0x2d4: {  	v57 =	vld [tilespmem:s16+$0x20]  }
0x2d5: {  	v58 =	vld [tilespmem:s13+$0x20]  }
0x2d6: {  	v59 =	vld [tilespmem:s16+$0x30]  }
0x2d7: {  	v60 =	vld [tilespmem:s13+$0x30]  }
0x2d8: {  	v61 =	vld [tilespmem:s16+$0x40]  }
0x2d9: {  	v62 =	vld [tilespmem:s13+$0x40]  }
0x2da: {  	v63 =	vld [tilespmem:s16+$0x50]  }
0x2db: {  	v0 =	vld [tilespmem:s13+$0x50]  }
0x2dc: {  	v6 =	vld [tilespmem:s16+$0x60]  }
0x2dd: {  	v7 =	vmul.f32 v8, v7;
	v8 =	vld [tilespmem:s13+$0x60]  }
0x2de: {  	v11 =	vld [tilespmem:s16+$0x70]  }
0x2df: {  	v14 =	vld [tilespmem:s13+$0x70]  }
0x2e0: {  	v15 =	vmul.f32 v18, v17;
	v17 =	vld [tilespmem:s16+$0xFFFFFE00]  }
0x2e1: {  	v20 =	vld [tilespmem:s13+$0xFFFFFE00]  }
0x2e2: {  	v23 =	vld [tilespmem:s16+$0xFFFFFE10]  }
0x2e3: {  	v18 =	vmul.f32 v22, v21;
	v21 =	vmul.f32 v26, v25;
	v26 =	vld [tilespmem:s13+$0xFFFFFE10]  }
0x2e4: {  	v29 =	vld [tilespmem:s16+$0xFFFFFE20]  }
0x2e5: {  	v25 =	vmul.f32 v32, v31;
	v32 =	vld [tilespmem:s13+$0xFFFFFE20]  }
0x2e6: {  	v22 =	vmul.f32 v28, v27;
	v28 =	vmul.f32 v36, v35;
	v35 =	vld [tilespmem:s16+$0xFFFFFE30]  }
0x2e7: {  	v51 =	vmul.f32 v51, v52;
	v38 =	vld [tilespmem:s13+$0xFFFFFE30]  }
0x2e8: {  	v27 =	vmul.f32 v34, v33;
	v33 =	vmul.f32 v42, v41;
	v41 =	vld [tilespmem:s16+$0xFFFFFE40]  }
0x2e9: {  	v34 =	vmul.f32 v44, v43;
	v44 =	vld [tilespmem:s13+$0xFFFFFE40]  }
0x2ea: {  	v36 =	vmul.f32 v46, v45;
	v7 =	vadd.f32 v7, v51;
	v9 =	vadd.f32 v10, v9;
	v45 =	vld [tilespmem:s16+$0xFFFFFE50]  }
0x2eb: {  	v12 =	vadd.f32 v13, v12;
	v13 =	vadd.f32 v16, v15;
	v16 =	vld [tilespmem:s13+$0xFFFFFE50]  }
0x2ec: {  	v31 =	vmul.f32 v40, v39;
	v18 =	vadd.f32 v19, v18;
	v19 =	vadd.f32 v22, v21;
	v21 =	vld [tilespmem:s16+$0xFFFFFE60]  }
0x2ed: {  	v52 =	vmul.f32 v50, v49;
	v7 =	vadd.f32 v9, v7;
	v12 =	vadd.f32 v13, v12;
	v49 =	vld [tilespmem:$0x1FFB0]  }
0x2ee: {  	v46 =	vadd.f32 v31, v30;
	v51 =	vld [tilespmem:s13+$0xFFFFFE70]  }
0x2ef: {  	v47 =	vadd.f32 v34, v33;
	v7 =	vadd.f32 v12, v7;
	v12 =	vld [tilespmem:s16+$0xFFFFFEC0];
	v54 =	vmul.f32 v54, v53  }
0x2f0: {  	v18 =	vadd.f32 v19, v18;
	v40 =	vld [tilespmem:s16+$0xFFFFFEF0];
	v56 =	vmul.f32 v56, v55;
	v58 =	vmul.f32 v58, v57  }
0x2f1: {  	v19 =	vadd.f32 v47, v46;
	v42 =	vld [tilespmem:s16+$0xFFFFFF00];
	v10 =	vmul.f32 v60, v59;
	v15 =	vmul.f32 v62, v61  }
0x2f2: {  	v0 =	vmul.f32 v0, v63;
	v62 =	vadd.f32 v25, v24;
	v6 =	vmul.f32 v8, v6;
	v8 =	vld [tilespmem:s13+$0xFFFFFE60]  }
0x2f3: {  	v63 =	vadd.f32 v28, v27;
	v11 =	vmul.f32 v14, v11;
	v14 =	vld [tilespmem:s16+$0xFFFFFE70];
	v28 =	vmul.f32 v49, v48  }
0x2f4: {  	v53 =	vld [tilespmem:s13+$0xFFFFFE90];
	v17 =	vmul.f32 v20, v17;
	v9 =	vmul.f32 v26, v23;
	v50 =	vadd.f32 v56, v54  }
0x2f5: {  	s4 =	simm.s32 $0x4;
	v55 =	vld [tilespmem:s13+$0xFFFFFEA0];
	v57 =	vmul.f32 v38, v35;
	v10 =	vadd.f32 v10, v58;
	v0 =	vadd.f32 v0, v15  }
0x2f6: {  	s4 =	sand.u32 $0xC, s4;
	v60 =	vld [tilespmem:s13+$0xFFFFFEC0];
	v61 =	vperm.xlane v7, v1;
	v6 =	vadd.f32 v11, v6;
	v15 =	vadd.f32 v37, v36  }
0x2f7: {  	s5 =	sor.u32 $0x3, s4;
	v16 =	vmul.f32 v16, v45;
	v38 =	vld [tilespmem:s13+$0xFFFFFEE0];
	v28 =	vadd.f32 v28, v52;
	v54 =	vadd.f32 v63, v62  }
0x2f8: {  	v49 =	vmov s5;
	v11 =	vld [tilespmem:s16+$0xFFFFFE80];
	v9 =	vadd.f32 v9, v17;
	v7 =	vadd.f32 v7, v61  }
0x2f9: {  	v52 =	vld [tilespmem:s13+$0xFFFFFE80];
	v56 =	vmul.f32 v32, v29;
	v10 =	vadd.f32 v10, v50;
	v0 =	vadd.f32 v6, v0  }
0x2fa: {  	v36 =	vld [tilespmem:s16+$0xFFFFFEE0];
	v15 =	vadd.f32 v28, v15;
	v18 =	vadd.f32 v54, v18;
	v39 =	vperm.xlane v7, v2  }
0x2fb: {  	v6 =	vld [tilespmem:s16+$0xFFFFFE90];
	v23 =	vadd.f32 v57, v56;
	v8 =	vmul.f32 v8, v21;
	v14 =	vmul.f32 v51, v14  }
0x2fc: {  	v48 =	vld [tilespmem:s16+$0xFFFFFF10];
	v12 =	vmul.f32 v60, v12;
	v0 =	vadd.f32 v0, v10;
	v15 =	vadd.f32 v15, v19  }
0x2fd: {  	v50 =	vld [tilespmem:s13+$0xFFFFFF10];
	v17 =	vperm.xlane v18, v1;
	v9 =	vadd.f32 v23, v9;
	v7 =	vadd.f32 v7, v39  }
0x2fe: {  	v58 =	vld [tilespmem:s13+$0xFFFFFEB0];
	v11 =	vmul.f32 v52, v11;
	v8 =	vadd.f32 v14, v8;
	v13 =	vperm.xlane v0, v1  }
0x2ff: {  	v10 =	vld [tilespmem:s16+$0xFFFFFEA0];
	v14 =	vmul.f32 v38, v36;
	v59 =	vperm.xlane v15, v1;
	v17 =	vadd.f32 v18, v17  }
0x300: {  	v19 =	vld [tilespmem:s16+$0xFFFFFEB0];
	v46 =	vperm.xlane v7, v3;
	v6 =	vmul.f32 v53, v6;
	v0 =	vadd.f32 v0, v13  }
0x301: {  	v63 =	vld [tilespmem:s16+$0xFFFFFED0];
	v13 =	vmul.f32 v44, v41;
	v15 =	vadd.f32 v15, v59;
	v37 =	vperm.xlane v17, v2  }
0x302: {  	v18 =	vld [tilespmem:s13+$0xFFFFFED0];
	v56 =	vmul.f32 v50, v48;
	v44 =	vmov s4;
	v62 =	vperm.xlane v0, v2  }
0x303: {  	v35 =	vperm.xlane v15, v2;
	v13 =	vadd.f32 v16, v13;
	v16 =	vadd.f32 v17, v37;
	v17 =	vld [tilespmem:s13+$0xFFFFFEF0]  }
0x304: {  	v45 =	vld [tilespmem:s13+$0xFFFFFF00];
	v7 =	vadd.f32 v7, v46;
	v10 =	vmul.f32 v55, v10;
	v0 =	vadd.f32 v0, v62  }
0x305: {  	v57 =	vld [tilespmem:s13+$0xFFFFFF80];
	v19 =	vmul.f32 v58, v19;
	v6 =	vadd.f32 v6, v11;
	v15 =	vadd.f32 v15, v35  }
0x306: {  	v51 =	vld [tilespmem:s16+$0xFFFFFF20];
	vm0 =	veq.s32 v44, v5;
	v55 =	vperm.xlane v7, v4;
	v28 =	vperm.xlane v0, v3  }
0x307: {  	v52 =	vld [tilespmem:s13+$0xFFFFFF20];
	v18 =	vmul.f32 v18, v63;
	v10 =	vadd.f32 v19, v10;
	v41 =	vperm.xlane v15, v3  }
0x308: {  	v53 =	vld [tilespmem:s16+$0xFFFFFF30];
	v8 =	vadd.f32 v8, v13;
	v17 =	vmul.f32 v17, v40;
	v0 =	vadd.f32 v0, v28  }
0x309: {  	v11 =	vld [tilespmem:s13+$0xFFFFFF30];
	v43 =	vperm.xlane v16, v3;
	v12 =	vadd.f32 v18, v12;
	v15 =	vadd.f32 v15, v41  }
0x30a: {  	v13 =	vld [tilespmem:s13+$0xFFFFFF40];
	v6 =	vadd.f32 v10, v6;
	v14 =	vadd.f32 v17, v14;
	v47 =	vperm.xlane v0, v4  }
0x30b: {  	s15 =	sor.u32 $0x2, s4;
	v16 =	vadd.f32 v16, v43;
	v8 =	vadd.f32 v8, v9;
	v9 =	vld [tilespmem:s13+$0xFFFFFF50];
	v54 =	vperm.xlane v15, v4  }
0x30c: {  	s4 =	sor.u32 $0x1, s4;
	v19 =	vmov s15;
	v17 =	vld [tilespmem:s16+$0xFFFFFF40];
	v10 =	vadd.f32 v14, v12;
	v0 =	vadd.f32 v0, v47  }
0x30d: {  	v18 =	vperm.xlane v16, v4;
	v12 =	vld [tilespmem:s16+$0xFFFFFF50];
	v14 =	vmov s4;
	v15 =	vadd.f32 v15, v54  }
0x30e: {  	v6 =	vadd.f32 v10, v6;
	v10 =	vld [tilespmem:s16+$0xFFFFFF60];
	v0 =	vnsel vm0, $0x0, v0;
	vm0 =	veq.s32 v14, v5  }
0x30f: {  	v14 =	vadd.f32 v16, v18;
	v16 =	vld [tilespmem:s13+$0xFFFFFF60];
	v0 =	vsel vm0, v15, v0;
	v15 =	vperm.xlane v8, v1  }
0x310: {  	v20 =	vmul.f32 v52, v51;
	vm0 =	veq.s32 v19, v5;
	v18 =	vperm.xlane v6, v1;
	v19 =	vld [tilespmem:s16+$0xFFFFFF70]  }
0x311: {  	v7 =	vadd.f32 v7, v55;
	v0 =	vsel vm0, v14, v0;
	v14 =	vld [tilespmem:s13+$0xFFFFFF70];
	v8 =	vadd.f32 v8, v15  }
0x312: {  	v60 =	vld [tilespmem:s16+$0xFFFFFF90];
	v11 =	vmul.f32 v11, v53;
	vm0 =	veq.s32 v49, v5;
	v6 =	vadd.f32 v6, v18  }
0x313: {  	v62 =	vld [tilespmem:s16+$0xFFFFFFD0];
	v15 =	vmul.f32 v45, v42;
	v0 =	vsel vm0, v7, v0;
	v7 =	vperm.xlane v8, v2  }
0x314: {  	s15 =	simm.s32 $0x0;
	v11 =	vadd.f32 v11, v20;
	v9 =	vmul.f32 v9, v12;
	v12 =	vld [tilespmem:s13+$0xFFFFFF90];
	v59 =	vperm.xlane v6, v2  }
0x315: {  	s6 =	sand.u32 $0x3, s15;
	v18 =	vld [tilespmem:s16+$0xFFFFFF80];
	v10 =	vmul.f32 v16, v10;
	v15 =	vadd.f32 v56, v15;
	v7 =	vadd.f32 v8, v7  }
0x316: {  	s6 =	sshll.u32 s6, $0x4;
	v8 =	vmul.f32 v13, v17;
	v6 =	vadd.f32 v6, v59;
	v13 =	vmul.f32 v14, v19;
	v14 =	vld [tilespmem:s16+$0xFFFFFFA0]  }
0x317: {  	s17 =	sand.u32 $0x8, s15;
	s19 =	ssub.s32 $0x0, s6;
	v17 =	vld [tilespmem:s13+$0xFFFFFFA0];
	v11 =	vadd.f32 v11, v15;
	v16 =	vperm.xlane v7, v3  }
0x318: {  	s5 =	sshra.s32 s19, $0x2;
	s4 =	sor.u32 $0x3, s17;
	v15 =	vld [tilespmem:s13+$0xFFFFFFB0];
	v8 =	vadd.f32 v9, v8;
	v9 =	vperm.xlane v6, v3;
	v10 =	vadd.f32 v13, v10  }
0x319: {  	v58 =	vmov s17;
	s18 =	sor.u32 $0x1, s17;
	s5 =	sadd.s32 s5, s31;
	v63 =	vmov s4;
	v13 =	vld [tilespmem:s16+$0xFFFFFFB0];
	v7 =	vadd.f32 v7, v16  }
0x31a: {  	[tilespmem:s5+$0x0] =	vst.add.f32.msk $0xffff, v0;
	v16 =	vmov s18;
	v6 =	vadd.f32 v6, v9;
	v8 =	vadd.f32 v10, v8  }
0x31b: {  	vm0 =	veq.s32 v58, v5;
	v19 =	vld [tilespmem:s16+$0xFFFFFFC0];
	v18 =	vmul.f32 v57, v18;
	vm2 =	veq.s32 v16, v5  }
0x31c: {  	s7 =	sor.u32 $0x2, s17;
	v16 =	vld [tilespmem:s13+$0xFFFFFFC0];
	v10 =	vperm.xlane v7, v4;
	v61 =	vperm.xlane v6, v4;
	v8 =	vadd.f32 v8, v11  }
0x31d: {  	p2 =	por $0x0, $0x0;
	s6 =	simm.s32 $0x1;
	v9 =	vmov s7;
	v11 =	vmul.f32 v12, v60;
	v12 =	vmul.f32 v17, v14;
	v17 =	vld [tilespmem:s13+$0xFFFFFFD0]  }
0x31e: {  	s6 =	simm.s32 @!p2 $0x0;
	v13 =	vmul.f32 v15, v13;
	v0 =	vadd.f32 v7, v10;
	v7 =	vperm.xlane v8, v1;
	v10 =	vld [tilespmem:s16+$0xFFFFFFE0]  }
0x31f: {  	s25 =	sshll.u32 s6, $0x5;
	vm1 =	veq.s32 v9, v5;
	v6 =	vadd.f32 v6, v61;
	v18 =	vadd.f32 v11, v18;
	v11 =	vld [tilespmem:s13+$0xFFFFFFE0]  }
0x320: {  	s4 =	ssub.s32 $0x0, s25;
	v14 =	vld [tilespmem:s13+$0xFFFFFFF0];
	v0 =	vnsel vm0, $0x0, v0;
	v9 =	vadd.f32 v8, v7;
	v8 =	vadd.f32 v13, v12  }
0x321: {  	s29 =	smov.u32 s31;
	s19 =	simm.s32 $0x0;
	s4 =	sshra.s32 s4, $0x2;
	vm0 =	veq.s32 v63, v5;
	v13 =	vmul.f32 v16, v19;
	v12 =	vld [tilespmem:s16+$0xFFFFFFF0];
	v7 =	vsel vm2, v6, v0  }
0x322: {  	s17 =	simm.s32 $0x0;
	s18 =	simm.s32 $0xA500;
	s16 =	sadd.s32 s4, s31;
	v16 =	vmul.f32 v17, v62;
	v15 =	vperm.xlane v9, v2;
	v8 =	vadd.f32 v8, v18  }
.LBB2_12:
0x323: {  	v0 =	vld [tilespmem:s18+$0x180];
	s13 =	sadd.s32 $0x400, s13  }
0x324: {  	v17 =	vld [tilespmem:s13+$0x180];
	v6 =	vadd.f32 v9, v15;
	v9 =	vmul.f32 v11, v10;
	v10 =	vadd.f32 v16, v13  }
0x325: {  	v11 =	vld [tilespmem:s18+$0x190]  }
0x326: {  	v13 =	vld [tilespmem:s13+$0x190];
	v15 =	vperm.xlane v6, v3;
	v12 =	vmul.f32 v14, v12  }
0x327: {  	v14 =	vld [tilespmem:s18+$0x1A0]  }
0x328: {  	v16 =	vld [tilespmem:s13+$0x1A0];
	v6 =	vadd.f32 v6, v15;
	v9 =	vadd.f32 v12, v9  }
0x329: {  	v12 =	vld [tilespmem:s18+$0x1B0]  }
0x32a: {  	v15 =	vld [tilespmem:s13+$0x1B0];
	v18 =	vperm.xlane v6, v4;
	v9 =	vadd.f32 v9, v10  }
0x32b: {  	v10 =	vld [tilespmem:s18+$0x1C0]  }
0x32c: {  	v19 =	vld [tilespmem:s13+$0x1C0];
	v6 =	vadd.f32 v6, v18;
	v8 =	vadd.f32 v9, v8  }
0x32d: {  	v9 =	vld [tilespmem:s18+$0x1D0]  }
0x32e: {  	v18 =	vld [tilespmem:s13+$0x1D0];
	v6 =	vsel vm1, v6, v7;
	v7 =	vperm.xlane v8, v1  }
0x32f: {  	v20 =	vld [tilespmem:s18+$0x1E0]  }
0x330: {  	v21 =	vld [tilespmem:s13+$0x1E0];
	v7 =	vadd.f32 v8, v7  }
0x331: {  	v8 =	vld [tilespmem:s18+$0x1F0]  }
0x332: {  	v22 =	vld [tilespmem:s13+$0x1F0];
	v23 =	vperm.xlane v7, v2  }
0x333: {  	v24 =	vld [tilespmem:s18+$0x100]  }
0x334: {  	v25 =	vld [tilespmem:s13+$0x100];
	v7 =	vadd.f32 v7, v23  }
0x335: {  	v23 =	vld [tilespmem:s18+$0x110]  }
0x336: {  	v26 =	vld [tilespmem:s13+$0x110];
	v27 =	vperm.xlane v7, v3  }
0x337: {  	v28 =	vld [tilespmem:s18+$0x120]  }
0x338: {  	v29 =	vld [tilespmem:s13+$0x120];
	v7 =	vadd.f32 v7, v27  }
0x339: {  	v27 =	vld [tilespmem:s18+$0x130]  }
0x33a: {  	v30 =	vld [tilespmem:s13+$0x130];
	v31 =	vperm.xlane v7, v4  }
0x33b: {  	v32 =	vld [tilespmem:s18+$0x140]  }
0x33c: {  	v33 =	vld [tilespmem:s13+$0x140];
	v7 =	vadd.f32 v7, v31  }
0x33d: {  	v31 =	vld [tilespmem:s18+$0x150]  }
0x33e: {  	v34 =	vld [tilespmem:s13+$0x150];
	v6 =	vsel vm0, v7, v6  }
0x33f: {  	v7 =	vld [tilespmem:s18+$0x160]  }
0x340: {  	v35 =	vld [tilespmem:s13+$0x160]  }
0x341: {  	v36 =	vld [tilespmem:s18+$0x170]  }
0x342: {  	v37 =	vld [tilespmem:s13+$0x170]  }
0x343: {  	v38 =	vld [tilespmem:s18+$0x80]  }
0x344: {  	v39 =	vld [tilespmem:s13+$0x80]  }
0x345: {  	v40 =	vld [tilespmem:s18+$0x90]  }
0x346: {  	v41 =	vld [tilespmem:s13+$0x90]  }
0x347: {  	v42 =	vld [tilespmem:s18+$0xA0]  }
0x348: {  	v43 =	vld [tilespmem:s13+$0xA0]  }
0x349: {  	v44 =	vld [tilespmem:s18+$0xB0]  }
0x34a: {  	v45 =	vld [tilespmem:s13+$0xB0]  }
0x34b: {  	v46 =	vld [tilespmem:s18+$0xC0]  }
0x34c: {  	v47 =	vld [tilespmem:s13+$0xC0]  }
0x34d: {  	v48 =	vld [tilespmem:s18+$0xD0]  }
0x34e: {  	v49 =	vld [tilespmem:s13+$0xD0]  }
0x34f: {  	v50 =	vld [tilespmem:s18+$0xE0]  }
0x350: {  	v51 =	vld [tilespmem:s13+$0xE0]  }
0x351: {  	v52 =	vld [tilespmem:s18+$0xF0]  }
0x352: {  	v53 =	vld [tilespmem:s13+$0xF0]  }
0x353: {  	v54 =	vld [tilespmem:s18+$0x0]  }
0x354: {  	v55 =	vld [tilespmem:s13+$0x0]  }
0x355: {  	v0 =	vmul.f32 v17, v0;
	v11 =	vmul.f32 v13, v11;
	v56 =	vld [tilespmem:s18+$0x10]  }
0x356: {  	v14 =	vmul.f32 v16, v14;
	v12 =	vmul.f32 v15, v12;
	v13 =	vld [tilespmem:s13+$0x10]  }
0x357: {  	v10 =	vmul.f32 v19, v10;
	v9 =	vmul.f32 v18, v9;
	v15 =	vld [tilespmem:s18+$0x20]  }
0x358: {  	v17 =	vmul.f32 v21, v20;
	v8 =	vmul.f32 v22, v8;
	v16 =	vld [tilespmem:s13+$0x20]  }
0x359: {  	v19 =	vmul.f32 v25, v24;
	v20 =	vmul.f32 v26, v23;
	v18 =	vld [tilespmem:s18+$0x30]  }
0x35a: {  	v22 =	vmul.f32 v29, v28;
	v23 =	vmul.f32 v30, v27;
	v21 =	vld [tilespmem:s13+$0x30]  }
0x35b: {  	v25 =	vmul.f32 v33, v32;
	v26 =	vmul.f32 v34, v31;
	v24 =	vld [tilespmem:s18+$0x40]  }
0x35c: {  	v7 =	vmul.f32 v35, v7;
	v28 =	vmul.f32 v37, v36;
	v27 =	vld [tilespmem:s13+$0x40]  }
0x35d: {  	v30 =	vmul.f32 v39, v38;
	v31 =	vmul.f32 v41, v40;
	v29 =	vld [tilespmem:s18+$0x50]  }
0x35e: {  	v33 =	vmul.f32 v43, v42;
	v34 =	vmul.f32 v45, v44;
	v32 =	vld [tilespmem:s13+$0x50]  }
0x35f: {  	v36 =	vmul.f32 v47, v46;
	v37 =	vmul.f32 v49, v48;
	v35 =	vld [tilespmem:s18+$0x60]  }
0x360: {  	v39 =	vmul.f32 v51, v50;
	v40 =	vmul.f32 v53, v52;
	v38 =	vld [tilespmem:s13+$0x60]  }
0x361: {  	v41 =	vmul.f32 v55, v54;
	v13 =	vmul.f32 v13, v56;
	v42 =	vld [tilespmem:s18+$0x70]  }
0x362: {  	s17 =	sadd.s32 $0x2, s17;
	v0 =	vadd.f32 v11, v0;
	v11 =	vadd.f32 v12, v14;
	v15 =	vmul.f32 v16, v15;
	v16 =	vld [tilespmem:s13+$0x70]  }
0x363: {  	p3 =	slt.u32 s17, $0x12;
	v9 =	vadd.f32 v9, v10;
	v8 =	vadd.f32 v8, v17;
	v14 =	vmul.f32 v21, v18;
	v12 =	vld [tilespmem:s18+$0xFFFFFE00]  }
0x364: {  	v18 =	vadd.f32 v20, v19;
	v19 =	vadd.f32 v23, v22;
	v17 =	vmul.f32 v27, v24;
	v10 =	vld [tilespmem:s13+$0xFFFFFE00]  }
0x365: {  	v7 =	vadd.f32 v28, v7;
	v22 =	vadd.f32 v26, v25;
	v21 =	vmul.f32 v32, v29;
	v20 =	vld [tilespmem:s18+$0xFFFFFE10]  }
0x366: {  	v25 =	vadd.f32 v31, v30;
	v26 =	vadd.f32 v34, v33;
	v24 =	vmul.f32 v38, v35;
	v23 =	vld [tilespmem:s13+$0xFFFFFE10]  }
0x367: {  	v28 =	vadd.f32 v37, v36;
	v29 =	vadd.f32 v40, v39;
	v27 =	vld [tilespmem:s18+$0xFFFFFE20];
	v16 =	vmul.f32 v16, v42  }
0x368: {  	v13 =	vadd.f32 v13, v41;
	v14 =	vadd.f32 v14, v15;
	v30 =	vld [tilespmem:s13+$0xFFFFFE20]  }
0x369: {  	v15 =	vadd.f32 v21, v17;
	v10 =	vmul.f32 v10, v12;
	v12 =	vld [tilespmem:s18+$0xFFFFFE30];
	v16 =	vadd.f32 v16, v24  }
0x36a: {  	v0 =	vadd.f32 v11, v0;
	v18 =	vadd.f32 v19, v18;
	v17 =	vld [tilespmem:s13+$0xFFFFFE30]  }
0x36b: {  	v13 =	vadd.f32 v14, v13;
	v11 =	vmul.f32 v23, v20;
	v19 =	vld [tilespmem:s18+$0xFFFFFE40];
	v14 =	vadd.f32 v16, v15  }
0x36c: {  	v16 =	vadd.f32 v26, v25;
	v20 =	vadd.f32 v29, v28;
	v15 =	vld [tilespmem:s13+$0xFFFFFE40]  }
0x36d: {  	v7 =	vadd.f32 v7, v22;
	v21 =	vmul.f32 v30, v27;
	v23 =	vld [tilespmem:s18+$0xFFFFFE50];
	v13 =	vadd.f32 v14, v13  }
0x36e: {  	v8 =	vadd.f32 v8, v9;
	v16 =	vadd.f32 v20, v16;
	v14 =	vld [tilespmem:s13+$0xFFFFFE50]  }
0x36f: {  	v7 =	vadd.f32 v7, v18;
	v9 =	vmul.f32 v17, v12;
	v12 =	vld [tilespmem:s18+$0xFFFFFE60];
	v17 =	vperm.xlane v13, v1  }
0x370: {  	v0 =	vadd.f32 v8, v0;
	v10 =	vadd.f32 v11, v10;
	v11 =	vperm.xlane v16, v1;
	v18 =	vld [tilespmem:s13+$0xFFFFFE60]  }
0x371: {  	v8 =	vmul.f32 v15, v19;
	v15 =	vld [tilespmem:s18+$0xFFFFFE70];
	v13 =	vadd.f32 v13, v17;
	v17 =	vperm.xlane v7, v1  }
0x372: {  	v9 =	vadd.f32 v9, v21;
	v11 =	vadd.f32 v16, v11;
	v16 =	vperm.xlane v0, v1;
	v19 =	vld [tilespmem:s13+$0xFFFFFE70]  }
0x373: {  	v14 =	vmul.f32 v14, v23;
	v20 =	vld [tilespmem:s18+$0xFFFFFE80];
	v21 =	vperm.xlane v13, v2;
	v7 =	vadd.f32 v7, v17  }
0x374: {  	v9 =	vadd.f32 v9, v10;
	v17 =	vperm.xlane v11, v2;
	v0 =	vadd.f32 v0, v16;
	v10 =	vld [tilespmem:s13+$0xFFFFFE80]  }
0x375: {  	v12 =	vmul.f32 v18, v12;
	v16 =	vld [tilespmem:s18+$0xFFFFFE90];
	v13 =	vadd.f32 v13, v21;
	v18 =	vperm.xlane v7, v2  }
0x376: {  	v8 =	vadd.f32 v14, v8;
	v11 =	vadd.f32 v11, v17;
	v17 =	vperm.xlane v0, v2;
	v14 =	vld [tilespmem:s13+$0xFFFFFE90]  }
0x377: {  	s15 =	sadd.s32 $0x8, s15;
	v15 =	vmul.f32 v19, v15;
	v19 =	vld [tilespmem:s18+$0xFFFFFEA0];
	v21 =	vperm.xlane v13, v3;
	v7 =	vadd.f32 v7, v18  }
0x378: {  	s8 =	sand.u32 $0x8, s15;
	s4 =	sadd.s32 $0x4, s15;
	v22 =	vperm.xlane v11, v3;
	v0 =	vadd.f32 v0, v17;
	v18 =	vld [tilespmem:s13+$0xFFFFFEA0]  }
0x379: {  	s7 =	sor.u32 $0x1, s8;
	s10 =	sor.u32 $0x2, s8;
	s4 =	sand.u32 $0xC, s4;
	v10 =	vmul.f32 v10, v20;
	v17 =	vld [tilespmem:s18+$0xFFFFFEB0];
	v13 =	vadd.f32 v13, v21;
	v20 =	vperm.xlane v7, v3  }
0x37a: {  	s6 =	sor.u32 $0x3, s8;
	s5 =	sor.u32 $0x3, s4;
	v23 =	vmov s4;
	v11 =	vadd.f32 v11, v22;
	v22 =	vperm.xlane v0, v3;
	v21 =	vld [tilespmem:s13+$0xFFFFFEB0]  }
0x37b: {  	s25 =	sor.u32 $0x2, s4;
	v24 =	vld [tilespmem:s18+$0xFFFFFEC0];
	v25 =	vperm.xlane v13, v4;
	v7 =	vadd.f32 v7, v20;
	v20 =	vmov s5  }
0x37c: {  	p2 =	por !p2, !p2;
	v28 =	vmov s25;
	v27 =	vperm.xlane v11, v4;
	v0 =	vadd.f32 v0, v22;
	v26 =	vld [tilespmem:s13+$0xFFFFFEC0]  }
0x37d: {  	s19 =	sadd.s32 $0x2, s19;
	s4 =	sor.u32 $0x1, s4;
	vm0 =	veq.s32 v23, v5;
	s5 =	simm.s32 $0x1;
	v22 =	vld [tilespmem:s18+$0xFFFFFED0];
	v13 =	vadd.f32 v13, v25;
	v23 =	vperm.xlane v7, v4  }
0x37e: {  	s25 =	sand.u32 $0x3, s19;
	s5 =	simm.s32 @!p2 $0x0;
	v11 =	vadd.f32 v11, v27;
	v27 =	vmov s4;
	v29 =	vperm.xlane v0, v4;
	v25 =	vld [tilespmem:s13+$0xFFFFFED0]  }
0x37f: {  	s4 =	sshll.u32 s5, $0x5;
	s5 =	sshll.u32 s25, $0x4;
	v30 =	vld [tilespmem:s18+$0xFFFFFEE0];
	v13 =	vnsel vm0, $0x0, v13;
	vm0 =	veq.s32 v27, v5;
	v7 =	vadd.f32 v7, v23  }
0x380: {  	s4 =	ssub.s32 $0x0, s4;
	s5 =	ssub.s32 $0x0, s5;
	v0 =	vadd.f32 v0, v29;
	v23 =	vld [tilespmem:s13+$0xFFFFFEE0];
	v11 =	vsel vm0, v11, v13;
	vm0 =	veq.s32 v28, v5  }
0x381: {  	s29 =	sadd.s32 $0x8, s29;
	s4 =	sshra.s32 s4, $0x2;
	s5 =	sshra.s32 s5, $0x2;
	v13 =	vmul.f32 v14, v16;
	v14 =	vld [tilespmem:s18+$0xFFFFFEF0];
	v7 =	vsel vm0, v7, v11;
	vm0 =	veq.s32 v20, v5  }
0x382: {  	s25 =	sadd.s32 s4, s29;
	s4 =	sadd.s32 s5, s29;
	v16 =	vmul.f32 v21, v17;
	v11 =	vmul.f32 v18, v19;
	v17 =	vld [tilespmem:s13+$0xFFFFFEF0];
	v0 =	vsel vm0, v0, v7  }
0x383: {  	v7 =	vadd.f32 v15, v12;
	v12 =	vmul.f32 v26, v24;
	v15 =	vmul.f32 v25, v22;
	[tilespmem:s4+$0x0] =	vst.add.f32.msk $0xffff, v0  }
0x384: {  	v10 =	vadd.f32 v13, v10;
	v0 =	vmov s8;
	v11 =	vadd.f32 v16, v11;
	v13 =	vld [tilespmem:s18+$0xFFFFFF00]  }
0x385: {  	v7 =	vadd.f32 v7, v8;
	v8 =	vmul.f32 v23, v30;
	v12 =	vadd.f32 v15, v12;
	v15 =	vld [tilespmem:s13+$0xFFFFFF00]  }
0x386: {  	vm3 =	veq.s32 v0, v5;
	v0 =	vadd.f32 v11, v10;
	v10 =	vmov s7;
	v11 =	vld [tilespmem:s18+$0xFFFFFF10]  }
0x387: {  	v7 =	vadd.f32 v7, v9;
	vm2 =	veq.s32 v10, v5;
	v9 =	vmul.f32 v17, v14;
	v10 =	vld [tilespmem:s13+$0xFFFFFF10]  }
0x388: {  	v16 =	vmov s10;
	v17 =	vmov s6;
	v14 =	vld [tilespmem:s18+$0xFFFFFF20]  }
0x389: {  	vm1 =	veq.s32 v16, v5;
	v18 =	vperm.xlane v7, v1;
	v8 =	vadd.f32 v9, v8;
	v9 =	vld [tilespmem:s13+$0xFFFFFF20]  }
0x38a: {  	vm0 =	veq.s32 v17, v5;
	v13 =	vmul.f32 v15, v13;
	v15 =	vld [tilespmem:s18+$0xFFFFFF30]  }
0x38b: {  	v7 =	vadd.f32 v7, v18;
	v8 =	vadd.f32 v8, v12;
	v12 =	vld [tilespmem:s13+$0xFFFFFF30]  }
0x38c: {  	v10 =	vmul.f32 v10, v11;
	v11 =	vld [tilespmem:s18+$0xFFFFFF40]  }
0x38d: {  	v16 =	vperm.xlane v7, v2;
	v0 =	vadd.f32 v8, v0;
	v8 =	vld [tilespmem:s13+$0xFFFFFF40]  }
0x38e: {  	v9 =	vmul.f32 v9, v14;
	v14 =	vld [tilespmem:s18+$0xFFFFFF50];
	v10 =	vadd.f32 v10, v13  }
0x38f: {  	v7 =	vadd.f32 v7, v16;
	v13 =	vperm.xlane v0, v1;
	v16 =	vld [tilespmem:s13+$0xFFFFFF50]  }
0x390: {  	v12 =	vmul.f32 v12, v15;
	v15 =	vld [tilespmem:s18+$0xFFFFFF60]  }
0x391: {  	v17 =	vperm.xlane v7, v3;
	v0 =	vadd.f32 v0, v13;
	v13 =	vld [tilespmem:s13+$0xFFFFFF60]  }
0x392: {  	v8 =	vmul.f32 v8, v11;
	v11 =	vld [tilespmem:s18+$0xFFFFFF70];
	v9 =	vadd.f32 v12, v9  }
0x393: {  	v7 =	vadd.f32 v7, v17;
	v12 =	vperm.xlane v0, v2;
	v17 =	vld [tilespmem:s13+$0xFFFFFF70]  }
0x394: {  	v14 =	vmul.f32 v16, v14;
	v9 =	vadd.f32 v9, v10;
	v10 =	vld [tilespmem:s18+$0xFFFFFF80]  }
0x395: {  	v16 =	vperm.xlane v7, v4;
	v0 =	vadd.f32 v0, v12;
	v12 =	vld [tilespmem:s13+$0xFFFFFF80]  }
0x396: {  	v13 =	vmul.f32 v13, v15;
	v8 =	vadd.f32 v14, v8;
	v14 =	vld [tilespmem:s18+$0xFFFFFF90]  }
0x397: {  	v7 =	vadd.f32 v7, v16;
	v15 =	vperm.xlane v0, v3;
	v16 =	vld [tilespmem:s13+$0xFFFFFF90]  }
0x398: {  	v11 =	vmul.f32 v17, v11;
	v17 =	vld [tilespmem:s18+$0xFFFFFFA0]  }
0x399: {  	v7 =	vnsel vm3, $0x0, v7;
	v0 =	vadd.f32 v0, v15;
	v15 =	vld [tilespmem:s13+$0xFFFFFFA0]  }
0x39a: {  	v11 =	vadd.f32 v11, v13;
	v10 =	vmul.f32 v12, v10;
	v12 =	vld [tilespmem:s18+$0xFFFFFFB0]  }
0x39b: {  	v13 =	vperm.xlane v0, v4;
	v18 =	vld [tilespmem:s13+$0xFFFFFFB0]  }
0x39c: {  	v8 =	vadd.f32 v11, v8;
	v11 =	vmul.f32 v16, v14;
	v14 =	vld [tilespmem:s18+$0xFFFFFFC0]  }
0x39d: {  	v0 =	vadd.f32 v0, v13;
	v13 =	vld [tilespmem:s13+$0xFFFFFFC0]  }
0x39e: {  	v8 =	vadd.f32 v8, v9;
	v15 =	vmul.f32 v15, v17;
	v16 =	vld [tilespmem:s18+$0xFFFFFFD0];
	v17 =	vadd.f32 v11, v10  }
0x39f: {  	v7 =	vsel vm2, v0, v7;
	v0 =	vld [tilespmem:s13+$0xFFFFFFD0]  }
.Ltmp9:
0x3a0: {  	v9 =	vperm.xlane v8, v1;
	v18 =	vmul.f32 v18, v12;
	v10 =	vld [tilespmem:s18+$0xFFFFFFE0];
	(pc) =	sbr.rel @p3 .LBB2_12-.Ltmp9, $4  }
0x3a1: {  	v11 =	vld [tilespmem:s13+$0xFFFFFFE0]  }
0x3a2: {  	v9 =	vadd.f32 v8, v9;
	v13 =	vmul.f32 v13, v14;
	v12 =	vld [tilespmem:s18+$0xFFFFFFF0];
	v8 =	vadd.f32 v18, v15  }
0x3a3: {  	v14 =	vld [tilespmem:s13+$0xFFFFFFF0]  }
0x3a4: {  	s18 =	sadd.s32 $0x400, s18;
	v15 =	vperm.xlane v9, v2;
	v16 =	vmul.f32 v0, v16;
	v8 =	vadd.f32 v8, v17;
	[tilespmem:s16+$0x0] =	vst.add.f32.msk $0xffff, v6;
	s16 =	smov.u32 s25  }
0x3a5: {  	_ =	sdelay $0x2  }
0x3a6: {  	v0 =	vmul.f32 v11, v10;
	v6 =	vmul.f32 v14, v12;
	_ =	sdelay $0x1  }
0x3a7: {  	v61 =	vadd.f32 v16, v13;
	v0 =	vadd.f32 v6, v0;
	_ =	sdelay $0x1  }
0x3a8: {  	v0 =	vadd.f32 v0, v61;
	_ =	sdelay $0x1  }
0x3a9: {  	v0 =	vadd.f32 v0, v8;
	_ =	sdelay $0x1  }
0x3aa: {  	v6 =	vperm.xlane v0, v1;
	_ =	sdelay $0x1  }
0x3ab: {  	v0 =	vadd.f32 v0, v6;
	_ =	sdelay $0x1  }
0x3ac: {  	v6 =	vperm.xlane v0, v2  }
0x3ad: {  	v62 =	vadd.f32 v9, v15  }
0x3ae: {  	v0 =	vadd.f32 v0, v6  }
0x3af: {  	v6 =	vperm.xlane v62, v3  }
0x3b0: {  	v63 =	vperm.xlane v0, v3  }
0x3b1: {  	v6 =	vadd.f32 v62, v6  }
0x3b2: {  	v0 =	vadd.f32 v0, v63  }
0x3b3: {  	v8 =	vperm.xlane v6, v4  }
0x3b4: {  	v9 =	vperm.xlane v0, v4  }
0x3b5: {  	v6 =	vadd.f32 v6, v8  }
0x3b6: {  	v0 =	vadd.f32 v0, v9  }
0x3b7: {  	v6 =	vsel vm1, v6, v7  }
0x3b8: {  	v0 =	vsel vm0, v0, v6  }
0x3b9: {  	[tilespmem:s16+$0x0] =	vst.add.f32.msk $0xffff, v0  }
.LBB2_14:
.Ltmp10:
0x3ba: {  	(pc) =	sbr.rel @p0 .LBB2_18-.Ltmp10, $4  }
0x3bb: {  	s4 =	sadd.s32 @!p1 $0x1E0, s12;
	s5 =	simm.s32 @!p1 $0x9F00  }
0x3bc: {  	[tilespmem:s5], [sflag:$0x3] =	stream.indirect.gather @!p1 [hbm4b:s1+s14], $0x80, s4, s14, $0xb8;
	[tilespmem:$0x1B680] =	vst v63  }
0x3bd: {  	s4 =	sadd.s32 @!p1 $0x2960, s12;
	s5 =	simm.s32 @!p1 $0x13F00  }
0x3be: {  	[tilespmem:s5], [sflag:$0x3] =	stream.indirect.gather @!p1 [hbm4b:s2+s14], $0x80, s4, s14, $0xb8;
	[tilespmem:$0x1B680] =	vst v63  }
0x3bf: {  	_ =	swait.ge [sflag:s24], $0x2800  }
0x3c0: {  	[sflag:s24] =	ssyncset.done $0x0  }
0x3c1: {  	[sflag:s24] =	ssyncadd.s32 $0xFFFFD800  }
0x3c2: {  	_ =	swait.ge [sflag:s24], $0x2800  }
0x3c3: {  	[sflag:s24] =	ssyncset.done $0x0  }
0x3c4: {  	s14 =	simm.s32 $0xC900;
	[sflag:s24] =	ssyncadd.s32 $0xFFFFD800  }
0x3c5: {  	s12 =	simm.s32 $0x16900;
	v52 =	vld [tilespmem:s14+$0x180]  }
0x3c6: {  	v51 =	vld [tilespmem:s12+$0x180]  }
0x3c7: {  	v7 =	vld [tilespmem:s14+$0x190]  }
0x3c8: {  	v8 =	vld [tilespmem:s12+$0x190]  }
0x3c9: {  	v9 =	vld [tilespmem:s14+$0x1A0]  }
0x3ca: {  	v10 =	vld [tilespmem:s12+$0x1A0]  }
0x3cb: {  	v11 =	vld [tilespmem:s14+$0x1B0]  }
0x3cc: {  	v12 =	vld [tilespmem:s12+$0x1B0]  }
0x3cd: {  	v13 =	vld [tilespmem:s14+$0x1C0]  }
0x3ce: {  	v14 =	vld [tilespmem:s12+$0x1C0]  }
0x3cf: {  	v15 =	vld [tilespmem:s14+$0x1D0]  }
0x3d0: {  	v16 =	vld [tilespmem:s12+$0x1D0]  }
0x3d1: {  	v17 =	vld [tilespmem:s14+$0x1E0]  }
0x3d2: {  	v18 =	vld [tilespmem:s12+$0x1E0]  }
0x3d3: {  	v19 =	vld [tilespmem:s14+$0x1F0]  }
0x3d4: {  	v20 =	vld [tilespmem:s12+$0x1F0]  }
0x3d5: {  	v21 =	vld [tilespmem:s14+$0x100]  }
0x3d6: {  	v22 =	vld [tilespmem:s12+$0x100]  }
0x3d7: {  	v23 =	vld [tilespmem:s14+$0x110]  }
0x3d8: {  	v24 =	vld [tilespmem:s12+$0x110]  }
0x3d9: {  	v25 =	vld [tilespmem:s14+$0x120]  }
0x3da: {  	v26 =	vld [tilespmem:s12+$0x120]  }
0x3db: {  	v27 =	vld [tilespmem:s14+$0x130]  }
0x3dc: {  	v28 =	vld [tilespmem:s12+$0x130]  }
0x3dd: {  	v29 =	vld [tilespmem:s14+$0x140]  }
0x3de: {  	v30 =	vld [tilespmem:s12+$0x140]  }
0x3df: {  	v31 =	vld [tilespmem:s14+$0x150]  }
0x3e0: {  	v32 =	vld [tilespmem:s12+$0x150]  }
0x3e1: {  	v33 =	vld [tilespmem:s14+$0x160]  }
0x3e2: {  	v34 =	vld [tilespmem:s12+$0x160]  }
0x3e3: {  	v35 =	vld [tilespmem:s14+$0x170]  }
0x3e4: {  	v36 =	vld [tilespmem:s12+$0x170]  }
0x3e5: {  	v37 =	vld [tilespmem:s14+$0x80]  }
0x3e6: {  	v38 =	vld [tilespmem:s12+$0x80]  }
0x3e7: {  	v39 =	vld [tilespmem:s14+$0x90]  }
0x3e8: {  	v40 =	vld [tilespmem:s12+$0x90]  }
0x3e9: {  	v41 =	vld [tilespmem:s14+$0xA0]  }
0x3ea: {  	v42 =	vld [tilespmem:s12+$0xA0]  }
0x3eb: {  	v43 =	vld [tilespmem:s14+$0xB0]  }
0x3ec: {  	v44 =	vld [tilespmem:s12+$0xB0]  }
0x3ed: {  	v45 =	vld [tilespmem:s14+$0xC0]  }
0x3ee: {  	v0 =	vld [tilespmem:s14+$0xF0]  }
0x3ef: {  	v46 =	vld [tilespmem:s12+$0xC0]  }
0x3f0: {  	v47 =	vld [tilespmem:s14+$0xD0]  }
0x3f1: {  	v48 =	vld [tilespmem:s12+$0xD0]  }
0x3f2: {  	v49 =	vld [tilespmem:s14+$0xE0]  }
0x3f3: {  	v50 =	vld [tilespmem:s12+$0xE0];
	[tilespmem:$0x1FF80] =	vst v0  }
0x3f4: {  	v0 =	vld [tilespmem:s12+$0xF0]  }
0x3f5: {  	v9 =	vmul.f32 v10, v9  }
0x3f6: {  	v10 =	vmul.f32 v12, v11;
	v12 =	vmul.f32 v14, v13  }
0x3f7: {  	v13 =	vmul.f32 v16, v15;
	v16 =	vmul.f32 v20, v19  }
0x3f8: {  	v19 =	vmul.f32 v24, v23;
	v24 =	vmul.f32 v30, v29  }
0x3f9: {  	v30 =	vmul.f32 v38, v37;
	v37 =	vmul.f32 v48, v47;
	v48 =	vld [tilespmem:$0x1FF80];
	[tilespmem:$0x1FF90] =	vst v0  }
0x3fa: {  	v53 =	vld [tilespmem:s14+$0x0]  }
0x3fb: {  	v54 =	vld [tilespmem:s12+$0x0]  }
0x3fc: {  	v55 =	vld [tilespmem:s14+$0x10]  }
0x3fd: {  	v56 =	vld [tilespmem:s12+$0x10]  }
0x3fe: {  	v57 =	vld [tilespmem:s14+$0x20]  }
0x3ff: {  	v58 =	vld [tilespmem:s12+$0x20]  }
0x400: {  	v59 =	vld [tilespmem:s14+$0x30]  }
0x401: {  	v60 =	vld [tilespmem:s12+$0x30]  }
0x402: {  	v61 =	vld [tilespmem:s14+$0x40]  }
0x403: {  	v62 =	vld [tilespmem:s12+$0x40]  }
0x404: {  	v63 =	vld [tilespmem:s14+$0x50]  }
0x405: {  	v0 =	vld [tilespmem:s12+$0x50]  }
0x406: {  	v6 =	vld [tilespmem:s14+$0x60]  }
0x407: {  	v7 =	vmul.f32 v8, v7;
	v8 =	vld [tilespmem:s12+$0x60]  }
0x408: {  	v11 =	vld [tilespmem:s14+$0x70]  }
0x409: {  	v14 =	vld [tilespmem:s12+$0x70]  }
0x40a: {  	v15 =	vmul.f32 v18, v17;
	v17 =	vld [tilespmem:s14+$0xFFFFFE00]  }
0x40b: {  	v20 =	vld [tilespmem:s12+$0xFFFFFE00]  }
0x40c: {  	v23 =	vld [tilespmem:s14+$0xFFFFFE10]  }
0x40d: {  	v18 =	vmul.f32 v22, v21;
	v21 =	vmul.f32 v26, v25;
	v26 =	vld [tilespmem:s12+$0xFFFFFE10]  }
0x40e: {  	v29 =	vld [tilespmem:s14+$0xFFFFFE20]  }
0x40f: {  	v25 =	vmul.f32 v32, v31;
	v32 =	vld [tilespmem:s12+$0xFFFFFE20]  }
0x410: {  	v22 =	vmul.f32 v28, v27;
	v28 =	vmul.f32 v36, v35;
	v35 =	vld [tilespmem:s14+$0xFFFFFE30]  }
0x411: {  	v51 =	vmul.f32 v51, v52;
	v38 =	vld [tilespmem:s12+$0xFFFFFE30]  }
0x412: {  	v27 =	vmul.f32 v34, v33;
	v33 =	vmul.f32 v42, v41;
	v41 =	vld [tilespmem:s14+$0xFFFFFE40]  }
0x413: {  	v34 =	vmul.f32 v44, v43;
	v44 =	vld [tilespmem:s12+$0xFFFFFE40]  }
0x414: {  	v36 =	vmul.f32 v46, v45;
	v7 =	vadd.f32 v7, v51;
	v9 =	vadd.f32 v10, v9;
	v45 =	vld [tilespmem:s14+$0xFFFFFE50]  }
0x415: {  	v12 =	vadd.f32 v13, v12;
	v13 =	vadd.f32 v16, v15;
	v16 =	vld [tilespmem:s12+$0xFFFFFE50]  }
0x416: {  	v31 =	vmul.f32 v40, v39;
	v18 =	vadd.f32 v19, v18;
	v19 =	vadd.f32 v22, v21;
	v21 =	vld [tilespmem:s14+$0xFFFFFE60]  }
0x417: {  	v52 =	vmul.f32 v50, v49;
	v7 =	vadd.f32 v9, v7;
	v12 =	vadd.f32 v13, v12;
	v49 =	vld [tilespmem:$0x1FF90]  }
0x418: {  	v46 =	vadd.f32 v31, v30;
	v51 =	vld [tilespmem:s12+$0xFFFFFE70]  }
0x419: {  	v47 =	vadd.f32 v34, v33;
	v7 =	vadd.f32 v12, v7;
	v12 =	vld [tilespmem:s14+$0xFFFFFEC0];
	v54 =	vmul.f32 v54, v53  }
0x41a: {  	v18 =	vadd.f32 v19, v18;
	v40 =	vld [tilespmem:s14+$0xFFFFFEF0];
	v56 =	vmul.f32 v56, v55;
	v58 =	vmul.f32 v58, v57  }
0x41b: {  	v19 =	vadd.f32 v47, v46;
	v42 =	vld [tilespmem:s14+$0xFFFFFF00];
	v10 =	vmul.f32 v60, v59;
	v15 =	vmul.f32 v62, v61  }
0x41c: {  	v0 =	vmul.f32 v0, v63;
	v62 =	vadd.f32 v25, v24;
	v6 =	vmul.f32 v8, v6;
	v8 =	vld [tilespmem:s12+$0xFFFFFE60]  }
0x41d: {  	v63 =	vadd.f32 v28, v27;
	v11 =	vmul.f32 v14, v11;
	v14 =	vld [tilespmem:s14+$0xFFFFFE70];
	v28 =	vmul.f32 v49, v48  }
0x41e: {  	v53 =	vld [tilespmem:s12+$0xFFFFFE90];
	v17 =	vmul.f32 v20, v17;
	v9 =	vmul.f32 v26, v23;
	v50 =	vadd.f32 v56, v54  }
0x41f: {  	s4 =	simm.s32 $0x4;
	v55 =	vld [tilespmem:s12+$0xFFFFFEA0];
	v57 =	vmul.f32 v38, v35;
	v10 =	vadd.f32 v10, v58;
	v0 =	vadd.f32 v0, v15  }
0x420: {  	s4 =	sand.u32 $0xC, s4;
	v60 =	vld [tilespmem:s12+$0xFFFFFEC0];
	v61 =	vperm.xlane v7, v1;
	v6 =	vadd.f32 v11, v6;
	v15 =	vadd.f32 v37, v36  }
0x421: {  	s5 =	sor.u32 $0x3, s4;
	v16 =	vmul.f32 v16, v45;
	v38 =	vld [tilespmem:s12+$0xFFFFFEE0];
	v28 =	vadd.f32 v28, v52;
	v54 =	vadd.f32 v63, v62  }
0x422: {  	v49 =	vmov s5;
	v11 =	vld [tilespmem:s14+$0xFFFFFE80];
	v9 =	vadd.f32 v9, v17;
	v7 =	vadd.f32 v7, v61  }
0x423: {  	v52 =	vld [tilespmem:s12+$0xFFFFFE80];
	v56 =	vmul.f32 v32, v29;
	v10 =	vadd.f32 v10, v50;
	v0 =	vadd.f32 v6, v0  }
0x424: {  	v36 =	vld [tilespmem:s14+$0xFFFFFEE0];
	v15 =	vadd.f32 v28, v15;
	v18 =	vadd.f32 v54, v18;
	v39 =	vperm.xlane v7, v2  }
0x425: {  	v6 =	vld [tilespmem:s14+$0xFFFFFE90];
	v23 =	vadd.f32 v57, v56;
	v8 =	vmul.f32 v8, v21;
	v14 =	vmul.f32 v51, v14  }
0x426: {  	v48 =	vld [tilespmem:s14+$0xFFFFFF10];
	v12 =	vmul.f32 v60, v12;
	v0 =	vadd.f32 v0, v10;
	v15 =	vadd.f32 v15, v19  }
0x427: {  	v50 =	vld [tilespmem:s12+$0xFFFFFF10];
	v17 =	vperm.xlane v18, v1;
	v9 =	vadd.f32 v23, v9;
	v7 =	vadd.f32 v7, v39  }
0x428: {  	v58 =	vld [tilespmem:s12+$0xFFFFFEB0];
	v11 =	vmul.f32 v52, v11;
	v8 =	vadd.f32 v14, v8;
	v13 =	vperm.xlane v0, v1  }
0x429: {  	v10 =	vld [tilespmem:s14+$0xFFFFFEA0];
	v14 =	vmul.f32 v38, v36;
	v59 =	vperm.xlane v15, v1;
	v17 =	vadd.f32 v18, v17  }
0x42a: {  	v19 =	vld [tilespmem:s14+$0xFFFFFEB0];
	v46 =	vperm.xlane v7, v3;
	v6 =	vmul.f32 v53, v6;
	v0 =	vadd.f32 v0, v13  }
0x42b: {  	v63 =	vld [tilespmem:s14+$0xFFFFFED0];
	v13 =	vmul.f32 v44, v41;
	v15 =	vadd.f32 v15, v59;
	v37 =	vperm.xlane v17, v2  }
0x42c: {  	v18 =	vld [tilespmem:s12+$0xFFFFFED0];
	v56 =	vmul.f32 v50, v48;
	v44 =	vmov s4;
	v62 =	vperm.xlane v0, v2  }
0x42d: {  	v35 =	vperm.xlane v15, v2;
	v13 =	vadd.f32 v16, v13;
	v16 =	vadd.f32 v17, v37;
	v17 =	vld [tilespmem:s12+$0xFFFFFEF0]  }
0x42e: {  	v45 =	vld [tilespmem:s12+$0xFFFFFF00];
	v7 =	vadd.f32 v7, v46;
	v10 =	vmul.f32 v55, v10;
	v0 =	vadd.f32 v0, v62  }
0x42f: {  	v57 =	vld [tilespmem:s12+$0xFFFFFF80];
	v19 =	vmul.f32 v58, v19;
	v6 =	vadd.f32 v6, v11;
	v15 =	vadd.f32 v15, v35  }
0x430: {  	v51 =	vld [tilespmem:s14+$0xFFFFFF20];
	vm0 =	veq.s32 v44, v5;
	v55 =	vperm.xlane v7, v4;
	v28 =	vperm.xlane v0, v3  }
0x431: {  	v52 =	vld [tilespmem:s12+$0xFFFFFF20];
	v18 =	vmul.f32 v18, v63;
	v10 =	vadd.f32 v19, v10;
	v41 =	vperm.xlane v15, v3  }
0x432: {  	v53 =	vld [tilespmem:s14+$0xFFFFFF30];
	v8 =	vadd.f32 v8, v13;
	v17 =	vmul.f32 v17, v40;
	v0 =	vadd.f32 v0, v28  }
0x433: {  	v11 =	vld [tilespmem:s12+$0xFFFFFF30];
	v43 =	vperm.xlane v16, v3;
	v12 =	vadd.f32 v18, v12;
	v15 =	vadd.f32 v15, v41  }
0x434: {  	v13 =	vld [tilespmem:s12+$0xFFFFFF40];
	v6 =	vadd.f32 v10, v6;
	v14 =	vadd.f32 v17, v14;
	v47 =	vperm.xlane v0, v4  }
0x435: {  	s17 =	sor.u32 $0x2, s4;
	v16 =	vadd.f32 v16, v43;
	v8 =	vadd.f32 v8, v9;
	v9 =	vld [tilespmem:s12+$0xFFFFFF50];
	v54 =	vperm.xlane v15, v4  }
0x436: {  	s4 =	sor.u32 $0x1, s4;
	v19 =	vmov s17;
	v17 =	vld [tilespmem:s14+$0xFFFFFF40];
	v10 =	vadd.f32 v14, v12;
	v0 =	vadd.f32 v0, v47  }
0x437: {  	v18 =	vperm.xlane v16, v4;
	v12 =	vld [tilespmem:s14+$0xFFFFFF50];
	v14 =	vmov s4;
	v15 =	vadd.f32 v15, v54  }
0x438: {  	v6 =	vadd.f32 v10, v6;
	v10 =	vld [tilespmem:s14+$0xFFFFFF60];
	v0 =	vnsel vm0, $0x0, v0;
	vm0 =	veq.s32 v14, v5  }
0x439: {  	v14 =	vadd.f32 v16, v18;
	v16 =	vld [tilespmem:s12+$0xFFFFFF60];
	v0 =	vsel vm0, v15, v0;
	v15 =	vperm.xlane v8, v1  }
0x43a: {  	v20 =	vmul.f32 v52, v51;
	vm0 =	veq.s32 v19, v5;
	v18 =	vperm.xlane v6, v1;
	v19 =	vld [tilespmem:s14+$0xFFFFFF70]  }
0x43b: {  	v7 =	vadd.f32 v7, v55;
	v0 =	vsel vm0, v14, v0;
	v14 =	vld [tilespmem:s12+$0xFFFFFF70];
	v8 =	vadd.f32 v8, v15  }
0x43c: {  	v60 =	vld [tilespmem:s14+$0xFFFFFF90];
	v11 =	vmul.f32 v11, v53;
	vm0 =	veq.s32 v49, v5;
	v6 =	vadd.f32 v6, v18  }
0x43d: {  	v62 =	vld [tilespmem:s14+$0xFFFFFFD0];
	v15 =	vmul.f32 v45, v42;
	v0 =	vsel vm0, v7, v0;
	v7 =	vperm.xlane v8, v2  }
0x43e: {  	s13 =	simm.s32 $0x0;
	v11 =	vadd.f32 v11, v20;
	v9 =	vmul.f32 v9, v12;
	v12 =	vld [tilespmem:s12+$0xFFFFFF90];
	v59 =	vperm.xlane v6, v2  }
0x43f: {  	s6 =	sand.u32 $0x3, s13;
	v18 =	vld [tilespmem:s14+$0xFFFFFF80];
	v10 =	vmul.f32 v16, v10;
	v15 =	vadd.f32 v56, v15;
	v7 =	vadd.f32 v8, v7  }
0x440: {  	s6 =	sshll.u32 s6, $0x4;
	v8 =	vmul.f32 v13, v17;
	v6 =	vadd.f32 v6, v59;
	v13 =	vmul.f32 v14, v19;
	v14 =	vld [tilespmem:s14+$0xFFFFFFA0]  }
0x441: {  	s18 =	sand.u32 $0x8, s13;
	s25 =	ssub.s32 $0x0, s6;
	v17 =	vld [tilespmem:s12+$0xFFFFFFA0];
	v11 =	vadd.f32 v11, v15;
	v16 =	vperm.xlane v7, v3  }
0x442: {  	s5 =	sshra.s32 s25, $0x2;
	s4 =	sor.u32 $0x3, s18;
	v15 =	vld [tilespmem:s12+$0xFFFFFFB0];
	v8 =	vadd.f32 v9, v8;
	v9 =	vperm.xlane v6, v3;
	v10 =	vadd.f32 v13, v10  }
0x443: {  	s19 =	sor.u32 $0x1, s18;
	s5 =	sadd.s32 s5, s3;
	v58 =	vmov s18;
	v63 =	vmov s4;
	v13 =	vld [tilespmem:s14+$0xFFFFFFB0];
	v7 =	vadd.f32 v7, v16  }
0x444: {  	[tilespmem:s5+$0x0] =	vst.add.f32.msk $0xffff, v0;
	v16 =	vmov s19;
	v6 =	vadd.f32 v6, v9;
	v8 =	vadd.f32 v10, v8  }
0x445: {  	vm0 =	veq.s32 v58, v5;
	v19 =	vld [tilespmem:s14+$0xFFFFFFC0];
	v18 =	vmul.f32 v57, v18;
	vm2 =	veq.s32 v16, v5  }
0x446: {  	s7 =	sor.u32 $0x2, s18;
	v16 =	vld [tilespmem:s12+$0xFFFFFFC0];
	v10 =	vperm.xlane v7, v4;
	v61 =	vperm.xlane v6, v4;
	v8 =	vadd.f32 v8, v11  }
0x447: {  	p0 =	por $0x0, $0x0;
	s6 =	simm.s32 $0x1;
	v9 =	vmov s7;
	v11 =	vmul.f32 v12, v60;
	v12 =	vmul.f32 v17, v14;
	v17 =	vld [tilespmem:s12+$0xFFFFFFD0]  }
0x448: {  	s6 =	simm.s32 @!p0 $0x0;
	v13 =	vmul.f32 v15, v13;
	v0 =	vadd.f32 v7, v10;
	v7 =	vperm.xlane v8, v1;
	v10 =	vld [tilespmem:s14+$0xFFFFFFE0]  }
0x449: {  	s29 =	sshll.u32 s6, $0x5;
	vm1 =	veq.s32 v9, v5;
	v6 =	vadd.f32 v6, v61;
	v18 =	vadd.f32 v11, v18;
	v11 =	vld [tilespmem:s12+$0xFFFFFFE0]  }
0x44a: {  	s4 =	ssub.s32 $0x0, s29;
	v14 =	vld [tilespmem:s12+$0xFFFFFFF0];
	v0 =	vnsel vm0, $0x0, v0;
	v9 =	vadd.f32 v8, v7;
	v8 =	vadd.f32 v13, v12  }
0x44b: {  	s15 =	simm.s32 $0x0;
	s16 =	simm.s32 $0xCD00;
	s4 =	sshra.s32 s4, $0x2;
	vm0 =	veq.s32 v63, v5;
	v13 =	vmul.f32 v16, v19;
	v12 =	vld [tilespmem:s14+$0xFFFFFFF0];
	v7 =	vsel vm2, v6, v0  }
0x44c: {  	s17 =	simm.s32 $0x0;
	s18 =	smov.u32 s3;
	s14 =	sadd.s32 s4, s3;
	v16 =	vmul.f32 v17, v62;
	v15 =	vperm.xlane v9, v2;
	v8 =	vadd.f32 v8, v18  }
.LBB2_16:
0x44d: {  	v0 =	vld [tilespmem:s16+$0x180];
	s12 =	sadd.s32 $0x400, s12  }
0x44e: {  	v17 =	vld [tilespmem:s12+$0x180];
	v6 =	vadd.f32 v9, v15;
	v9 =	vmul.f32 v11, v10;
	v10 =	vadd.f32 v16, v13  }
0x44f: {  	v11 =	vld [tilespmem:s16+$0x190]  }
0x450: {  	v13 =	vld [tilespmem:s12+$0x190];
	v15 =	vperm.xlane v6, v3;
	v12 =	vmul.f32 v14, v12  }
0x451: {  	v14 =	vld [tilespmem:s16+$0x1A0]  }
0x452: {  	v16 =	vld [tilespmem:s12+$0x1A0];
	v6 =	vadd.f32 v6, v15;
	v9 =	vadd.f32 v12, v9  }
0x453: {  	v12 =	vld [tilespmem:s16+$0x1B0]  }
0x454: {  	v15 =	vld [tilespmem:s12+$0x1B0];
	v18 =	vperm.xlane v6, v4;
	v9 =	vadd.f32 v9, v10  }
0x455: {  	v10 =	vld [tilespmem:s16+$0x1C0]  }
0x456: {  	v19 =	vld [tilespmem:s12+$0x1C0];
	v6 =	vadd.f32 v6, v18;
	v8 =	vadd.f32 v9, v8  }
0x457: {  	v9 =	vld [tilespmem:s16+$0x1D0]  }
0x458: {  	v18 =	vld [tilespmem:s12+$0x1D0];
	v6 =	vsel vm1, v6, v7;
	v7 =	vperm.xlane v8, v1  }
0x459: {  	v20 =	vld [tilespmem:s16+$0x1E0]  }
0x45a: {  	v21 =	vld [tilespmem:s12+$0x1E0];
	v7 =	vadd.f32 v8, v7  }
0x45b: {  	v8 =	vld [tilespmem:s16+$0x1F0]  }
0x45c: {  	v22 =	vld [tilespmem:s12+$0x1F0];
	v23 =	vperm.xlane v7, v2  }
0x45d: {  	v24 =	vld [tilespmem:s16+$0x100]  }
0x45e: {  	v25 =	vld [tilespmem:s12+$0x100];
	v7 =	vadd.f32 v7, v23  }
0x45f: {  	v23 =	vld [tilespmem:s16+$0x110]  }
0x460: {  	v26 =	vld [tilespmem:s12+$0x110];
	v27 =	vperm.xlane v7, v3  }
0x461: {  	v28 =	vld [tilespmem:s16+$0x120]  }
0x462: {  	v29 =	vld [tilespmem:s12+$0x120];
	v7 =	vadd.f32 v7, v27  }
0x463: {  	v27 =	vld [tilespmem:s16+$0x130]  }
0x464: {  	v30 =	vld [tilespmem:s12+$0x130];
	v31 =	vperm.xlane v7, v4  }
0x465: {  	v32 =	vld [tilespmem:s16+$0x140]  }
0x466: {  	v33 =	vld [tilespmem:s12+$0x140];
	v7 =	vadd.f32 v7, v31  }
0x467: {  	v31 =	vld [tilespmem:s16+$0x150]  }
0x468: {  	v34 =	vld [tilespmem:s12+$0x150];
	v6 =	vsel vm0, v7, v6  }
0x469: {  	v7 =	vld [tilespmem:s16+$0x160]  }
0x46a: {  	v35 =	vld [tilespmem:s12+$0x160]  }
0x46b: {  	v36 =	vld [tilespmem:s16+$0x170]  }
0x46c: {  	v37 =	vld [tilespmem:s12+$0x170]  }
0x46d: {  	v38 =	vld [tilespmem:s16+$0x80]  }
0x46e: {  	v39 =	vld [tilespmem:s12+$0x80]  }
0x46f: {  	v40 =	vld [tilespmem:s16+$0x90]  }
0x470: {  	v41 =	vld [tilespmem:s12+$0x90]  }
0x471: {  	v42 =	vld [tilespmem:s16+$0xA0]  }
0x472: {  	v43 =	vld [tilespmem:s12+$0xA0]  }
0x473: {  	v44 =	vld [tilespmem:s16+$0xB0]  }
0x474: {  	v45 =	vld [tilespmem:s12+$0xB0]  }
0x475: {  	v46 =	vld [tilespmem:s16+$0xC0]  }
0x476: {  	v47 =	vld [tilespmem:s12+$0xC0]  }
0x477: {  	v48 =	vld [tilespmem:s16+$0xD0]  }
0x478: {  	v49 =	vld [tilespmem:s12+$0xD0]  }
0x479: {  	v50 =	vld [tilespmem:s16+$0xE0]  }
0x47a: {  	v51 =	vld [tilespmem:s12+$0xE0]  }
0x47b: {  	v52 =	vld [tilespmem:s16+$0xF0]  }
0x47c: {  	v53 =	vld [tilespmem:s12+$0xF0]  }
0x47d: {  	v54 =	vld [tilespmem:s16+$0x0]  }
0x47e: {  	v55 =	vld [tilespmem:s12+$0x0]  }
0x47f: {  	v0 =	vmul.f32 v17, v0;
	v11 =	vmul.f32 v13, v11;
	v56 =	vld [tilespmem:s16+$0x10]  }
0x480: {  	v14 =	vmul.f32 v16, v14;
	v12 =	vmul.f32 v15, v12;
	v13 =	vld [tilespmem:s12+$0x10]  }
0x481: {  	v10 =	vmul.f32 v19, v10;
	v9 =	vmul.f32 v18, v9;
	v15 =	vld [tilespmem:s16+$0x20]  }
0x482: {  	v17 =	vmul.f32 v21, v20;
	v8 =	vmul.f32 v22, v8;
	v16 =	vld [tilespmem:s12+$0x20]  }
0x483: {  	v19 =	vmul.f32 v25, v24;
	v20 =	vmul.f32 v26, v23;
	v18 =	vld [tilespmem:s16+$0x30]  }
0x484: {  	v22 =	vmul.f32 v29, v28;
	v23 =	vmul.f32 v30, v27;
	v21 =	vld [tilespmem:s12+$0x30]  }
0x485: {  	v25 =	vmul.f32 v33, v32;
	v26 =	vmul.f32 v34, v31;
	v24 =	vld [tilespmem:s16+$0x40]  }
0x486: {  	v7 =	vmul.f32 v35, v7;
	v28 =	vmul.f32 v37, v36;
	v27 =	vld [tilespmem:s12+$0x40]  }
0x487: {  	v30 =	vmul.f32 v39, v38;
	v31 =	vmul.f32 v41, v40;
	v29 =	vld [tilespmem:s16+$0x50]  }
0x488: {  	v33 =	vmul.f32 v43, v42;
	v34 =	vmul.f32 v45, v44;
	v32 =	vld [tilespmem:s12+$0x50]  }
0x489: {  	v36 =	vmul.f32 v47, v46;
	v37 =	vmul.f32 v49, v48;
	v35 =	vld [tilespmem:s16+$0x60]  }
0x48a: {  	v39 =	vmul.f32 v51, v50;
	v40 =	vmul.f32 v53, v52;
	v38 =	vld [tilespmem:s12+$0x60]  }
0x48b: {  	v41 =	vmul.f32 v55, v54;
	v13 =	vmul.f32 v13, v56;
	v42 =	vld [tilespmem:s16+$0x70]  }
0x48c: {  	s15 =	sadd.s32 $0x2, s15;
	v0 =	vadd.f32 v11, v0;
	v11 =	vadd.f32 v12, v14;
	v15 =	vmul.f32 v16, v15;
	v16 =	vld [tilespmem:s12+$0x70]  }
0x48d: {  	p1 =	slt.u32 s15, $0x12;
	v9 =	vadd.f32 v9, v10;
	v8 =	vadd.f32 v8, v17;
	v14 =	vmul.f32 v21, v18;
	v12 =	vld [tilespmem:s16+$0xFFFFFE00]  }
0x48e: {  	v18 =	vadd.f32 v20, v19;
	v19 =	vadd.f32 v23, v22;
	v17 =	vmul.f32 v27, v24;
	v10 =	vld [tilespmem:s12+$0xFFFFFE00]  }
0x48f: {  	v7 =	vadd.f32 v28, v7;
	v22 =	vadd.f32 v26, v25;
	v21 =	vmul.f32 v32, v29;
	v20 =	vld [tilespmem:s16+$0xFFFFFE10]  }
0x490: {  	v25 =	vadd.f32 v31, v30;
	v26 =	vadd.f32 v34, v33;
	v24 =	vmul.f32 v38, v35;
	v23 =	vld [tilespmem:s12+$0xFFFFFE10]  }
0x491: {  	v28 =	vadd.f32 v37, v36;
	v29 =	vadd.f32 v40, v39;
	v27 =	vld [tilespmem:s16+$0xFFFFFE20];
	v16 =	vmul.f32 v16, v42  }
0x492: {  	v13 =	vadd.f32 v13, v41;
	v14 =	vadd.f32 v14, v15;
	v30 =	vld [tilespmem:s12+$0xFFFFFE20]  }
0x493: {  	v15 =	vadd.f32 v21, v17;
	v10 =	vmul.f32 v10, v12;
	v12 =	vld [tilespmem:s16+$0xFFFFFE30];
	v16 =	vadd.f32 v16, v24  }
0x494: {  	v0 =	vadd.f32 v11, v0;
	v18 =	vadd.f32 v19, v18;
	v17 =	vld [tilespmem:s12+$0xFFFFFE30]  }
0x495: {  	v13 =	vadd.f32 v14, v13;
	v11 =	vmul.f32 v23, v20;
	v19 =	vld [tilespmem:s16+$0xFFFFFE40];
	v14 =	vadd.f32 v16, v15  }
0x496: {  	v16 =	vadd.f32 v26, v25;
	v20 =	vadd.f32 v29, v28;
	v15 =	vld [tilespmem:s12+$0xFFFFFE40]  }
0x497: {  	v7 =	vadd.f32 v7, v22;
	v21 =	vmul.f32 v30, v27;
	v23 =	vld [tilespmem:s16+$0xFFFFFE50];
	v13 =	vadd.f32 v14, v13  }
0x498: {  	v8 =	vadd.f32 v8, v9;
	v16 =	vadd.f32 v20, v16;
	v14 =	vld [tilespmem:s12+$0xFFFFFE50]  }
0x499: {  	v7 =	vadd.f32 v7, v18;
	v9 =	vmul.f32 v17, v12;
	v12 =	vld [tilespmem:s16+$0xFFFFFE60];
	v17 =	vperm.xlane v13, v1  }
0x49a: {  	v0 =	vadd.f32 v8, v0;
	v10 =	vadd.f32 v11, v10;
	v11 =	vperm.xlane v16, v1;
	v18 =	vld [tilespmem:s12+$0xFFFFFE60]  }
0x49b: {  	v8 =	vmul.f32 v15, v19;
	v15 =	vld [tilespmem:s16+$0xFFFFFE70];
	v13 =	vadd.f32 v13, v17;
	v17 =	vperm.xlane v7, v1  }
0x49c: {  	v9 =	vadd.f32 v9, v21;
	v11 =	vadd.f32 v16, v11;
	v16 =	vperm.xlane v0, v1;
	v19 =	vld [tilespmem:s12+$0xFFFFFE70]  }
0x49d: {  	v14 =	vmul.f32 v14, v23;
	v20 =	vld [tilespmem:s16+$0xFFFFFE80];
	v21 =	vperm.xlane v13, v2;
	v7 =	vadd.f32 v7, v17  }
0x49e: {  	v9 =	vadd.f32 v9, v10;
	v17 =	vperm.xlane v11, v2;
	v0 =	vadd.f32 v0, v16;
	v10 =	vld [tilespmem:s12+$0xFFFFFE80]  }
0x49f: {  	v12 =	vmul.f32 v18, v12;
	v16 =	vld [tilespmem:s16+$0xFFFFFE90];
	v13 =	vadd.f32 v13, v21;
	v18 =	vperm.xlane v7, v2  }
0x4a0: {  	v8 =	vadd.f32 v14, v8;
	v11 =	vadd.f32 v11, v17;
	v17 =	vperm.xlane v0, v2;
	v14 =	vld [tilespmem:s12+$0xFFFFFE90]  }
0x4a1: {  	s13 =	sadd.s32 $0x8, s13;
	v15 =	vmul.f32 v19, v15;
	v19 =	vld [tilespmem:s16+$0xFFFFFEA0];
	v21 =	vperm.xlane v13, v3;
	v7 =	vadd.f32 v7, v18  }
0x4a2: {  	s8 =	sand.u32 $0x8, s13;
	s4 =	sadd.s32 $0x4, s13;
	v22 =	vperm.xlane v11, v3;
	v0 =	vadd.f32 v0, v17;
	v18 =	vld [tilespmem:s12+$0xFFFFFEA0]  }
0x4a3: {  	s7 =	sor.u32 $0x1, s8;
	s10 =	sor.u32 $0x2, s8;
	s4 =	sand.u32 $0xC, s4;
	v10 =	vmul.f32 v10, v20;
	v17 =	vld [tilespmem:s16+$0xFFFFFEB0];
	v13 =	vadd.f32 v13, v21;
	v20 =	vperm.xlane v7, v3  }
0x4a4: {  	s6 =	sor.u32 $0x3, s8;
	s5 =	sor.u32 $0x3, s4;
	v23 =	vmov s4;
	v11 =	vadd.f32 v11, v22;
	v22 =	vperm.xlane v0, v3;
	v21 =	vld [tilespmem:s12+$0xFFFFFEB0]  }
0x4a5: {  	s19 =	sor.u32 $0x2, s4;
	v24 =	vld [tilespmem:s16+$0xFFFFFEC0];
	v25 =	vperm.xlane v13, v4;
	v7 =	vadd.f32 v7, v20;
	v20 =	vmov s5  }
0x4a6: {  	p0 =	por !p0, !p0;
	v28 =	vmov s19;
	v27 =	vperm.xlane v11, v4;
	v0 =	vadd.f32 v0, v22;
	v26 =	vld [tilespmem:s12+$0xFFFFFEC0]  }
0x4a7: {  	s17 =	sadd.s32 $0x2, s17;
	s4 =	sor.u32 $0x1, s4;
	vm0 =	veq.s32 v23, v5;
	s5 =	simm.s32 $0x1;
	v22 =	vld [tilespmem:s16+$0xFFFFFED0];
	v13 =	vadd.f32 v13, v25;
	v23 =	vperm.xlane v7, v4  }
0x4a8: {  	s19 =	sand.u32 $0x3, s17;
	s5 =	simm.s32 @!p0 $0x0;
	v11 =	vadd.f32 v11, v27;
	v27 =	vmov s4;
	v29 =	vperm.xlane v0, v4;
	v25 =	vld [tilespmem:s12+$0xFFFFFED0]  }
0x4a9: {  	s4 =	sshll.u32 s5, $0x5;
	s5 =	sshll.u32 s19, $0x4;
	v30 =	vld [tilespmem:s16+$0xFFFFFEE0];
	v13 =	vnsel vm0, $0x0, v13;
	vm0 =	veq.s32 v27, v5;
	v7 =	vadd.f32 v7, v23  }
0x4aa: {  	s4 =	ssub.s32 $0x0, s4;
	s5 =	ssub.s32 $0x0, s5;
	v0 =	vadd.f32 v0, v29;
	v23 =	vld [tilespmem:s12+$0xFFFFFEE0];
	v11 =	vsel vm0, v11, v13;
	vm0 =	veq.s32 v28, v5  }
0x4ab: {  	s18 =	sadd.s32 $0x8, s18;
	s4 =	sshra.s32 s4, $0x2;
	s5 =	sshra.s32 s5, $0x2;
	v13 =	vmul.f32 v14, v16;
	v14 =	vld [tilespmem:s16+$0xFFFFFEF0];
	v7 =	vsel vm0, v7, v11;
	vm0 =	veq.s32 v20, v5  }
0x4ac: {  	s19 =	sadd.s32 s4, s18;
	s4 =	sadd.s32 s5, s18;
	v16 =	vmul.f32 v21, v17;
	v11 =	vmul.f32 v18, v19;
	v17 =	vld [tilespmem:s12+$0xFFFFFEF0];
	v0 =	vsel vm0, v0, v7  }
0x4ad: {  	v7 =	vadd.f32 v15, v12;
	v12 =	vmul.f32 v26, v24;
	v15 =	vmul.f32 v25, v22;
	[tilespmem:s4+$0x0] =	vst.add.f32.msk $0xffff, v0  }
0x4ae: {  	v10 =	vadd.f32 v13, v10;
	v0 =	vmov s8;
	v11 =	vadd.f32 v16, v11;
	v13 =	vld [tilespmem:s16+$0xFFFFFF00]  }
0x4af: {  	v7 =	vadd.f32 v7, v8;
	v8 =	vmul.f32 v23, v30;
	v12 =	vadd.f32 v15, v12;
	v15 =	vld [tilespmem:s12+$0xFFFFFF00]  }
0x4b0: {  	vm3 =	veq.s32 v0, v5;
	v0 =	vadd.f32 v11, v10;
	v10 =	vmov s7;
	v11 =	vld [tilespmem:s16+$0xFFFFFF10]  }
0x4b1: {  	v7 =	vadd.f32 v7, v9;
	vm2 =	veq.s32 v10, v5;
	v9 =	vmul.f32 v17, v14;
	v10 =	vld [tilespmem:s12+$0xFFFFFF10]  }
0x4b2: {  	v16 =	vmov s10;
	v17 =	vmov s6;
	v14 =	vld [tilespmem:s16+$0xFFFFFF20]  }
0x4b3: {  	vm1 =	veq.s32 v16, v5;
	v18 =	vperm.xlane v7, v1;
	v8 =	vadd.f32 v9, v8;
	v9 =	vld [tilespmem:s12+$0xFFFFFF20]  }
0x4b4: {  	vm0 =	veq.s32 v17, v5;
	v13 =	vmul.f32 v15, v13;
	v15 =	vld [tilespmem:s16+$0xFFFFFF30]  }
0x4b5: {  	v7 =	vadd.f32 v7, v18;
	v8 =	vadd.f32 v8, v12;
	v12 =	vld [tilespmem:s12+$0xFFFFFF30]  }
0x4b6: {  	v10 =	vmul.f32 v10, v11;
	v11 =	vld [tilespmem:s16+$0xFFFFFF40]  }
0x4b7: {  	v16 =	vperm.xlane v7, v2;
	v0 =	vadd.f32 v8, v0;
	v8 =	vld [tilespmem:s12+$0xFFFFFF40]  }
0x4b8: {  	v9 =	vmul.f32 v9, v14;
	v14 =	vld [tilespmem:s16+$0xFFFFFF50];
	v10 =	vadd.f32 v10, v13  }
0x4b9: {  	v7 =	vadd.f32 v7, v16;
	v13 =	vperm.xlane v0, v1;
	v16 =	vld [tilespmem:s12+$0xFFFFFF50]  }
0x4ba: {  	v12 =	vmul.f32 v12, v15;
	v15 =	vld [tilespmem:s16+$0xFFFFFF60]  }
0x4bb: {  	v17 =	vperm.xlane v7, v3;
	v0 =	vadd.f32 v0, v13;
	v13 =	vld [tilespmem:s12+$0xFFFFFF60]  }
0x4bc: {  	v8 =	vmul.f32 v8, v11;
	v11 =	vld [tilespmem:s16+$0xFFFFFF70];
	v9 =	vadd.f32 v12, v9  }
0x4bd: {  	v7 =	vadd.f32 v7, v17;
	v12 =	vperm.xlane v0, v2;
	v17 =	vld [tilespmem:s12+$0xFFFFFF70]  }
0x4be: {  	v14 =	vmul.f32 v16, v14;
	v9 =	vadd.f32 v9, v10;
	v10 =	vld [tilespmem:s16+$0xFFFFFF80]  }
0x4bf: {  	v16 =	vperm.xlane v7, v4;
	v0 =	vadd.f32 v0, v12;
	v12 =	vld [tilespmem:s12+$0xFFFFFF80]  }
0x4c0: {  	v13 =	vmul.f32 v13, v15;
	v8 =	vadd.f32 v14, v8;
	v14 =	vld [tilespmem:s16+$0xFFFFFF90]  }
0x4c1: {  	v7 =	vadd.f32 v7, v16;
	v15 =	vperm.xlane v0, v3;
	v16 =	vld [tilespmem:s12+$0xFFFFFF90]  }
0x4c2: {  	v11 =	vmul.f32 v17, v11;
	v17 =	vld [tilespmem:s16+$0xFFFFFFA0]  }
0x4c3: {  	v7 =	vnsel vm3, $0x0, v7;
	v0 =	vadd.f32 v0, v15;
	v15 =	vld [tilespmem:s12+$0xFFFFFFA0]  }
0x4c4: {  	v11 =	vadd.f32 v11, v13;
	v10 =	vmul.f32 v12, v10;
	v12 =	vld [tilespmem:s16+$0xFFFFFFB0]  }
0x4c5: {  	v13 =	vperm.xlane v0, v4;
	v18 =	vld [tilespmem:s12+$0xFFFFFFB0]  }
0x4c6: {  	v8 =	vadd.f32 v11, v8;
	v11 =	vmul.f32 v16, v14;
	v14 =	vld [tilespmem:s16+$0xFFFFFFC0]  }
0x4c7: {  	v0 =	vadd.f32 v0, v13;
	v13 =	vld [tilespmem:s12+$0xFFFFFFC0]  }
0x4c8: {  	v8 =	vadd.f32 v8, v9;
	v15 =	vmul.f32 v15, v17;
	v16 =	vld [tilespmem:s16+$0xFFFFFFD0];
	v17 =	vadd.f32 v11, v10  }
0x4c9: {  	v7 =	vsel vm2, v0, v7;
	v0 =	vld [tilespmem:s12+$0xFFFFFFD0]  }
.Ltmp11:
0x4ca: {  	v9 =	vperm.xlane v8, v1;
	v18 =	vmul.f32 v18, v12;
	v10 =	vld [tilespmem:s16+$0xFFFFFFE0];
	(pc) =	sbr.rel @p1 .LBB2_16-.Ltmp11, $4  }
0x4cb: {  	v11 =	vld [tilespmem:s12+$0xFFFFFFE0]  }
0x4cc: {  	v9 =	vadd.f32 v8, v9;
	v13 =	vmul.f32 v13, v14;
	v12 =	vld [tilespmem:s16+$0xFFFFFFF0];
	v8 =	vadd.f32 v18, v15  }
0x4cd: {  	v14 =	vld [tilespmem:s12+$0xFFFFFFF0]  }
0x4ce: {  	s16 =	sadd.s32 $0x400, s16;
	v15 =	vperm.xlane v9, v2;
	v16 =	vmul.f32 v0, v16;
	v8 =	vadd.f32 v8, v17;
	[tilespmem:s14+$0x0] =	vst.add.f32.msk $0xffff, v6;
	s14 =	smov.u32 s19  }
0x4cf: {  	_ =	sdelay $0x2  }
0x4d0: {  	v0 =	vmul.f32 v11, v10;
	v6 =	vmul.f32 v14, v12;
	_ =	sdelay $0x1  }
0x4d1: {  	v61 =	vadd.f32 v16, v13;
	v0 =	vadd.f32 v6, v0;
	_ =	sdelay $0x1  }
0x4d2: {  	v0 =	vadd.f32 v0, v61;
	_ =	sdelay $0x1  }
0x4d3: {  	v0 =	vadd.f32 v0, v8;
	_ =	sdelay $0x1  }
0x4d4: {  	v6 =	vperm.xlane v0, v1;
	_ =	sdelay $0x1  }
0x4d5: {  	v0 =	vadd.f32 v0, v6;
	_ =	sdelay $0x1  }
0x4d6: {  	v6 =	vperm.xlane v0, v2  }
0x4d7: {  	v62 =	vadd.f32 v9, v15  }
0x4d8: {  	v0 =	vadd.f32 v0, v6  }
0x4d9: {  	v6 =	vperm.xlane v62, v3  }
0x4da: {  	v63 =	vperm.xlane v0, v3  }
0x4db: {  	v6 =	vadd.f32 v62, v6  }
0x4dc: {  	v0 =	vadd.f32 v0, v63  }
0x4dd: {  	v8 =	vperm.xlane v6, v4  }
0x4de: {  	v9 =	vperm.xlane v0, v4  }
.Ltmp12:
0x4df: {  	v6 =	vadd.f32 v6, v8;
	(pc) =	sbr.rel .LBB2_18-.Ltmp12, $4  }
0x4e0: {  	v0 =	vadd.f32 v0, v9  }
0x4e1: {  	v6 =	vsel vm1, v6, v7  }
0x4e2: {  	v0 =	vsel vm0, v0, v6  }
0x4e3: {  	[tilespmem:s14+$0x0] =	vst.add.f32.msk $0xffff, v0  }
.LBB2_20:
0x4e4: {  	_ =	sfence.sel $0x180000  }
0x4e5: {  	[bflag:$0x0] =	sbarrier.arrive $0xFFFF  }
0x4e6: {  	_ =	strace $0x90000047  }
0x4e7: {  	s0 =	stileid.u32;
	[bflag:$0x2] =	sbarrier.arrive $0xFFFF  }
0x4e8: {  	p0 =	sne.s32 s0, $0x0;
	s0 =	rddreg [dreg:$0x4]  }
0x4e9: {  	s0 =	sadd.s32 @!p0 $0x100000, s0  }
0x4ea: {  	[sflag:s0] =	ssyncadd.tile.s32 @!p0 $0x1;
	_ =	shalt  }
.Lfunc_end2:
_tile_overlayer_lowered:
.L_overlay_start_2:
0x4eb: {  	(tag) =	ssettag $0x2  }
0x4ec: {  	s0 =	rddreg [dreg:$0x0];
	s2 =	stileid.u32  }
0x4ed: {  	s1 =	rddreg [dreg:$0x1];
	p0 =	sne.s32 s2, $0x0  }
0x4ee: {  	s3 =	rddreg [dreg:$0x2];
	[bflag:$0x3] =	sbarrier.arrive $0xFFFF;
	s2 =	simm.s32 @!p0 $0x1C05  }
0x4ef: {  	[timem:s3], [sflag:s2] =	dma.local @!p0 [hbm:s0], s1  }
0x4f0: {  	s0 =	simm.s32 @!p0 $0x5  }
0x4f1: {  	_ =	swait.ge @!p0 [sflag:s0], s1  }
0x4f2: {  	s1 =	ssub.s32 @!p0 $0x0, s1;
	[sflag:s0] =	ssyncset.done @!p0 $0x0  }
0x4f3: {  	[sflag:s0] =	ssyncadd.s32 @!p0 s1  }
0x4f4: {  	[bflag:$0x3] =	sbarrier.arrive $0xFFFF  }
0x4f5: {  	_ =	shalt  }

</sc_bundles>
